<compile_context>
chip_gen: v7x
topology: tpu7x:2x2x1
jax: 0.10.2.dev20260603
libtpu: 0.0.44.dev20260713+nightly
codegen_flags: <defaults>
</compile_context>

<pallas_src>
import functools

import jax
import jax.numpy as jnp
from jax import lax
from jax.experimental import pallas as pl
from jax.experimental.pallas import tpu as pltpu
from jax.experimental.pallas import tpu_sc as plsc

N = 1048576
NUM_LEVELS = 4
HASH_SIZES = (15, 17, 19, 21)
INV_CELL = (16.0, 64.0, 256.0, 1024.0)
C1 = 73856093
C2 = 19349663

NC = 2
NS = 16
NW = NC * NS
LANES = 16

B = 512
G = B // 128
PER_TILE = N // NW
CHUNKS = PER_TILE // B


def _full(v):
    return jnp.full((LANES,), v, jnp.int32)


def _body(pos_hbm, t0, t1, t2, t3, lw_hbm, out_hbm,
          pos_v, idx_v, wx_v, wy_v, rows_v, out_v, lw_v, sem):
    tables = (t0, t1, t2, t3)
    wid = lax.axis_index("s") * NC + lax.axis_index("c")
    tile_base = wid * PER_TILE

    pltpu.sync_copy(lw_hbm, lw_v)
    w = lw_v[...]
    w0 = plsc.load_gather(lw_v, [_full(0)])
    w1 = plsc.load_gather(lw_v, [_full(1)])
    w2 = plsc.load_gather(lw_v, [_full(2)])
    w3 = plsc.load_gather(lw_v, [_full(3)])
    m = jnp.maximum(jnp.maximum(w0, w1), jnp.maximum(w2, w3))
    lw_v[...] = jnp.exp(w - m)
    e = lw_v[...]
    e0 = plsc.load_gather(lw_v, [_full(0)])
    e1 = plsc.load_gather(lw_v, [_full(1)])
    e2 = plsc.load_gather(lw_v, [_full(2)])
    e3 = plsc.load_gather(lw_v, [_full(3)])
    lw_v[...] = e / ((e0 + e1) + (e2 + e3))

    iota = lax.iota(jnp.int32, LANES)

    def chunk_body(ci, carry):
        gbase = tile_base + ci * B
        pltpu.sync_copy(pos_hbm.at[pl.ds(gbase, B)], pos_v)

        def pa_body(j, c):
            r16 = pl.multiple_of(j * LANES, LANES) + iota
            px = plsc.load_gather(pos_v, [r16, _full(0)])
            py = plsc.load_gather(pos_v, [r16, _full(1)])
            gvec = jnp.full((LANES,), j >> 3, jnp.int32)
            colv = (j & 7) * LANES + iota
            for l in range(NUM_LEVELS):
                inv = INV_CELL[l]
                mask = (1 << HASH_SIZES[l]) - 1
                sx = px * inv
                sy = py * inv
                ix = sx.astype(jnp.int32)
                iy = sy.astype(jnp.int32)
                wx = sx - ix.astype(jnp.float32)
                wy = sy - iy.astype(jnp.float32)
                off = pl.multiple_of(j * LANES, LANES)
                wx_v[l, pl.ds(off, LANES)] = wx
                wy_v[l, pl.ds(off, LANES)] = wy
                hx0 = ix * C1
                hx1 = hx0 + C1
                hy0 = iy * C2
                hy1 = hy0 + C2
                hs = (hx0 ^ hy0, hx1 ^ hy0, hx0 ^ hy1, hx1 ^ hy1)
                for cidx in range(4):
                    cc = l * 4 + cidx
                    plsc.store_scatter(idx_v, [_full(cc), gvec, colv],
                                       hs[cidx] & mask)
            return c

        lax.fori_loop(0, B // LANES, pa_body, 0)

        copies = []
        for cc in range(4 * NUM_LEVELS):
            tbl = tables[cc // 4]
            for g in range(G):
                copies.append(pltpu.async_copy(
                    tbl.at[idx_v.at[cc, g]],
                    rows_v.at[cc, pl.ds(g * 128, 128)],
                    sem))
        for cp in copies:
            cp.wait()

        pair = iota >> 1
        parity = iota & 1

        def pc_body(i, c):
            rowv = i * 8 + pair
            pcol = (i & 15) * 8 + pair
            rbase = (i >> 4) * 8
            for l in range(NUM_LEVELS):
                base_c = l * 4
                f00 = plsc.load_gather(rows_v, [_full(base_c), rowv, parity])
                f10 = plsc.load_gather(rows_v, [_full(base_c + 1), rowv, parity])
                f01 = plsc.load_gather(rows_v, [_full(base_c + 2), rowv, parity])
                f11 = plsc.load_gather(rows_v, [_full(base_c + 3), rowv, parity])
                wxd = plsc.load_gather(wx_v, [_full(l), rowv])
                wyd = plsc.load_gather(wy_v, [_full(l), rowv])
                wl = plsc.load_gather(lw_v, [_full(l)])
                a = f00 + wxd * (f10 - f00)
                b = f01 + wxd * (f11 - f01)
                res = a + wyd * (b - a)
                orow = jnp.full((LANES,), rbase + 2 * l, jnp.int32) + parity
                plsc.store_scatter(out_v, [orow, pcol], wl * res)
            return c

        lax.fori_loop(0, B // 8, pc_body, 0)

        pltpu.sync_copy(out_v,
                        out_hbm.at[pl.ds((gbase // 128) * 8, (B // 128) * 8)])
        return carry

    lax.fori_loop(0, CHUNKS, chunk_body, 0)


_mesh = plsc.VectorSubcoreMesh(core_axis_name="c", subcore_axis_name="s")

_call = functools.partial(
    pl.kernel,
    mesh=_mesh,
    compiler_params=pltpu.CompilerParams(
        needs_layout_passes=False, use_tc_tiling_on_sc=False),
    out_type=jax.ShapeDtypeStruct((N // 128 * 8, 128), jnp.float32),
    scratch_types=[
        pltpu.VMEM((B, 2), jnp.float32),
        pltpu.VMEM((4 * NUM_LEVELS, G, 128), jnp.int32),
        pltpu.VMEM((NUM_LEVELS, B), jnp.float32),
        pltpu.VMEM((NUM_LEVELS, B), jnp.float32),
        pltpu.VMEM((4 * NUM_LEVELS, B, 2), jnp.float32),
        pltpu.VMEM((B // 128 * 8, 128), jnp.float32),
        pltpu.VMEM((LANES,), jnp.float32),
        pltpu.SemaphoreType.DMA,
    ],
)(_body)


@jax.jit
def kernel(positions, table_0, table_1, table_2, table_3, level_weights):
    lw16 = jnp.full((LANES,), -1e30, jnp.float32).at[:4].set(level_weights)
    out3 = _call(positions, table_0, table_1, table_2, table_3, lw16)
    return out3.reshape(N // 128, 8, 128).transpose(0, 2, 1).reshape(N, 8)

# --- scband reference (transcript-rebuilt; emitter-appended) ---
"""Pipeline reference for scband-mrhg2-d-83897891160331 (READ-ONLY COPY).

The authoritative reference and input builder live on the scoring server;
editing this copy changes nothing except your own understanding.
"""

import jax, jax.numpy as jnp
import numpy as np

LAYOUT = [(15, 0.0625, 2), (17, 0.015625, 2), (19, 0.00390625, 2), (21, 0.0009765625, 2)]
N = 1048576


def _hash(ix, iy, hash_size):
    h = (ix * np.int32(73856093)) ^ (iy * np.int32(19349663))
    return h & np.int32((1 << hash_size) - 1)


def _grid_lookup(positions, table, cell_size, hash_size):
    scaled = positions / cell_size
    f = jnp.floor(scaled)
    frac = scaled - f
    i = f.astype(jnp.int32)
    ix0 = i[:, 0]
    iy0 = i[:, 1]
    ix1 = ix0 + 1
    iy1 = iy0 + 1
    f00 = jnp.take(table, _hash(ix0, iy0, hash_size), axis=0)
    f10 = jnp.take(table, _hash(ix1, iy0, hash_size), axis=0)
    f01 = jnp.take(table, _hash(ix0, iy1, hash_size), axis=0)
    f11 = jnp.take(table, _hash(ix1, iy1, hash_size), axis=0)
    wx = frac[:, 0:1]
    wy = frac[:, 1:2]
    return (f00 * (1.0 - wx) * (1.0 - wy)
            + f10 * wx * (1.0 - wy)
            + f01 * (1.0 - wx) * wy
            + f11 * wx * wy)


def setup_inputs(seed: int = 0):
    key = jax.random.key(seed)
    ks = jax.random.split(key, 6)
    inp = {"positions": jax.random.uniform(ks[0], (N, 2), dtype=jnp.float32)}
    for li, (hs, cs, dim) in enumerate(LAYOUT):
        inp["table_%d" % li] = jax.random.normal(ks[1 + li], (1 << hs, dim), dtype=jnp.float32) * 0.01
    inp["level_weights"] = jax.random.uniform(ks[5], (len(LAYOUT),), dtype=jnp.float32)
    return inp


def reference(positions, table_0, table_1, table_2, table_3, level_weights):
    tables = [table_0, table_1, table_2, table_3]
    norm_weights = jax.nn.softmax(level_weights, axis=0)
    feats = []
    for li, (hs, cs, dim) in enumerate(LAYOUT):
        norm_feat = _grid_lookup(positions, tables[li], cs, hs)
        feats.append(norm_weights[li] * norm_feat)
    return jnp.concatenate(feats, axis=1)

if __name__ == "__main__":
    import jax
    _d = setup_inputs()
    print(jax.jit(kernel)(*tuple(_d.values())))

</pallas_src>

<mosaic_0001>
#map = affine_map<(d0, d1) -> (0, 0)>
#map1 = affine_map<(d0, d1) -> (0)>
module attributes {stable_mosaic.version = 14 : i64} {
  func.func @_body(%arg0: i32, %arg1: i32, %arg2: memref<1048576x2xf32, #tpu.memory_space<hbm>>, %arg3: memref<32768x2xf32, #tpu.memory_space<hbm>>, %arg4: memref<131072x2xf32, #tpu.memory_space<hbm>>, %arg5: memref<524288x2xf32, #tpu.memory_space<hbm>>, %arg6: memref<2097152x2xf32, #tpu.memory_space<hbm>>, %arg7: memref<16xf32, #tpu.memory_space<hbm>>, %arg8: memref<65536x128xf32, #tpu.memory_space<hbm>>, %arg9: memref<512x2xf32, #tpu.memory_space<vmem>>, %arg10: memref<16x4x128xi32, #tpu.memory_space<vmem>>, %arg11: memref<4x512xf32, #tpu.memory_space<vmem>>, %arg12: memref<4x512xf32, #tpu.memory_space<vmem>>, %arg13: memref<16x512x2xf32, #tpu.memory_space<vmem>>, %arg14: memref<32x128xf32, #tpu.memory_space<vmem>>, %arg15: memref<16xf32, #tpu.memory_space<vmem>>, %arg16: memref<!tpu.dma_semaphore, #tpu.memory_space<semaphore_mem>>) attributes {dimension_semantics = [#tpu.dimension_semantics<core_parallel>, #tpu.dimension_semantics<subcore_parallel>], iteration_bounds = array<i64: 2, 16>, scalar_prefetch = 0 : i64, scratch_operands = 8 : i64, tpu.core_type = #tpu.core_type<sc_vector_subcore>, window_params = [{transform_indices = #map}, {transform_indices = #map}, {transform_indices = #map}, {transform_indices = #map}, {transform_indices = #map}, {transform_indices = #map1}, {transform_indices = #map}]} {
    %mul3A = arith.constant 2 : i32
    %mul3A_0 = arith.muli %arg1, %mul3A : i32
    %add3A = arith.addi %mul3A_0, %arg0 : i32
    %mul3A_1 = arith.constant 32768 : i32
    %mul3A_2 = arith.muli %add3A, %mul3A_1 : i32
    "tpu.region"() ({
      %run_scoped3A = tpu.sem_alloc : memref<!tpu.dma_semaphore, #tpu.memory_space<semaphore_mem>>
      tpu.enqueue_dma source(%arg7 : memref<16xf32, #tpu.memory_space<hbm>>) target(%arg15 : memref<16xf32, #tpu.memory_space<vmem>>) target_semaphore(%run_scoped3A : memref<!tpu.dma_semaphore, #tpu.memory_space<semaphore_mem>>)
      tpu.wait_dma2 semaphore(%run_scoped3A : memref<!tpu.dma_semaphore, #tpu.memory_space<semaphore_mem>>) src(%arg7 : memref<16xf32, #tpu.memory_space<hbm>>) dst(%arg15 : memref<16xf32, #tpu.memory_space<vmem>>)
      tpu.yield
    }) : () -> ()
    %get3A = arith.constant 0 : index
    %get3A_3 = tpu.vector_load %arg15[%get3A] {strides = array<i32>} : memref<16xf32, #tpu.memory_space<vmem>>, vector<16xf32>,
    %broadcast_in_dim3A = arith.constant 0 : i32
    %broadcast_in_dim3A_4 = vector.broadcast %broadcast_in_dim3A : i32 to vector<16xi32>
    %gather3A = tpu.vector_load_idx %arg15[%broadcast_in_dim3A_4] : memref<16xf32, #tpu.memory_space<vmem>>[vector<16xi32>], vector<16xf32>,
    %broadcast_in_dim3A_5 = arith.constant 1 : i32
    %broadcast_in_dim3A_6 = vector.broadcast %broadcast_in_dim3A_5 : i32 to vector<16xi32>
    %gather3A_7 = tpu.vector_load_idx %arg15[%broadcast_in_dim3A_6] : memref<16xf32, #tpu.memory_space<vmem>>[vector<16xi32>], vector<16xf32>,
    %broadcast_in_dim3A_8 = arith.constant 2 : i32
    %broadcast_in_dim3A_9 = vector.broadcast %broadcast_in_dim3A_8 : i32 to vector<16xi32>
    %gather3A_10 = tpu.vector_load_idx %arg15[%broadcast_in_dim3A_9] : memref<16xf32, #tpu.memory_space<vmem>>[vector<16xi32>], vector<16xf32>,
    %broadcast_in_dim3A_11 = arith.constant 3 : i32
    %broadcast_in_dim3A_12 = vector.broadcast %broadcast_in_dim3A_11 : i32 to vector<16xi32>
    %gather3A_13 = tpu.vector_load_idx %arg15[%broadcast_in_dim3A_12] : memref<16xf32, #tpu.memory_space<vmem>>[vector<16xi32>], vector<16xf32>,
    %max3A = arith.maximumf %gather3A, %gather3A_7 : vector<16xf32>
    %max3A_14 = arith.maximumf %gather3A_10, %gather3A_13 : vector<16xf32>
    %max3A_15 = arith.maximumf %max3A, %max3A_14 : vector<16xf32>
    %sub3A = arith.subf %get3A_3, %max3A_15 : vector<16xf32>
    %exp3A = math.exp %sub3A : vector<16xf32>
    %swap3A = arith.constant 0 : index
    %swap3A_16 = tpu.vector_load %arg15[%swap3A] {strides = array<i32>} : memref<16xf32, #tpu.memory_space<vmem>>, vector<16xf32>,
    tpu.vector_store %arg15[%swap3A], %exp3A {strides = array<i32>} : memref<16xf32, #tpu.memory_space<vmem>>, vector<16xf32>,
    %get3A_17 = arith.constant 0 : index
    %get3A_18 = tpu.vector_load %arg15[%get3A_17] {strides = array<i32>} : memref<16xf32, #tpu.memory_space<vmem>>, vector<16xf32>,
    %broadcast_in_dim3A_19 = arith.constant 0 : i32
    %broadcast_in_dim3A_20 = vector.broadcast %broadcast_in_dim3A_19 : i32 to vector<16xi32>
    %gather3A_21 = tpu.vector_load_idx %arg15[%broadcast_in_dim3A_20] : memref<16xf32, #tpu.memory_space<vmem>>[vector<16xi32>], vector<16xf32>,
    %broadcast_in_dim3A_22 = arith.constant 1 : i32
    %broadcast_in_dim3A_23 = vector.broadcast %broadcast_in_dim3A_22 : i32 to vector<16xi32>
    %gather3A_24 = tpu.vector_load_idx %arg15[%broadcast_in_dim3A_23] : memref<16xf32, #tpu.memory_space<vmem>>[vector<16xi32>], vector<16xf32>,
    %broadcast_in_dim3A_25 = arith.constant 2 : i32
    %broadcast_in_dim3A_26 = vector.broadcast %broadcast_in_dim3A_25 : i32 to vector<16xi32>
    %gather3A_27 = tpu.vector_load_idx %arg15[%broadcast_in_dim3A_26] : memref<16xf32, #tpu.memory_space<vmem>>[vector<16xi32>], vector<16xf32>,
    %broadcast_in_dim3A_28 = arith.constant 3 : i32
    %broadcast_in_dim3A_29 = vector.broadcast %broadcast_in_dim3A_28 : i32 to vector<16xi32>
    %gather3A_30 = tpu.vector_load_idx %arg15[%broadcast_in_dim3A_29] : memref<16xf32, #tpu.memory_space<vmem>>[vector<16xi32>], vector<16xf32>,
    %add3A_31 = arith.addf %gather3A_21, %gather3A_24 : vector<16xf32>
    %add3A_32 = arith.addf %gather3A_27, %gather3A_30 : vector<16xf32>
    %add3A_33 = arith.addf %add3A_31, %add3A_32 : vector<16xf32>
    %div3A = arith.divf %get3A_18, %add3A_33 : vector<16xf32>
    %swap3A_34 = arith.constant 0 : index
    %swap3A_35 = tpu.vector_load %arg15[%swap3A_34] {strides = array<i32>} : memref<16xf32, #tpu.memory_space<vmem>>, vector<16xf32>,
    tpu.vector_store %arg15[%swap3A_34], %div3A {strides = array<i32>} : memref<16xf32, #tpu.memory_space<vmem>>, vector<16xf32>,
    %iota3A = tpu.iota {dimensions = array<i32: 0>} : vector<16xi32>
    %scan3A = arith.constant 0 : i32
    %scan3A_36 = arith.constant 0 : i32
    %scan3A_37 = arith.constant 64 : i32
    %scan3A_38 = arith.addi %scan3A_36, %scan3A_37 : i32
    %scan3A_39 = arith.constant 1 : i32
    scf.for %scan3A_41 = %scan3A_36 to %scan3A_38 step %scan3A_39  : i32 {
      %mul3A_42 = arith.constant 512 : i32
      %mul3A_43 = arith.muli %scan3A_41, %mul3A_42 : i32
      %add3A_44 = arith.addi %mul3A_2, %mul3A_43 : i32
      "tpu.region"() ({
        %run_scoped3A = tpu.sem_alloc : memref<!tpu.dma_semaphore, #tpu.memory_space<semaphore_mem>>
        %dma_start3A_1744 = arith.constant 0 : i32
        %dma_start3A_1745 = tpu.memref_slice %arg2[%add3A_44, %dma_start3A_1744] : memref<1048576x2xf32, #tpu.memory_space<hbm>> -> memref<512x2xf32, #tpu.memory_space<hbm>>
        %dma_start3A_1746 = arith.constant 0 : i32
        %dma_start3A_1747 = tpu.memref_slice %arg2[%add3A_44, %dma_start3A_1746] : memref<1048576x2xf32, #tpu.memory_space<hbm>> -> memref<512x2xf32, #tpu.memory_space<hbm>>
        tpu.enqueue_dma source(%dma_start3A_1747 : memref<512x2xf32, #tpu.memory_space<hbm>>) target(%arg9 : memref<512x2xf32, #tpu.memory_space<vmem>>) target_semaphore(%run_scoped3A : memref<!tpu.dma_semaphore, #tpu.memory_space<semaphore_mem>>)
        %dma_wait3A_1748 = arith.constant 0 : i32
        %dma_wait3A_1749 = tpu.memref_slice %arg2[%add3A_44, %dma_wait3A_1748] : memref<1048576x2xf32, #tpu.memory_space<hbm>> -> memref<512x2xf32, #tpu.memory_space<hbm>>
        %dma_wait3A_1750 = arith.constant 0 : i32
        %dma_wait3A_1751 = tpu.memref_slice %arg2[%add3A_44, %dma_wait3A_1750] : memref<1048576x2xf32, #tpu.memory_space<hbm>> -> memref<512x2xf32, #tpu.memory_space<hbm>>
        tpu.wait_dma2 semaphore(%run_scoped3A : memref<!tpu.dma_semaphore, #tpu.memory_space<semaphore_mem>>) src(%dma_wait3A_1751 : memref<512x2xf32, #tpu.memory_space<hbm>>) dst(%arg9 : memref<512x2xf32, #tpu.memory_space<vmem>>)
        tpu.yield
      }) : () -> ()
      %scan3A_45 = arith.constant 0 : i32
      %scan3A_46 = arith.constant 0 : i32
      %scan3A_47 = arith.constant 32 : i32
      %scan3A_48 = arith.addi %scan3A_46, %scan3A_47 : i32
      %scan3A_49 = arith.constant 1 : i32
      scf.for %scan3A_1744 = %scan3A_46 to %scan3A_48 step %scan3A_49  : i32 {
        %mul3A_1745 = arith.constant 16 : i32
        %mul3A_1746 = arith.muli %scan3A_1744, %mul3A_1745 : i32
        %multiple_of3A = tpu.assume_multiple %mul3A_1746, 16 : i32
        %add3A_1747 = vector.broadcast %multiple_of3A : i32 to vector<16xi32>
        %add3A_1748 = arith.addi %add3A_1747, %iota3A : vector<16xi32>
        %broadcast_in_dim3A_1749 = arith.constant 0 : i32
        %broadcast_in_dim3A_1750 = vector.broadcast %broadcast_in_dim3A_1749 : i32 to vector<16xi32>
        %gather3A_1751 = tpu.vector_load_idx %arg9[%add3A_1748, %broadcast_in_dim3A_1750] : memref<512x2xf32, #tpu.memory_space<vmem>>[vector<16xi32>, vector<16xi32>], vector<16xf32>,
        %broadcast_in_dim3A_1752 = arith.constant 1 : i32
        %broadcast_in_dim3A_1753 = vector.broadcast %broadcast_in_dim3A_1752 : i32 to vector<16xi32>
        %gather3A_1754 = tpu.vector_load_idx %arg9[%add3A_1748, %broadcast_in_dim3A_1753] : memref<512x2xf32, #tpu.memory_space<vmem>>[vector<16xi32>, vector<16xi32>], vector<16xf32>,
        %shift_right_arithmetic3A_1755 = arith.constant 3 : i32
        %shift_right_arithmetic3A_1756 = arith.shrsi %scan3A_1744, %shift_right_arithmetic3A_1755 : i32
        %broadcast_in_dim3A_1757 = vector.broadcast %shift_right_arithmetic3A_1756 : i32 to vector<16xi32>
        %and3A_1758 = arith.constant 7 : i32
        %and3A_1759 = arith.andi %scan3A_1744, %and3A_1758 : i32
        %mul3A_1760 = arith.constant 16 : i32
        %mul3A_1761 = arith.muli %and3A_1759, %mul3A_1760 : i32
        %add3A_1762 = vector.broadcast %mul3A_1761 : i32 to vector<16xi32>
        %add3A_1763 = arith.addi %add3A_1762, %iota3A : vector<16xi32>
        %mul3A_1764 = arith.constant 1.600000e+01 : f32
        %mul3A_1765 = vector.broadcast %mul3A_1764 : f32 to vector<16xf32>
        %mul3A_1766 = arith.mulf %gather3A_1751, %mul3A_1765 : vector<16xf32>
        %mul3A_1767 = arith.constant 1.600000e+01 : f32
        %mul3A_1768 = vector.broadcast %mul3A_1767 : f32 to vector<16xf32>
        %mul3A_1769 = arith.mulf %gather3A_1754, %mul3A_1768 : vector<16xf32>
        %convert_element_type3A = arith.fptosi %mul3A_1766 : vector<16xf32> to vector<16xi32>
        %convert_element_type3A_1770 = arith.fptosi %mul3A_1769 : vector<16xf32> to vector<16xi32>
        %convert_element_type3A_1771 = arith.sitofp %convert_element_type3A : vector<16xi32> to vector<16xf32>
        %sub3A_1772 = arith.subf %mul3A_1766, %convert_element_type3A_1771 : vector<16xf32>
        %convert_element_type3A_1773 = arith.sitofp %convert_element_type3A_1770 : vector<16xi32> to vector<16xf32>
        %sub3A_1774 = arith.subf %mul3A_1769, %convert_element_type3A_1773 : vector<16xf32>
        %mul3A_1775 = arith.constant 16 : i32
        %mul3A_1776 = arith.muli %scan3A_1744, %mul3A_1775 : i32
        %multiple_of3A_1777 = tpu.assume_multiple %mul3A_1776, 16 : i32
        %swap3A_1778 = arith.constant 0 : i32
        %swap3A_1779 = arith.index_cast %swap3A_1778 : i32 to index
        %swap3A_1780 = arith.index_cast %multiple_of3A_1777 : i32 to index
        %swap3A_1781 = tpu.vector_load %arg11[%swap3A_1779, %swap3A_1780] {strides = array<i32>} : memref<4x512xf32, #tpu.memory_space<vmem>>, vector<16xf32>,
        tpu.vector_store %arg11[%swap3A_1779, %swap3A_1780], %sub3A_1772 {strides = array<i32>} : memref<4x512xf32, #tpu.memory_space<vmem>>, vector<16xf32>,
        %swap3A_1782 = arith.constant 0 : i32
        %swap3A_1783 = arith.index_cast %swap3A_1782 : i32 to index
        %swap3A_1784 = arith.index_cast %multiple_of3A_1777 : i32 to index
        %swap3A_1785 = tpu.vector_load %arg12[%swap3A_1783, %swap3A_1784] {strides = array<i32>} : memref<4x512xf32, #tpu.memory_space<vmem>>, vector<16xf32>,
        tpu.vector_store %arg12[%swap3A_1783, %swap3A_1784], %sub3A_1774 {strides = array<i32>} : memref<4x512xf32, #tpu.memory_space<vmem>>, vector<16xf32>,
        %mul3A_1786 = arith.constant 73856093 : i32
        %mul3A_1787 = vector.broadcast %mul3A_1786 : i32 to vector<16xi32>
        %mul3A_1788 = arith.muli %convert_element_type3A, %mul3A_1787 : vector<16xi32>
        %add3A_1789 = arith.constant 73856093 : i32
        %add3A_1790 = vector.broadcast %add3A_1789 : i32 to vector<16xi32>
        %add3A_1791 = arith.addi %mul3A_1788, %add3A_1790 : vector<16xi32>
        %mul3A_1792 = arith.constant 19349663 : i32
        %mul3A_1793 = vector.broadcast %mul3A_1792 : i32 to vector<16xi32>
        %mul3A_1794 = arith.muli %convert_element_type3A_1770, %mul3A_1793 : vector<16xi32>
        %add3A_1795 = arith.constant 19349663 : i32
        %add3A_1796 = vector.broadcast %add3A_1795 : i32 to vector<16xi32>
        %add3A_1797 = arith.addi %mul3A_1794, %add3A_1796 : vector<16xi32>
        %xor3A = arith.xori %mul3A_1788, %mul3A_1794 : vector<16xi32>
        %xor3A_1798 = arith.xori %add3A_1791, %mul3A_1794 : vector<16xi32>
        %xor3A_1799 = arith.xori %mul3A_1788, %add3A_1797 : vector<16xi32>
        %xor3A_1800 = arith.xori %add3A_1791, %add3A_1797 : vector<16xi32>
        %broadcast_in_dim3A_1801 = arith.constant 0 : i32
        %broadcast_in_dim3A_1802 = vector.broadcast %broadcast_in_dim3A_1801 : i32 to vector<16xi32>
        %and3A_1803 = arith.constant 32767 : i32
        %and3A_1804 = vector.broadcast %and3A_1803 : i32 to vector<16xi32>
        %and3A_1805 = arith.andi %xor3A, %and3A_1804 : vector<16xi32>
        tpu.vector_store_idx %arg10[%broadcast_in_dim3A_1802, %broadcast_in_dim3A_1757, %add3A_1763], %and3A_1805 : memref<16x4x128xi32, #tpu.memory_space<vmem>>[vector<16xi32>, vector<16xi32>, vector<16xi32>], vector<16xi32>,
        %broadcast_in_dim3A_1806 = arith.constant 1 : i32
        %broadcast_in_dim3A_1807 = vector.broadcast %broadcast_in_dim3A_1806 : i32 to vector<16xi32>
        %and3A_1808 = arith.constant 32767 : i32
        %and3A_1809 = vector.broadcast %and3A_1808 : i32 to vector<16xi32>
        %and3A_1810 = arith.andi %xor3A_1798, %and3A_1809 : vector<16xi32>
        tpu.vector_store_idx %arg10[%broadcast_in_dim3A_1807, %broadcast_in_dim3A_1757, %add3A_1763], %and3A_1810 : memref<16x4x128xi32, #tpu.memory_space<vmem>>[vector<16xi32>, vector<16xi32>, vector<16xi32>], vector<16xi32>,
        %broadcast_in_dim3A_1811 = arith.constant 2 : i32
        %broadcast_in_dim3A_1812 = vector.broadcast %broadcast_in_dim3A_1811 : i32 to vector<16xi32>
        %and3A_1813 = arith.constant 32767 : i32
        %and3A_1814 = vector.broadcast %and3A_1813 : i32 to vector<16xi32>
        %and3A_1815 = arith.andi %xor3A_1799, %and3A_1814 : vector<16xi32>
        tpu.vector_store_idx %arg10[%broadcast_in_dim3A_1812, %broadcast_in_dim3A_1757, %add3A_1763], %and3A_1815 : memref<16x4x128xi32, #tpu.memory_space<vmem>>[vector<16xi32>, vector<16xi32>, vector<16xi32>], vector<16xi32>,
        %broadcast_in_dim3A_1816 = arith.constant 3 : i32
        %broadcast_in_dim3A_1817 = vector.broadcast %broadcast_in_dim3A_1816 : i32 to vector<16xi32>
        %and3A_1818 = arith.constant 32767 : i32
        %and3A_1819 = vector.broadcast %and3A_1818 : i32 to vector<16xi32>
        %and3A_1820 = arith.andi %xor3A_1800, %and3A_1819 : vector<16xi32>
        tpu.vector_store_idx %arg10[%broadcast_in_dim3A_1817, %broadcast_in_dim3A_1757, %add3A_1763], %and3A_1820 : memref<16x4x128xi32, #tpu.memory_space<vmem>>[vector<16xi32>, vector<16xi32>, vector<16xi32>], vector<16xi32>,
        %mul3A_1821 = arith.constant 6.400000e+01 : f32
        %mul3A_1822 = vector.broadcast %mul3A_1821 : f32 to vector<16xf32>
        %mul3A_1823 = arith.mulf %gather3A_1751, %mul3A_1822 : vector<16xf32>
        %mul3A_1824 = arith.constant 6.400000e+01 : f32
        %mul3A_1825 = vector.broadcast %mul3A_1824 : f32 to vector<16xf32>
        %mul3A_1826 = arith.mulf %gather3A_1754, %mul3A_1825 : vector<16xf32>
        %convert_element_type3A_1827 = arith.fptosi %mul3A_1823 : vector<16xf32> to vector<16xi32>
        %convert_element_type3A_1828 = arith.fptosi %mul3A_1826 : vector<16xf32> to vector<16xi32>
        %convert_element_type3A_1829 = arith.sitofp %convert_element_type3A_1827 : vector<16xi32> to vector<16xf32>
        %sub3A_1830 = arith.subf %mul3A_1823, %convert_element_type3A_1829 : vector<16xf32>
        %convert_element_type3A_1831 = arith.sitofp %convert_element_type3A_1828 : vector<16xi32> to vector<16xf32>
        %sub3A_1832 = arith.subf %mul3A_1826, %convert_element_type3A_1831 : vector<16xf32>
        %mul3A_1833 = arith.constant 16 : i32
        %mul3A_1834 = arith.muli %scan3A_1744, %mul3A_1833 : i32
        %multiple_of3A_1835 = tpu.assume_multiple %mul3A_1834, 16 : i32
        %swap3A_1836 = arith.constant 1 : i32
        %swap3A_1837 = arith.index_cast %swap3A_1836 : i32 to index
        %swap3A_1838 = arith.index_cast %multiple_of3A_1835 : i32 to index
        %swap3A_1839 = tpu.vector_load %arg11[%swap3A_1837, %swap3A_1838] {strides = array<i32>} : memref<4x512xf32, #tpu.memory_space<vmem>>, vector<16xf32>,
        tpu.vector_store %arg11[%swap3A_1837, %swap3A_1838], %sub3A_1830 {strides = array<i32>} : memref<4x512xf32, #tpu.memory_space<vmem>>, vector<16xf32>,
        %swap3A_1840 = arith.constant 1 : i32
        %swap3A_1841 = arith.index_cast %swap3A_1840 : i32 to index
        %swap3A_1842 = arith.index_cast %multiple_of3A_1835 : i32 to index
        %swap3A_1843 = tpu.vector_load %arg12[%swap3A_1841, %swap3A_1842] {strides = array<i32>} : memref<4x512xf32, #tpu.memory_space<vmem>>, vector<16xf32>,
        tpu.vector_store %arg12[%swap3A_1841, %swap3A_1842], %sub3A_1832 {strides = array<i32>} : memref<4x512xf32, #tpu.memory_space<vmem>>, vector<16xf32>,
        %mul3A_1844 = arith.constant 73856093 : i32
        %mul3A_1845 = vector.broadcast %mul3A_1844 : i32 to vector<16xi32>
        %mul3A_1846 = arith.muli %convert_element_type3A_1827, %mul3A_1845 : vector<16xi32>
        %add3A_1847 = arith.constant 73856093 : i32
        %add3A_1848 = vector.broadcast %add3A_1847 : i32 to vector<16xi32>
        %add3A_1849 = arith.addi %mul3A_1846, %add3A_1848 : vector<16xi32>
        %mul3A_1850 = arith.constant 19349663 : i32
        %mul3A_1851 = vector.broadcast %mul3A_1850 : i32 to vector<16xi32>
        %mul3A_1852 = arith.muli %convert_element_type3A_1828, %mul3A_1851 : vector<16xi32>
        %add3A_1853 = arith.constant 19349663 : i32
        %add3A_1854 = vector.broadcast %add3A_1853 : i32 to vector<16xi32>
        %add3A_1855 = arith.addi %mul3A_1852, %add3A_1854 : vector<16xi32>
        %xor3A_1856 = arith.xori %mul3A_1846, %mul3A_1852 : vector<16xi32>
        %xor3A_1857 = arith.xori %add3A_1849, %mul3A_1852 : vector<16xi32>
        %xor3A_1858 = arith.xori %mul3A_1846, %add3A_1855 : vector<16xi32>
        %xor3A_1859 = arith.xori %add3A_1849, %add3A_1855 : vector<16xi32>
        %broadcast_in_dim3A_1860 = arith.constant 4 : i32
        %broadcast_in_dim3A_1861 = vector.broadcast %broadcast_in_dim3A_1860 : i32 to vector<16xi32>
        %and3A_1862 = arith.constant 131071 : i32
        %and3A_1863 = vector.broadcast %and3A_1862 : i32 to vector<16xi32>
        %and3A_1864 = arith.andi %xor3A_1856, %and3A_1863 : vector<16xi32>
        tpu.vector_store_idx %arg10[%broadcast_in_dim3A_1861, %broadcast_in_dim3A_1757, %add3A_1763], %and3A_1864 : memref<16x4x128xi32, #tpu.memory_space<vmem>>[vector<16xi32>, vector<16xi32>, vector<16xi32>], vector<16xi32>,
        %broadcast_in_dim3A_1865 = arith.constant 5 : i32
        %broadcast_in_dim3A_1866 = vector.broadcast %broadcast_in_dim3A_1865 : i32 to vector<16xi32>
        %and3A_1867 = arith.constant 131071 : i32
        %and3A_1868 = vector.broadcast %and3A_1867 : i32 to vector<16xi32>
        %and3A_1869 = arith.andi %xor3A_1857, %and3A_1868 : vector<16xi32>
        tpu.vector_store_idx %arg10[%broadcast_in_dim3A_1866, %broadcast_in_dim3A_1757, %add3A_1763], %and3A_1869 : memref<16x4x128xi32, #tpu.memory_space<vmem>>[vector<16xi32>, vector<16xi32>, vector<16xi32>], vector<16xi32>,
        %broadcast_in_dim3A_1870 = arith.constant 6 : i32
        %broadcast_in_dim3A_1871 = vector.broadcast %broadcast_in_dim3A_1870 : i32 to vector<16xi32>
        %and3A_1872 = arith.constant 131071 : i32
        %and3A_1873 = vector.broadcast %and3A_1872 : i32 to vector<16xi32>
        %and3A_1874 = arith.andi %xor3A_1858, %and3A_1873 : vector<16xi32>
        tpu.vector_store_idx %arg10[%broadcast_in_dim3A_1871, %broadcast_in_dim3A_1757, %add3A_1763], %and3A_1874 : memref<16x4x128xi32, #tpu.memory_space<vmem>>[vector<16xi32>, vector<16xi32>, vector<16xi32>], vector<16xi32>,
        %broadcast_in_dim3A_1875 = arith.constant 7 : i32
        %broadcast_in_dim3A_1876 = vector.broadcast %broadcast_in_dim3A_1875 : i32 to vector<16xi32>
        %and3A_1877 = arith.constant 131071 : i32
        %and3A_1878 = vector.broadcast %and3A_1877 : i32 to vector<16xi32>
        %and3A_1879 = arith.andi %xor3A_1859, %and3A_1878 : vector<16xi32>
        tpu.vector_store_idx %arg10[%broadcast_in_dim3A_1876, %broadcast_in_dim3A_1757, %add3A_1763], %and3A_1879 : memref<16x4x128xi32, #tpu.memory_space<vmem>>[vector<16xi32>, vector<16xi32>, vector<16xi32>], vector<16xi32>,
        %mul3A_1880 = arith.constant 2.560000e+02 : f32
        %mul3A_1881 = vector.broadcast %mul3A_1880 : f32 to vector<16xf32>
        %mul3A_1882 = arith.mulf %gather3A_1751, %mul3A_1881 : vector<16xf32>
        %mul3A_1883 = arith.constant 2.560000e+02 : f32
        %mul3A_1884 = vector.broadcast %mul3A_1883 : f32 to vector<16xf32>
        %mul3A_1885 = arith.mulf %gather3A_1754, %mul3A_1884 : vector<16xf32>
        %convert_element_type3A_1886 = arith.fptosi %mul3A_1882 : vector<16xf32> to vector<16xi32>
        %convert_element_type3A_1887 = arith.fptosi %mul3A_1885 : vector<16xf32> to vector<16xi32>
        %convert_element_type3A_1888 = arith.sitofp %convert_element_type3A_1886 : vector<16xi32> to vector<16xf32>
        %sub3A_1889 = arith.subf %mul3A_1882, %convert_element_type3A_1888 : vector<16xf32>
        %convert_element_type3A_1890 = arith.sitofp %convert_element_type3A_1887 : vector<16xi32> to vector<16xf32>
        %sub3A_1891 = arith.subf %mul3A_1885, %convert_element_type3A_1890 : vector<16xf32>
        %mul3A_1892 = arith.constant 16 : i32
        %mul3A_1893 = arith.muli %scan3A_1744, %mul3A_1892 : i32
        %multiple_of3A_1894 = tpu.assume_multiple %mul3A_1893, 16 : i32
        %swap3A_1895 = arith.constant 2 : i32
        %swap3A_1896 = arith.index_cast %swap3A_1895 : i32 to index
        %swap3A_1897 = arith.index_cast %multiple_of3A_1894 : i32 to index
        %swap3A_1898 = tpu.vector_load %arg11[%swap3A_1896, %swap3A_1897] {strides = array<i32>} : memref<4x512xf32, #tpu.memory_space<vmem>>, vector<16xf32>,
        tpu.vector_store %arg11[%swap3A_1896, %swap3A_1897], %sub3A_1889 {strides = array<i32>} : memref<4x512xf32, #tpu.memory_space<vmem>>, vector<16xf32>,
        %swap3A_1899 = arith.constant 2 : i32
        %swap3A_1900 = arith.index_cast %swap3A_1899 : i32 to index
        %swap3A_1901 = arith.index_cast %multiple_of3A_1894 : i32 to index
        %swap3A_1902 = tpu.vector_load %arg12[%swap3A_1900, %swap3A_1901] {strides = array<i32>} : memref<4x512xf32, #tpu.memory_space<vmem>>, vector<16xf32>,
        tpu.vector_store %arg12[%swap3A_1900, %swap3A_1901], %sub3A_1891 {strides = array<i32>} : memref<4x512xf32, #tpu.memory_space<vmem>>, vector<16xf32>,
        %mul3A_1903 = arith.constant 73856093 : i32
        %mul3A_1904 = vector.broadcast %mul3A_1903 : i32 to vector<16xi32>
        %mul3A_1905 = arith.muli %convert_element_type3A_1886, %mul3A_1904 : vector<16xi32>
        %add3A_1906 = arith.constant 73856093 : i32
        %add3A_1907 = vector.broadcast %add3A_1906 : i32 to vector<16xi32>
        %add3A_1908 = arith.addi %mul3A_1905, %add3A_1907 : vector<16xi32>
        %mul3A_1909 = arith.constant 19349663 : i32
        %mul3A_1910 = vector.broadcast %mul3A_1909 : i32 to vector<16xi32>
        %mul3A_1911 = arith.muli %convert_element_type3A_1887, %mul3A_1910 : vector<16xi32>
        %add3A_1912 = arith.constant 19349663 : i32
        %add3A_1913 = vector.broadcast %add3A_1912 : i32 to vector<16xi32>
        %add3A_1914 = arith.addi %mul3A_1911, %add3A_1913 : vector<16xi32>
        %xor3A_1915 = arith.xori %mul3A_1905, %mul3A_1911 : vector<16xi32>
        %xor3A_1916 = arith.xori %add3A_1908, %mul3A_1911 : vector<16xi32>
        %xor3A_1917 = arith.xori %mul3A_1905, %add3A_1914 : vector<16xi32>
        %xor3A_1918 = arith.xori %add3A_1908, %add3A_1914 : vector<16xi32>
        %broadcast_in_dim3A_1919 = arith.constant 8 : i32
        %broadcast_in_dim3A_1920 = vector.broadcast %broadcast_in_dim3A_1919 : i32 to vector<16xi32>
        %and3A_1921 = arith.constant 524287 : i32
        %and3A_1922 = vector.broadcast %and3A_1921 : i32 to vector<16xi32>
        %and3A_1923 = arith.andi %xor3A_1915, %and3A_1922 : vector<16xi32>
        tpu.vector_store_idx %arg10[%broadcast_in_dim3A_1920, %broadcast_in_dim3A_1757, %add3A_1763], %and3A_1923 : memref<16x4x128xi32, #tpu.memory_space<vmem>>[vector<16xi32>, vector<16xi32>, vector<16xi32>], vector<16xi32>,
        %broadcast_in_dim3A_1924 = arith.constant 9 : i32
        %broadcast_in_dim3A_1925 = vector.broadcast %broadcast_in_dim3A_1924 : i32 to vector<16xi32>
        %and3A_1926 = arith.constant 524287 : i32
        %and3A_1927 = vector.broadcast %and3A_1926 : i32 to vector<16xi32>
        %and3A_1928 = arith.andi %xor3A_1916, %and3A_1927 : vector<16xi32>
        tpu.vector_store_idx %arg10[%broadcast_in_dim3A_1925, %broadcast_in_dim3A_1757, %add3A_1763], %and3A_1928 : memref<16x4x128xi32, #tpu.memory_space<vmem>>[vector<16xi32>, vector<16xi32>, vector<16xi32>], vector<16xi32>,
        %broadcast_in_dim3A_1929 = arith.constant 10 : i32
        %broadcast_in_dim3A_1930 = vector.broadcast %broadcast_in_dim3A_1929 : i32 to vector<16xi32>
        %and3A_1931 = arith.constant 524287 : i32
        %and3A_1932 = vector.broadcast %and3A_1931 : i32 to vector<16xi32>
        %and3A_1933 = arith.andi %xor3A_1917, %and3A_1932 : vector<16xi32>
        tpu.vector_store_idx %arg10[%broadcast_in_dim3A_1930, %broadcast_in_dim3A_1757, %add3A_1763], %and3A_1933 : memref<16x4x128xi32, #tpu.memory_space<vmem>>[vector<16xi32>, vector<16xi32>, vector<16xi32>], vector<16xi32>,
        %broadcast_in_dim3A_1934 = arith.constant 11 : i32
        %broadcast_in_dim3A_1935 = vector.broadcast %broadcast_in_dim3A_1934 : i32 to vector<16xi32>
        %and3A_1936 = arith.constant 524287 : i32
        %and3A_1937 = vector.broadcast %and3A_1936 : i32 to vector<16xi32>
        %and3A_1938 = arith.andi %xor3A_1918, %and3A_1937 : vector<16xi32>
        tpu.vector_store_idx %arg10[%broadcast_in_dim3A_1935, %broadcast_in_dim3A_1757, %add3A_1763], %and3A_1938 : memref<16x4x128xi32, #tpu.memory_space<vmem>>[vector<16xi32>, vector<16xi32>, vector<16xi32>], vector<16xi32>,
        %mul3A_1939 = arith.constant 1.024000e+03 : f32
        %mul3A_1940 = vector.broadcast %mul3A_1939 : f32 to vector<16xf32>
        %mul3A_1941 = arith.mulf %gather3A_1751, %mul3A_1940 : vector<16xf32>
        %mul3A_1942 = arith.constant 1.024000e+03 : f32
        %mul3A_1943 = vector.broadcast %mul3A_1942 : f32 to vector<16xf32>
        %mul3A_1944 = arith.mulf %gather3A_1754, %mul3A_1943 : vector<16xf32>
        %convert_element_type3A_1945 = arith.fptosi %mul3A_1941 : vector<16xf32> to vector<16xi32>
        %convert_element_type3A_1946 = arith.fptosi %mul3A_1944 : vector<16xf32> to vector<16xi32>
        %convert_element_type3A_1947 = arith.sitofp %convert_element_type3A_1945 : vector<16xi32> to vector<16xf32>
        %sub3A_1948 = arith.subf %mul3A_1941, %convert_element_type3A_1947 : vector<16xf32>
        %convert_element_type3A_1949 = arith.sitofp %convert_element_type3A_1946 : vector<16xi32> to vector<16xf32>
        %sub3A_1950 = arith.subf %mul3A_1944, %convert_element_type3A_1949 : vector<16xf32>
        %mul3A_1951 = arith.constant 16 : i32
        %mul3A_1952 = arith.muli %scan3A_1744, %mul3A_1951 : i32
        %multiple_of3A_1953 = tpu.assume_multiple %mul3A_1952, 16 : i32
        %swap3A_1954 = arith.constant 3 : i32
        %swap3A_1955 = arith.index_cast %swap3A_1954 : i32 to index
        %swap3A_1956 = arith.index_cast %multiple_of3A_1953 : i32 to index
        %swap3A_1957 = tpu.vector_load %arg11[%swap3A_1955, %swap3A_1956] {strides = array<i32>} : memref<4x512xf32, #tpu.memory_space<vmem>>, vector<16xf32>,
        tpu.vector_store %arg11[%swap3A_1955, %swap3A_1956], %sub3A_1948 {strides = array<i32>} : memref<4x512xf32, #tpu.memory_space<vmem>>, vector<16xf32>,
        %swap3A_1958 = arith.constant 3 : i32
        %swap3A_1959 = arith.index_cast %swap3A_1958 : i32 to index
        %swap3A_1960 = arith.index_cast %multiple_of3A_1953 : i32 to index
        %swap3A_1961 = tpu.vector_load %arg12[%swap3A_1959, %swap3A_1960] {strides = array<i32>} : memref<4x512xf32, #tpu.memory_space<vmem>>, vector<16xf32>,
        tpu.vector_store %arg12[%swap3A_1959, %swap3A_1960], %sub3A_1950 {strides = array<i32>} : memref<4x512xf32, #tpu.memory_space<vmem>>, vector<16xf32>,
        %mul3A_1962 = arith.constant 73856093 : i32
        %mul3A_1963 = vector.broadcast %mul3A_1962 : i32 to vector<16xi32>
        %mul3A_1964 = arith.muli %convert_element_type3A_1945, %mul3A_1963 : vector<16xi32>
        %add3A_1965 = arith.constant 73856093 : i32
        %add3A_1966 = vector.broadcast %add3A_1965 : i32 to vector<16xi32>
        %add3A_1967 = arith.addi %mul3A_1964, %add3A_1966 : vector<16xi32>
        %mul3A_1968 = arith.constant 19349663 : i32
        %mul3A_1969 = vector.broadcast %mul3A_1968 : i32 to vector<16xi32>
        %mul3A_1970 = arith.muli %convert_element_type3A_1946, %mul3A_1969 : vector<16xi32>
        %add3A_1971 = arith.constant 19349663 : i32
        %add3A_1972 = vector.broadcast %add3A_1971 : i32 to vector<16xi32>
        %add3A_1973 = arith.addi %mul3A_1970, %add3A_1972 : vector<16xi32>
        %xor3A_1974 = arith.xori %mul3A_1964, %mul3A_1970 : vector<16xi32>
        %xor3A_1975 = arith.xori %add3A_1967, %mul3A_1970 : vector<16xi32>
        %xor3A_1976 = arith.xori %mul3A_1964, %add3A_1973 : vector<16xi32>
        %xor3A_1977 = arith.xori %add3A_1967, %add3A_1973 : vector<16xi32>
        %broadcast_in_dim3A_1978 = arith.constant 12 : i32
        %broadcast_in_dim3A_1979 = vector.broadcast %broadcast_in_dim3A_1978 : i32 to vector<16xi32>
        %and3A_1980 = arith.constant 2097151 : i32
        %and3A_1981 = vector.broadcast %and3A_1980 : i32 to vector<16xi32>
        %and3A_1982 = arith.andi %xor3A_1974, %and3A_1981 : vector<16xi32>
        tpu.vector_store_idx %arg10[%broadcast_in_dim3A_1979, %broadcast_in_dim3A_1757, %add3A_1763], %and3A_1982 : memref<16x4x128xi32, #tpu.memory_space<vmem>>[vector<16xi32>, vector<16xi32>, vector<16xi32>], vector<16xi32>,
        %broadcast_in_dim3A_1983 = arith.constant 13 : i32
        %broadcast_in_dim3A_1984 = vector.broadcast %broadcast_in_dim3A_1983 : i32 to vector<16xi32>
        %and3A_1985 = arith.constant 2097151 : i32
        %and3A_1986 = vector.broadcast %and3A_1985 : i32 to vector<16xi32>
        %and3A_1987 = arith.andi %xor3A_1975, %and3A_1986 : vector<16xi32>
        tpu.vector_store_idx %arg10[%broadcast_in_dim3A_1984, %broadcast_in_dim3A_1757, %add3A_1763], %and3A_1987 : memref<16x4x128xi32, #tpu.memory_space<vmem>>[vector<16xi32>, vector<16xi32>, vector<16xi32>], vector<16xi32>,
        %broadcast_in_dim3A_1988 = arith.constant 14 : i32
        %broadcast_in_dim3A_1989 = vector.broadcast %broadcast_in_dim3A_1988 : i32 to vector<16xi32>
        %and3A_1990 = arith.constant 2097151 : i32
        %and3A_1991 = vector.broadcast %and3A_1990 : i32 to vector<16xi32>
        %and3A_1992 = arith.andi %xor3A_1976, %and3A_1991 : vector<16xi32>
        tpu.vector_store_idx %arg10[%broadcast_in_dim3A_1989, %broadcast_in_dim3A_1757, %add3A_1763], %and3A_1992 : memref<16x4x128xi32, #tpu.memory_space<vmem>>[vector<16xi32>, vector<16xi32>, vector<16xi32>], vector<16xi32>,
        %broadcast_in_dim3A_1993 = arith.constant 15 : i32
        %broadcast_in_dim3A_1994 = vector.broadcast %broadcast_in_dim3A_1993 : i32 to vector<16xi32>
        %and3A_1995 = arith.constant 2097151 : i32
        %and3A_1996 = vector.broadcast %and3A_1995 : i32 to vector<16xi32>
        %and3A_1997 = arith.andi %xor3A_1977, %and3A_1996 : vector<16xi32>
        tpu.vector_store_idx %arg10[%broadcast_in_dim3A_1994, %broadcast_in_dim3A_1757, %add3A_1763], %and3A_1997 : memref<16x4x128xi32, #tpu.memory_space<vmem>>[vector<16xi32>, vector<16xi32>, vector<16xi32>], vector<16xi32>,
      }
      %scan3A_50 = arith.constant 32 : i32
      %dma_start3A = arith.constant 0 : i32
      %dma_start3A_51 = arith.constant 0 : i32
      %dma_start3A_52 = arith.constant 0 : i32
      %dma_start3A_53 = arith.constant 0 : i32
      %dma_start3A_54 = arith.constant 0 : i32
      %dma_start3A_55 = tpu.memref_slice %arg13[%dma_start3A_52, %dma_start3A_53, %dma_start3A_54] : memref<16x512x2xf32, #tpu.memory_space<vmem>> -> memref<1x128x2xf32, #tpu.memory_space<vmem>>
      %dma_start3A_56 = tpu.memref_squeeze %dma_start3A_55 : memref<1x128x2xf32, #tpu.memory_space<vmem>> -> memref<128x2xf32, #tpu.memory_space<vmem>>
      %dma_start3A_57 = arith.constant 0 : i32
      %dma_start3A_58 = tpu.memref_slice %arg10[%dma_start3A, %dma_start3A_51, %dma_start3A_57] : memref<16x4x128xi32, #tpu.memory_space<vmem>> -> memref<1x1x128xi32, #tpu.memory_space<vmem>>
      %dma_start3A_59 = tpu.memref_squeeze %dma_start3A_58 : memref<1x1x128xi32, #tpu.memory_space<vmem>> -> memref<128xi32, #tpu.memory_space<vmem>>
      %dma_start3A_60 = arith.constant 0 : i32
      %dma_start3A_61 = arith.constant 0 : i32
      %dma_start3A_62 = tpu.memref_slice %arg3[%dma_start3A_60, %dma_start3A_61] : memref<32768x2xf32, #tpu.memory_space<hbm>> -> memref<32768x2xf32, #tpu.memory_space<hbm>>
      tpu.enqueue_indirect_dma source(%dma_start3A_62 : memref<32768x2xf32, #tpu.memory_space<hbm>>) target(%dma_start3A_56 : memref<128x2xf32, #tpu.memory_space<vmem>>) offsets(%dma_start3A_59 : memref<128xi32, #tpu.memory_space<vmem>>) semaphore(%arg16 : memref<!tpu.dma_semaphore, #tpu.memory_space<semaphore_mem>>)
      %dma_start3A_63 = arith.constant 0 : i32
      %dma_start3A_64 = arith.constant 1 : i32
      %dma_start3A_65 = arith.constant 0 : i32
      %dma_start3A_66 = arith.constant 128 : i32
      %dma_start3A_67 = arith.constant 0 : i32
      %dma_start3A_68 = tpu.memref_slice %arg13[%dma_start3A_65, %dma_start3A_66, %dma_start3A_67] : memref<16x512x2xf32, #tpu.memory_space<vmem>> -> memref<1x128x2xf32, #tpu.memory_space<vmem>>
      %dma_start3A_69 = tpu.memref_squeeze %dma_start3A_68 : memref<1x128x2xf32, #tpu.memory_space<vmem>> -> memref<128x2xf32, #tpu.memory_space<vmem>>
      %dma_start3A_70 = arith.constant 0 : i32
      %dma_start3A_71 = tpu.memref_slice %arg10[%dma_start3A_63, %dma_start3A_64, %dma_start3A_70] : memref<16x4x128xi32, #tpu.memory_space<vmem>> -> memref<1x1x128xi32, #tpu.memory_space<vmem>>
      %dma_start3A_72 = tpu.memref_squeeze %dma_start3A_71 : memref<1x1x128xi32, #tpu.memory_space<vmem>> -> memref<128xi32, #tpu.memory_space<vmem>>
      %dma_start3A_73 = arith.constant 0 : i32
      %dma_start3A_74 = arith.constant 0 : i32
      %dma_start3A_75 = tpu.memref_slice %arg3[%dma_start3A_73, %dma_start3A_74] : memref<32768x2xf32, #tpu.memory_space<hbm>> -> memref<32768x2xf32, #tpu.memory_space<hbm>>
      tpu.enqueue_indirect_dma source(%dma_start3A_75 : memref<32768x2xf32, #tpu.memory_space<hbm>>) target(%dma_start3A_69 : memref<128x2xf32, #tpu.memory_space<vmem>>) offsets(%dma_start3A_72 : memref<128xi32, #tpu.memory_space<vmem>>) semaphore(%arg16 : memref<!tpu.dma_semaphore, #tpu.memory_space<semaphore_mem>>)
      %dma_start3A_76 = arith.constant 0 : i32
      %dma_start3A_77 = arith.constant 2 : i32
      %dma_start3A_78 = arith.constant 0 : i32
      %dma_start3A_79 = arith.constant 256 : i32
      %dma_start3A_80 = arith.constant 0 : i32
      %dma_start3A_81 = tpu.memref_slice %arg13[%dma_start3A_78, %dma_start3A_79, %dma_start3A_80] : memref<16x512x2xf32, #tpu.memory_space<vmem>> -> memref<1x128x2xf32, #tpu.memory_space<vmem>>
      %dma_start3A_82 = tpu.memref_squeeze %dma_start3A_81 : memref<1x128x2xf32, #tpu.memory_space<vmem>> -> memref<128x2xf32, #tpu.memory_space<vmem>>
      %dma_start3A_83 = arith.constant 0 : i32
      %dma_start3A_84 = tpu.memref_slice %arg10[%dma_start3A_76, %dma_start3A_77, %dma_start3A_83] : memref<16x4x128xi32, #tpu.memory_space<vmem>> -> memref<1x1x128xi32, #tpu.memory_space<vmem>>
      %dma_start3A_85 = tpu.memref_squeeze %dma_start3A_84 : memref<1x1x128xi32, #tpu.memory_space<vmem>> -> memref<128xi32, #tpu.memory_space<vmem>>
      %dma_start3A_86 = arith.constant 0 : i32
      %dma_start3A_87 = arith.constant 0 : i32
      %dma_start3A_88 = tpu.memref_slice %arg3[%dma_start3A_86, %dma_start3A_87] : memref<32768x2xf32, #tpu.memory_space<hbm>> -> memref<32768x2xf32, #tpu.memory_space<hbm>>
      tpu.enqueue_indirect_dma source(%dma_start3A_88 : memref<32768x2xf32, #tpu.memory_space<hbm>>) target(%dma_start3A_82 : memref<128x2xf32, #tpu.memory_space<vmem>>) offsets(%dma_start3A_85 : memref<128xi32, #tpu.memory_space<vmem>>) semaphore(%arg16 : memref<!tpu.dma_semaphore, #tpu.memory_space<semaphore_mem>>)
      %dma_start3A_89 = arith.constant 0 : i32
      %dma_start3A_90 = arith.constant 3 : i32
      %dma_start3A_91 = arith.constant 0 : i32
      %dma_start3A_92 = arith.constant 384 : i32
      %dma_start3A_93 = arith.constant 0 : i32
      %dma_start3A_94 = tpu.memref_slice %arg13[%dma_start3A_91, %dma_start3A_92, %dma_start3A_93] : memref<16x512x2xf32, #tpu.memory_space<vmem>> -> memref<1x128x2xf32, #tpu.memory_space<vmem>>
      %dma_start3A_95 = tpu.memref_squeeze %dma_start3A_94 : memref<1x128x2xf32, #tpu.memory_space<vmem>> -> memref<128x2xf32, #tpu.memory_space<vmem>>
      %dma_start3A_96 = arith.constant 0 : i32
      %dma_start3A_97 = tpu.memref_slice %arg10[%dma_start3A_89, %dma_start3A_90, %dma_start3A_96] : memref<16x4x128xi32, #tpu.memory_space<vmem>> -> memref<1x1x128xi32, #tpu.memory_space<vmem>>
      %dma_start3A_98 = tpu.memref_squeeze %dma_start3A_97 : memref<1x1x128xi32, #tpu.memory_space<vmem>> -> memref<128xi32, #tpu.memory_space<vmem>>
      %dma_start3A_99 = arith.constant 0 : i32
      %dma_start3A_100 = arith.constant 0 : i32
      %dma_start3A_101 = tpu.memref_slice %arg3[%dma_start3A_99, %dma_start3A_100] : memref<32768x2xf32, #tpu.memory_space<hbm>> -> memref<32768x2xf32, #tpu.memory_space<hbm>>
      tpu.enqueue_indirect_dma source(%dma_start3A_101 : memref<32768x2xf32, #tpu.memory_space<hbm>>) target(%dma_start3A_95 : memref<128x2xf32, #tpu.memory_space<vmem>>) offsets(%dma_start3A_98 : memref<128xi32, #tpu.memory_space<vmem>>) semaphore(%arg16 : memref<!tpu.dma_semaphore, #tpu.memory_space<semaphore_mem>>)
      %dma_start3A_102 = arith.constant 1 : i32
      %dma_start3A_103 = arith.constant 0 : i32
      %dma_start3A_104 = arith.constant 1 : i32
      %dma_start3A_105 = arith.constant 0 : i32
      %dma_start3A_106 = arith.constant 0 : i32
      %dma_start3A_107 = tpu.memref_slice %arg13[%dma_start3A_104, %dma_start3A_105, %dma_start3A_106] : memref<16x512x2xf32, #tpu.memory_space<vmem>> -> memref<1x128x2xf32, #tpu.memory_space<vmem>>
      %dma_start3A_108 = tpu.memref_squeeze %dma_start3A_107 : memref<1x128x2xf32, #tpu.memory_space<vmem>> -> memref<128x2xf32, #tpu.memory_space<vmem>>
      %dma_start3A_109 = arith.constant 0 : i32
      %dma_start3A_110 = tpu.memref_slice %arg10[%dma_start3A_102, %dma_start3A_103, %dma_start3A_109] : memref<16x4x128xi32, #tpu.memory_space<vmem>> -> memref<1x1x128xi32, #tpu.memory_space<vmem>>
      %dma_start3A_111 = tpu.memref_squeeze %dma_start3A_110 : memref<1x1x128xi32, #tpu.memory_space<vmem>> -> memref<128xi32, #tpu.memory_space<vmem>>
      %dma_start3A_112 = arith.constant 0 : i32
      %dma_start3A_113 = arith.constant 0 : i32
      %dma_start3A_114 = tpu.memref_slice %arg3[%dma_start3A_112, %dma_start3A_113] : memref<32768x2xf32, #tpu.memory_space<hbm>> -> memref<32768x2xf32, #tpu.memory_space<hbm>>
      tpu.enqueue_indirect_dma source(%dma_start3A_114 : memref<32768x2xf32, #tpu.memory_space<hbm>>) target(%dma_start3A_108 : memref<128x2xf32, #tpu.memory_space<vmem>>) offsets(%dma_start3A_111 : memref<128xi32, #tpu.memory_space<vmem>>) semaphore(%arg16 : memref<!tpu.dma_semaphore, #tpu.memory_space<semaphore_mem>>)
      %dma_start3A_115 = arith.constant 1 : i32
      %dma_start3A_116 = arith.constant 1 : i32
      %dma_start3A_117 = arith.constant 1 : i32
      %dma_start3A_118 = arith.constant 128 : i32
      %dma_start3A_119 = arith.constant 0 : i32
      %dma_start3A_120 = tpu.memref_slice %arg13[%dma_start3A_117, %dma_start3A_118, %dma_start3A_119] : memref<16x512x2xf32, #tpu.memory_space<vmem>> -> memref<1x128x2xf32, #tpu.memory_space<vmem>>
      %dma_start3A_121 = tpu.memref_squeeze %dma_start3A_120 : memref<1x128x2xf32, #tpu.memory_space<vmem>> -> memref<128x2xf32, #tpu.memory_space<vmem>>
      %dma_start3A_122 = arith.constant 0 : i32
      %dma_start3A_123 = tpu.memref_slice %arg10[%dma_start3A_115, %dma_start3A_116, %dma_start3A_122] : memref<16x4x128xi32, #tpu.memory_space<vmem>> -> memref<1x1x128xi32, #tpu.memory_space<vmem>>
      %dma_start3A_124 = tpu.memref_squeeze %dma_start3A_123 : memref<1x1x128xi32, #tpu.memory_space<vmem>> -> memref<128xi32, #tpu.memory_space<vmem>>
      %dma_start3A_125 = arith.constant 0 : i32
      %dma_start3A_126 = arith.constant 0 : i32
      %dma_start3A_127 = tpu.memref_slice %arg3[%dma_start3A_125, %dma_start3A_126] : memref<32768x2xf32, #tpu.memory_space<hbm>> -> memref<32768x2xf32, #tpu.memory_space<hbm>>
      tpu.enqueue_indirect_dma source(%dma_start3A_127 : memref<32768x2xf32, #tpu.memory_space<hbm>>) target(%dma_start3A_121 : memref<128x2xf32, #tpu.memory_space<vmem>>) offsets(%dma_start3A_124 : memref<128xi32, #tpu.memory_space<vmem>>) semaphore(%arg16 : memref<!tpu.dma_semaphore, #tpu.memory_space<semaphore_mem>>)
      %dma_start3A_128 = arith.constant 1 : i32
      %dma_start3A_129 = arith.constant 2 : i32
      %dma_start3A_130 = arith.constant 1 : i32
      %dma_start3A_131 = arith.constant 256 : i32
      %dma_start3A_132 = arith.constant 0 : i32
      %dma_start3A_133 = tpu.memref_slice %arg13[%dma_start3A_130, %dma_start3A_131, %dma_start3A_132] : memref<16x512x2xf32, #tpu.memory_space<vmem>> -> memref<1x128x2xf32, #tpu.memory_space<vmem>>
      %dma_start3A_134 = tpu.memref_squeeze %dma_start3A_133 : memref<1x128x2xf32, #tpu.memory_space<vmem>> -> memref<128x2xf32, #tpu.memory_space<vmem>>
      %dma_start3A_135 = arith.constant 0 : i32
      %dma_start3A_136 = tpu.memref_slice %arg10[%dma_start3A_128, %dma_start3A_129, %dma_start3A_135] : memref<16x4x128xi32, #tpu.memory_space<vmem>> -> memref<1x1x128xi32, #tpu.memory_space<vmem>>
      %dma_start3A_137 = tpu.memref_squeeze %dma_start3A_136 : memref<1x1x128xi32, #tpu.memory_space<vmem>> -> memref<128xi32, #tpu.memory_space<vmem>>
      %dma_start3A_138 = arith.constant 0 : i32
      %dma_start3A_139 = arith.constant 0 : i32
      %dma_start3A_140 = tpu.memref_slice %arg3[%dma_start3A_138, %dma_start3A_139] : memref<32768x2xf32, #tpu.memory_space<hbm>> -> memref<32768x2xf32, #tpu.memory_space<hbm>>
      tpu.enqueue_indirect_dma source(%dma_start3A_140 : memref<32768x2xf32, #tpu.memory_space<hbm>>) target(%dma_start3A_134 : memref<128x2xf32, #tpu.memory_space<vmem>>) offsets(%dma_start3A_137 : memref<128xi32, #tpu.memory_space<vmem>>) semaphore(%arg16 : memref<!tpu.dma_semaphore, #tpu.memory_space<semaphore_mem>>)
      %dma_start3A_141 = arith.constant 1 : i32
      %dma_start3A_142 = arith.constant 3 : i32
      %dma_start3A_143 = arith.constant 1 : i32
      %dma_start3A_144 = arith.constant 384 : i32
      %dma_start3A_145 = arith.constant 0 : i32
      %dma_start3A_146 = tpu.memref_slice %arg13[%dma_start3A_143, %dma_start3A_144, %dma_start3A_145] : memref<16x512x2xf32, #tpu.memory_space<vmem>> -> memref<1x128x2xf32, #tpu.memory_space<vmem>>
      %dma_start3A_147 = tpu.memref_squeeze %dma_start3A_146 : memref<1x128x2xf32, #tpu.memory_space<vmem>> -> memref<128x2xf32, #tpu.memory_space<vmem>>
      %dma_start3A_148 = arith.constant 0 : i32
      %dma_start3A_149 = tpu.memref_slice %arg10[%dma_start3A_141, %dma_start3A_142, %dma_start3A_148] : memref<16x4x128xi32, #tpu.memory_space<vmem>> -> memref<1x1x128xi32, #tpu.memory_space<vmem>>
      %dma_start3A_150 = tpu.memref_squeeze %dma_start3A_149 : memref<1x1x128xi32, #tpu.memory_space<vmem>> -> memref<128xi32, #tpu.memory_space<vmem>>
      %dma_start3A_151 = arith.constant 0 : i32
      %dma_start3A_152 = arith.constant 0 : i32
      %dma_start3A_153 = tpu.memref_slice %arg3[%dma_start3A_151, %dma_start3A_152] : memref<32768x2xf32, #tpu.memory_space<hbm>> -> memref<32768x2xf32, #tpu.memory_space<hbm>>
      tpu.enqueue_indirect_dma source(%dma_start3A_153 : memref<32768x2xf32, #tpu.memory_space<hbm>>) target(%dma_start3A_147 : memref<128x2xf32, #tpu.memory_space<vmem>>) offsets(%dma_start3A_150 : memref<128xi32, #tpu.memory_space<vmem>>) semaphore(%arg16 : memref<!tpu.dma_semaphore, #tpu.memory_space<semaphore_mem>>)
      %dma_start3A_154 = arith.constant 2 : i32
      %dma_start3A_155 = arith.constant 0 : i32
      %dma_start3A_156 = arith.constant 2 : i32
      %dma_start3A_157 = arith.constant 0 : i32
      %dma_start3A_158 = arith.constant 0 : i32
      %dma_start3A_159 = tpu.memref_slice %arg13[%dma_start3A_156, %dma_start3A_157, %dma_start3A_158] : memref<16x512x2xf32, #tpu.memory_space<vmem>> -> memref<1x128x2xf32, #tpu.memory_space<vmem>>
      %dma_start3A_160 = tpu.memref_squeeze %dma_start3A_159 : memref<1x128x2xf32, #tpu.memory_space<vmem>> -> memref<128x2xf32, #tpu.memory_space<vmem>>
      %dma_start3A_161 = arith.constant 0 : i32
      %dma_start3A_162 = tpu.memref_slice %arg10[%dma_start3A_154, %dma_start3A_155, %dma_start3A_161] : memref<16x4x128xi32, #tpu.memory_space<vmem>> -> memref<1x1x128xi32, #tpu.memory_space<vmem>>
      %dma_start3A_163 = tpu.memref_squeeze %dma_start3A_162 : memref<1x1x128xi32, #tpu.memory_space<vmem>> -> memref<128xi32, #tpu.memory_space<vmem>>
      %dma_start3A_164 = arith.constant 0 : i32
      %dma_start3A_165 = arith.constant 0 : i32
      %dma_start3A_166 = tpu.memref_slice %arg3[%dma_start3A_164, %dma_start3A_165] : memref<32768x2xf32, #tpu.memory_space<hbm>> -> memref<32768x2xf32, #tpu.memory_space<hbm>>
      tpu.enqueue_indirect_dma source(%dma_start3A_166 : memref<32768x2xf32, #tpu.memory_space<hbm>>) target(%dma_start3A_160 : memref<128x2xf32, #tpu.memory_space<vmem>>) offsets(%dma_start3A_163 : memref<128xi32, #tpu.memory_space<vmem>>) semaphore(%arg16 : memref<!tpu.dma_semaphore, #tpu.memory_space<semaphore_mem>>)
      %dma_start3A_167 = arith.constant 2 : i32
      %dma_start3A_168 = arith.constant 1 : i32
      %dma_start3A_169 = arith.constant 2 : i32
      %dma_start3A_170 = arith.constant 128 : i32
      %dma_start3A_171 = arith.constant 0 : i32
      %dma_start3A_172 = tpu.memref_slice %arg13[%dma_start3A_169, %dma_start3A_170, %dma_start3A_171] : memref<16x512x2xf32, #tpu.memory_space<vmem>> -> memref<1x128x2xf32, #tpu.memory_space<vmem>>
      %dma_start3A_173 = tpu.memref_squeeze %dma_start3A_172 : memref<1x128x2xf32, #tpu.memory_space<vmem>> -> memref<128x2xf32, #tpu.memory_space<vmem>>
      %dma_start3A_174 = arith.constant 0 : i32
      %dma_start3A_175 = tpu.memref_slice %arg10[%dma_start3A_167, %dma_start3A_168, %dma_start3A_174] : memref<16x4x128xi32, #tpu.memory_space<vmem>> -> memref<1x1x128xi32, #tpu.memory_space<vmem>>
      %dma_start3A_176 = tpu.memref_squeeze %dma_start3A_175 : memref<1x1x128xi32, #tpu.memory_space<vmem>> -> memref<128xi32, #tpu.memory_space<vmem>>
      %dma_start3A_177 = arith.constant 0 : i32
      %dma_start3A_178 = arith.constant 0 : i32
      %dma_start3A_179 = tpu.memref_slice %arg3[%dma_start3A_177, %dma_start3A_178] : memref<32768x2xf32, #tpu.memory_space<hbm>> -> memref<32768x2xf32, #tpu.memory_space<hbm>>
      tpu.enqueue_indirect_dma source(%dma_start3A_179 : memref<32768x2xf32, #tpu.memory_space<hbm>>) target(%dma_start3A_173 : memref<128x2xf32, #tpu.memory_space<vmem>>) offsets(%dma_start3A_176 : memref<128xi32, #tpu.memory_space<vmem>>) semaphore(%arg16 : memref<!tpu.dma_semaphore, #tpu.memory_space<semaphore_mem>>)
      %dma_start3A_180 = arith.constant 2 : i32
      %dma_start3A_181 = arith.constant 2 : i32
      %dma_start3A_182 = arith.constant 2 : i32
      %dma_start3A_183 = arith.constant 256 : i32
      %dma_start3A_184 = arith.constant 0 : i32
      %dma_start3A_185 = tpu.memref_slice %arg13[%dma_start3A_182, %dma_start3A_183, %dma_start3A_184] : memref<16x512x2xf32, #tpu.memory_space<vmem>> -> memref<1x128x2xf32, #tpu.memory_space<vmem>>
      %dma_start3A_186 = tpu.memref_squeeze %dma_start3A_185 : memref<1x128x2xf32, #tpu.memory_space<vmem>> -> memref<128x2xf32, #tpu.memory_space<vmem>>
      %dma_start3A_187 = arith.constant 0 : i32
      %dma_start3A_188 = tpu.memref_slice %arg10[%dma_start3A_180, %dma_start3A_181, %dma_start3A_187] : memref<16x4x128xi32, #tpu.memory_space<vmem>> -> memref<1x1x128xi32, #tpu.memory_space<vmem>>
      %dma_start3A_189 = tpu.memref_squeeze %dma_start3A_188 : memref<1x1x128xi32, #tpu.memory_space<vmem>> -> memref<128xi32, #tpu.memory_space<vmem>>
      %dma_start3A_190 = arith.constant 0 : i32
      %dma_start3A_191 = arith.constant 0 : i32
      %dma_start3A_192 = tpu.memref_slice %arg3[%dma_start3A_190, %dma_start3A_191] : memref<32768x2xf32, #tpu.memory_space<hbm>> -> memref<32768x2xf32, #tpu.memory_space<hbm>>
      tpu.enqueue_indirect_dma source(%dma_start3A_192 : memref<32768x2xf32, #tpu.memory_space<hbm>>) target(%dma_start3A_186 : memref<128x2xf32, #tpu.memory_space<vmem>>) offsets(%dma_start3A_189 : memref<128xi32, #tpu.memory_space<vmem>>) semaphore(%arg16 : memref<!tpu.dma_semaphore, #tpu.memory_space<semaphore_mem>>)
      %dma_start3A_193 = arith.constant 2 : i32
      %dma_start3A_194 = arith.constant 3 : i32
      %dma_start3A_195 = arith.constant 2 : i32
      %dma_start3A_196 = arith.constant 384 : i32
      %dma_start3A_197 = arith.constant 0 : i32
      %dma_start3A_198 = tpu.memref_slice %arg13[%dma_start3A_195, %dma_start3A_196, %dma_start3A_197] : memref<16x512x2xf32, #tpu.memory_space<vmem>> -> memref<1x128x2xf32, #tpu.memory_space<vmem>>
      %dma_start3A_199 = tpu.memref_squeeze %dma_start3A_198 : memref<1x128x2xf32, #tpu.memory_space<vmem>> -> memref<128x2xf32, #tpu.memory_space<vmem>>
      %dma_start3A_200 = arith.constant 0 : i32
      %dma_start3A_201 = tpu.memref_slice %arg10[%dma_start3A_193, %dma_start3A_194, %dma_start3A_200] : memref<16x4x128xi32, #tpu.memory_space<vmem>> -> memref<1x1x128xi32, #tpu.memory_space<vmem>>
      %dma_start3A_202 = tpu.memref_squeeze %dma_start3A_201 : memref<1x1x128xi32, #tpu.memory_space<vmem>> -> memref<128xi32, #tpu.memory_space<vmem>>
      %dma_start3A_203 = arith.constant 0 : i32
      %dma_start3A_204 = arith.constant 0 : i32
      %dma_start3A_205 = tpu.memref_slice %arg3[%dma_start3A_203, %dma_start3A_204] : memref<32768x2xf32, #tpu.memory_space<hbm>> -> memref<32768x2xf32, #tpu.memory_space<hbm>>
      tpu.enqueue_indirect_dma source(%dma_start3A_205 : memref<32768x2xf32, #tpu.memory_space<hbm>>) target(%dma_start3A_199 : memref<128x2xf32, #tpu.memory_space<vmem>>) offsets(%dma_start3A_202 : memref<128xi32, #tpu.memory_space<vmem>>) semaphore(%arg16 : memref<!tpu.dma_semaphore, #tpu.memory_space<semaphore_mem>>)
      %dma_start3A_206 = arith.constant 3 : i32
      %dma_start3A_207 = arith.constant 0 : i32
      %dma_start3A_208 = arith.constant 3 : i32
      %dma_start3A_209 = arith.constant 0 : i32
      %dma_start3A_210 = arith.constant 0 : i32
      %dma_start3A_211 = tpu.memref_slice %arg13[%dma_start3A_208, %dma_start3A_209, %dma_start3A_210] : memref<16x512x2xf32, #tpu.memory_space<vmem>> -> memref<1x128x2xf32, #tpu.memory_space<vmem>>
      %dma_start3A_212 = tpu.memref_squeeze %dma_start3A_211 : memref<1x128x2xf32, #tpu.memory_space<vmem>> -> memref<128x2xf32, #tpu.memory_space<vmem>>
      %dma_start3A_213 = arith.constant 0 : i32
      %dma_start3A_214 = tpu.memref_slice %arg10[%dma_start3A_206, %dma_start3A_207, %dma_start3A_213] : memref<16x4x128xi32, #tpu.memory_space<vmem>> -> memref<1x1x128xi32, #tpu.memory_space<vmem>>
      %dma_start3A_215 = tpu.memref_squeeze %dma_start3A_214 : memref<1x1x128xi32, #tpu.memory_space<vmem>> -> memref<128xi32, #tpu.memory_space<vmem>>
      %dma_start3A_216 = arith.constant 0 : i32
      %dma_start3A_217 = arith.constant 0 : i32
      %dma_start3A_218 = tpu.memref_slice %arg3[%dma_start3A_216, %dma_start3A_217] : memref<32768x2xf32, #tpu.memory_space<hbm>> -> memref<32768x2xf32, #tpu.memory_space<hbm>>
      tpu.enqueue_indirect_dma source(%dma_start3A_218 : memref<32768x2xf32, #tpu.memory_space<hbm>>) target(%dma_start3A_212 : memref<128x2xf32, #tpu.memory_space<vmem>>) offsets(%dma_start3A_215 : memref<128xi32, #tpu.memory_space<vmem>>) semaphore(%arg16 : memref<!tpu.dma_semaphore, #tpu.memory_space<semaphore_mem>>)
      %dma_start3A_219 = arith.constant 3 : i32
      %dma_start3A_220 = arith.constant 1 : i32
      %dma_start3A_221 = arith.constant 3 : i32
      %dma_start3A_222 = arith.constant 128 : i32
      %dma_start3A_223 = arith.constant 0 : i32
      %dma_start3A_224 = tpu.memref_slice %arg13[%dma_start3A_221, %dma_start3A_222, %dma_start3A_223] : memref<16x512x2xf32, #tpu.memory_space<vmem>> -> memref<1x128x2xf32, #tpu.memory_space<vmem>>
      %dma_start3A_225 = tpu.memref_squeeze %dma_start3A_224 : memref<1x128x2xf32, #tpu.memory_space<vmem>> -> memref<128x2xf32, #tpu.memory_space<vmem>>
      %dma_start3A_226 = arith.constant 0 : i32
      %dma_start3A_227 = tpu.memref_slice %arg10[%dma_start3A_219, %dma_start3A_220, %dma_start3A_226] : memref<16x4x128xi32, #tpu.memory_space<vmem>> -> memref<1x1x128xi32, #tpu.memory_space<vmem>>
      %dma_start3A_228 = tpu.memref_squeeze %dma_start3A_227 : memref<1x1x128xi32, #tpu.memory_space<vmem>> -> memref<128xi32, #tpu.memory_space<vmem>>
      %dma_start3A_229 = arith.constant 0 : i32
      %dma_start3A_230 = arith.constant 0 : i32
      %dma_start3A_231 = tpu.memref_slice %arg3[%dma_start3A_229, %dma_start3A_230] : memref<32768x2xf32, #tpu.memory_space<hbm>> -> memref<32768x2xf32, #tpu.memory_space<hbm>>
      tpu.enqueue_indirect_dma source(%dma_start3A_231 : memref<32768x2xf32, #tpu.memory_space<hbm>>) target(%dma_start3A_225 : memref<128x2xf32, #tpu.memory_space<vmem>>) offsets(%dma_start3A_228 : memref<128xi32, #tpu.memory_space<vmem>>) semaphore(%arg16 : memref<!tpu.dma_semaphore, #tpu.memory_space<semaphore_mem>>)
      %dma_start3A_232 = arith.constant 3 : i32
      %dma_start3A_233 = arith.constant 2 : i32
      %dma_start3A_234 = arith.constant 3 : i32
      %dma_start3A_235 = arith.constant 256 : i32
      %dma_start3A_236 = arith.constant 0 : i32
      %dma_start3A_237 = tpu.memref_slice %arg13[%dma_start3A_234, %dma_start3A_235, %dma_start3A_236] : memref<16x512x2xf32, #tpu.memory_space<vmem>> -> memref<1x128x2xf32, #tpu.memory_space<vmem>>
      %dma_start3A_238 = tpu.memref_squeeze %dma_start3A_237 : memref<1x128x2xf32, #tpu.memory_space<vmem>> -> memref<128x2xf32, #tpu.memory_space<vmem>>
      %dma_start3A_239 = arith.constant 0 : i32
      %dma_start3A_240 = tpu.memref_slice %arg10[%dma_start3A_232, %dma_start3A_233, %dma_start3A_239] : memref<16x4x128xi32, #tpu.memory_space<vmem>> -> memref<1x1x128xi32, #tpu.memory_space<vmem>>
      %dma_start3A_241 = tpu.memref_squeeze %dma_start3A_240 : memref<1x1x128xi32, #tpu.memory_space<vmem>> -> memref<128xi32, #tpu.memory_space<vmem>>
      %dma_start3A_242 = arith.constant 0 : i32
      %dma_start3A_243 = arith.constant 0 : i32
      %dma_start3A_244 = tpu.memref_slice %arg3[%dma_start3A_242, %dma_start3A_243] : memref<32768x2xf32, #tpu.memory_space<hbm>> -> memref<32768x2xf32, #tpu.memory_space<hbm>>
      tpu.enqueue_indirect_dma source(%dma_start3A_244 : memref<32768x2xf32, #tpu.memory_space<hbm>>) target(%dma_start3A_238 : memref<128x2xf32, #tpu.memory_space<vmem>>) offsets(%dma_start3A_241 : memref<128xi32, #tpu.memory_space<vmem>>) semaphore(%arg16 : memref<!tpu.dma_semaphore, #tpu.memory_space<semaphore_mem>>)
      %dma_start3A_245 = arith.constant 3 : i32
      %dma_start3A_246 = arith.constant 3 : i32
      %dma_start3A_247 = arith.constant 3 : i32
      %dma_start3A_248 = arith.constant 384 : i32
      %dma_start3A_249 = arith.constant 0 : i32
      %dma_start3A_250 = tpu.memref_slice %arg13[%dma_start3A_247, %dma_start3A_248, %dma_start3A_249] : memref<16x512x2xf32, #tpu.memory_space<vmem>> -> memref<1x128x2xf32, #tpu.memory_space<vmem>>
      %dma_start3A_251 = tpu.memref_squeeze %dma_start3A_250 : memref<1x128x2xf32, #tpu.memory_space<vmem>> -> memref<128x2xf32, #tpu.memory_space<vmem>>
      %dma_start3A_252 = arith.constant 0 : i32
      %dma_start3A_253 = tpu.memref_slice %arg10[%dma_start3A_245, %dma_start3A_246, %dma_start3A_252] : memref<16x4x128xi32, #tpu.memory_space<vmem>> -> memref<1x1x128xi32, #tpu.memory_space<vmem>>
      %dma_start3A_254 = tpu.memref_squeeze %dma_start3A_253 : memref<1x1x128xi32, #tpu.memory_space<vmem>> -> memref<128xi32, #tpu.memory_space<vmem>>
      %dma_start3A_255 = arith.constant 0 : i32
      %dma_start3A_256 = arith.constant 0 : i32
      %dma_start3A_257 = tpu.memref_slice %arg3[%dma_start3A_255, %dma_start3A_256] : memref<32768x2xf32, #tpu.memory_space<hbm>> -> memref<32768x2xf32, #tpu.memory_space<hbm>>
      tpu.enqueue_indirect_dma source(%dma_start3A_257 : memref<32768x2xf32, #tpu.memory_space<hbm>>) target(%dma_start3A_251 : memref<128x2xf32, #tpu.memory_space<vmem>>) offsets(%dma_start3A_254 : memref<128xi32, #tpu.memory_space<vmem>>) semaphore(%arg16 : memref<!tpu.dma_semaphore, #tpu.memory_space<semaphore_mem>>)
      %dma_start3A_258 = arith.constant 4 : i32
      %dma_start3A_259 = arith.constant 0 : i32
      %dma_start3A_260 = arith.constant 4 : i32
      %dma_start3A_261 = arith.constant 0 : i32
      %dma_start3A_262 = arith.constant 0 : i32
      %dma_start3A_263 = tpu.memref_slice %arg13[%dma_start3A_260, %dma_start3A_261, %dma_start3A_262] : memref<16x512x2xf32, #tpu.memory_space<vmem>> -> memref<1x128x2xf32, #tpu.memory_space<vmem>>
      %dma_start3A_264 = tpu.memref_squeeze %dma_start3A_263 : memref<1x128x2xf32, #tpu.memory_space<vmem>> -> memref<128x2xf32, #tpu.memory_space<vmem>>
      %dma_start3A_265 = arith.constant 0 : i32
      %dma_start3A_266 = tpu.memref_slice %arg10[%dma_start3A_258, %dma_start3A_259, %dma_start3A_265] : memref<16x4x128xi32, #tpu.memory_space<vmem>> -> memref<1x1x128xi32, #tpu.memory_space<vmem>>
      %dma_start3A_267 = tpu.memref_squeeze %dma_start3A_266 : memref<1x1x128xi32, #tpu.memory_space<vmem>> -> memref<128xi32, #tpu.memory_space<vmem>>
      %dma_start3A_268 = arith.constant 0 : i32
      %dma_start3A_269 = arith.constant 0 : i32
      %dma_start3A_270 = tpu.memref_slice %arg4[%dma_start3A_268, %dma_start3A_269] : memref<131072x2xf32, #tpu.memory_space<hbm>> -> memref<131072x2xf32, #tpu.memory_space<hbm>>
      tpu.enqueue_indirect_dma source(%dma_start3A_270 : memref<131072x2xf32, #tpu.memory_space<hbm>>) target(%dma_start3A_264 : memref<128x2xf32, #tpu.memory_space<vmem>>) offsets(%dma_start3A_267 : memref<128xi32, #tpu.memory_space<vmem>>) semaphore(%arg16 : memref<!tpu.dma_semaphore, #tpu.memory_space<semaphore_mem>>)
      %dma_start3A_271 = arith.constant 4 : i32
      %dma_start3A_272 = arith.constant 1 : i32
      %dma_start3A_273 = arith.constant 4 : i32
      %dma_start3A_274 = arith.constant 128 : i32
      %dma_start3A_275 = arith.constant 0 : i32
      %dma_start3A_276 = tpu.memref_slice %arg13[%dma_start3A_273, %dma_start3A_274, %dma_start3A_275] : memref<16x512x2xf32, #tpu.memory_space<vmem>> -> memref<1x128x2xf32, #tpu.memory_space<vmem>>
      %dma_start3A_277 = tpu.memref_squeeze %dma_start3A_276 : memref<1x128x2xf32, #tpu.memory_space<vmem>> -> memref<128x2xf32, #tpu.memory_space<vmem>>
      %dma_start3A_278 = arith.constant 0 : i32
      %dma_start3A_279 = tpu.memref_slice %arg10[%dma_start3A_271, %dma_start3A_272, %dma_start3A_278] : memref<16x4x128xi32, #tpu.memory_space<vmem>> -> memref<1x1x128xi32, #tpu.memory_space<vmem>>
      %dma_start3A_280 = tpu.memref_squeeze %dma_start3A_279 : memref<1x1x128xi32, #tpu.memory_space<vmem>> -> memref<128xi32, #tpu.memory_space<vmem>>
      %dma_start3A_281 = arith.constant 0 : i32
      %dma_start3A_282 = arith.constant 0 : i32
      %dma_start3A_283 = tpu.memref_slice %arg4[%dma_start3A_281, %dma_start3A_282] : memref<131072x2xf32, #tpu.memory_space<hbm>> -> memref<131072x2xf32, #tpu.memory_space<hbm>>
      tpu.enqueue_indirect_dma source(%dma_start3A_283 : memref<131072x2xf32, #tpu.memory_space<hbm>>) target(%dma_start3A_277 : memref<128x2xf32, #tpu.memory_space<vmem>>) offsets(%dma_start3A_280 : memref<128xi32, #tpu.memory_space<vmem>>) semaphore(%arg16 : memref<!tpu.dma_semaphore, #tpu.memory_space<semaphore_mem>>)
      %dma_start3A_284 = arith.constant 4 : i32
      %dma_start3A_285 = arith.constant 2 : i32
      %dma_start3A_286 = arith.constant 4 : i32
      %dma_start3A_287 = arith.constant 256 : i32
      %dma_start3A_288 = arith.constant 0 : i32
      %dma_start3A_289 = tpu.memref_slice %arg13[%dma_start3A_286, %dma_start3A_287, %dma_start3A_288] : memref<16x512x2xf32, #tpu.memory_space<vmem>> -> memref<1x128x2xf32, #tpu.memory_space<vmem>>
      %dma_start3A_290 = tpu.memref_squeeze %dma_start3A_289 : memref<1x128x2xf32, #tpu.memory_space<vmem>> -> memref<128x2xf32, #tpu.memory_space<vmem>>
      %dma_start3A_291 = arith.constant 0 : i32
      %dma_start3A_292 = tpu.memref_slice %arg10[%dma_start3A_284, %dma_start3A_285, %dma_start3A_291] : memref<16x4x128xi32, #tpu.memory_space<vmem>> -> memref<1x1x128xi32, #tpu.memory_space<vmem>>
      %dma_start3A_293 = tpu.memref_squeeze %dma_start3A_292 : memref<1x1x128xi32, #tpu.memory_space<vmem>> -> memref<128xi32, #tpu.memory_space<vmem>>
      %dma_start3A_294 = arith.constant 0 : i32
      %dma_start3A_295 = arith.constant 0 : i32
      %dma_start3A_296 = tpu.memref_slice %arg4[%dma_start3A_294, %dma_start3A_295] : memref<131072x2xf32, #tpu.memory_space<hbm>> -> memref<131072x2xf32, #tpu.memory_space<hbm>>
      tpu.enqueue_indirect_dma source(%dma_start3A_296 : memref<131072x2xf32, #tpu.memory_space<hbm>>) target(%dma_start3A_290 : memref<128x2xf32, #tpu.memory_space<vmem>>) offsets(%dma_start3A_293 : memref<128xi32, #tpu.memory_space<vmem>>) semaphore(%arg16 : memref<!tpu.dma_semaphore, #tpu.memory_space<semaphore_mem>>)
      %dma_start3A_297 = arith.constant 4 : i32
      %dma_start3A_298 = arith.constant 3 : i32
      %dma_start3A_299 = arith.constant 4 : i32
      %dma_start3A_300 = arith.constant 384 : i32
      %dma_start3A_301 = arith.constant 0 : i32
      %dma_start3A_302 = tpu.memref_slice %arg13[%dma_start3A_299, %dma_start3A_300, %dma_start3A_301] : memref<16x512x2xf32, #tpu.memory_space<vmem>> -> memref<1x128x2xf32, #tpu.memory_space<vmem>>
      %dma_start3A_303 = tpu.memref_squeeze %dma_start3A_302 : memref<1x128x2xf32, #tpu.memory_space<vmem>> -> memref<128x2xf32, #tpu.memory_space<vmem>>
      %dma_start3A_304 = arith.constant 0 : i32
      %dma_start3A_305 = tpu.memref_slice %arg10[%dma_start3A_297, %dma_start3A_298, %dma_start3A_304] : memref<16x4x128xi32, #tpu.memory_space<vmem>> -> memref<1x1x128xi32, #tpu.memory_space<vmem>>
      %dma_start3A_306 = tpu.memref_squeeze %dma_start3A_305 : memref<1x1x128xi32, #tpu.memory_space<vmem>> -> memref<128xi32, #tpu.memory_space<vmem>>
      %dma_start3A_307 = arith.constant 0 : i32
      %dma_start3A_308 = arith.constant 0 : i32
      %dma_start3A_309 = tpu.memref_slice %arg4[%dma_start3A_307, %dma_start3A_308] : memref<131072x2xf32, #tpu.memory_space<hbm>> -> memref<131072x2xf32, #tpu.memory_space<hbm>>
      tpu.enqueue_indirect_dma source(%dma_start3A_309 : memref<131072x2xf32, #tpu.memory_space<hbm>>) target(%dma_start3A_303 : memref<128x2xf32, #tpu.memory_space<vmem>>) offsets(%dma_start3A_306 : memref<128xi32, #tpu.memory_space<vmem>>) semaphore(%arg16 : memref<!tpu.dma_semaphore, #tpu.memory_space<semaphore_mem>>)
      %dma_start3A_310 = arith.constant 5 : i32
      %dma_start3A_311 = arith.constant 0 : i32
      %dma_start3A_312 = arith.constant 5 : i32
      %dma_start3A_313 = arith.constant 0 : i32
      %dma_start3A_314 = arith.constant 0 : i32
      %dma_start3A_315 = tpu.memref_slice %arg13[%dma_start3A_312, %dma_start3A_313, %dma_start3A_314] : memref<16x512x2xf32, #tpu.memory_space<vmem>> -> memref<1x128x2xf32, #tpu.memory_space<vmem>>
      %dma_start3A_316 = tpu.memref_squeeze %dma_start3A_315 : memref<1x128x2xf32, #tpu.memory_space<vmem>> -> memref<128x2xf32, #tpu.memory_space<vmem>>
      %dma_start3A_317 = arith.constant 0 : i32
      %dma_start3A_318 = tpu.memref_slice %arg10[%dma_start3A_310, %dma_start3A_311, %dma_start3A_317] : memref<16x4x128xi32, #tpu.memory_space<vmem>> -> memref<1x1x128xi32, #tpu.memory_space<vmem>>
      %dma_start3A_319 = tpu.memref_squeeze %dma_start3A_318 : memref<1x1x128xi32, #tpu.memory_space<vmem>> -> memref<128xi32, #tpu.memory_space<vmem>>
      %dma_start3A_320 = arith.constant 0 : i32
      %dma_start3A_321 = arith.constant 0 : i32
      %dma_start3A_322 = tpu.memref_slice %arg4[%dma_start3A_320, %dma_start3A_321] : memref<131072x2xf32, #tpu.memory_space<hbm>> -> memref<131072x2xf32, #tpu.memory_space<hbm>>
      tpu.enqueue_indirect_dma source(%dma_start3A_322 : memref<131072x2xf32, #tpu.memory_space<hbm>>) target(%dma_start3A_316 : memref<128x2xf32, #tpu.memory_space<vmem>>) offsets(%dma_start3A_319 : memref<128xi32, #tpu.memory_space<vmem>>) semaphore(%arg16 : memref<!tpu.dma_semaphore, #tpu.memory_space<semaphore_mem>>)
      %dma_start3A_323 = arith.constant 5 : i32
      %dma_start3A_324 = arith.constant 1 : i32
      %dma_start3A_325 = arith.constant 5 : i32
      %dma_start3A_326 = arith.constant 128 : i32
      %dma_start3A_327 = arith.constant 0 : i32
      %dma_start3A_328 = tpu.memref_slice %arg13[%dma_start3A_325, %dma_start3A_326, %dma_start3A_327] : memref<16x512x2xf32, #tpu.memory_space<vmem>> -> memref<1x128x2xf32, #tpu.memory_space<vmem>>
      %dma_start3A_329 = tpu.memref_squeeze %dma_start3A_328 : memref<1x128x2xf32, #tpu.memory_space<vmem>> -> memref<128x2xf32, #tpu.memory_space<vmem>>
      %dma_start3A_330 = arith.constant 0 : i32
      %dma_start3A_331 = tpu.memref_slice %arg10[%dma_start3A_323, %dma_start3A_324, %dma_start3A_330] : memref<16x4x128xi32, #tpu.memory_space<vmem>> -> memref<1x1x128xi32, #tpu.memory_space<vmem>>
      %dma_start3A_332 = tpu.memref_squeeze %dma_start3A_331 : memref<1x1x128xi32, #tpu.memory_space<vmem>> -> memref<128xi32, #tpu.memory_space<vmem>>
      %dma_start3A_333 = arith.constant 0 : i32
      %dma_start3A_334 = arith.constant 0 : i32
      %dma_start3A_335 = tpu.memref_slice %arg4[%dma_start3A_333, %dma_start3A_334] : memref<131072x2xf32, #tpu.memory_space<hbm>> -> memref<131072x2xf32, #tpu.memory_space<hbm>>
      tpu.enqueue_indirect_dma source(%dma_start3A_335 : memref<131072x2xf32, #tpu.memory_space<hbm>>) target(%dma_start3A_329 : memref<128x2xf32, #tpu.memory_space<vmem>>) offsets(%dma_start3A_332 : memref<128xi32, #tpu.memory_space<vmem>>) semaphore(%arg16 : memref<!tpu.dma_semaphore, #tpu.memory_space<semaphore_mem>>)
      %dma_start3A_336 = arith.constant 5 : i32
      %dma_start3A_337 = arith.constant 2 : i32
      %dma_start3A_338 = arith.constant 5 : i32
      %dma_start3A_339 = arith.constant 256 : i32
      %dma_start3A_340 = arith.constant 0 : i32
      %dma_start3A_341 = tpu.memref_slice %arg13[%dma_start3A_338, %dma_start3A_339, %dma_start3A_340] : memref<16x512x2xf32, #tpu.memory_space<vmem>> -> memref<1x128x2xf32, #tpu.memory_space<vmem>>
      %dma_start3A_342 = tpu.memref_squeeze %dma_start3A_341 : memref<1x128x2xf32, #tpu.memory_space<vmem>> -> memref<128x2xf32, #tpu.memory_space<vmem>>
      %dma_start3A_343 = arith.constant 0 : i32
      %dma_start3A_344 = tpu.memref_slice %arg10[%dma_start3A_336, %dma_start3A_337, %dma_start3A_343] : memref<16x4x128xi32, #tpu.memory_space<vmem>> -> memref<1x1x128xi32, #tpu.memory_space<vmem>>
      %dma_start3A_345 = tpu.memref_squeeze %dma_start3A_344 : memref<1x1x128xi32, #tpu.memory_space<vmem>> -> memref<128xi32, #tpu.memory_space<vmem>>
      %dma_start3A_346 = arith.constant 0 : i32
      %dma_start3A_347 = arith.constant 0 : i32
      %dma_start3A_348 = tpu.memref_slice %arg4[%dma_start3A_346, %dma_start3A_347] : memref<131072x2xf32, #tpu.memory_space<hbm>> -> memref<131072x2xf32, #tpu.memory_space<hbm>>
      tpu.enqueue_indirect_dma source(%dma_start3A_348 : memref<131072x2xf32, #tpu.memory_space<hbm>>) target(%dma_start3A_342 : memref<128x2xf32, #tpu.memory_space<vmem>>) offsets(%dma_start3A_345 : memref<128xi32, #tpu.memory_space<vmem>>) semaphore(%arg16 : memref<!tpu.dma_semaphore, #tpu.memory_space<semaphore_mem>>)
      %dma_start3A_349 = arith.constant 5 : i32
      %dma_start3A_350 = arith.constant 3 : i32
      %dma_start3A_351 = arith.constant 5 : i32
      %dma_start3A_352 = arith.constant 384 : i32
      %dma_start3A_353 = arith.constant 0 : i32
      %dma_start3A_354 = tpu.memref_slice %arg13[%dma_start3A_351, %dma_start3A_352, %dma_start3A_353] : memref<16x512x2xf32, #tpu.memory_space<vmem>> -> memref<1x128x2xf32, #tpu.memory_space<vmem>>
      %dma_start3A_355 = tpu.memref_squeeze %dma_start3A_354 : memref<1x128x2xf32, #tpu.memory_space<vmem>> -> memref<128x2xf32, #tpu.memory_space<vmem>>
      %dma_start3A_356 = arith.constant 0 : i32
      %dma_start3A_357 = tpu.memref_slice %arg10[%dma_start3A_349, %dma_start3A_350, %dma_start3A_356] : memref<16x4x128xi32, #tpu.memory_space<vmem>> -> memref<1x1x128xi32, #tpu.memory_space<vmem>>
      %dma_start3A_358 = tpu.memref_squeeze %dma_start3A_357 : memref<1x1x128xi32, #tpu.memory_space<vmem>> -> memref<128xi32, #tpu.memory_space<vmem>>
      %dma_start3A_359 = arith.constant 0 : i32
      %dma_start3A_360 = arith.constant 0 : i32
      %dma_start3A_361 = tpu.memref_slice %arg4[%dma_start3A_359, %dma_start3A_360] : memref<131072x2xf32, #tpu.memory_space<hbm>> -> memref<131072x2xf32, #tpu.memory_space<hbm>>
      tpu.enqueue_indirect_dma source(%dma_start3A_361 : memref<131072x2xf32, #tpu.memory_space<hbm>>) target(%dma_start3A_355 : memref<128x2xf32, #tpu.memory_space<vmem>>) offsets(%dma_start3A_358 : memref<128xi32, #tpu.memory_space<vmem>>) semaphore(%arg16 : memref<!tpu.dma_semaphore, #tpu.memory_space<semaphore_mem>>)
      %dma_start3A_362 = arith.constant 6 : i32
      %dma_start3A_363 = arith.constant 0 : i32
      %dma_start3A_364 = arith.constant 6 : i32
      %dma_start3A_365 = arith.constant 0 : i32
      %dma_start3A_366 = arith.constant 0 : i32
      %dma_start3A_367 = tpu.memref_slice %arg13[%dma_start3A_364, %dma_start3A_365, %dma_start3A_366] : memref<16x512x2xf32, #tpu.memory_space<vmem>> -> memref<1x128x2xf32, #tpu.memory_space<vmem>>
      %dma_start3A_368 = tpu.memref_squeeze %dma_start3A_367 : memref<1x128x2xf32, #tpu.memory_space<vmem>> -> memref<128x2xf32, #tpu.memory_space<vmem>>
      %dma_start3A_369 = arith.constant 0 : i32
      %dma_start3A_370 = tpu.memref_slice %arg10[%dma_start3A_362, %dma_start3A_363, %dma_start3A_369] : memref<16x4x128xi32, #tpu.memory_space<vmem>> -> memref<1x1x128xi32, #tpu.memory_space<vmem>>
      %dma_start3A_371 = tpu.memref_squeeze %dma_start3A_370 : memref<1x1x128xi32, #tpu.memory_space<vmem>> -> memref<128xi32, #tpu.memory_space<vmem>>
      %dma_start3A_372 = arith.constant 0 : i32
      %dma_start3A_373 = arith.constant 0 : i32
      %dma_start3A_374 = tpu.memref_slice %arg4[%dma_start3A_372, %dma_start3A_373] : memref<131072x2xf32, #tpu.memory_space<hbm>> -> memref<131072x2xf32, #tpu.memory_space<hbm>>
      tpu.enqueue_indirect_dma source(%dma_start3A_374 : memref<131072x2xf32, #tpu.memory_space<hbm>>) target(%dma_start3A_368 : memref<128x2xf32, #tpu.memory_space<vmem>>) offsets(%dma_start3A_371 : memref<128xi32, #tpu.memory_space<vmem>>) semaphore(%arg16 : memref<!tpu.dma_semaphore, #tpu.memory_space<semaphore_mem>>)
      %dma_start3A_375 = arith.constant 6 : i32
      %dma_start3A_376 = arith.constant 1 : i32
      %dma_start3A_377 = arith.constant 6 : i32
      %dma_start3A_378 = arith.constant 128 : i32
      %dma_start3A_379 = arith.constant 0 : i32
      %dma_start3A_380 = tpu.memref_slice %arg13[%dma_start3A_377, %dma_start3A_378, %dma_start3A_379] : memref<16x512x2xf32, #tpu.memory_space<vmem>> -> memref<1x128x2xf32, #tpu.memory_space<vmem>>
      %dma_start3A_381 = tpu.memref_squeeze %dma_start3A_380 : memref<1x128x2xf32, #tpu.memory_space<vmem>> -> memref<128x2xf32, #tpu.memory_space<vmem>>
      %dma_start3A_382 = arith.constant 0 : i32
      %dma_start3A_383 = tpu.memref_slice %arg10[%dma_start3A_375, %dma_start3A_376, %dma_start3A_382] : memref<16x4x128xi32, #tpu.memory_space<vmem>> -> memref<1x1x128xi32, #tpu.memory_space<vmem>>
      %dma_start3A_384 = tpu.memref_squeeze %dma_start3A_383 : memref<1x1x128xi32, #tpu.memory_space<vmem>> -> memref<128xi32, #tpu.memory_space<vmem>>
      %dma_start3A_385 = arith.constant 0 : i32
      %dma_start3A_386 = arith.constant 0 : i32
      %dma_start3A_387 = tpu.memref_slice %arg4[%dma_start3A_385, %dma_start3A_386] : memref<131072x2xf32, #tpu.memory_space<hbm>> -> memref<131072x2xf32, #tpu.memory_space<hbm>>
      tpu.enqueue_indirect_dma source(%dma_start3A_387 : memref<131072x2xf32, #tpu.memory_space<hbm>>) target(%dma_start3A_381 : memref<128x2xf32, #tpu.memory_space<vmem>>) offsets(%dma_start3A_384 : memref<128xi32, #tpu.memory_space<vmem>>) semaphore(%arg16 : memref<!tpu.dma_semaphore, #tpu.memory_space<semaphore_mem>>)
      %dma_start3A_388 = arith.constant 6 : i32
      %dma_start3A_389 = arith.constant 2 : i32
      %dma_start3A_390 = arith.constant 6 : i32
      %dma_start3A_391 = arith.constant 256 : i32
      %dma_start3A_392 = arith.constant 0 : i32
      %dma_start3A_393 = tpu.memref_slice %arg13[%dma_start3A_390, %dma_start3A_391, %dma_start3A_392] : memref<16x512x2xf32, #tpu.memory_space<vmem>> -> memref<1x128x2xf32, #tpu.memory_space<vmem>>
      %dma_start3A_394 = tpu.memref_squeeze %dma_start3A_393 : memref<1x128x2xf32, #tpu.memory_space<vmem>> -> memref<128x2xf32, #tpu.memory_space<vmem>>
      %dma_start3A_395 = arith.constant 0 : i32
      %dma_start3A_396 = tpu.memref_slice %arg10[%dma_start3A_388, %dma_start3A_389, %dma_start3A_395] : memref<16x4x128xi32, #tpu.memory_space<vmem>> -> memref<1x1x128xi32, #tpu.memory_space<vmem>>
      %dma_start3A_397 = tpu.memref_squeeze %dma_start3A_396 : memref<1x1x128xi32, #tpu.memory_space<vmem>> -> memref<128xi32, #tpu.memory_space<vmem>>
      %dma_start3A_398 = arith.constant 0 : i32
      %dma_start3A_399 = arith.constant 0 : i32
      %dma_start3A_400 = tpu.memref_slice %arg4[%dma_start3A_398, %dma_start3A_399] : memref<131072x2xf32, #tpu.memory_space<hbm>> -> memref<131072x2xf32, #tpu.memory_space<hbm>>
      tpu.enqueue_indirect_dma source(%dma_start3A_400 : memref<131072x2xf32, #tpu.memory_space<hbm>>) target(%dma_start3A_394 : memref<128x2xf32, #tpu.memory_space<vmem>>) offsets(%dma_start3A_397 : memref<128xi32, #tpu.memory_space<vmem>>) semaphore(%arg16 : memref<!tpu.dma_semaphore, #tpu.memory_space<semaphore_mem>>)
      %dma_start3A_401 = arith.constant 6 : i32
      %dma_start3A_402 = arith.constant 3 : i32
      %dma_start3A_403 = arith.constant 6 : i32
      %dma_start3A_404 = arith.constant 384 : i32
      %dma_start3A_405 = arith.constant 0 : i32
      %dma_start3A_406 = tpu.memref_slice %arg13[%dma_start3A_403, %dma_start3A_404, %dma_start3A_405] : memref<16x512x2xf32, #tpu.memory_space<vmem>> -> memref<1x128x2xf32, #tpu.memory_space<vmem>>
      %dma_start3A_407 = tpu.memref_squeeze %dma_start3A_406 : memref<1x128x2xf32, #tpu.memory_space<vmem>> -> memref<128x2xf32, #tpu.memory_space<vmem>>
      %dma_start3A_408 = arith.constant 0 : i32
      %dma_start3A_409 = tpu.memref_slice %arg10[%dma_start3A_401, %dma_start3A_402, %dma_start3A_408] : memref<16x4x128xi32, #tpu.memory_space<vmem>> -> memref<1x1x128xi32, #tpu.memory_space<vmem>>
      %dma_start3A_410 = tpu.memref_squeeze %dma_start3A_409 : memref<1x1x128xi32, #tpu.memory_space<vmem>> -> memref<128xi32, #tpu.memory_space<vmem>>
      %dma_start3A_411 = arith.constant 0 : i32
      %dma_start3A_412 = arith.constant 0 : i32
      %dma_start3A_413 = tpu.memref_slice %arg4[%dma_start3A_411, %dma_start3A_412] : memref<131072x2xf32, #tpu.memory_space<hbm>> -> memref<131072x2xf32, #tpu.memory_space<hbm>>
      tpu.enqueue_indirect_dma source(%dma_start3A_413 : memref<131072x2xf32, #tpu.memory_space<hbm>>) target(%dma_start3A_407 : memref<128x2xf32, #tpu.memory_space<vmem>>) offsets(%dma_start3A_410 : memref<128xi32, #tpu.memory_space<vmem>>) semaphore(%arg16 : memref<!tpu.dma_semaphore, #tpu.memory_space<semaphore_mem>>)
      %dma_start3A_414 = arith.constant 7 : i32
      %dma_start3A_415 = arith.constant 0 : i32
      %dma_start3A_416 = arith.constant 7 : i32
      %dma_start3A_417 = arith.constant 0 : i32
      %dma_start3A_418 = arith.constant 0 : i32
      %dma_start3A_419 = tpu.memref_slice %arg13[%dma_start3A_416, %dma_start3A_417, %dma_start3A_418] : memref<16x512x2xf32, #tpu.memory_space<vmem>> -> memref<1x128x2xf32, #tpu.memory_space<vmem>>
      %dma_start3A_420 = tpu.memref_squeeze %dma_start3A_419 : memref<1x128x2xf32, #tpu.memory_space<vmem>> -> memref<128x2xf32, #tpu.memory_space<vmem>>
      %dma_start3A_421 = arith.constant 0 : i32
      %dma_start3A_422 = tpu.memref_slice %arg10[%dma_start3A_414, %dma_start3A_415, %dma_start3A_421] : memref<16x4x128xi32, #tpu.memory_space<vmem>> -> memref<1x1x128xi32, #tpu.memory_space<vmem>>
      %dma_start3A_423 = tpu.memref_squeeze %dma_start3A_422 : memref<1x1x128xi32, #tpu.memory_space<vmem>> -> memref<128xi32, #tpu.memory_space<vmem>>
      %dma_start3A_424 = arith.constant 0 : i32
      %dma_start3A_425 = arith.constant 0 : i32
      %dma_start3A_426 = tpu.memref_slice %arg4[%dma_start3A_424, %dma_start3A_425] : memref<131072x2xf32, #tpu.memory_space<hbm>> -> memref<131072x2xf32, #tpu.memory_space<hbm>>
      tpu.enqueue_indirect_dma source(%dma_start3A_426 : memref<131072x2xf32, #tpu.memory_space<hbm>>) target(%dma_start3A_420 : memref<128x2xf32, #tpu.memory_space<vmem>>) offsets(%dma_start3A_423 : memref<128xi32, #tpu.memory_space<vmem>>) semaphore(%arg16 : memref<!tpu.dma_semaphore, #tpu.memory_space<semaphore_mem>>)
      %dma_start3A_427 = arith.constant 7 : i32
      %dma_start3A_428 = arith.constant 1 : i32
      %dma_start3A_429 = arith.constant 7 : i32
      %dma_start3A_430 = arith.constant 128 : i32
      %dma_start3A_431 = arith.constant 0 : i32
      %dma_start3A_432 = tpu.memref_slice %arg13[%dma_start3A_429, %dma_start3A_430, %dma_start3A_431] : memref<16x512x2xf32, #tpu.memory_space<vmem>> -> memref<1x128x2xf32, #tpu.memory_space<vmem>>
      %dma_start3A_433 = tpu.memref_squeeze %dma_start3A_432 : memref<1x128x2xf32, #tpu.memory_space<vmem>> -> memref<128x2xf32, #tpu.memory_space<vmem>>
      %dma_start3A_434 = arith.constant 0 : i32
      %dma_start3A_435 = tpu.memref_slice %arg10[%dma_start3A_427, %dma_start3A_428, %dma_start3A_434] : memref<16x4x128xi32, #tpu.memory_space<vmem>> -> memref<1x1x128xi32, #tpu.memory_space<vmem>>
      %dma_start3A_436 = tpu.memref_squeeze %dma_start3A_435 : memref<1x1x128xi32, #tpu.memory_space<vmem>> -> memref<128xi32, #tpu.memory_space<vmem>>
      %dma_start3A_437 = arith.constant 0 : i32
      %dma_start3A_438 = arith.constant 0 : i32
      %dma_start3A_439 = tpu.memref_slice %arg4[%dma_start3A_437, %dma_start3A_438] : memref<131072x2xf32, #tpu.memory_space<hbm>> -> memref<131072x2xf32, #tpu.memory_space<hbm>>
      tpu.enqueue_indirect_dma source(%dma_start3A_439 : memref<131072x2xf32, #tpu.memory_space<hbm>>) target(%dma_start3A_433 : memref<128x2xf32, #tpu.memory_space<vmem>>) offsets(%dma_start3A_436 : memref<128xi32, #tpu.memory_space<vmem>>) semaphore(%arg16 : memref<!tpu.dma_semaphore, #tpu.memory_space<semaphore_mem>>)
      %dma_start3A_440 = arith.constant 7 : i32
      %dma_start3A_441 = arith.constant 2 : i32
      %dma_start3A_442 = arith.constant 7 : i32
      %dma_start3A_443 = arith.constant 256 : i32
      %dma_start3A_444 = arith.constant 0 : i32
      %dma_start3A_445 = tpu.memref_slice %arg13[%dma_start3A_442, %dma_start3A_443, %dma_start3A_444] : memref<16x512x2xf32, #tpu.memory_space<vmem>> -> memref<1x128x2xf32, #tpu.memory_space<vmem>>
      %dma_start3A_446 = tpu.memref_squeeze %dma_start3A_445 : memref<1x128x2xf32, #tpu.memory_space<vmem>> -> memref<128x2xf32, #tpu.memory_space<vmem>>
      %dma_start3A_447 = arith.constant 0 : i32
      %dma_start3A_448 = tpu.memref_slice %arg10[%dma_start3A_440, %dma_start3A_441, %dma_start3A_447] : memref<16x4x128xi32, #tpu.memory_space<vmem>> -> memref<1x1x128xi32, #tpu.memory_space<vmem>>
      %dma_start3A_449 = tpu.memref_squeeze %dma_start3A_448 : memref<1x1x128xi32, #tpu.memory_space<vmem>> -> memref<128xi32, #tpu.memory_space<vmem>>
      %dma_start3A_450 = arith.constant 0 : i32
      %dma_start3A_451 = arith.constant 0 : i32
      %dma_start3A_452 = tpu.memref_slice %arg4[%dma_start3A_450, %dma_start3A_451] : memref<131072x2xf32, #tpu.memory_space<hbm>> -> memref<131072x2xf32, #tpu.memory_space<hbm>>
      tpu.enqueue_indirect_dma source(%dma_start3A_452 : memref<131072x2xf32, #tpu.memory_space<hbm>>) target(%dma_start3A_446 : memref<128x2xf32, #tpu.memory_space<vmem>>) offsets(%dma_start3A_449 : memref<128xi32, #tpu.memory_space<vmem>>) semaphore(%arg16 : memref<!tpu.dma_semaphore, #tpu.memory_space<semaphore_mem>>)
      %dma_start3A_453 = arith.constant 7 : i32
      %dma_start3A_454 = arith.constant 3 : i32
      %dma_start3A_455 = arith.constant 7 : i32
      %dma_start3A_456 = arith.constant 384 : i32
      %dma_start3A_457 = arith.constant 0 : i32
      %dma_start3A_458 = tpu.memref_slice %arg13[%dma_start3A_455, %dma_start3A_456, %dma_start3A_457] : memref<16x512x2xf32, #tpu.memory_space<vmem>> -> memref<1x128x2xf32, #tpu.memory_space<vmem>>
      %dma_start3A_459 = tpu.memref_squeeze %dma_start3A_458 : memref<1x128x2xf32, #tpu.memory_space<vmem>> -> memref<128x2xf32, #tpu.memory_space<vmem>>
      %dma_start3A_460 = arith.constant 0 : i32
      %dma_start3A_461 = tpu.memref_slice %arg10[%dma_start3A_453, %dma_start3A_454, %dma_start3A_460] : memref<16x4x128xi32, #tpu.memory_space<vmem>> -> memref<1x1x128xi32, #tpu.memory_space<vmem>>
      %dma_start3A_462 = tpu.memref_squeeze %dma_start3A_461 : memref<1x1x128xi32, #tpu.memory_space<vmem>> -> memref<128xi32, #tpu.memory_space<vmem>>
      %dma_start3A_463 = arith.constant 0 : i32
      %dma_start3A_464 = arith.constant 0 : i32
      %dma_start3A_465 = tpu.memref_slice %arg4[%dma_start3A_463, %dma_start3A_464] : memref<131072x2xf32, #tpu.memory_space<hbm>> -> memref<131072x2xf32, #tpu.memory_space<hbm>>
      tpu.enqueue_indirect_dma source(%dma_start3A_465 : memref<131072x2xf32, #tpu.memory_space<hbm>>) target(%dma_start3A_459 : memref<128x2xf32, #tpu.memory_space<vmem>>) offsets(%dma_start3A_462 : memref<128xi32, #tpu.memory_space<vmem>>) semaphore(%arg16 : memref<!tpu.dma_semaphore, #tpu.memory_space<semaphore_mem>>)
      %dma_start3A_466 = arith.constant 8 : i32
      %dma_start3A_467 = arith.constant 0 : i32
      %dma_start3A_468 = arith.constant 8 : i32
      %dma_start3A_469 = arith.constant 0 : i32
      %dma_start3A_470 = arith.constant 0 : i32
      %dma_start3A_471 = tpu.memref_slice %arg13[%dma_start3A_468, %dma_start3A_469, %dma_start3A_470] : memref<16x512x2xf32, #tpu.memory_space<vmem>> -> memref<1x128x2xf32, #tpu.memory_space<vmem>>
      %dma_start3A_472 = tpu.memref_squeeze %dma_start3A_471 : memref<1x128x2xf32, #tpu.memory_space<vmem>> -> memref<128x2xf32, #tpu.memory_space<vmem>>
      %dma_start3A_473 = arith.constant 0 : i32
      %dma_start3A_474 = tpu.memref_slice %arg10[%dma_start3A_466, %dma_start3A_467, %dma_start3A_473] : memref<16x4x128xi32, #tpu.memory_space<vmem>> -> memref<1x1x128xi32, #tpu.memory_space<vmem>>
      %dma_start3A_475 = tpu.memref_squeeze %dma_start3A_474 : memref<1x1x128xi32, #tpu.memory_space<vmem>> -> memref<128xi32, #tpu.memory_space<vmem>>
      %dma_start3A_476 = arith.constant 0 : i32
      %dma_start3A_477 = arith.constant 0 : i32
      %dma_start3A_478 = tpu.memref_slice %arg5[%dma_start3A_476, %dma_start3A_477] : memref<524288x2xf32, #tpu.memory_space<hbm>> -> memref<524288x2xf32, #tpu.memory_space<hbm>>
      tpu.enqueue_indirect_dma source(%dma_start3A_478 : memref<524288x2xf32, #tpu.memory_space<hbm>>) target(%dma_start3A_472 : memref<128x2xf32, #tpu.memory_space<vmem>>) offsets(%dma_start3A_475 : memref<128xi32, #tpu.memory_space<vmem>>) semaphore(%arg16 : memref<!tpu.dma_semaphore, #tpu.memory_space<semaphore_mem>>)
      %dma_start3A_479 = arith.constant 8 : i32
      %dma_start3A_480 = arith.constant 1 : i32
      %dma_start3A_481 = arith.constant 8 : i32
      %dma_start3A_482 = arith.constant 128 : i32
      %dma_start3A_483 = arith.constant 0 : i32
      %dma_start3A_484 = tpu.memref_slice %arg13[%dma_start3A_481, %dma_start3A_482, %dma_start3A_483] : memref<16x512x2xf32, #tpu.memory_space<vmem>> -> memref<1x128x2xf32, #tpu.memory_space<vmem>>
      %dma_start3A_485 = tpu.memref_squeeze %dma_start3A_484 : memref<1x128x2xf32, #tpu.memory_space<vmem>> -> memref<128x2xf32, #tpu.memory_space<vmem>>
      %dma_start3A_486 = arith.constant 0 : i32
      %dma_start3A_487 = tpu.memref_slice %arg10[%dma_start3A_479, %dma_start3A_480, %dma_start3A_486] : memref<16x4x128xi32, #tpu.memory_space<vmem>> -> memref<1x1x128xi32, #tpu.memory_space<vmem>>
      %dma_start3A_488 = tpu.memref_squeeze %dma_start3A_487 : memref<1x1x128xi32, #tpu.memory_space<vmem>> -> memref<128xi32, #tpu.memory_space<vmem>>
      %dma_start3A_489 = arith.constant 0 : i32
      %dma_start3A_490 = arith.constant 0 : i32
      %dma_start3A_491 = tpu.memref_slice %arg5[%dma_start3A_489, %dma_start3A_490] : memref<524288x2xf32, #tpu.memory_space<hbm>> -> memref<524288x2xf32, #tpu.memory_space<hbm>>
      tpu.enqueue_indirect_dma source(%dma_start3A_491 : memref<524288x2xf32, #tpu.memory_space<hbm>>) target(%dma_start3A_485 : memref<128x2xf32, #tpu.memory_space<vmem>>) offsets(%dma_start3A_488 : memref<128xi32, #tpu.memory_space<vmem>>) semaphore(%arg16 : memref<!tpu.dma_semaphore, #tpu.memory_space<semaphore_mem>>)
      %dma_start3A_492 = arith.constant 8 : i32
      %dma_start3A_493 = arith.constant 2 : i32
      %dma_start3A_494 = arith.constant 8 : i32
      %dma_start3A_495 = arith.constant 256 : i32
      %dma_start3A_496 = arith.constant 0 : i32
      %dma_start3A_497 = tpu.memref_slice %arg13[%dma_start3A_494, %dma_start3A_495, %dma_start3A_496] : memref<16x512x2xf32, #tpu.memory_space<vmem>> -> memref<1x128x2xf32, #tpu.memory_space<vmem>>
      %dma_start3A_498 = tpu.memref_squeeze %dma_start3A_497 : memref<1x128x2xf32, #tpu.memory_space<vmem>> -> memref<128x2xf32, #tpu.memory_space<vmem>>
      %dma_start3A_499 = arith.constant 0 : i32
      %dma_start3A_500 = tpu.memref_slice %arg10[%dma_start3A_492, %dma_start3A_493, %dma_start3A_499] : memref<16x4x128xi32, #tpu.memory_space<vmem>> -> memref<1x1x128xi32, #tpu.memory_space<vmem>>
      %dma_start3A_501 = tpu.memref_squeeze %dma_start3A_500 : memref<1x1x128xi32, #tpu.memory_space<vmem>> -> memref<128xi32, #tpu.memory_space<vmem>>
      %dma_start3A_502 = arith.constant 0 : i32
      %dma_start3A_503 = arith.constant 0 : i32
      %dma_start3A_504 = tpu.memref_slice %arg5[%dma_start3A_502, %dma_start3A_503] : memref<524288x2xf32, #tpu.memory_space<hbm>> -> memref<524288x2xf32, #tpu.memory_space<hbm>>
      tpu.enqueue_indirect_dma source(%dma_start3A_504 : memref<524288x2xf32, #tpu.memory_space<hbm>>) target(%dma_start3A_498 : memref<128x2xf32, #tpu.memory_space<vmem>>) offsets(%dma_start3A_501 : memref<128xi32, #tpu.memory_space<vmem>>) semaphore(%arg16 : memref<!tpu.dma_semaphore, #tpu.memory_space<semaphore_mem>>)
      %dma_start3A_505 = arith.constant 8 : i32
      %dma_start3A_506 = arith.constant 3 : i32
      %dma_start3A_507 = arith.constant 8 : i32
      %dma_start3A_508 = arith.constant 384 : i32
      %dma_start3A_509 = arith.constant 0 : i32
      %dma_start3A_510 = tpu.memref_slice %arg13[%dma_start3A_507, %dma_start3A_508, %dma_start3A_509] : memref<16x512x2xf32, #tpu.memory_space<vmem>> -> memref<1x128x2xf32, #tpu.memory_space<vmem>>
      %dma_start3A_511 = tpu.memref_squeeze %dma_start3A_510 : memref<1x128x2xf32, #tpu.memory_space<vmem>> -> memref<128x2xf32, #tpu.memory_space<vmem>>
      %dma_start3A_512 = arith.constant 0 : i32
      %dma_start3A_513 = tpu.memref_slice %arg10[%dma_start3A_505, %dma_start3A_506, %dma_start3A_512] : memref<16x4x128xi32, #tpu.memory_space<vmem>> -> memref<1x1x128xi32, #tpu.memory_space<vmem>>
      %dma_start3A_514 = tpu.memref_squeeze %dma_start3A_513 : memref<1x1x128xi32, #tpu.memory_space<vmem>> -> memref<128xi32, #tpu.memory_space<vmem>>
      %dma_start3A_515 = arith.constant 0 : i32
      %dma_start3A_516 = arith.constant 0 : i32
      %dma_start3A_517 = tpu.memref_slice %arg5[%dma_start3A_515, %dma_start3A_516] : memref<524288x2xf32, #tpu.memory_space<hbm>> -> memref<524288x2xf32, #tpu.memory_space<hbm>>
      tpu.enqueue_indirect_dma source(%dma_start3A_517 : memref<524288x2xf32, #tpu.memory_space<hbm>>) target(%dma_start3A_511 : memref<128x2xf32, #tpu.memory_space<vmem>>) offsets(%dma_start3A_514 : memref<128xi32, #tpu.memory_space<vmem>>) semaphore(%arg16 : memref<!tpu.dma_semaphore, #tpu.memory_space<semaphore_mem>>)
      %dma_start3A_518 = arith.constant 9 : i32
      %dma_start3A_519 = arith.constant 0 : i32
      %dma_start3A_520 = arith.constant 9 : i32
      %dma_start3A_521 = arith.constant 0 : i32
      %dma_start3A_522 = arith.constant 0 : i32
      %dma_start3A_523 = tpu.memref_slice %arg13[%dma_start3A_520, %dma_start3A_521, %dma_start3A_522] : memref<16x512x2xf32, #tpu.memory_space<vmem>> -> memref<1x128x2xf32, #tpu.memory_space<vmem>>
      %dma_start3A_524 = tpu.memref_squeeze %dma_start3A_523 : memref<1x128x2xf32, #tpu.memory_space<vmem>> -> memref<128x2xf32, #tpu.memory_space<vmem>>
      %dma_start3A_525 = arith.constant 0 : i32
      %dma_start3A_526 = tpu.memref_slice %arg10[%dma_start3A_518, %dma_start3A_519, %dma_start3A_525] : memref<16x4x128xi32, #tpu.memory_space<vmem>> -> memref<1x1x128xi32, #tpu.memory_space<vmem>>
      %dma_start3A_527 = tpu.memref_squeeze %dma_start3A_526 : memref<1x1x128xi32, #tpu.memory_space<vmem>> -> memref<128xi32, #tpu.memory_space<vmem>>
      %dma_start3A_528 = arith.constant 0 : i32
      %dma_start3A_529 = arith.constant 0 : i32
      %dma_start3A_530 = tpu.memref_slice %arg5[%dma_start3A_528, %dma_start3A_529] : memref<524288x2xf32, #tpu.memory_space<hbm>> -> memref<524288x2xf32, #tpu.memory_space<hbm>>
      tpu.enqueue_indirect_dma source(%dma_start3A_530 : memref<524288x2xf32, #tpu.memory_space<hbm>>) target(%dma_start3A_524 : memref<128x2xf32, #tpu.memory_space<vmem>>) offsets(%dma_start3A_527 : memref<128xi32, #tpu.memory_space<vmem>>) semaphore(%arg16 : memref<!tpu.dma_semaphore, #tpu.memory_space<semaphore_mem>>)
      %dma_start3A_531 = arith.constant 9 : i32
      %dma_start3A_532 = arith.constant 1 : i32
      %dma_start3A_533 = arith.constant 9 : i32
      %dma_start3A_534 = arith.constant 128 : i32
      %dma_start3A_535 = arith.constant 0 : i32
      %dma_start3A_536 = tpu.memref_slice %arg13[%dma_start3A_533, %dma_start3A_534, %dma_start3A_535] : memref<16x512x2xf32, #tpu.memory_space<vmem>> -> memref<1x128x2xf32, #tpu.memory_space<vmem>>
      %dma_start3A_537 = tpu.memref_squeeze %dma_start3A_536 : memref<1x128x2xf32, #tpu.memory_space<vmem>> -> memref<128x2xf32, #tpu.memory_space<vmem>>
      %dma_start3A_538 = arith.constant 0 : i32
      %dma_start3A_539 = tpu.memref_slice %arg10[%dma_start3A_531, %dma_start3A_532, %dma_start3A_538] : memref<16x4x128xi32, #tpu.memory_space<vmem>> -> memref<1x1x128xi32, #tpu.memory_space<vmem>>
      %dma_start3A_540 = tpu.memref_squeeze %dma_start3A_539 : memref<1x1x128xi32, #tpu.memory_space<vmem>> -> memref<128xi32, #tpu.memory_space<vmem>>
      %dma_start3A_541 = arith.constant 0 : i32
      %dma_start3A_542 = arith.constant 0 : i32
      %dma_start3A_543 = tpu.memref_slice %arg5[%dma_start3A_541, %dma_start3A_542] : memref<524288x2xf32, #tpu.memory_space<hbm>> -> memref<524288x2xf32, #tpu.memory_space<hbm>>
      tpu.enqueue_indirect_dma source(%dma_start3A_543 : memref<524288x2xf32, #tpu.memory_space<hbm>>) target(%dma_start3A_537 : memref<128x2xf32, #tpu.memory_space<vmem>>) offsets(%dma_start3A_540 : memref<128xi32, #tpu.memory_space<vmem>>) semaphore(%arg16 : memref<!tpu.dma_semaphore, #tpu.memory_space<semaphore_mem>>)
      %dma_start3A_544 = arith.constant 9 : i32
      %dma_start3A_545 = arith.constant 2 : i32
      %dma_start3A_546 = arith.constant 9 : i32
      %dma_start3A_547 = arith.constant 256 : i32
      %dma_start3A_548 = arith.constant 0 : i32
      %dma_start3A_549 = tpu.memref_slice %arg13[%dma_start3A_546, %dma_start3A_547, %dma_start3A_548] : memref<16x512x2xf32, #tpu.memory_space<vmem>> -> memref<1x128x2xf32, #tpu.memory_space<vmem>>
      %dma_start3A_550 = tpu.memref_squeeze %dma_start3A_549 : memref<1x128x2xf32, #tpu.memory_space<vmem>> -> memref<128x2xf32, #tpu.memory_space<vmem>>
      %dma_start3A_551 = arith.constant 0 : i32
      %dma_start3A_552 = tpu.memref_slice %arg10[%dma_start3A_544, %dma_start3A_545, %dma_start3A_551] : memref<16x4x128xi32, #tpu.memory_space<vmem>> -> memref<1x1x128xi32, #tpu.memory_space<vmem>>
      %dma_start3A_553 = tpu.memref_squeeze %dma_start3A_552 : memref<1x1x128xi32, #tpu.memory_space<vmem>> -> memref<128xi32, #tpu.memory_space<vmem>>
      %dma_start3A_554 = arith.constant 0 : i32
      %dma_start3A_555 = arith.constant 0 : i32
      %dma_start3A_556 = tpu.memref_slice %arg5[%dma_start3A_554, %dma_start3A_555] : memref<524288x2xf32, #tpu.memory_space<hbm>> -> memref<524288x2xf32, #tpu.memory_space<hbm>>
      tpu.enqueue_indirect_dma source(%dma_start3A_556 : memref<524288x2xf32, #tpu.memory_space<hbm>>) target(%dma_start3A_550 : memref<128x2xf32, #tpu.memory_space<vmem>>) offsets(%dma_start3A_553 : memref<128xi32, #tpu.memory_space<vmem>>) semaphore(%arg16 : memref<!tpu.dma_semaphore, #tpu.memory_space<semaphore_mem>>)
      %dma_start3A_557 = arith.constant 9 : i32
      %dma_start3A_558 = arith.constant 3 : i32
      %dma_start3A_559 = arith.constant 9 : i32
      %dma_start3A_560 = arith.constant 384 : i32
      %dma_start3A_561 = arith.constant 0 : i32
      %dma_start3A_562 = tpu.memref_slice %arg13[%dma_start3A_559, %dma_start3A_560, %dma_start3A_561] : memref<16x512x2xf32, #tpu.memory_space<vmem>> -> memref<1x128x2xf32, #tpu.memory_space<vmem>>
      %dma_start3A_563 = tpu.memref_squeeze %dma_start3A_562 : memref<1x128x2xf32, #tpu.memory_space<vmem>> -> memref<128x2xf32, #tpu.memory_space<vmem>>
      %dma_start3A_564 = arith.constant 0 : i32
      %dma_start3A_565 = tpu.memref_slice %arg10[%dma_start3A_557, %dma_start3A_558, %dma_start3A_564] : memref<16x4x128xi32, #tpu.memory_space<vmem>> -> memref<1x1x128xi32, #tpu.memory_space<vmem>>
      %dma_start3A_566 = tpu.memref_squeeze %dma_start3A_565 : memref<1x1x128xi32, #tpu.memory_space<vmem>> -> memref<128xi32, #tpu.memory_space<vmem>>
      %dma_start3A_567 = arith.constant 0 : i32
      %dma_start3A_568 = arith.constant 0 : i32
      %dma_start3A_569 = tpu.memref_slice %arg5[%dma_start3A_567, %dma_start3A_568] : memref<524288x2xf32, #tpu.memory_space<hbm>> -> memref<524288x2xf32, #tpu.memory_space<hbm>>
      tpu.enqueue_indirect_dma source(%dma_start3A_569 : memref<524288x2xf32, #tpu.memory_space<hbm>>) target(%dma_start3A_563 : memref<128x2xf32, #tpu.memory_space<vmem>>) offsets(%dma_start3A_566 : memref<128xi32, #tpu.memory_space<vmem>>) semaphore(%arg16 : memref<!tpu.dma_semaphore, #tpu.memory_space<semaphore_mem>>)
      %dma_start3A_570 = arith.constant 10 : i32
      %dma_start3A_571 = arith.constant 0 : i32
      %dma_start3A_572 = arith.constant 10 : i32
      %dma_start3A_573 = arith.constant 0 : i32
      %dma_start3A_574 = arith.constant 0 : i32
      %dma_start3A_575 = tpu.memref_slice %arg13[%dma_start3A_572, %dma_start3A_573, %dma_start3A_574] : memref<16x512x2xf32, #tpu.memory_space<vmem>> -> memref<1x128x2xf32, #tpu.memory_space<vmem>>
      %dma_start3A_576 = tpu.memref_squeeze %dma_start3A_575 : memref<1x128x2xf32, #tpu.memory_space<vmem>> -> memref<128x2xf32, #tpu.memory_space<vmem>>
      %dma_start3A_577 = arith.constant 0 : i32
      %dma_start3A_578 = tpu.memref_slice %arg10[%dma_start3A_570, %dma_start3A_571, %dma_start3A_577] : memref<16x4x128xi32, #tpu.memory_space<vmem>> -> memref<1x1x128xi32, #tpu.memory_space<vmem>>
      %dma_start3A_579 = tpu.memref_squeeze %dma_start3A_578 : memref<1x1x128xi32, #tpu.memory_space<vmem>> -> memref<128xi32, #tpu.memory_space<vmem>>
      %dma_start3A_580 = arith.constant 0 : i32
      %dma_start3A_581 = arith.constant 0 : i32
      %dma_start3A_582 = tpu.memref_slice %arg5[%dma_start3A_580, %dma_start3A_581] : memref<524288x2xf32, #tpu.memory_space<hbm>> -> memref<524288x2xf32, #tpu.memory_space<hbm>>
      tpu.enqueue_indirect_dma source(%dma_start3A_582 : memref<524288x2xf32, #tpu.memory_space<hbm>>) target(%dma_start3A_576 : memref<128x2xf32, #tpu.memory_space<vmem>>) offsets(%dma_start3A_579 : memref<128xi32, #tpu.memory_space<vmem>>) semaphore(%arg16 : memref<!tpu.dma_semaphore, #tpu.memory_space<semaphore_mem>>)
      %dma_start3A_583 = arith.constant 10 : i32
      %dma_start3A_584 = arith.constant 1 : i32
      %dma_start3A_585 = arith.constant 10 : i32
      %dma_start3A_586 = arith.constant 128 : i32
      %dma_start3A_587 = arith.constant 0 : i32
      %dma_start3A_588 = tpu.memref_slice %arg13[%dma_start3A_585, %dma_start3A_586, %dma_start3A_587] : memref<16x512x2xf32, #tpu.memory_space<vmem>> -> memref<1x128x2xf32, #tpu.memory_space<vmem>>
      %dma_start3A_589 = tpu.memref_squeeze %dma_start3A_588 : memref<1x128x2xf32, #tpu.memory_space<vmem>> -> memref<128x2xf32, #tpu.memory_space<vmem>>
      %dma_start3A_590 = arith.constant 0 : i32
      %dma_start3A_591 = tpu.memref_slice %arg10[%dma_start3A_583, %dma_start3A_584, %dma_start3A_590] : memref<16x4x128xi32, #tpu.memory_space<vmem>> -> memref<1x1x128xi32, #tpu.memory_space<vmem>>
      %dma_start3A_592 = tpu.memref_squeeze %dma_start3A_591 : memref<1x1x128xi32, #tpu.memory_space<vmem>> -> memref<128xi32, #tpu.memory_space<vmem>>
      %dma_start3A_593 = arith.constant 0 : i32
      %dma_start3A_594 = arith.constant 0 : i32
      %dma_start3A_595 = tpu.memref_slice %arg5[%dma_start3A_593, %dma_start3A_594] : memref<524288x2xf32, #tpu.memory_space<hbm>> -> memref<524288x2xf32, #tpu.memory_space<hbm>>
      tpu.enqueue_indirect_dma source(%dma_start3A_595 : memref<524288x2xf32, #tpu.memory_space<hbm>>) target(%dma_start3A_589 : memref<128x2xf32, #tpu.memory_space<vmem>>) offsets(%dma_start3A_592 : memref<128xi32, #tpu.memory_space<vmem>>) semaphore(%arg16 : memref<!tpu.dma_semaphore, #tpu.memory_space<semaphore_mem>>)
      %dma_start3A_596 = arith.constant 10 : i32
      %dma_start3A_597 = arith.constant 2 : i32
      %dma_start3A_598 = arith.constant 10 : i32
      %dma_start3A_599 = arith.constant 256 : i32
      %dma_start3A_600 = arith.constant 0 : i32
      %dma_start3A_601 = tpu.memref_slice %arg13[%dma_start3A_598, %dma_start3A_599, %dma_start3A_600] : memref<16x512x2xf32, #tpu.memory_space<vmem>> -> memref<1x128x2xf32, #tpu.memory_space<vmem>>
      %dma_start3A_602 = tpu.memref_squeeze %dma_start3A_601 : memref<1x128x2xf32, #tpu.memory_space<vmem>> -> memref<128x2xf32, #tpu.memory_space<vmem>>
      %dma_start3A_603 = arith.constant 0 : i32
      %dma_start3A_604 = tpu.memref_slice %arg10[%dma_start3A_596, %dma_start3A_597, %dma_start3A_603] : memref<16x4x128xi32, #tpu.memory_space<vmem>> -> memref<1x1x128xi32, #tpu.memory_space<vmem>>
      %dma_start3A_605 = tpu.memref_squeeze %dma_start3A_604 : memref<1x1x128xi32, #tpu.memory_space<vmem>> -> memref<128xi32, #tpu.memory_space<vmem>>
      %dma_start3A_606 = arith.constant 0 : i32
      %dma_start3A_607 = arith.constant 0 : i32
      %dma_start3A_608 = tpu.memref_slice %arg5[%dma_start3A_606, %dma_start3A_607] : memref<524288x2xf32, #tpu.memory_space<hbm>> -> memref<524288x2xf32, #tpu.memory_space<hbm>>
      tpu.enqueue_indirect_dma source(%dma_start3A_608 : memref<524288x2xf32, #tpu.memory_space<hbm>>) target(%dma_start3A_602 : memref<128x2xf32, #tpu.memory_space<vmem>>) offsets(%dma_start3A_605 : memref<128xi32, #tpu.memory_space<vmem>>) semaphore(%arg16 : memref<!tpu.dma_semaphore, #tpu.memory_space<semaphore_mem>>)
      %dma_start3A_609 = arith.constant 10 : i32
      %dma_start3A_610 = arith.constant 3 : i32
      %dma_start3A_611 = arith.constant 10 : i32
      %dma_start3A_612 = arith.constant 384 : i32
      %dma_start3A_613 = arith.constant 0 : i32
      %dma_start3A_614 = tpu.memref_slice %arg13[%dma_start3A_611, %dma_start3A_612, %dma_start3A_613] : memref<16x512x2xf32, #tpu.memory_space<vmem>> -> memref<1x128x2xf32, #tpu.memory_space<vmem>>
      %dma_start3A_615 = tpu.memref_squeeze %dma_start3A_614 : memref<1x128x2xf32, #tpu.memory_space<vmem>> -> memref<128x2xf32, #tpu.memory_space<vmem>>
      %dma_start3A_616 = arith.constant 0 : i32
      %dma_start3A_617 = tpu.memref_slice %arg10[%dma_start3A_609, %dma_start3A_610, %dma_start3A_616] : memref<16x4x128xi32, #tpu.memory_space<vmem>> -> memref<1x1x128xi32, #tpu.memory_space<vmem>>
      %dma_start3A_618 = tpu.memref_squeeze %dma_start3A_617 : memref<1x1x128xi32, #tpu.memory_space<vmem>> -> memref<128xi32, #tpu.memory_space<vmem>>
      %dma_start3A_619 = arith.constant 0 : i32
      %dma_start3A_620 = arith.constant 0 : i32
      %dma_start3A_621 = tpu.memref_slice %arg5[%dma_start3A_619, %dma_start3A_620] : memref<524288x2xf32, #tpu.memory_space<hbm>> -> memref<524288x2xf32, #tpu.memory_space<hbm>>
      tpu.enqueue_indirect_dma source(%dma_start3A_621 : memref<524288x2xf32, #tpu.memory_space<hbm>>) target(%dma_start3A_615 : memref<128x2xf32, #tpu.memory_space<vmem>>) offsets(%dma_start3A_618 : memref<128xi32, #tpu.memory_space<vmem>>) semaphore(%arg16 : memref<!tpu.dma_semaphore, #tpu.memory_space<semaphore_mem>>)
      %dma_start3A_622 = arith.constant 11 : i32
      %dma_start3A_623 = arith.constant 0 : i32
      %dma_start3A_624 = arith.constant 11 : i32
      %dma_start3A_625 = arith.constant 0 : i32
      %dma_start3A_626 = arith.constant 0 : i32
      %dma_start3A_627 = tpu.memref_slice %arg13[%dma_start3A_624, %dma_start3A_625, %dma_start3A_626] : memref<16x512x2xf32, #tpu.memory_space<vmem>> -> memref<1x128x2xf32, #tpu.memory_space<vmem>>
      %dma_start3A_628 = tpu.memref_squeeze %dma_start3A_627 : memref<1x128x2xf32, #tpu.memory_space<vmem>> -> memref<128x2xf32, #tpu.memory_space<vmem>>
      %dma_start3A_629 = arith.constant 0 : i32
      %dma_start3A_630 = tpu.memref_slice %arg10[%dma_start3A_622, %dma_start3A_623, %dma_start3A_629] : memref<16x4x128xi32, #tpu.memory_space<vmem>> -> memref<1x1x128xi32, #tpu.memory_space<vmem>>
      %dma_start3A_631 = tpu.memref_squeeze %dma_start3A_630 : memref<1x1x128xi32, #tpu.memory_space<vmem>> -> memref<128xi32, #tpu.memory_space<vmem>>
      %dma_start3A_632 = arith.constant 0 : i32
      %dma_start3A_633 = arith.constant 0 : i32
      %dma_start3A_634 = tpu.memref_slice %arg5[%dma_start3A_632, %dma_start3A_633] : memref<524288x2xf32, #tpu.memory_space<hbm>> -> memref<524288x2xf32, #tpu.memory_space<hbm>>
      tpu.enqueue_indirect_dma source(%dma_start3A_634 : memref<524288x2xf32, #tpu.memory_space<hbm>>) target(%dma_start3A_628 : memref<128x2xf32, #tpu.memory_space<vmem>>) offsets(%dma_start3A_631 : memref<128xi32, #tpu.memory_space<vmem>>) semaphore(%arg16 : memref<!tpu.dma_semaphore, #tpu.memory_space<semaphore_mem>>)
      %dma_start3A_635 = arith.constant 11 : i32
      %dma_start3A_636 = arith.constant 1 : i32
      %dma_start3A_637 = arith.constant 11 : i32
      %dma_start3A_638 = arith.constant 128 : i32
      %dma_start3A_639 = arith.constant 0 : i32
      %dma_start3A_640 = tpu.memref_slice %arg13[%dma_start3A_637, %dma_start3A_638, %dma_start3A_639] : memref<16x512x2xf32, #tpu.memory_space<vmem>> -> memref<1x128x2xf32, #tpu.memory_space<vmem>>
      %dma_start3A_641 = tpu.memref_squeeze %dma_start3A_640 : memref<1x128x2xf32, #tpu.memory_space<vmem>> -> memref<128x2xf32, #tpu.memory_space<vmem>>
      %dma_start3A_642 = arith.constant 0 : i32
      %dma_start3A_643 = tpu.memref_slice %arg10[%dma_start3A_635, %dma_start3A_636, %dma_start3A_642] : memref<16x4x128xi32, #tpu.memory_space<vmem>> -> memref<1x1x128xi32, #tpu.memory_space<vmem>>
      %dma_start3A_644 = tpu.memref_squeeze %dma_start3A_643 : memref<1x1x128xi32, #tpu.memory_space<vmem>> -> memref<128xi32, #tpu.memory_space<vmem>>
      %dma_start3A_645 = arith.constant 0 : i32
      %dma_start3A_646 = arith.constant 0 : i32
      %dma_start3A_647 = tpu.memref_slice %arg5[%dma_start3A_645, %dma_start3A_646] : memref<524288x2xf32, #tpu.memory_space<hbm>> -> memref<524288x2xf32, #tpu.memory_space<hbm>>
      tpu.enqueue_indirect_dma source(%dma_start3A_647 : memref<524288x2xf32, #tpu.memory_space<hbm>>) target(%dma_start3A_641 : memref<128x2xf32, #tpu.memory_space<vmem>>) offsets(%dma_start3A_644 : memref<128xi32, #tpu.memory_space<vmem>>) semaphore(%arg16 : memref<!tpu.dma_semaphore, #tpu.memory_space<semaphore_mem>>)
      %dma_start3A_648 = arith.constant 11 : i32
      %dma_start3A_649 = arith.constant 2 : i32
      %dma_start3A_650 = arith.constant 11 : i32
      %dma_start3A_651 = arith.constant 256 : i32
      %dma_start3A_652 = arith.constant 0 : i32
      %dma_start3A_653 = tpu.memref_slice %arg13[%dma_start3A_650, %dma_start3A_651, %dma_start3A_652] : memref<16x512x2xf32, #tpu.memory_space<vmem>> -> memref<1x128x2xf32, #tpu.memory_space<vmem>>
      %dma_start3A_654 = tpu.memref_squeeze %dma_start3A_653 : memref<1x128x2xf32, #tpu.memory_space<vmem>> -> memref<128x2xf32, #tpu.memory_space<vmem>>
      %dma_start3A_655 = arith.constant 0 : i32
      %dma_start3A_656 = tpu.memref_slice %arg10[%dma_start3A_648, %dma_start3A_649, %dma_start3A_655] : memref<16x4x128xi32, #tpu.memory_space<vmem>> -> memref<1x1x128xi32, #tpu.memory_space<vmem>>
      %dma_start3A_657 = tpu.memref_squeeze %dma_start3A_656 : memref<1x1x128xi32, #tpu.memory_space<vmem>> -> memref<128xi32, #tpu.memory_space<vmem>>
      %dma_start3A_658 = arith.constant 0 : i32
      %dma_start3A_659 = arith.constant 0 : i32
      %dma_start3A_660 = tpu.memref_slice %arg5[%dma_start3A_658, %dma_start3A_659] : memref<524288x2xf32, #tpu.memory_space<hbm>> -> memref<524288x2xf32, #tpu.memory_space<hbm>>
      tpu.enqueue_indirect_dma source(%dma_start3A_660 : memref<524288x2xf32, #tpu.memory_space<hbm>>) target(%dma_start3A_654 : memref<128x2xf32, #tpu.memory_space<vmem>>) offsets(%dma_start3A_657 : memref<128xi32, #tpu.memory_space<vmem>>) semaphore(%arg16 : memref<!tpu.dma_semaphore, #tpu.memory_space<semaphore_mem>>)
      %dma_start3A_661 = arith.constant 11 : i32
      %dma_start3A_662 = arith.constant 3 : i32
      %dma_start3A_663 = arith.constant 11 : i32
      %dma_start3A_664 = arith.constant 384 : i32
      %dma_start3A_665 = arith.constant 0 : i32
      %dma_start3A_666 = tpu.memref_slice %arg13[%dma_start3A_663, %dma_start3A_664, %dma_start3A_665] : memref<16x512x2xf32, #tpu.memory_space<vmem>> -> memref<1x128x2xf32, #tpu.memory_space<vmem>>
      %dma_start3A_667 = tpu.memref_squeeze %dma_start3A_666 : memref<1x128x2xf32, #tpu.memory_space<vmem>> -> memref<128x2xf32, #tpu.memory_space<vmem>>
      %dma_start3A_668 = arith.constant 0 : i32
      %dma_start3A_669 = tpu.memref_slice %arg10[%dma_start3A_661, %dma_start3A_662, %dma_start3A_668] : memref<16x4x128xi32, #tpu.memory_space<vmem>> -> memref<1x1x128xi32, #tpu.memory_space<vmem>>
      %dma_start3A_670 = tpu.memref_squeeze %dma_start3A_669 : memref<1x1x128xi32, #tpu.memory_space<vmem>> -> memref<128xi32, #tpu.memory_space<vmem>>
      %dma_start3A_671 = arith.constant 0 : i32
      %dma_start3A_672 = arith.constant 0 : i32
      %dma_start3A_673 = tpu.memref_slice %arg5[%dma_start3A_671, %dma_start3A_672] : memref<524288x2xf32, #tpu.memory_space<hbm>> -> memref<524288x2xf32, #tpu.memory_space<hbm>>
      tpu.enqueue_indirect_dma source(%dma_start3A_673 : memref<524288x2xf32, #tpu.memory_space<hbm>>) target(%dma_start3A_667 : memref<128x2xf32, #tpu.memory_space<vmem>>) offsets(%dma_start3A_670 : memref<128xi32, #tpu.memory_space<vmem>>) semaphore(%arg16 : memref<!tpu.dma_semaphore, #tpu.memory_space<semaphore_mem>>)
      %dma_start3A_674 = arith.constant 12 : i32
      %dma_start3A_675 = arith.constant 0 : i32
      %dma_start3A_676 = arith.constant 12 : i32
      %dma_start3A_677 = arith.constant 0 : i32
      %dma_start3A_678 = arith.constant 0 : i32
      %dma_start3A_679 = tpu.memref_slice %arg13[%dma_start3A_676, %dma_start3A_677, %dma_start3A_678] : memref<16x512x2xf32, #tpu.memory_space<vmem>> -> memref<1x128x2xf32, #tpu.memory_space<vmem>>
      %dma_start3A_680 = tpu.memref_squeeze %dma_start3A_679 : memref<1x128x2xf32, #tpu.memory_space<vmem>> -> memref<128x2xf32, #tpu.memory_space<vmem>>
      %dma_start3A_681 = arith.constant 0 : i32
      %dma_start3A_682 = tpu.memref_slice %arg10[%dma_start3A_674, %dma_start3A_675, %dma_start3A_681] : memref<16x4x128xi32, #tpu.memory_space<vmem>> -> memref<1x1x128xi32, #tpu.memory_space<vmem>>
      %dma_start3A_683 = tpu.memref_squeeze %dma_start3A_682 : memref<1x1x128xi32, #tpu.memory_space<vmem>> -> memref<128xi32, #tpu.memory_space<vmem>>
      %dma_start3A_684 = arith.constant 0 : i32
      %dma_start3A_685 = arith.constant 0 : i32
      %dma_start3A_686 = tpu.memref_slice %arg6[%dma_start3A_684, %dma_start3A_685] : memref<2097152x2xf32, #tpu.memory_space<hbm>> -> memref<2097152x2xf32, #tpu.memory_space<hbm>>
      tpu.enqueue_indirect_dma source(%dma_start3A_686 : memref<2097152x2xf32, #tpu.memory_space<hbm>>) target(%dma_start3A_680 : memref<128x2xf32, #tpu.memory_space<vmem>>) offsets(%dma_start3A_683 : memref<128xi32, #tpu.memory_space<vmem>>) semaphore(%arg16 : memref<!tpu.dma_semaphore, #tpu.memory_space<semaphore_mem>>)
      %dma_start3A_687 = arith.constant 12 : i32
      %dma_start3A_688 = arith.constant 1 : i32
      %dma_start3A_689 = arith.constant 12 : i32
      %dma_start3A_690 = arith.constant 128 : i32
      %dma_start3A_691 = arith.constant 0 : i32
      %dma_start3A_692 = tpu.memref_slice %arg13[%dma_start3A_689, %dma_start3A_690, %dma_start3A_691] : memref<16x512x2xf32, #tpu.memory_space<vmem>> -> memref<1x128x2xf32, #tpu.memory_space<vmem>>
      %dma_start3A_693 = tpu.memref_squeeze %dma_start3A_692 : memref<1x128x2xf32, #tpu.memory_space<vmem>> -> memref<128x2xf32, #tpu.memory_space<vmem>>
      %dma_start3A_694 = arith.constant 0 : i32
      %dma_start3A_695 = tpu.memref_slice %arg10[%dma_start3A_687, %dma_start3A_688, %dma_start3A_694] : memref<16x4x128xi32, #tpu.memory_space<vmem>> -> memref<1x1x128xi32, #tpu.memory_space<vmem>>
      %dma_start3A_696 = tpu.memref_squeeze %dma_start3A_695 : memref<1x1x128xi32, #tpu.memory_space<vmem>> -> memref<128xi32, #tpu.memory_space<vmem>>
      %dma_start3A_697 = arith.constant 0 : i32
      %dma_start3A_698 = arith.constant 0 : i32
      %dma_start3A_699 = tpu.memref_slice %arg6[%dma_start3A_697, %dma_start3A_698] : memref<2097152x2xf32, #tpu.memory_space<hbm>> -> memref<2097152x2xf32, #tpu.memory_space<hbm>>
      tpu.enqueue_indirect_dma source(%dma_start3A_699 : memref<2097152x2xf32, #tpu.memory_space<hbm>>) target(%dma_start3A_693 : memref<128x2xf32, #tpu.memory_space<vmem>>) offsets(%dma_start3A_696 : memref<128xi32, #tpu.memory_space<vmem>>) semaphore(%arg16 : memref<!tpu.dma_semaphore, #tpu.memory_space<semaphore_mem>>)
      %dma_start3A_700 = arith.constant 12 : i32
      %dma_start3A_701 = arith.constant 2 : i32
      %dma_start3A_702 = arith.constant 12 : i32
      %dma_start3A_703 = arith.constant 256 : i32
      %dma_start3A_704 = arith.constant 0 : i32
      %dma_start3A_705 = tpu.memref_slice %arg13[%dma_start3A_702, %dma_start3A_703, %dma_start3A_704] : memref<16x512x2xf32, #tpu.memory_space<vmem>> -> memref<1x128x2xf32, #tpu.memory_space<vmem>>
      %dma_start3A_706 = tpu.memref_squeeze %dma_start3A_705 : memref<1x128x2xf32, #tpu.memory_space<vmem>> -> memref<128x2xf32, #tpu.memory_space<vmem>>
      %dma_start3A_707 = arith.constant 0 : i32
      %dma_start3A_708 = tpu.memref_slice %arg10[%dma_start3A_700, %dma_start3A_701, %dma_start3A_707] : memref<16x4x128xi32, #tpu.memory_space<vmem>> -> memref<1x1x128xi32, #tpu.memory_space<vmem>>
      %dma_start3A_709 = tpu.memref_squeeze %dma_start3A_708 : memref<1x1x128xi32, #tpu.memory_space<vmem>> -> memref<128xi32, #tpu.memory_space<vmem>>
      %dma_start3A_710 = arith.constant 0 : i32
      %dma_start3A_711 = arith.constant 0 : i32
      %dma_start3A_712 = tpu.memref_slice %arg6[%dma_start3A_710, %dma_start3A_711] : memref<2097152x2xf32, #tpu.memory_space<hbm>> -> memref<2097152x2xf32, #tpu.memory_space<hbm>>
      tpu.enqueue_indirect_dma source(%dma_start3A_712 : memref<2097152x2xf32, #tpu.memory_space<hbm>>) target(%dma_start3A_706 : memref<128x2xf32, #tpu.memory_space<vmem>>) offsets(%dma_start3A_709 : memref<128xi32, #tpu.memory_space<vmem>>) semaphore(%arg16 : memref<!tpu.dma_semaphore, #tpu.memory_space<semaphore_mem>>)
      %dma_start3A_713 = arith.constant 12 : i32
      %dma_start3A_714 = arith.constant 3 : i32
      %dma_start3A_715 = arith.constant 12 : i32
      %dma_start3A_716 = arith.constant 384 : i32
      %dma_start3A_717 = arith.constant 0 : i32
      %dma_start3A_718 = tpu.memref_slice %arg13[%dma_start3A_715, %dma_start3A_716, %dma_start3A_717] : memref<16x512x2xf32, #tpu.memory_space<vmem>> -> memref<1x128x2xf32, #tpu.memory_space<vmem>>
      %dma_start3A_719 = tpu.memref_squeeze %dma_start3A_718 : memref<1x128x2xf32, #tpu.memory_space<vmem>> -> memref<128x2xf32, #tpu.memory_space<vmem>>
      %dma_start3A_720 = arith.constant 0 : i32
      %dma_start3A_721 = tpu.memref_slice %arg10[%dma_start3A_713, %dma_start3A_714, %dma_start3A_720] : memref<16x4x128xi32, #tpu.memory_space<vmem>> -> memref<1x1x128xi32, #tpu.memory_space<vmem>>
      %dma_start3A_722 = tpu.memref_squeeze %dma_start3A_721 : memref<1x1x128xi32, #tpu.memory_space<vmem>> -> memref<128xi32, #tpu.memory_space<vmem>>
      %dma_start3A_723 = arith.constant 0 : i32
      %dma_start3A_724 = arith.constant 0 : i32
      %dma_start3A_725 = tpu.memref_slice %arg6[%dma_start3A_723, %dma_start3A_724] : memref<2097152x2xf32, #tpu.memory_space<hbm>> -> memref<2097152x2xf32, #tpu.memory_space<hbm>>
      tpu.enqueue_indirect_dma source(%dma_start3A_725 : memref<2097152x2xf32, #tpu.memory_space<hbm>>) target(%dma_start3A_719 : memref<128x2xf32, #tpu.memory_space<vmem>>) offsets(%dma_start3A_722 : memref<128xi32, #tpu.memory_space<vmem>>) semaphore(%arg16 : memref<!tpu.dma_semaphore, #tpu.memory_space<semaphore_mem>>)
      %dma_start3A_726 = arith.constant 13 : i32
      %dma_start3A_727 = arith.constant 0 : i32
      %dma_start3A_728 = arith.constant 13 : i32
      %dma_start3A_729 = arith.constant 0 : i32
      %dma_start3A_730 = arith.constant 0 : i32
      %dma_start3A_731 = tpu.memref_slice %arg13[%dma_start3A_728, %dma_start3A_729, %dma_start3A_730] : memref<16x512x2xf32, #tpu.memory_space<vmem>> -> memref<1x128x2xf32, #tpu.memory_space<vmem>>
      %dma_start3A_732 = tpu.memref_squeeze %dma_start3A_731 : memref<1x128x2xf32, #tpu.memory_space<vmem>> -> memref<128x2xf32, #tpu.memory_space<vmem>>
      %dma_start3A_733 = arith.constant 0 : i32
      %dma_start3A_734 = tpu.memref_slice %arg10[%dma_start3A_726, %dma_start3A_727, %dma_start3A_733] : memref<16x4x128xi32, #tpu.memory_space<vmem>> -> memref<1x1x128xi32, #tpu.memory_space<vmem>>
      %dma_start3A_735 = tpu.memref_squeeze %dma_start3A_734 : memref<1x1x128xi32, #tpu.memory_space<vmem>> -> memref<128xi32, #tpu.memory_space<vmem>>
      %dma_start3A_736 = arith.constant 0 : i32
      %dma_start3A_737 = arith.constant 0 : i32
      %dma_start3A_738 = tpu.memref_slice %arg6[%dma_start3A_736, %dma_start3A_737] : memref<2097152x2xf32, #tpu.memory_space<hbm>> -> memref<2097152x2xf32, #tpu.memory_space<hbm>>
      tpu.enqueue_indirect_dma source(%dma_start3A_738 : memref<2097152x2xf32, #tpu.memory_space<hbm>>) target(%dma_start3A_732 : memref<128x2xf32, #tpu.memory_space<vmem>>) offsets(%dma_start3A_735 : memref<128xi32, #tpu.memory_space<vmem>>) semaphore(%arg16 : memref<!tpu.dma_semaphore, #tpu.memory_space<semaphore_mem>>)
      %dma_start3A_739 = arith.constant 13 : i32
      %dma_start3A_740 = arith.constant 1 : i32
      %dma_start3A_741 = arith.constant 13 : i32
      %dma_start3A_742 = arith.constant 128 : i32
      %dma_start3A_743 = arith.constant 0 : i32
      %dma_start3A_744 = tpu.memref_slice %arg13[%dma_start3A_741, %dma_start3A_742, %dma_start3A_743] : memref<16x512x2xf32, #tpu.memory_space<vmem>> -> memref<1x128x2xf32, #tpu.memory_space<vmem>>
      %dma_start3A_745 = tpu.memref_squeeze %dma_start3A_744 : memref<1x128x2xf32, #tpu.memory_space<vmem>> -> memref<128x2xf32, #tpu.memory_space<vmem>>
      %dma_start3A_746 = arith.constant 0 : i32
      %dma_start3A_747 = tpu.memref_slice %arg10[%dma_start3A_739, %dma_start3A_740, %dma_start3A_746] : memref<16x4x128xi32, #tpu.memory_space<vmem>> -> memref<1x1x128xi32, #tpu.memory_space<vmem>>
      %dma_start3A_748 = tpu.memref_squeeze %dma_start3A_747 : memref<1x1x128xi32, #tpu.memory_space<vmem>> -> memref<128xi32, #tpu.memory_space<vmem>>
      %dma_start3A_749 = arith.constant 0 : i32
      %dma_start3A_750 = arith.constant 0 : i32
      %dma_start3A_751 = tpu.memref_slice %arg6[%dma_start3A_749, %dma_start3A_750] : memref<2097152x2xf32, #tpu.memory_space<hbm>> -> memref<2097152x2xf32, #tpu.memory_space<hbm>>
      tpu.enqueue_indirect_dma source(%dma_start3A_751 : memref<2097152x2xf32, #tpu.memory_space<hbm>>) target(%dma_start3A_745 : memref<128x2xf32, #tpu.memory_space<vmem>>) offsets(%dma_start3A_748 : memref<128xi32, #tpu.memory_space<vmem>>) semaphore(%arg16 : memref<!tpu.dma_semaphore, #tpu.memory_space<semaphore_mem>>)
      %dma_start3A_752 = arith.constant 13 : i32
      %dma_start3A_753 = arith.constant 2 : i32
      %dma_start3A_754 = arith.constant 13 : i32
      %dma_start3A_755 = arith.constant 256 : i32
      %dma_start3A_756 = arith.constant 0 : i32
      %dma_start3A_757 = tpu.memref_slice %arg13[%dma_start3A_754, %dma_start3A_755, %dma_start3A_756] : memref<16x512x2xf32, #tpu.memory_space<vmem>> -> memref<1x128x2xf32, #tpu.memory_space<vmem>>
      %dma_start3A_758 = tpu.memref_squeeze %dma_start3A_757 : memref<1x128x2xf32, #tpu.memory_space<vmem>> -> memref<128x2xf32, #tpu.memory_space<vmem>>
      %dma_start3A_759 = arith.constant 0 : i32
      %dma_start3A_760 = tpu.memref_slice %arg10[%dma_start3A_752, %dma_start3A_753, %dma_start3A_759] : memref<16x4x128xi32, #tpu.memory_space<vmem>> -> memref<1x1x128xi32, #tpu.memory_space<vmem>>
      %dma_start3A_761 = tpu.memref_squeeze %dma_start3A_760 : memref<1x1x128xi32, #tpu.memory_space<vmem>> -> memref<128xi32, #tpu.memory_space<vmem>>
      %dma_start3A_762 = arith.constant 0 : i32
      %dma_start3A_763 = arith.constant 0 : i32
      %dma_start3A_764 = tpu.memref_slice %arg6[%dma_start3A_762, %dma_start3A_763] : memref<2097152x2xf32, #tpu.memory_space<hbm>> -> memref<2097152x2xf32, #tpu.memory_space<hbm>>
      tpu.enqueue_indirect_dma source(%dma_start3A_764 : memref<2097152x2xf32, #tpu.memory_space<hbm>>) target(%dma_start3A_758 : memref<128x2xf32, #tpu.memory_space<vmem>>) offsets(%dma_start3A_761 : memref<128xi32, #tpu.memory_space<vmem>>) semaphore(%arg16 : memref<!tpu.dma_semaphore, #tpu.memory_space<semaphore_mem>>)
      %dma_start3A_765 = arith.constant 13 : i32
      %dma_start3A_766 = arith.constant 3 : i32
      %dma_start3A_767 = arith.constant 13 : i32
      %dma_start3A_768 = arith.constant 384 : i32
      %dma_start3A_769 = arith.constant 0 : i32
      %dma_start3A_770 = tpu.memref_slice %arg13[%dma_start3A_767, %dma_start3A_768, %dma_start3A_769] : memref<16x512x2xf32, #tpu.memory_space<vmem>> -> memref<1x128x2xf32, #tpu.memory_space<vmem>>
      %dma_start3A_771 = tpu.memref_squeeze %dma_start3A_770 : memref<1x128x2xf32, #tpu.memory_space<vmem>> -> memref<128x2xf32, #tpu.memory_space<vmem>>
      %dma_start3A_772 = arith.constant 0 : i32
      %dma_start3A_773 = tpu.memref_slice %arg10[%dma_start3A_765, %dma_start3A_766, %dma_start3A_772] : memref<16x4x128xi32, #tpu.memory_space<vmem>> -> memref<1x1x128xi32, #tpu.memory_space<vmem>>
      %dma_start3A_774 = tpu.memref_squeeze %dma_start3A_773 : memref<1x1x128xi32, #tpu.memory_space<vmem>> -> memref<128xi32, #tpu.memory_space<vmem>>
      %dma_start3A_775 = arith.constant 0 : i32
      %dma_start3A_776 = arith.constant 0 : i32
      %dma_start3A_777 = tpu.memref_slice %arg6[%dma_start3A_775, %dma_start3A_776] : memref<2097152x2xf32, #tpu.memory_space<hbm>> -> memref<2097152x2xf32, #tpu.memory_space<hbm>>
      tpu.enqueue_indirect_dma source(%dma_start3A_777 : memref<2097152x2xf32, #tpu.memory_space<hbm>>) target(%dma_start3A_771 : memref<128x2xf32, #tpu.memory_space<vmem>>) offsets(%dma_start3A_774 : memref<128xi32, #tpu.memory_space<vmem>>) semaphore(%arg16 : memref<!tpu.dma_semaphore, #tpu.memory_space<semaphore_mem>>)
      %dma_start3A_778 = arith.constant 14 : i32
      %dma_start3A_779 = arith.constant 0 : i32
      %dma_start3A_780 = arith.constant 14 : i32
      %dma_start3A_781 = arith.constant 0 : i32
      %dma_start3A_782 = arith.constant 0 : i32
      %dma_start3A_783 = tpu.memref_slice %arg13[%dma_start3A_780, %dma_start3A_781, %dma_start3A_782] : memref<16x512x2xf32, #tpu.memory_space<vmem>> -> memref<1x128x2xf32, #tpu.memory_space<vmem>>
      %dma_start3A_784 = tpu.memref_squeeze %dma_start3A_783 : memref<1x128x2xf32, #tpu.memory_space<vmem>> -> memref<128x2xf32, #tpu.memory_space<vmem>>
      %dma_start3A_785 = arith.constant 0 : i32
      %dma_start3A_786 = tpu.memref_slice %arg10[%dma_start3A_778, %dma_start3A_779, %dma_start3A_785] : memref<16x4x128xi32, #tpu.memory_space<vmem>> -> memref<1x1x128xi32, #tpu.memory_space<vmem>>
      %dma_start3A_787 = tpu.memref_squeeze %dma_start3A_786 : memref<1x1x128xi32, #tpu.memory_space<vmem>> -> memref<128xi32, #tpu.memory_space<vmem>>
      %dma_start3A_788 = arith.constant 0 : i32
      %dma_start3A_789 = arith.constant 0 : i32
      %dma_start3A_790 = tpu.memref_slice %arg6[%dma_start3A_788, %dma_start3A_789] : memref<2097152x2xf32, #tpu.memory_space<hbm>> -> memref<2097152x2xf32, #tpu.memory_space<hbm>>
      tpu.enqueue_indirect_dma source(%dma_start3A_790 : memref<2097152x2xf32, #tpu.memory_space<hbm>>) target(%dma_start3A_784 : memref<128x2xf32, #tpu.memory_space<vmem>>) offsets(%dma_start3A_787 : memref<128xi32, #tpu.memory_space<vmem>>) semaphore(%arg16 : memref<!tpu.dma_semaphore, #tpu.memory_space<semaphore_mem>>)
      %dma_start3A_791 = arith.constant 14 : i32
      %dma_start3A_792 = arith.constant 1 : i32
      %dma_start3A_793 = arith.constant 14 : i32
      %dma_start3A_794 = arith.constant 128 : i32
      %dma_start3A_795 = arith.constant 0 : i32
      %dma_start3A_796 = tpu.memref_slice %arg13[%dma_start3A_793, %dma_start3A_794, %dma_start3A_795] : memref<16x512x2xf32, #tpu.memory_space<vmem>> -> memref<1x128x2xf32, #tpu.memory_space<vmem>>
      %dma_start3A_797 = tpu.memref_squeeze %dma_start3A_796 : memref<1x128x2xf32, #tpu.memory_space<vmem>> -> memref<128x2xf32, #tpu.memory_space<vmem>>
      %dma_start3A_798 = arith.constant 0 : i32
      %dma_start3A_799 = tpu.memref_slice %arg10[%dma_start3A_791, %dma_start3A_792, %dma_start3A_798] : memref<16x4x128xi32, #tpu.memory_space<vmem>> -> memref<1x1x128xi32, #tpu.memory_space<vmem>>
      %dma_start3A_800 = tpu.memref_squeeze %dma_start3A_799 : memref<1x1x128xi32, #tpu.memory_space<vmem>> -> memref<128xi32, #tpu.memory_space<vmem>>
      %dma_start3A_801 = arith.constant 0 : i32
      %dma_start3A_802 = arith.constant 0 : i32
      %dma_start3A_803 = tpu.memref_slice %arg6[%dma_start3A_801, %dma_start3A_802] : memref<2097152x2xf32, #tpu.memory_space<hbm>> -> memref<2097152x2xf32, #tpu.memory_space<hbm>>
      tpu.enqueue_indirect_dma source(%dma_start3A_803 : memref<2097152x2xf32, #tpu.memory_space<hbm>>) target(%dma_start3A_797 : memref<128x2xf32, #tpu.memory_space<vmem>>) offsets(%dma_start3A_800 : memref<128xi32, #tpu.memory_space<vmem>>) semaphore(%arg16 : memref<!tpu.dma_semaphore, #tpu.memory_space<semaphore_mem>>)
      %dma_start3A_804 = arith.constant 14 : i32
      %dma_start3A_805 = arith.constant 2 : i32
      %dma_start3A_806 = arith.constant 14 : i32
      %dma_start3A_807 = arith.constant 256 : i32
      %dma_start3A_808 = arith.constant 0 : i32
      %dma_start3A_809 = tpu.memref_slice %arg13[%dma_start3A_806, %dma_start3A_807, %dma_start3A_808] : memref<16x512x2xf32, #tpu.memory_space<vmem>> -> memref<1x128x2xf32, #tpu.memory_space<vmem>>
      %dma_start3A_810 = tpu.memref_squeeze %dma_start3A_809 : memref<1x128x2xf32, #tpu.memory_space<vmem>> -> memref<128x2xf32, #tpu.memory_space<vmem>>
      %dma_start3A_811 = arith.constant 0 : i32
      %dma_start3A_812 = tpu.memref_slice %arg10[%dma_start3A_804, %dma_start3A_805, %dma_start3A_811] : memref<16x4x128xi32, #tpu.memory_space<vmem>> -> memref<1x1x128xi32, #tpu.memory_space<vmem>>
      %dma_start3A_813 = tpu.memref_squeeze %dma_start3A_812 : memref<1x1x128xi32, #tpu.memory_space<vmem>> -> memref<128xi32, #tpu.memory_space<vmem>>
      %dma_start3A_814 = arith.constant 0 : i32
      %dma_start3A_815 = arith.constant 0 : i32
      %dma_start3A_816 = tpu.memref_slice %arg6[%dma_start3A_814, %dma_start3A_815] : memref<2097152x2xf32, #tpu.memory_space<hbm>> -> memref<2097152x2xf32, #tpu.memory_space<hbm>>
      tpu.enqueue_indirect_dma source(%dma_start3A_816 : memref<2097152x2xf32, #tpu.memory_space<hbm>>) target(%dma_start3A_810 : memref<128x2xf32, #tpu.memory_space<vmem>>) offsets(%dma_start3A_813 : memref<128xi32, #tpu.memory_space<vmem>>) semaphore(%arg16 : memref<!tpu.dma_semaphore, #tpu.memory_space<semaphore_mem>>)
      %dma_start3A_817 = arith.constant 14 : i32
      %dma_start3A_818 = arith.constant 3 : i32
      %dma_start3A_819 = arith.constant 14 : i32
      %dma_start3A_820 = arith.constant 384 : i32
      %dma_start3A_821 = arith.constant 0 : i32
      %dma_start3A_822 = tpu.memref_slice %arg13[%dma_start3A_819, %dma_start3A_820, %dma_start3A_821] : memref<16x512x2xf32, #tpu.memory_space<vmem>> -> memref<1x128x2xf32, #tpu.memory_space<vmem>>
      %dma_start3A_823 = tpu.memref_squeeze %dma_start3A_822 : memref<1x128x2xf32, #tpu.memory_space<vmem>> -> memref<128x2xf32, #tpu.memory_space<vmem>>
      %dma_start3A_824 = arith.constant 0 : i32
      %dma_start3A_825 = tpu.memref_slice %arg10[%dma_start3A_817, %dma_start3A_818, %dma_start3A_824] : memref<16x4x128xi32, #tpu.memory_space<vmem>> -> memref<1x1x128xi32, #tpu.memory_space<vmem>>
      %dma_start3A_826 = tpu.memref_squeeze %dma_start3A_825 : memref<1x1x128xi32, #tpu.memory_space<vmem>> -> memref<128xi32, #tpu.memory_space<vmem>>
      %dma_start3A_827 = arith.constant 0 : i32
      %dma_start3A_828 = arith.constant 0 : i32
      %dma_start3A_829 = tpu.memref_slice %arg6[%dma_start3A_827, %dma_start3A_828] : memref<2097152x2xf32, #tpu.memory_space<hbm>> -> memref<2097152x2xf32, #tpu.memory_space<hbm>>
      tpu.enqueue_indirect_dma source(%dma_start3A_829 : memref<2097152x2xf32, #tpu.memory_space<hbm>>) target(%dma_start3A_823 : memref<128x2xf32, #tpu.memory_space<vmem>>) offsets(%dma_start3A_826 : memref<128xi32, #tpu.memory_space<vmem>>) semaphore(%arg16 : memref<!tpu.dma_semaphore, #tpu.memory_space<semaphore_mem>>)
      %dma_start3A_830 = arith.constant 15 : i32
      %dma_start3A_831 = arith.constant 0 : i32
      %dma_start3A_832 = arith.constant 15 : i32
      %dma_start3A_833 = arith.constant 0 : i32
      %dma_start3A_834 = arith.constant 0 : i32
      %dma_start3A_835 = tpu.memref_slice %arg13[%dma_start3A_832, %dma_start3A_833, %dma_start3A_834] : memref<16x512x2xf32, #tpu.memory_space<vmem>> -> memref<1x128x2xf32, #tpu.memory_space<vmem>>
      %dma_start3A_836 = tpu.memref_squeeze %dma_start3A_835 : memref<1x128x2xf32, #tpu.memory_space<vmem>> -> memref<128x2xf32, #tpu.memory_space<vmem>>
      %dma_start3A_837 = arith.constant 0 : i32
      %dma_start3A_838 = tpu.memref_slice %arg10[%dma_start3A_830, %dma_start3A_831, %dma_start3A_837] : memref<16x4x128xi32, #tpu.memory_space<vmem>> -> memref<1x1x128xi32, #tpu.memory_space<vmem>>
      %dma_start3A_839 = tpu.memref_squeeze %dma_start3A_838 : memref<1x1x128xi32, #tpu.memory_space<vmem>> -> memref<128xi32, #tpu.memory_space<vmem>>
      %dma_start3A_840 = arith.constant 0 : i32
      %dma_start3A_841 = arith.constant 0 : i32
      %dma_start3A_842 = tpu.memref_slice %arg6[%dma_start3A_840, %dma_start3A_841] : memref<2097152x2xf32, #tpu.memory_space<hbm>> -> memref<2097152x2xf32, #tpu.memory_space<hbm>>
      tpu.enqueue_indirect_dma source(%dma_start3A_842 : memref<2097152x2xf32, #tpu.memory_space<hbm>>) target(%dma_start3A_836 : memref<128x2xf32, #tpu.memory_space<vmem>>) offsets(%dma_start3A_839 : memref<128xi32, #tpu.memory_space<vmem>>) semaphore(%arg16 : memref<!tpu.dma_semaphore, #tpu.memory_space<semaphore_mem>>)
      %dma_start3A_843 = arith.constant 15 : i32
      %dma_start3A_844 = arith.constant 1 : i32
      %dma_start3A_845 = arith.constant 15 : i32
      %dma_start3A_846 = arith.constant 128 : i32
      %dma_start3A_847 = arith.constant 0 : i32
      %dma_start3A_848 = tpu.memref_slice %arg13[%dma_start3A_845, %dma_start3A_846, %dma_start3A_847] : memref<16x512x2xf32, #tpu.memory_space<vmem>> -> memref<1x128x2xf32, #tpu.memory_space<vmem>>
      %dma_start3A_849 = tpu.memref_squeeze %dma_start3A_848 : memref<1x128x2xf32, #tpu.memory_space<vmem>> -> memref<128x2xf32, #tpu.memory_space<vmem>>
      %dma_start3A_850 = arith.constant 0 : i32
      %dma_start3A_851 = tpu.memref_slice %arg10[%dma_start3A_843, %dma_start3A_844, %dma_start3A_850] : memref<16x4x128xi32, #tpu.memory_space<vmem>> -> memref<1x1x128xi32, #tpu.memory_space<vmem>>
      %dma_start3A_852 = tpu.memref_squeeze %dma_start3A_851 : memref<1x1x128xi32, #tpu.memory_space<vmem>> -> memref<128xi32, #tpu.memory_space<vmem>>
      %dma_start3A_853 = arith.constant 0 : i32
      %dma_start3A_854 = arith.constant 0 : i32
      %dma_start3A_855 = tpu.memref_slice %arg6[%dma_start3A_853, %dma_start3A_854] : memref<2097152x2xf32, #tpu.memory_space<hbm>> -> memref<2097152x2xf32, #tpu.memory_space<hbm>>
      tpu.enqueue_indirect_dma source(%dma_start3A_855 : memref<2097152x2xf32, #tpu.memory_space<hbm>>) target(%dma_start3A_849 : memref<128x2xf32, #tpu.memory_space<vmem>>) offsets(%dma_start3A_852 : memref<128xi32, #tpu.memory_space<vmem>>) semaphore(%arg16 : memref<!tpu.dma_semaphore, #tpu.memory_space<semaphore_mem>>)
      %dma_start3A_856 = arith.constant 15 : i32
      %dma_start3A_857 = arith.constant 2 : i32
      %dma_start3A_858 = arith.constant 15 : i32
      %dma_start3A_859 = arith.constant 256 : i32
      %dma_start3A_860 = arith.constant 0 : i32
      %dma_start3A_861 = tpu.memref_slice %arg13[%dma_start3A_858, %dma_start3A_859, %dma_start3A_860] : memref<16x512x2xf32, #tpu.memory_space<vmem>> -> memref<1x128x2xf32, #tpu.memory_space<vmem>>
      %dma_start3A_862 = tpu.memref_squeeze %dma_start3A_861 : memref<1x128x2xf32, #tpu.memory_space<vmem>> -> memref<128x2xf32, #tpu.memory_space<vmem>>
      %dma_start3A_863 = arith.constant 0 : i32
      %dma_start3A_864 = tpu.memref_slice %arg10[%dma_start3A_856, %dma_start3A_857, %dma_start3A_863] : memref<16x4x128xi32, #tpu.memory_space<vmem>> -> memref<1x1x128xi32, #tpu.memory_space<vmem>>
      %dma_start3A_865 = tpu.memref_squeeze %dma_start3A_864 : memref<1x1x128xi32, #tpu.memory_space<vmem>> -> memref<128xi32, #tpu.memory_space<vmem>>
      %dma_start3A_866 = arith.constant 0 : i32
      %dma_start3A_867 = arith.constant 0 : i32
      %dma_start3A_868 = tpu.memref_slice %arg6[%dma_start3A_866, %dma_start3A_867] : memref<2097152x2xf32, #tpu.memory_space<hbm>> -> memref<2097152x2xf32, #tpu.memory_space<hbm>>
      tpu.enqueue_indirect_dma source(%dma_start3A_868 : memref<2097152x2xf32, #tpu.memory_space<hbm>>) target(%dma_start3A_862 : memref<128x2xf32, #tpu.memory_space<vmem>>) offsets(%dma_start3A_865 : memref<128xi32, #tpu.memory_space<vmem>>) semaphore(%arg16 : memref<!tpu.dma_semaphore, #tpu.memory_space<semaphore_mem>>)
      %dma_start3A_869 = arith.constant 15 : i32
      %dma_start3A_870 = arith.constant 3 : i32
      %dma_start3A_871 = arith.constant 15 : i32
      %dma_start3A_872 = arith.constant 384 : i32
      %dma_start3A_873 = arith.constant 0 : i32
      %dma_start3A_874 = tpu.memref_slice %arg13[%dma_start3A_871, %dma_start3A_872, %dma_start3A_873] : memref<16x512x2xf32, #tpu.memory_space<vmem>> -> memref<1x128x2xf32, #tpu.memory_space<vmem>>
      %dma_start3A_875 = tpu.memref_squeeze %dma_start3A_874 : memref<1x128x2xf32, #tpu.memory_space<vmem>> -> memref<128x2xf32, #tpu.memory_space<vmem>>
      %dma_start3A_876 = arith.constant 0 : i32
      %dma_start3A_877 = tpu.memref_slice %arg10[%dma_start3A_869, %dma_start3A_870, %dma_start3A_876] : memref<16x4x128xi32, #tpu.memory_space<vmem>> -> memref<1x1x128xi32, #tpu.memory_space<vmem>>
      %dma_start3A_878 = tpu.memref_squeeze %dma_start3A_877 : memref<1x1x128xi32, #tpu.memory_space<vmem>> -> memref<128xi32, #tpu.memory_space<vmem>>
      %dma_start3A_879 = arith.constant 0 : i32
      %dma_start3A_880 = arith.constant 0 : i32
      %dma_start3A_881 = tpu.memref_slice %arg6[%dma_start3A_879, %dma_start3A_880] : memref<2097152x2xf32, #tpu.memory_space<hbm>> -> memref<2097152x2xf32, #tpu.memory_space<hbm>>
      tpu.enqueue_indirect_dma source(%dma_start3A_881 : memref<2097152x2xf32, #tpu.memory_space<hbm>>) target(%dma_start3A_875 : memref<128x2xf32, #tpu.memory_space<vmem>>) offsets(%dma_start3A_878 : memref<128xi32, #tpu.memory_space<vmem>>) semaphore(%arg16 : memref<!tpu.dma_semaphore, #tpu.memory_space<semaphore_mem>>)
      %dma_wait3A = arith.constant 0 : i32
      %dma_wait3A_882 = arith.constant 0 : i32
      %dma_wait3A_883 = arith.constant 0 : i32
      %dma_wait3A_884 = arith.constant 0 : i32
      %dma_wait3A_885 = arith.constant 0 : i32
      %dma_wait3A_886 = tpu.memref_slice %arg13[%dma_wait3A_883, %dma_wait3A_884, %dma_wait3A_885] : memref<16x512x2xf32, #tpu.memory_space<vmem>> -> memref<1x128x2xf32, #tpu.memory_space<vmem>>
      %dma_wait3A_887 = tpu.memref_squeeze %dma_wait3A_886 : memref<1x128x2xf32, #tpu.memory_space<vmem>> -> memref<128x2xf32, #tpu.memory_space<vmem>>
      %dma_wait3A_888 = arith.constant 0 : i32
      %dma_wait3A_889 = tpu.memref_slice %arg10[%dma_wait3A, %dma_wait3A_882, %dma_wait3A_888] : memref<16x4x128xi32, #tpu.memory_space<vmem>> -> memref<1x1x128xi32, #tpu.memory_space<vmem>>
      %dma_wait3A_890 = tpu.memref_squeeze %dma_wait3A_889 : memref<1x1x128xi32, #tpu.memory_space<vmem>> -> memref<128xi32, #tpu.memory_space<vmem>>
      %dma_wait3A_891 = arith.constant 0 : i32
      %dma_wait3A_892 = arith.constant 0 : i32
      %dma_wait3A_893 = tpu.memref_slice %arg3[%dma_wait3A_891, %dma_wait3A_892] : memref<32768x2xf32, #tpu.memory_space<hbm>> -> memref<32768x2xf32, #tpu.memory_space<hbm>>
      tpu.wait_indirect_dma semaphore(%arg16 : memref<!tpu.dma_semaphore, #tpu.memory_space<semaphore_mem>>) src(%dma_wait3A_893 : memref<32768x2xf32, #tpu.memory_space<hbm>>) dst(%dma_wait3A_887 : memref<128x2xf32, #tpu.memory_space<vmem>>)
      %dma_wait3A_894 = arith.constant 0 : i32
      %dma_wait3A_895 = arith.constant 1 : i32
      %dma_wait3A_896 = arith.constant 0 : i32
      %dma_wait3A_897 = arith.constant 128 : i32
      %dma_wait3A_898 = arith.constant 0 : i32
      %dma_wait3A_899 = tpu.memref_slice %arg13[%dma_wait3A_896, %dma_wait3A_897, %dma_wait3A_898] : memref<16x512x2xf32, #tpu.memory_space<vmem>> -> memref<1x128x2xf32, #tpu.memory_space<vmem>>
      %dma_wait3A_900 = tpu.memref_squeeze %dma_wait3A_899 : memref<1x128x2xf32, #tpu.memory_space<vmem>> -> memref<128x2xf32, #tpu.memory_space<vmem>>
      %dma_wait3A_901 = arith.constant 0 : i32
      %dma_wait3A_902 = tpu.memref_slice %arg10[%dma_wait3A_894, %dma_wait3A_895, %dma_wait3A_901] : memref<16x4x128xi32, #tpu.memory_space<vmem>> -> memref<1x1x128xi32, #tpu.memory_space<vmem>>
      %dma_wait3A_903 = tpu.memref_squeeze %dma_wait3A_902 : memref<1x1x128xi32, #tpu.memory_space<vmem>> -> memref<128xi32, #tpu.memory_space<vmem>>
      %dma_wait3A_904 = arith.constant 0 : i32
      %dma_wait3A_905 = arith.constant 0 : i32
      %dma_wait3A_906 = tpu.memref_slice %arg3[%dma_wait3A_904, %dma_wait3A_905] : memref<32768x2xf32, #tpu.memory_space<hbm>> -> memref<32768x2xf32, #tpu.memory_space<hbm>>
      tpu.wait_indirect_dma semaphore(%arg16 : memref<!tpu.dma_semaphore, #tpu.memory_space<semaphore_mem>>) src(%dma_wait3A_906 : memref<32768x2xf32, #tpu.memory_space<hbm>>) dst(%dma_wait3A_900 : memref<128x2xf32, #tpu.memory_space<vmem>>)
      %dma_wait3A_907 = arith.constant 0 : i32
      %dma_wait3A_908 = arith.constant 2 : i32
      %dma_wait3A_909 = arith.constant 0 : i32
      %dma_wait3A_910 = arith.constant 256 : i32
      %dma_wait3A_911 = arith.constant 0 : i32
      %dma_wait3A_912 = tpu.memref_slice %arg13[%dma_wait3A_909, %dma_wait3A_910, %dma_wait3A_911] : memref<16x512x2xf32, #tpu.memory_space<vmem>> -> memref<1x128x2xf32, #tpu.memory_space<vmem>>
      %dma_wait3A_913 = tpu.memref_squeeze %dma_wait3A_912 : memref<1x128x2xf32, #tpu.memory_space<vmem>> -> memref<128x2xf32, #tpu.memory_space<vmem>>
      %dma_wait3A_914 = arith.constant 0 : i32
      %dma_wait3A_915 = tpu.memref_slice %arg10[%dma_wait3A_907, %dma_wait3A_908, %dma_wait3A_914] : memref<16x4x128xi32, #tpu.memory_space<vmem>> -> memref<1x1x128xi32, #tpu.memory_space<vmem>>
      %dma_wait3A_916 = tpu.memref_squeeze %dma_wait3A_915 : memref<1x1x128xi32, #tpu.memory_space<vmem>> -> memref<128xi32, #tpu.memory_space<vmem>>
      %dma_wait3A_917 = arith.constant 0 : i32
      %dma_wait3A_918 = arith.constant 0 : i32
      %dma_wait3A_919 = tpu.memref_slice %arg3[%dma_wait3A_917, %dma_wait3A_918] : memref<32768x2xf32, #tpu.memory_space<hbm>> -> memref<32768x2xf32, #tpu.memory_space<hbm>>
      tpu.wait_indirect_dma semaphore(%arg16 : memref<!tpu.dma_semaphore, #tpu.memory_space<semaphore_mem>>) src(%dma_wait3A_919 : memref<32768x2xf32, #tpu.memory_space<hbm>>) dst(%dma_wait3A_913 : memref<128x2xf32, #tpu.memory_space<vmem>>)
      %dma_wait3A_920 = arith.constant 0 : i32
      %dma_wait3A_921 = arith.constant 3 : i32
      %dma_wait3A_922 = arith.constant 0 : i32
      %dma_wait3A_923 = arith.constant 384 : i32
      %dma_wait3A_924 = arith.constant 0 : i32
      %dma_wait3A_925 = tpu.memref_slice %arg13[%dma_wait3A_922, %dma_wait3A_923, %dma_wait3A_924] : memref<16x512x2xf32, #tpu.memory_space<vmem>> -> memref<1x128x2xf32, #tpu.memory_space<vmem>>
      %dma_wait3A_926 = tpu.memref_squeeze %dma_wait3A_925 : memref<1x128x2xf32, #tpu.memory_space<vmem>> -> memref<128x2xf32, #tpu.memory_space<vmem>>
      %dma_wait3A_927 = arith.constant 0 : i32
      %dma_wait3A_928 = tpu.memref_slice %arg10[%dma_wait3A_920, %dma_wait3A_921, %dma_wait3A_927] : memref<16x4x128xi32, #tpu.memory_space<vmem>> -> memref<1x1x128xi32, #tpu.memory_space<vmem>>
      %dma_wait3A_929 = tpu.memref_squeeze %dma_wait3A_928 : memref<1x1x128xi32, #tpu.memory_space<vmem>> -> memref<128xi32, #tpu.memory_space<vmem>>
      %dma_wait3A_930 = arith.constant 0 : i32
      %dma_wait3A_931 = arith.constant 0 : i32
      %dma_wait3A_932 = tpu.memref_slice %arg3[%dma_wait3A_930, %dma_wait3A_931] : memref<32768x2xf32, #tpu.memory_space<hbm>> -> memref<32768x2xf32, #tpu.memory_space<hbm>>
      tpu.wait_indirect_dma semaphore(%arg16 : memref<!tpu.dma_semaphore, #tpu.memory_space<semaphore_mem>>) src(%dma_wait3A_932 : memref<32768x2xf32, #tpu.memory_space<hbm>>) dst(%dma_wait3A_926 : memref<128x2xf32, #tpu.memory_space<vmem>>)
      %dma_wait3A_933 = arith.constant 1 : i32
      %dma_wait3A_934 = arith.constant 0 : i32
      %dma_wait3A_935 = arith.constant 1 : i32
      %dma_wait3A_936 = arith.constant 0 : i32
      %dma_wait3A_937 = arith.constant 0 : i32
      %dma_wait3A_938 = tpu.memref_slice %arg13[%dma_wait3A_935, %dma_wait3A_936, %dma_wait3A_937] : memref<16x512x2xf32, #tpu.memory_space<vmem>> -> memref<1x128x2xf32, #tpu.memory_space<vmem>>
      %dma_wait3A_939 = tpu.memref_squeeze %dma_wait3A_938 : memref<1x128x2xf32, #tpu.memory_space<vmem>> -> memref<128x2xf32, #tpu.memory_space<vmem>>
      %dma_wait3A_940 = arith.constant 0 : i32
      %dma_wait3A_941 = tpu.memref_slice %arg10[%dma_wait3A_933, %dma_wait3A_934, %dma_wait3A_940] : memref<16x4x128xi32, #tpu.memory_space<vmem>> -> memref<1x1x128xi32, #tpu.memory_space<vmem>>
      %dma_wait3A_942 = tpu.memref_squeeze %dma_wait3A_941 : memref<1x1x128xi32, #tpu.memory_space<vmem>> -> memref<128xi32, #tpu.memory_space<vmem>>
      %dma_wait3A_943 = arith.constant 0 : i32
      %dma_wait3A_944 = arith.constant 0 : i32
      %dma_wait3A_945 = tpu.memref_slice %arg3[%dma_wait3A_943, %dma_wait3A_944] : memref<32768x2xf32, #tpu.memory_space<hbm>> -> memref<32768x2xf32, #tpu.memory_space<hbm>>
      tpu.wait_indirect_dma semaphore(%arg16 : memref<!tpu.dma_semaphore, #tpu.memory_space<semaphore_mem>>) src(%dma_wait3A_945 : memref<32768x2xf32, #tpu.memory_space<hbm>>) dst(%dma_wait3A_939 : memref<128x2xf32, #tpu.memory_space<vmem>>)
      %dma_wait3A_946 = arith.constant 1 : i32
      %dma_wait3A_947 = arith.constant 1 : i32
      %dma_wait3A_948 = arith.constant 1 : i32
      %dma_wait3A_949 = arith.constant 128 : i32
      %dma_wait3A_950 = arith.constant 0 : i32
      %dma_wait3A_951 = tpu.memref_slice %arg13[%dma_wait3A_948, %dma_wait3A_949, %dma_wait3A_950] : memref<16x512x2xf32, #tpu.memory_space<vmem>> -> memref<1x128x2xf32, #tpu.memory_space<vmem>>
      %dma_wait3A_952 = tpu.memref_squeeze %dma_wait3A_951 : memref<1x128x2xf32, #tpu.memory_space<vmem>> -> memref<128x2xf32, #tpu.memory_space<vmem>>
      %dma_wait3A_953 = arith.constant 0 : i32
      %dma_wait3A_954 = tpu.memref_slice %arg10[%dma_wait3A_946, %dma_wait3A_947, %dma_wait3A_953] : memref<16x4x128xi32, #tpu.memory_space<vmem>> -> memref<1x1x128xi32, #tpu.memory_space<vmem>>
      %dma_wait3A_955 = tpu.memref_squeeze %dma_wait3A_954 : memref<1x1x128xi32, #tpu.memory_space<vmem>> -> memref<128xi32, #tpu.memory_space<vmem>>
      %dma_wait3A_956 = arith.constant 0 : i32
      %dma_wait3A_957 = arith.constant 0 : i32
      %dma_wait3A_958 = tpu.memref_slice %arg3[%dma_wait3A_956, %dma_wait3A_957] : memref<32768x2xf32, #tpu.memory_space<hbm>> -> memref<32768x2xf32, #tpu.memory_space<hbm>>
      tpu.wait_indirect_dma semaphore(%arg16 : memref<!tpu.dma_semaphore, #tpu.memory_space<semaphore_mem>>) src(%dma_wait3A_958 : memref<32768x2xf32, #tpu.memory_space<hbm>>) dst(%dma_wait3A_952 : memref<128x2xf32, #tpu.memory_space<vmem>>)
      %dma_wait3A_959 = arith.constant 1 : i32
      %dma_wait3A_960 = arith.constant 2 : i32
      %dma_wait3A_961 = arith.constant 1 : i32
      %dma_wait3A_962 = arith.constant 256 : i32
      %dma_wait3A_963 = arith.constant 0 : i32
      %dma_wait3A_964 = tpu.memref_slice %arg13[%dma_wait3A_961, %dma_wait3A_962, %dma_wait3A_963] : memref<16x512x2xf32, #tpu.memory_space<vmem>> -> memref<1x128x2xf32, #tpu.memory_space<vmem>>
      %dma_wait3A_965 = tpu.memref_squeeze %dma_wait3A_964 : memref<1x128x2xf32, #tpu.memory_space<vmem>> -> memref<128x2xf32, #tpu.memory_space<vmem>>
      %dma_wait3A_966 = arith.constant 0 : i32
      %dma_wait3A_967 = tpu.memref_slice %arg10[%dma_wait3A_959, %dma_wait3A_960, %dma_wait3A_966] : memref<16x4x128xi32, #tpu.memory_space<vmem>> -> memref<1x1x128xi32, #tpu.memory_space<vmem>>
      %dma_wait3A_968 = tpu.memref_squeeze %dma_wait3A_967 : memref<1x1x128xi32, #tpu.memory_space<vmem>> -> memref<128xi32, #tpu.memory_space<vmem>>
      %dma_wait3A_969 = arith.constant 0 : i32
      %dma_wait3A_970 = arith.constant 0 : i32
      %dma_wait3A_971 = tpu.memref_slice %arg3[%dma_wait3A_969, %dma_wait3A_970] : memref<32768x2xf32, #tpu.memory_space<hbm>> -> memref<32768x2xf32, #tpu.memory_space<hbm>>
      tpu.wait_indirect_dma semaphore(%arg16 : memref<!tpu.dma_semaphore, #tpu.memory_space<semaphore_mem>>) src(%dma_wait3A_971 : memref<32768x2xf32, #tpu.memory_space<hbm>>) dst(%dma_wait3A_965 : memref<128x2xf32, #tpu.memory_space<vmem>>)
      %dma_wait3A_972 = arith.constant 1 : i32
      %dma_wait3A_973 = arith.constant 3 : i32
      %dma_wait3A_974 = arith.constant 1 : i32
      %dma_wait3A_975 = arith.constant 384 : i32
      %dma_wait3A_976 = arith.constant 0 : i32
      %dma_wait3A_977 = tpu.memref_slice %arg13[%dma_wait3A_974, %dma_wait3A_975, %dma_wait3A_976] : memref<16x512x2xf32, #tpu.memory_space<vmem>> -> memref<1x128x2xf32, #tpu.memory_space<vmem>>
      %dma_wait3A_978 = tpu.memref_squeeze %dma_wait3A_977 : memref<1x128x2xf32, #tpu.memory_space<vmem>> -> memref<128x2xf32, #tpu.memory_space<vmem>>
      %dma_wait3A_979 = arith.constant 0 : i32
      %dma_wait3A_980 = tpu.memref_slice %arg10[%dma_wait3A_972, %dma_wait3A_973, %dma_wait3A_979] : memref<16x4x128xi32, #tpu.memory_space<vmem>> -> memref<1x1x128xi32, #tpu.memory_space<vmem>>
      %dma_wait3A_981 = tpu.memref_squeeze %dma_wait3A_980 : memref<1x1x128xi32, #tpu.memory_space<vmem>> -> memref<128xi32, #tpu.memory_space<vmem>>
      %dma_wait3A_982 = arith.constant 0 : i32
      %dma_wait3A_983 = arith.constant 0 : i32
      %dma_wait3A_984 = tpu.memref_slice %arg3[%dma_wait3A_982, %dma_wait3A_983] : memref<32768x2xf32, #tpu.memory_space<hbm>> -> memref<32768x2xf32, #tpu.memory_space<hbm>>
      tpu.wait_indirect_dma semaphore(%arg16 : memref<!tpu.dma_semaphore, #tpu.memory_space<semaphore_mem>>) src(%dma_wait3A_984 : memref<32768x2xf32, #tpu.memory_space<hbm>>) dst(%dma_wait3A_978 : memref<128x2xf32, #tpu.memory_space<vmem>>)
      %dma_wait3A_985 = arith.constant 2 : i32
      %dma_wait3A_986 = arith.constant 0 : i32
      %dma_wait3A_987 = arith.constant 2 : i32
      %dma_wait3A_988 = arith.constant 0 : i32
      %dma_wait3A_989 = arith.constant 0 : i32
      %dma_wait3A_990 = tpu.memref_slice %arg13[%dma_wait3A_987, %dma_wait3A_988, %dma_wait3A_989] : memref<16x512x2xf32, #tpu.memory_space<vmem>> -> memref<1x128x2xf32, #tpu.memory_space<vmem>>
      %dma_wait3A_991 = tpu.memref_squeeze %dma_wait3A_990 : memref<1x128x2xf32, #tpu.memory_space<vmem>> -> memref<128x2xf32, #tpu.memory_space<vmem>>
      %dma_wait3A_992 = arith.constant 0 : i32
      %dma_wait3A_993 = tpu.memref_slice %arg10[%dma_wait3A_985, %dma_wait3A_986, %dma_wait3A_992] : memref<16x4x128xi32, #tpu.memory_space<vmem>> -> memref<1x1x128xi32, #tpu.memory_space<vmem>>
      %dma_wait3A_994 = tpu.memref_squeeze %dma_wait3A_993 : memref<1x1x128xi32, #tpu.memory_space<vmem>> -> memref<128xi32, #tpu.memory_space<vmem>>
      %dma_wait3A_995 = arith.constant 0 : i32
      %dma_wait3A_996 = arith.constant 0 : i32
      %dma_wait3A_997 = tpu.memref_slice %arg3[%dma_wait3A_995, %dma_wait3A_996] : memref<32768x2xf32, #tpu.memory_space<hbm>> -> memref<32768x2xf32, #tpu.memory_space<hbm>>
      tpu.wait_indirect_dma semaphore(%arg16 : memref<!tpu.dma_semaphore, #tpu.memory_space<semaphore_mem>>) src(%dma_wait3A_997 : memref<32768x2xf32, #tpu.memory_space<hbm>>) dst(%dma_wait3A_991 : memref<128x2xf32, #tpu.memory_space<vmem>>)
      %dma_wait3A_998 = arith.constant 2 : i32
      %dma_wait3A_999 = arith.constant 1 : i32
      %dma_wait3A_1000 = arith.constant 2 : i32
      %dma_wait3A_1001 = arith.constant 128 : i32
      %dma_wait3A_1002 = arith.constant 0 : i32
      %dma_wait3A_1003 = tpu.memref_slice %arg13[%dma_wait3A_1000, %dma_wait3A_1001, %dma_wait3A_1002] : memref<16x512x2xf32, #tpu.memory_space<vmem>> -> memref<1x128x2xf32, #tpu.memory_space<vmem>>
      %dma_wait3A_1004 = tpu.memref_squeeze %dma_wait3A_1003 : memref<1x128x2xf32, #tpu.memory_space<vmem>> -> memref<128x2xf32, #tpu.memory_space<vmem>>
      %dma_wait3A_1005 = arith.constant 0 : i32
      %dma_wait3A_1006 = tpu.memref_slice %arg10[%dma_wait3A_998, %dma_wait3A_999, %dma_wait3A_1005] : memref<16x4x128xi32, #tpu.memory_space<vmem>> -> memref<1x1x128xi32, #tpu.memory_space<vmem>>
      %dma_wait3A_1007 = tpu.memref_squeeze %dma_wait3A_1006 : memref<1x1x128xi32, #tpu.memory_space<vmem>> -> memref<128xi32, #tpu.memory_space<vmem>>
      %dma_wait3A_1008 = arith.constant 0 : i32
      %dma_wait3A_1009 = arith.constant 0 : i32
      %dma_wait3A_1010 = tpu.memref_slice %arg3[%dma_wait3A_1008, %dma_wait3A_1009] : memref<32768x2xf32, #tpu.memory_space<hbm>> -> memref<32768x2xf32, #tpu.memory_space<hbm>>
      tpu.wait_indirect_dma semaphore(%arg16 : memref<!tpu.dma_semaphore, #tpu.memory_space<semaphore_mem>>) src(%dma_wait3A_1010 : memref<32768x2xf32, #tpu.memory_space<hbm>>) dst(%dma_wait3A_1004 : memref<128x2xf32, #tpu.memory_space<vmem>>)
      %dma_wait3A_1011 = arith.constant 2 : i32
      %dma_wait3A_1012 = arith.constant 2 : i32
      %dma_wait3A_1013 = arith.constant 2 : i32
      %dma_wait3A_1014 = arith.constant 256 : i32
      %dma_wait3A_1015 = arith.constant 0 : i32
      %dma_wait3A_1016 = tpu.memref_slice %arg13[%dma_wait3A_1013, %dma_wait3A_1014, %dma_wait3A_1015] : memref<16x512x2xf32, #tpu.memory_space<vmem>> -> memref<1x128x2xf32, #tpu.memory_space<vmem>>
      %dma_wait3A_1017 = tpu.memref_squeeze %dma_wait3A_1016 : memref<1x128x2xf32, #tpu.memory_space<vmem>> -> memref<128x2xf32, #tpu.memory_space<vmem>>
      %dma_wait3A_1018 = arith.constant 0 : i32
      %dma_wait3A_1019 = tpu.memref_slice %arg10[%dma_wait3A_1011, %dma_wait3A_1012, %dma_wait3A_1018] : memref<16x4x128xi32, #tpu.memory_space<vmem>> -> memref<1x1x128xi32, #tpu.memory_space<vmem>>
      %dma_wait3A_1020 = tpu.memref_squeeze %dma_wait3A_1019 : memref<1x1x128xi32, #tpu.memory_space<vmem>> -> memref<128xi32, #tpu.memory_space<vmem>>
      %dma_wait3A_1021 = arith.constant 0 : i32
      %dma_wait3A_1022 = arith.constant 0 : i32
      %dma_wait3A_1023 = tpu.memref_slice %arg3[%dma_wait3A_1021, %dma_wait3A_1022] : memref<32768x2xf32, #tpu.memory_space<hbm>> -> memref<32768x2xf32, #tpu.memory_space<hbm>>
      tpu.wait_indirect_dma semaphore(%arg16 : memref<!tpu.dma_semaphore, #tpu.memory_space<semaphore_mem>>) src(%dma_wait3A_1023 : memref<32768x2xf32, #tpu.memory_space<hbm>>) dst(%dma_wait3A_1017 : memref<128x2xf32, #tpu.memory_space<vmem>>)
      %dma_wait3A_1024 = arith.constant 2 : i32
      %dma_wait3A_1025 = arith.constant 3 : i32
      %dma_wait3A_1026 = arith.constant 2 : i32
      %dma_wait3A_1027 = arith.constant 384 : i32
      %dma_wait3A_1028 = arith.constant 0 : i32
      %dma_wait3A_1029 = tpu.memref_slice %arg13[%dma_wait3A_1026, %dma_wait3A_1027, %dma_wait3A_1028] : memref<16x512x2xf32, #tpu.memory_space<vmem>> -> memref<1x128x2xf32, #tpu.memory_space<vmem>>
      %dma_wait3A_1030 = tpu.memref_squeeze %dma_wait3A_1029 : memref<1x128x2xf32, #tpu.memory_space<vmem>> -> memref<128x2xf32, #tpu.memory_space<vmem>>
      %dma_wait3A_1031 = arith.constant 0 : i32
      %dma_wait3A_1032 = tpu.memref_slice %arg10[%dma_wait3A_1024, %dma_wait3A_1025, %dma_wait3A_1031] : memref<16x4x128xi32, #tpu.memory_space<vmem>> -> memref<1x1x128xi32, #tpu.memory_space<vmem>>
      %dma_wait3A_1033 = tpu.memref_squeeze %dma_wait3A_1032 : memref<1x1x128xi32, #tpu.memory_space<vmem>> -> memref<128xi32, #tpu.memory_space<vmem>>
      %dma_wait3A_1034 = arith.constant 0 : i32
      %dma_wait3A_1035 = arith.constant 0 : i32
      %dma_wait3A_1036 = tpu.memref_slice %arg3[%dma_wait3A_1034, %dma_wait3A_1035] : memref<32768x2xf32, #tpu.memory_space<hbm>> -> memref<32768x2xf32, #tpu.memory_space<hbm>>
      tpu.wait_indirect_dma semaphore(%arg16 : memref<!tpu.dma_semaphore, #tpu.memory_space<semaphore_mem>>) src(%dma_wait3A_1036 : memref<32768x2xf32, #tpu.memory_space<hbm>>) dst(%dma_wait3A_1030 : memref<128x2xf32, #tpu.memory_space<vmem>>)
      %dma_wait3A_1037 = arith.constant 3 : i32
      %dma_wait3A_1038 = arith.constant 0 : i32
      %dma_wait3A_1039 = arith.constant 3 : i32
      %dma_wait3A_1040 = arith.constant 0 : i32
      %dma_wait3A_1041 = arith.constant 0 : i32
      %dma_wait3A_1042 = tpu.memref_slice %arg13[%dma_wait3A_1039, %dma_wait3A_1040, %dma_wait3A_1041] : memref<16x512x2xf32, #tpu.memory_space<vmem>> -> memref<1x128x2xf32, #tpu.memory_space<vmem>>
      %dma_wait3A_1043 = tpu.memref_squeeze %dma_wait3A_1042 : memref<1x128x2xf32, #tpu.memory_space<vmem>> -> memref<128x2xf32, #tpu.memory_space<vmem>>
      %dma_wait3A_1044 = arith.constant 0 : i32
      %dma_wait3A_1045 = tpu.memref_slice %arg10[%dma_wait3A_1037, %dma_wait3A_1038, %dma_wait3A_1044] : memref<16x4x128xi32, #tpu.memory_space<vmem>> -> memref<1x1x128xi32, #tpu.memory_space<vmem>>
      %dma_wait3A_1046 = tpu.memref_squeeze %dma_wait3A_1045 : memref<1x1x128xi32, #tpu.memory_space<vmem>> -> memref<128xi32, #tpu.memory_space<vmem>>
      %dma_wait3A_1047 = arith.constant 0 : i32
      %dma_wait3A_1048 = arith.constant 0 : i32
      %dma_wait3A_1049 = tpu.memref_slice %arg3[%dma_wait3A_1047, %dma_wait3A_1048] : memref<32768x2xf32, #tpu.memory_space<hbm>> -> memref<32768x2xf32, #tpu.memory_space<hbm>>
      tpu.wait_indirect_dma semaphore(%arg16 : memref<!tpu.dma_semaphore, #tpu.memory_space<semaphore_mem>>) src(%dma_wait3A_1049 : memref<32768x2xf32, #tpu.memory_space<hbm>>) dst(%dma_wait3A_1043 : memref<128x2xf32, #tpu.memory_space<vmem>>)
      %dma_wait3A_1050 = arith.constant 3 : i32
      %dma_wait3A_1051 = arith.constant 1 : i32
      %dma_wait3A_1052 = arith.constant 3 : i32
      %dma_wait3A_1053 = arith.constant 128 : i32
      %dma_wait3A_1054 = arith.constant 0 : i32
      %dma_wait3A_1055 = tpu.memref_slice %arg13[%dma_wait3A_1052, %dma_wait3A_1053, %dma_wait3A_1054] : memref<16x512x2xf32, #tpu.memory_space<vmem>> -> memref<1x128x2xf32, #tpu.memory_space<vmem>>
      %dma_wait3A_1056 = tpu.memref_squeeze %dma_wait3A_1055 : memref<1x128x2xf32, #tpu.memory_space<vmem>> -> memref<128x2xf32, #tpu.memory_space<vmem>>
      %dma_wait3A_1057 = arith.constant 0 : i32
      %dma_wait3A_1058 = tpu.memref_slice %arg10[%dma_wait3A_1050, %dma_wait3A_1051, %dma_wait3A_1057] : memref<16x4x128xi32, #tpu.memory_space<vmem>> -> memref<1x1x128xi32, #tpu.memory_space<vmem>>
      %dma_wait3A_1059 = tpu.memref_squeeze %dma_wait3A_1058 : memref<1x1x128xi32, #tpu.memory_space<vmem>> -> memref<128xi32, #tpu.memory_space<vmem>>
      %dma_wait3A_1060 = arith.constant 0 : i32
      %dma_wait3A_1061 = arith.constant 0 : i32
      %dma_wait3A_1062 = tpu.memref_slice %arg3[%dma_wait3A_1060, %dma_wait3A_1061] : memref<32768x2xf32, #tpu.memory_space<hbm>> -> memref<32768x2xf32, #tpu.memory_space<hbm>>
      tpu.wait_indirect_dma semaphore(%arg16 : memref<!tpu.dma_semaphore, #tpu.memory_space<semaphore_mem>>) src(%dma_wait3A_1062 : memref<32768x2xf32, #tpu.memory_space<hbm>>) dst(%dma_wait3A_1056 : memref<128x2xf32, #tpu.memory_space<vmem>>)
      %dma_wait3A_1063 = arith.constant 3 : i32
      %dma_wait3A_1064 = arith.constant 2 : i32
      %dma_wait3A_1065 = arith.constant 3 : i32
      %dma_wait3A_1066 = arith.constant 256 : i32
      %dma_wait3A_1067 = arith.constant 0 : i32
      %dma_wait3A_1068 = tpu.memref_slice %arg13[%dma_wait3A_1065, %dma_wait3A_1066, %dma_wait3A_1067] : memref<16x512x2xf32, #tpu.memory_space<vmem>> -> memref<1x128x2xf32, #tpu.memory_space<vmem>>
      %dma_wait3A_1069 = tpu.memref_squeeze %dma_wait3A_1068 : memref<1x128x2xf32, #tpu.memory_space<vmem>> -> memref<128x2xf32, #tpu.memory_space<vmem>>
      %dma_wait3A_1070 = arith.constant 0 : i32
      %dma_wait3A_1071 = tpu.memref_slice %arg10[%dma_wait3A_1063, %dma_wait3A_1064, %dma_wait3A_1070] : memref<16x4x128xi32, #tpu.memory_space<vmem>> -> memref<1x1x128xi32, #tpu.memory_space<vmem>>
      %dma_wait3A_1072 = tpu.memref_squeeze %dma_wait3A_1071 : memref<1x1x128xi32, #tpu.memory_space<vmem>> -> memref<128xi32, #tpu.memory_space<vmem>>
      %dma_wait3A_1073 = arith.constant 0 : i32
      %dma_wait3A_1074 = arith.constant 0 : i32
      %dma_wait3A_1075 = tpu.memref_slice %arg3[%dma_wait3A_1073, %dma_wait3A_1074] : memref<32768x2xf32, #tpu.memory_space<hbm>> -> memref<32768x2xf32, #tpu.memory_space<hbm>>
      tpu.wait_indirect_dma semaphore(%arg16 : memref<!tpu.dma_semaphore, #tpu.memory_space<semaphore_mem>>) src(%dma_wait3A_1075 : memref<32768x2xf32, #tpu.memory_space<hbm>>) dst(%dma_wait3A_1069 : memref<128x2xf32, #tpu.memory_space<vmem>>)
      %dma_wait3A_1076 = arith.constant 3 : i32
      %dma_wait3A_1077 = arith.constant 3 : i32
      %dma_wait3A_1078 = arith.constant 3 : i32
      %dma_wait3A_1079 = arith.constant 384 : i32
      %dma_wait3A_1080 = arith.constant 0 : i32
      %dma_wait3A_1081 = tpu.memref_slice %arg13[%dma_wait3A_1078, %dma_wait3A_1079, %dma_wait3A_1080] : memref<16x512x2xf32, #tpu.memory_space<vmem>> -> memref<1x128x2xf32, #tpu.memory_space<vmem>>
      %dma_wait3A_1082 = tpu.memref_squeeze %dma_wait3A_1081 : memref<1x128x2xf32, #tpu.memory_space<vmem>> -> memref<128x2xf32, #tpu.memory_space<vmem>>
      %dma_wait3A_1083 = arith.constant 0 : i32
      %dma_wait3A_1084 = tpu.memref_slice %arg10[%dma_wait3A_1076, %dma_wait3A_1077, %dma_wait3A_1083] : memref<16x4x128xi32, #tpu.memory_space<vmem>> -> memref<1x1x128xi32, #tpu.memory_space<vmem>>
      %dma_wait3A_1085 = tpu.memref_squeeze %dma_wait3A_1084 : memref<1x1x128xi32, #tpu.memory_space<vmem>> -> memref<128xi32, #tpu.memory_space<vmem>>
      %dma_wait3A_1086 = arith.constant 0 : i32
      %dma_wait3A_1087 = arith.constant 0 : i32
      %dma_wait3A_1088 = tpu.memref_slice %arg3[%dma_wait3A_1086, %dma_wait3A_1087] : memref<32768x2xf32, #tpu.memory_space<hbm>> -> memref<32768x2xf32, #tpu.memory_space<hbm>>
      tpu.wait_indirect_dma semaphore(%arg16 : memref<!tpu.dma_semaphore, #tpu.memory_space<semaphore_mem>>) src(%dma_wait3A_1088 : memref<32768x2xf32, #tpu.memory_space<hbm>>) dst(%dma_wait3A_1082 : memref<128x2xf32, #tpu.memory_space<vmem>>)
      %dma_wait3A_1089 = arith.constant 4 : i32
      %dma_wait3A_1090 = arith.constant 0 : i32
      %dma_wait3A_1091 = arith.constant 4 : i32
      %dma_wait3A_1092 = arith.constant 0 : i32
      %dma_wait3A_1093 = arith.constant 0 : i32
      %dma_wait3A_1094 = tpu.memref_slice %arg13[%dma_wait3A_1091, %dma_wait3A_1092, %dma_wait3A_1093] : memref<16x512x2xf32, #tpu.memory_space<vmem>> -> memref<1x128x2xf32, #tpu.memory_space<vmem>>
      %dma_wait3A_1095 = tpu.memref_squeeze %dma_wait3A_1094 : memref<1x128x2xf32, #tpu.memory_space<vmem>> -> memref<128x2xf32, #tpu.memory_space<vmem>>
      %dma_wait3A_1096 = arith.constant 0 : i32
      %dma_wait3A_1097 = tpu.memref_slice %arg10[%dma_wait3A_1089, %dma_wait3A_1090, %dma_wait3A_1096] : memref<16x4x128xi32, #tpu.memory_space<vmem>> -> memref<1x1x128xi32, #tpu.memory_space<vmem>>
      %dma_wait3A_1098 = tpu.memref_squeeze %dma_wait3A_1097 : memref<1x1x128xi32, #tpu.memory_space<vmem>> -> memref<128xi32, #tpu.memory_space<vmem>>
      %dma_wait3A_1099 = arith.constant 0 : i32
      %dma_wait3A_1100 = arith.constant 0 : i32
      %dma_wait3A_1101 = tpu.memref_slice %arg4[%dma_wait3A_1099, %dma_wait3A_1100] : memref<131072x2xf32, #tpu.memory_space<hbm>> -> memref<131072x2xf32, #tpu.memory_space<hbm>>
      tpu.wait_indirect_dma semaphore(%arg16 : memref<!tpu.dma_semaphore, #tpu.memory_space<semaphore_mem>>) src(%dma_wait3A_1101 : memref<131072x2xf32, #tpu.memory_space<hbm>>) dst(%dma_wait3A_1095 : memref<128x2xf32, #tpu.memory_space<vmem>>)
      %dma_wait3A_1102 = arith.constant 4 : i32
      %dma_wait3A_1103 = arith.constant 1 : i32
      %dma_wait3A_1104 = arith.constant 4 : i32
      %dma_wait3A_1105 = arith.constant 128 : i32
      %dma_wait3A_1106 = arith.constant 0 : i32
      %dma_wait3A_1107 = tpu.memref_slice %arg13[%dma_wait3A_1104, %dma_wait3A_1105, %dma_wait3A_1106] : memref<16x512x2xf32, #tpu.memory_space<vmem>> -> memref<1x128x2xf32, #tpu.memory_space<vmem>>
      %dma_wait3A_1108 = tpu.memref_squeeze %dma_wait3A_1107 : memref<1x128x2xf32, #tpu.memory_space<vmem>> -> memref<128x2xf32, #tpu.memory_space<vmem>>
      %dma_wait3A_1109 = arith.constant 0 : i32
      %dma_wait3A_1110 = tpu.memref_slice %arg10[%dma_wait3A_1102, %dma_wait3A_1103, %dma_wait3A_1109] : memref<16x4x128xi32, #tpu.memory_space<vmem>> -> memref<1x1x128xi32, #tpu.memory_space<vmem>>
      %dma_wait3A_1111 = tpu.memref_squeeze %dma_wait3A_1110 : memref<1x1x128xi32, #tpu.memory_space<vmem>> -> memref<128xi32, #tpu.memory_space<vmem>>
      %dma_wait3A_1112 = arith.constant 0 : i32
      %dma_wait3A_1113 = arith.constant 0 : i32
      %dma_wait3A_1114 = tpu.memref_slice %arg4[%dma_wait3A_1112, %dma_wait3A_1113] : memref<131072x2xf32, #tpu.memory_space<hbm>> -> memref<131072x2xf32, #tpu.memory_space<hbm>>
      tpu.wait_indirect_dma semaphore(%arg16 : memref<!tpu.dma_semaphore, #tpu.memory_space<semaphore_mem>>) src(%dma_wait3A_1114 : memref<131072x2xf32, #tpu.memory_space<hbm>>) dst(%dma_wait3A_1108 : memref<128x2xf32, #tpu.memory_space<vmem>>)
      %dma_wait3A_1115 = arith.constant 4 : i32
      %dma_wait3A_1116 = arith.constant 2 : i32
      %dma_wait3A_1117 = arith.constant 4 : i32
      %dma_wait3A_1118 = arith.constant 256 : i32
      %dma_wait3A_1119 = arith.constant 0 : i32
      %dma_wait3A_1120 = tpu.memref_slice %arg13[%dma_wait3A_1117, %dma_wait3A_1118, %dma_wait3A_1119] : memref<16x512x2xf32, #tpu.memory_space<vmem>> -> memref<1x128x2xf32, #tpu.memory_space<vmem>>
      %dma_wait3A_1121 = tpu.memref_squeeze %dma_wait3A_1120 : memref<1x128x2xf32, #tpu.memory_space<vmem>> -> memref<128x2xf32, #tpu.memory_space<vmem>>
      %dma_wait3A_1122 = arith.constant 0 : i32
      %dma_wait3A_1123 = tpu.memref_slice %arg10[%dma_wait3A_1115, %dma_wait3A_1116, %dma_wait3A_1122] : memref<16x4x128xi32, #tpu.memory_space<vmem>> -> memref<1x1x128xi32, #tpu.memory_space<vmem>>
      %dma_wait3A_1124 = tpu.memref_squeeze %dma_wait3A_1123 : memref<1x1x128xi32, #tpu.memory_space<vmem>> -> memref<128xi32, #tpu.memory_space<vmem>>
      %dma_wait3A_1125 = arith.constant 0 : i32
      %dma_wait3A_1126 = arith.constant 0 : i32
      %dma_wait3A_1127 = tpu.memref_slice %arg4[%dma_wait3A_1125, %dma_wait3A_1126] : memref<131072x2xf32, #tpu.memory_space<hbm>> -> memref<131072x2xf32, #tpu.memory_space<hbm>>
      tpu.wait_indirect_dma semaphore(%arg16 : memref<!tpu.dma_semaphore, #tpu.memory_space<semaphore_mem>>) src(%dma_wait3A_1127 : memref<131072x2xf32, #tpu.memory_space<hbm>>) dst(%dma_wait3A_1121 : memref<128x2xf32, #tpu.memory_space<vmem>>)
      %dma_wait3A_1128 = arith.constant 4 : i32
      %dma_wait3A_1129 = arith.constant 3 : i32
      %dma_wait3A_1130 = arith.constant 4 : i32
      %dma_wait3A_1131 = arith.constant 384 : i32
      %dma_wait3A_1132 = arith.constant 0 : i32
      %dma_wait3A_1133 = tpu.memref_slice %arg13[%dma_wait3A_1130, %dma_wait3A_1131, %dma_wait3A_1132] : memref<16x512x2xf32, #tpu.memory_space<vmem>> -> memref<1x128x2xf32, #tpu.memory_space<vmem>>
      %dma_wait3A_1134 = tpu.memref_squeeze %dma_wait3A_1133 : memref<1x128x2xf32, #tpu.memory_space<vmem>> -> memref<128x2xf32, #tpu.memory_space<vmem>>
      %dma_wait3A_1135 = arith.constant 0 : i32
      %dma_wait3A_1136 = tpu.memref_slice %arg10[%dma_wait3A_1128, %dma_wait3A_1129, %dma_wait3A_1135] : memref<16x4x128xi32, #tpu.memory_space<vmem>> -> memref<1x1x128xi32, #tpu.memory_space<vmem>>
      %dma_wait3A_1137 = tpu.memref_squeeze %dma_wait3A_1136 : memref<1x1x128xi32, #tpu.memory_space<vmem>> -> memref<128xi32, #tpu.memory_space<vmem>>
      %dma_wait3A_1138 = arith.constant 0 : i32
      %dma_wait3A_1139 = arith.constant 0 : i32
      %dma_wait3A_1140 = tpu.memref_slice %arg4[%dma_wait3A_1138, %dma_wait3A_1139] : memref<131072x2xf32, #tpu.memory_space<hbm>> -> memref<131072x2xf32, #tpu.memory_space<hbm>>
      tpu.wait_indirect_dma semaphore(%arg16 : memref<!tpu.dma_semaphore, #tpu.memory_space<semaphore_mem>>) src(%dma_wait3A_1140 : memref<131072x2xf32, #tpu.memory_space<hbm>>) dst(%dma_wait3A_1134 : memref<128x2xf32, #tpu.memory_space<vmem>>)
      %dma_wait3A_1141 = arith.constant 5 : i32
      %dma_wait3A_1142 = arith.constant 0 : i32
      %dma_wait3A_1143 = arith.constant 5 : i32
      %dma_wait3A_1144 = arith.constant 0 : i32
      %dma_wait3A_1145 = arith.constant 0 : i32
      %dma_wait3A_1146 = tpu.memref_slice %arg13[%dma_wait3A_1143, %dma_wait3A_1144, %dma_wait3A_1145] : memref<16x512x2xf32, #tpu.memory_space<vmem>> -> memref<1x128x2xf32, #tpu.memory_space<vmem>>
      %dma_wait3A_1147 = tpu.memref_squeeze %dma_wait3A_1146 : memref<1x128x2xf32, #tpu.memory_space<vmem>> -> memref<128x2xf32, #tpu.memory_space<vmem>>
      %dma_wait3A_1148 = arith.constant 0 : i32
      %dma_wait3A_1149 = tpu.memref_slice %arg10[%dma_wait3A_1141, %dma_wait3A_1142, %dma_wait3A_1148] : memref<16x4x128xi32, #tpu.memory_space<vmem>> -> memref<1x1x128xi32, #tpu.memory_space<vmem>>
      %dma_wait3A_1150 = tpu.memref_squeeze %dma_wait3A_1149 : memref<1x1x128xi32, #tpu.memory_space<vmem>> -> memref<128xi32, #tpu.memory_space<vmem>>
      %dma_wait3A_1151 = arith.constant 0 : i32
      %dma_wait3A_1152 = arith.constant 0 : i32
      %dma_wait3A_1153 = tpu.memref_slice %arg4[%dma_wait3A_1151, %dma_wait3A_1152] : memref<131072x2xf32, #tpu.memory_space<hbm>> -> memref<131072x2xf32, #tpu.memory_space<hbm>>
      tpu.wait_indirect_dma semaphore(%arg16 : memref<!tpu.dma_semaphore, #tpu.memory_space<semaphore_mem>>) src(%dma_wait3A_1153 : memref<131072x2xf32, #tpu.memory_space<hbm>>) dst(%dma_wait3A_1147 : memref<128x2xf32, #tpu.memory_space<vmem>>)
      %dma_wait3A_1154 = arith.constant 5 : i32
      %dma_wait3A_1155 = arith.constant 1 : i32
      %dma_wait3A_1156 = arith.constant 5 : i32
      %dma_wait3A_1157 = arith.constant 128 : i32
      %dma_wait3A_1158 = arith.constant 0 : i32
      %dma_wait3A_1159 = tpu.memref_slice %arg13[%dma_wait3A_1156, %dma_wait3A_1157, %dma_wait3A_1158] : memref<16x512x2xf32, #tpu.memory_space<vmem>> -> memref<1x128x2xf32, #tpu.memory_space<vmem>>
      %dma_wait3A_1160 = tpu.memref_squeeze %dma_wait3A_1159 : memref<1x128x2xf32, #tpu.memory_space<vmem>> -> memref<128x2xf32, #tpu.memory_space<vmem>>
      %dma_wait3A_1161 = arith.constant 0 : i32
      %dma_wait3A_1162 = tpu.memref_slice %arg10[%dma_wait3A_1154, %dma_wait3A_1155, %dma_wait3A_1161] : memref<16x4x128xi32, #tpu.memory_space<vmem>> -> memref<1x1x128xi32, #tpu.memory_space<vmem>>
      %dma_wait3A_1163 = tpu.memref_squeeze %dma_wait3A_1162 : memref<1x1x128xi32, #tpu.memory_space<vmem>> -> memref<128xi32, #tpu.memory_space<vmem>>
      %dma_wait3A_1164 = arith.constant 0 : i32
      %dma_wait3A_1165 = arith.constant 0 : i32
      %dma_wait3A_1166 = tpu.memref_slice %arg4[%dma_wait3A_1164, %dma_wait3A_1165] : memref<131072x2xf32, #tpu.memory_space<hbm>> -> memref<131072x2xf32, #tpu.memory_space<hbm>>
      tpu.wait_indirect_dma semaphore(%arg16 : memref<!tpu.dma_semaphore, #tpu.memory_space<semaphore_mem>>) src(%dma_wait3A_1166 : memref<131072x2xf32, #tpu.memory_space<hbm>>) dst(%dma_wait3A_1160 : memref<128x2xf32, #tpu.memory_space<vmem>>)
      %dma_wait3A_1167 = arith.constant 5 : i32
      %dma_wait3A_1168 = arith.constant 2 : i32
      %dma_wait3A_1169 = arith.constant 5 : i32
      %dma_wait3A_1170 = arith.constant 256 : i32
      %dma_wait3A_1171 = arith.constant 0 : i32
      %dma_wait3A_1172 = tpu.memref_slice %arg13[%dma_wait3A_1169, %dma_wait3A_1170, %dma_wait3A_1171] : memref<16x512x2xf32, #tpu.memory_space<vmem>> -> memref<1x128x2xf32, #tpu.memory_space<vmem>>
      %dma_wait3A_1173 = tpu.memref_squeeze %dma_wait3A_1172 : memref<1x128x2xf32, #tpu.memory_space<vmem>> -> memref<128x2xf32, #tpu.memory_space<vmem>>
      %dma_wait3A_1174 = arith.constant 0 : i32
      %dma_wait3A_1175 = tpu.memref_slice %arg10[%dma_wait3A_1167, %dma_wait3A_1168, %dma_wait3A_1174] : memref<16x4x128xi32, #tpu.memory_space<vmem>> -> memref<1x1x128xi32, #tpu.memory_space<vmem>>
      %dma_wait3A_1176 = tpu.memref_squeeze %dma_wait3A_1175 : memref<1x1x128xi32, #tpu.memory_space<vmem>> -> memref<128xi32, #tpu.memory_space<vmem>>
      %dma_wait3A_1177 = arith.constant 0 : i32
      %dma_wait3A_1178 = arith.constant 0 : i32
      %dma_wait3A_1179 = tpu.memref_slice %arg4[%dma_wait3A_1177, %dma_wait3A_1178] : memref<131072x2xf32, #tpu.memory_space<hbm>> -> memref<131072x2xf32, #tpu.memory_space<hbm>>
      tpu.wait_indirect_dma semaphore(%arg16 : memref<!tpu.dma_semaphore, #tpu.memory_space<semaphore_mem>>) src(%dma_wait3A_1179 : memref<131072x2xf32, #tpu.memory_space<hbm>>) dst(%dma_wait3A_1173 : memref<128x2xf32, #tpu.memory_space<vmem>>)
      %dma_wait3A_1180 = arith.constant 5 : i32
      %dma_wait3A_1181 = arith.constant 3 : i32
      %dma_wait3A_1182 = arith.constant 5 : i32
      %dma_wait3A_1183 = arith.constant 384 : i32
      %dma_wait3A_1184 = arith.constant 0 : i32
      %dma_wait3A_1185 = tpu.memref_slice %arg13[%dma_wait3A_1182, %dma_wait3A_1183, %dma_wait3A_1184] : memref<16x512x2xf32, #tpu.memory_space<vmem>> -> memref<1x128x2xf32, #tpu.memory_space<vmem>>
      %dma_wait3A_1186 = tpu.memref_squeeze %dma_wait3A_1185 : memref<1x128x2xf32, #tpu.memory_space<vmem>> -> memref<128x2xf32, #tpu.memory_space<vmem>>
      %dma_wait3A_1187 = arith.constant 0 : i32
      %dma_wait3A_1188 = tpu.memref_slice %arg10[%dma_wait3A_1180, %dma_wait3A_1181, %dma_wait3A_1187] : memref<16x4x128xi32, #tpu.memory_space<vmem>> -> memref<1x1x128xi32, #tpu.memory_space<vmem>>
      %dma_wait3A_1189 = tpu.memref_squeeze %dma_wait3A_1188 : memref<1x1x128xi32, #tpu.memory_space<vmem>> -> memref<128xi32, #tpu.memory_space<vmem>>
      %dma_wait3A_1190 = arith.constant 0 : i32
      %dma_wait3A_1191 = arith.constant 0 : i32
      %dma_wait3A_1192 = tpu.memref_slice %arg4[%dma_wait3A_1190, %dma_wait3A_1191] : memref<131072x2xf32, #tpu.memory_space<hbm>> -> memref<131072x2xf32, #tpu.memory_space<hbm>>
      tpu.wait_indirect_dma semaphore(%arg16 : memref<!tpu.dma_semaphore, #tpu.memory_space<semaphore_mem>>) src(%dma_wait3A_1192 : memref<131072x2xf32, #tpu.memory_space<hbm>>) dst(%dma_wait3A_1186 : memref<128x2xf32, #tpu.memory_space<vmem>>)
      %dma_wait3A_1193 = arith.constant 6 : i32
      %dma_wait3A_1194 = arith.constant 0 : i32
      %dma_wait3A_1195 = arith.constant 6 : i32
      %dma_wait3A_1196 = arith.constant 0 : i32
      %dma_wait3A_1197 = arith.constant 0 : i32
      %dma_wait3A_1198 = tpu.memref_slice %arg13[%dma_wait3A_1195, %dma_wait3A_1196, %dma_wait3A_1197] : memref<16x512x2xf32, #tpu.memory_space<vmem>> -> memref<1x128x2xf32, #tpu.memory_space<vmem>>
      %dma_wait3A_1199 = tpu.memref_squeeze %dma_wait3A_1198 : memref<1x128x2xf32, #tpu.memory_space<vmem>> -> memref<128x2xf32, #tpu.memory_space<vmem>>
      %dma_wait3A_1200 = arith.constant 0 : i32
      %dma_wait3A_1201 = tpu.memref_slice %arg10[%dma_wait3A_1193, %dma_wait3A_1194, %dma_wait3A_1200] : memref<16x4x128xi32, #tpu.memory_space<vmem>> -> memref<1x1x128xi32, #tpu.memory_space<vmem>>
      %dma_wait3A_1202 = tpu.memref_squeeze %dma_wait3A_1201 : memref<1x1x128xi32, #tpu.memory_space<vmem>> -> memref<128xi32, #tpu.memory_space<vmem>>
      %dma_wait3A_1203 = arith.constant 0 : i32
      %dma_wait3A_1204 = arith.constant 0 : i32
      %dma_wait3A_1205 = tpu.memref_slice %arg4[%dma_wait3A_1203, %dma_wait3A_1204] : memref<131072x2xf32, #tpu.memory_space<hbm>> -> memref<131072x2xf32, #tpu.memory_space<hbm>>
      tpu.wait_indirect_dma semaphore(%arg16 : memref<!tpu.dma_semaphore, #tpu.memory_space<semaphore_mem>>) src(%dma_wait3A_1205 : memref<131072x2xf32, #tpu.memory_space<hbm>>) dst(%dma_wait3A_1199 : memref<128x2xf32, #tpu.memory_space<vmem>>)
      %dma_wait3A_1206 = arith.constant 6 : i32
      %dma_wait3A_1207 = arith.constant 1 : i32
      %dma_wait3A_1208 = arith.constant 6 : i32
      %dma_wait3A_1209 = arith.constant 128 : i32
      %dma_wait3A_1210 = arith.constant 0 : i32
      %dma_wait3A_1211 = tpu.memref_slice %arg13[%dma_wait3A_1208, %dma_wait3A_1209, %dma_wait3A_1210] : memref<16x512x2xf32, #tpu.memory_space<vmem>> -> memref<1x128x2xf32, #tpu.memory_space<vmem>>
      %dma_wait3A_1212 = tpu.memref_squeeze %dma_wait3A_1211 : memref<1x128x2xf32, #tpu.memory_space<vmem>> -> memref<128x2xf32, #tpu.memory_space<vmem>>
      %dma_wait3A_1213 = arith.constant 0 : i32
      %dma_wait3A_1214 = tpu.memref_slice %arg10[%dma_wait3A_1206, %dma_wait3A_1207, %dma_wait3A_1213] : memref<16x4x128xi32, #tpu.memory_space<vmem>> -> memref<1x1x128xi32, #tpu.memory_space<vmem>>
      %dma_wait3A_1215 = tpu.memref_squeeze %dma_wait3A_1214 : memref<1x1x128xi32, #tpu.memory_space<vmem>> -> memref<128xi32, #tpu.memory_space<vmem>>
      %dma_wait3A_1216 = arith.constant 0 : i32
      %dma_wait3A_1217 = arith.constant 0 : i32
      %dma_wait3A_1218 = tpu.memref_slice %arg4[%dma_wait3A_1216, %dma_wait3A_1217] : memref<131072x2xf32, #tpu.memory_space<hbm>> -> memref<131072x2xf32, #tpu.memory_space<hbm>>
      tpu.wait_indirect_dma semaphore(%arg16 : memref<!tpu.dma_semaphore, #tpu.memory_space<semaphore_mem>>) src(%dma_wait3A_1218 : memref<131072x2xf32, #tpu.memory_space<hbm>>) dst(%dma_wait3A_1212 : memref<128x2xf32, #tpu.memory_space<vmem>>)
      %dma_wait3A_1219 = arith.constant 6 : i32
      %dma_wait3A_1220 = arith.constant 2 : i32
      %dma_wait3A_1221 = arith.constant 6 : i32
      %dma_wait3A_1222 = arith.constant 256 : i32
      %dma_wait3A_1223 = arith.constant 0 : i32
      %dma_wait3A_1224 = tpu.memref_slice %arg13[%dma_wait3A_1221, %dma_wait3A_1222, %dma_wait3A_1223] : memref<16x512x2xf32, #tpu.memory_space<vmem>> -> memref<1x128x2xf32, #tpu.memory_space<vmem>>
      %dma_wait3A_1225 = tpu.memref_squeeze %dma_wait3A_1224 : memref<1x128x2xf32, #tpu.memory_space<vmem>> -> memref<128x2xf32, #tpu.memory_space<vmem>>
      %dma_wait3A_1226 = arith.constant 0 : i32
      %dma_wait3A_1227 = tpu.memref_slice %arg10[%dma_wait3A_1219, %dma_wait3A_1220, %dma_wait3A_1226] : memref<16x4x128xi32, #tpu.memory_space<vmem>> -> memref<1x1x128xi32, #tpu.memory_space<vmem>>
      %dma_wait3A_1228 = tpu.memref_squeeze %dma_wait3A_1227 : memref<1x1x128xi32, #tpu.memory_space<vmem>> -> memref<128xi32, #tpu.memory_space<vmem>>
      %dma_wait3A_1229 = arith.constant 0 : i32
      %dma_wait3A_1230 = arith.constant 0 : i32
      %dma_wait3A_1231 = tpu.memref_slice %arg4[%dma_wait3A_1229, %dma_wait3A_1230] : memref<131072x2xf32, #tpu.memory_space<hbm>> -> memref<131072x2xf32, #tpu.memory_space<hbm>>
      tpu.wait_indirect_dma semaphore(%arg16 : memref<!tpu.dma_semaphore, #tpu.memory_space<semaphore_mem>>) src(%dma_wait3A_1231 : memref<131072x2xf32, #tpu.memory_space<hbm>>) dst(%dma_wait3A_1225 : memref<128x2xf32, #tpu.memory_space<vmem>>)
      %dma_wait3A_1232 = arith.constant 6 : i32
      %dma_wait3A_1233 = arith.constant 3 : i32
      %dma_wait3A_1234 = arith.constant 6 : i32
      %dma_wait3A_1235 = arith.constant 384 : i32
      %dma_wait3A_1236 = arith.constant 0 : i32
      %dma_wait3A_1237 = tpu.memref_slice %arg13[%dma_wait3A_1234, %dma_wait3A_1235, %dma_wait3A_1236] : memref<16x512x2xf32, #tpu.memory_space<vmem>> -> memref<1x128x2xf32, #tpu.memory_space<vmem>>
      %dma_wait3A_1238 = tpu.memref_squeeze %dma_wait3A_1237 : memref<1x128x2xf32, #tpu.memory_space<vmem>> -> memref<128x2xf32, #tpu.memory_space<vmem>>
      %dma_wait3A_1239 = arith.constant 0 : i32
      %dma_wait3A_1240 = tpu.memref_slice %arg10[%dma_wait3A_1232, %dma_wait3A_1233, %dma_wait3A_1239] : memref<16x4x128xi32, #tpu.memory_space<vmem>> -> memref<1x1x128xi32, #tpu.memory_space<vmem>>
      %dma_wait3A_1241 = tpu.memref_squeeze %dma_wait3A_1240 : memref<1x1x128xi32, #tpu.memory_space<vmem>> -> memref<128xi32, #tpu.memory_space<vmem>>
      %dma_wait3A_1242 = arith.constant 0 : i32
      %dma_wait3A_1243 = arith.constant 0 : i32
      %dma_wait3A_1244 = tpu.memref_slice %arg4[%dma_wait3A_1242, %dma_wait3A_1243] : memref<131072x2xf32, #tpu.memory_space<hbm>> -> memref<131072x2xf32, #tpu.memory_space<hbm>>
      tpu.wait_indirect_dma semaphore(%arg16 : memref<!tpu.dma_semaphore, #tpu.memory_space<semaphore_mem>>) src(%dma_wait3A_1244 : memref<131072x2xf32, #tpu.memory_space<hbm>>) dst(%dma_wait3A_1238 : memref<128x2xf32, #tpu.memory_space<vmem>>)
      %dma_wait3A_1245 = arith.constant 7 : i32
      %dma_wait3A_1246 = arith.constant 0 : i32
      %dma_wait3A_1247 = arith.constant 7 : i32
      %dma_wait3A_1248 = arith.constant 0 : i32
      %dma_wait3A_1249 = arith.constant 0 : i32
      %dma_wait3A_1250 = tpu.memref_slice %arg13[%dma_wait3A_1247, %dma_wait3A_1248, %dma_wait3A_1249] : memref<16x512x2xf32, #tpu.memory_space<vmem>> -> memref<1x128x2xf32, #tpu.memory_space<vmem>>
      %dma_wait3A_1251 = tpu.memref_squeeze %dma_wait3A_1250 : memref<1x128x2xf32, #tpu.memory_space<vmem>> -> memref<128x2xf32, #tpu.memory_space<vmem>>
      %dma_wait3A_1252 = arith.constant 0 : i32
      %dma_wait3A_1253 = tpu.memref_slice %arg10[%dma_wait3A_1245, %dma_wait3A_1246, %dma_wait3A_1252] : memref<16x4x128xi32, #tpu.memory_space<vmem>> -> memref<1x1x128xi32, #tpu.memory_space<vmem>>
      %dma_wait3A_1254 = tpu.memref_squeeze %dma_wait3A_1253 : memref<1x1x128xi32, #tpu.memory_space<vmem>> -> memref<128xi32, #tpu.memory_space<vmem>>
      %dma_wait3A_1255 = arith.constant 0 : i32
      %dma_wait3A_1256 = arith.constant 0 : i32
      %dma_wait3A_1257 = tpu.memref_slice %arg4[%dma_wait3A_1255, %dma_wait3A_1256] : memref<131072x2xf32, #tpu.memory_space<hbm>> -> memref<131072x2xf32, #tpu.memory_space<hbm>>
      tpu.wait_indirect_dma semaphore(%arg16 : memref<!tpu.dma_semaphore, #tpu.memory_space<semaphore_mem>>) src(%dma_wait3A_1257 : memref<131072x2xf32, #tpu.memory_space<hbm>>) dst(%dma_wait3A_1251 : memref<128x2xf32, #tpu.memory_space<vmem>>)
      %dma_wait3A_1258 = arith.constant 7 : i32
      %dma_wait3A_1259 = arith.constant 1 : i32
      %dma_wait3A_1260 = arith.constant 7 : i32
      %dma_wait3A_1261 = arith.constant 128 : i32
      %dma_wait3A_1262 = arith.constant 0 : i32
      %dma_wait3A_1263 = tpu.memref_slice %arg13[%dma_wait3A_1260, %dma_wait3A_1261, %dma_wait3A_1262] : memref<16x512x2xf32, #tpu.memory_space<vmem>> -> memref<1x128x2xf32, #tpu.memory_space<vmem>>
      %dma_wait3A_1264 = tpu.memref_squeeze %dma_wait3A_1263 : memref<1x128x2xf32, #tpu.memory_space<vmem>> -> memref<128x2xf32, #tpu.memory_space<vmem>>
      %dma_wait3A_1265 = arith.constant 0 : i32
      %dma_wait3A_1266 = tpu.memref_slice %arg10[%dma_wait3A_1258, %dma_wait3A_1259, %dma_wait3A_1265] : memref<16x4x128xi32, #tpu.memory_space<vmem>> -> memref<1x1x128xi32, #tpu.memory_space<vmem>>
      %dma_wait3A_1267 = tpu.memref_squeeze %dma_wait3A_1266 : memref<1x1x128xi32, #tpu.memory_space<vmem>> -> memref<128xi32, #tpu.memory_space<vmem>>
      %dma_wait3A_1268 = arith.constant 0 : i32
      %dma_wait3A_1269 = arith.constant 0 : i32
      %dma_wait3A_1270 = tpu.memref_slice %arg4[%dma_wait3A_1268, %dma_wait3A_1269] : memref<131072x2xf32, #tpu.memory_space<hbm>> -> memref<131072x2xf32, #tpu.memory_space<hbm>>
      tpu.wait_indirect_dma semaphore(%arg16 : memref<!tpu.dma_semaphore, #tpu.memory_space<semaphore_mem>>) src(%dma_wait3A_1270 : memref<131072x2xf32, #tpu.memory_space<hbm>>) dst(%dma_wait3A_1264 : memref<128x2xf32, #tpu.memory_space<vmem>>)
      %dma_wait3A_1271 = arith.constant 7 : i32
      %dma_wait3A_1272 = arith.constant 2 : i32
      %dma_wait3A_1273 = arith.constant 7 : i32
      %dma_wait3A_1274 = arith.constant 256 : i32
      %dma_wait3A_1275 = arith.constant 0 : i32
      %dma_wait3A_1276 = tpu.memref_slice %arg13[%dma_wait3A_1273, %dma_wait3A_1274, %dma_wait3A_1275] : memref<16x512x2xf32, #tpu.memory_space<vmem>> -> memref<1x128x2xf32, #tpu.memory_space<vmem>>
      %dma_wait3A_1277 = tpu.memref_squeeze %dma_wait3A_1276 : memref<1x128x2xf32, #tpu.memory_space<vmem>> -> memref<128x2xf32, #tpu.memory_space<vmem>>
      %dma_wait3A_1278 = arith.constant 0 : i32
      %dma_wait3A_1279 = tpu.memref_slice %arg10[%dma_wait3A_1271, %dma_wait3A_1272, %dma_wait3A_1278] : memref<16x4x128xi32, #tpu.memory_space<vmem>> -> memref<1x1x128xi32, #tpu.memory_space<vmem>>
      %dma_wait3A_1280 = tpu.memref_squeeze %dma_wait3A_1279 : memref<1x1x128xi32, #tpu.memory_space<vmem>> -> memref<128xi32, #tpu.memory_space<vmem>>
      %dma_wait3A_1281 = arith.constant 0 : i32
      %dma_wait3A_1282 = arith.constant 0 : i32
      %dma_wait3A_1283 = tpu.memref_slice %arg4[%dma_wait3A_1281, %dma_wait3A_1282] : memref<131072x2xf32, #tpu.memory_space<hbm>> -> memref<131072x2xf32, #tpu.memory_space<hbm>>
      tpu.wait_indirect_dma semaphore(%arg16 : memref<!tpu.dma_semaphore, #tpu.memory_space<semaphore_mem>>) src(%dma_wait3A_1283 : memref<131072x2xf32, #tpu.memory_space<hbm>>) dst(%dma_wait3A_1277 : memref<128x2xf32, #tpu.memory_space<vmem>>)
      %dma_wait3A_1284 = arith.constant 7 : i32
      %dma_wait3A_1285 = arith.constant 3 : i32
      %dma_wait3A_1286 = arith.constant 7 : i32
      %dma_wait3A_1287 = arith.constant 384 : i32
      %dma_wait3A_1288 = arith.constant 0 : i32
      %dma_wait3A_1289 = tpu.memref_slice %arg13[%dma_wait3A_1286, %dma_wait3A_1287, %dma_wait3A_1288] : memref<16x512x2xf32, #tpu.memory_space<vmem>> -> memref<1x128x2xf32, #tpu.memory_space<vmem>>
      %dma_wait3A_1290 = tpu.memref_squeeze %dma_wait3A_1289 : memref<1x128x2xf32, #tpu.memory_space<vmem>> -> memref<128x2xf32, #tpu.memory_space<vmem>>
      %dma_wait3A_1291 = arith.constant 0 : i32
      %dma_wait3A_1292 = tpu.memref_slice %arg10[%dma_wait3A_1284, %dma_wait3A_1285, %dma_wait3A_1291] : memref<16x4x128xi32, #tpu.memory_space<vmem>> -> memref<1x1x128xi32, #tpu.memory_space<vmem>>
      %dma_wait3A_1293 = tpu.memref_squeeze %dma_wait3A_1292 : memref<1x1x128xi32, #tpu.memory_space<vmem>> -> memref<128xi32, #tpu.memory_space<vmem>>
      %dma_wait3A_1294 = arith.constant 0 : i32
      %dma_wait3A_1295 = arith.constant 0 : i32
      %dma_wait3A_1296 = tpu.memref_slice %arg4[%dma_wait3A_1294, %dma_wait3A_1295] : memref<131072x2xf32, #tpu.memory_space<hbm>> -> memref<131072x2xf32, #tpu.memory_space<hbm>>
      tpu.wait_indirect_dma semaphore(%arg16 : memref<!tpu.dma_semaphore, #tpu.memory_space<semaphore_mem>>) src(%dma_wait3A_1296 : memref<131072x2xf32, #tpu.memory_space<hbm>>) dst(%dma_wait3A_1290 : memref<128x2xf32, #tpu.memory_space<vmem>>)
      %dma_wait3A_1297 = arith.constant 8 : i32
      %dma_wait3A_1298 = arith.constant 0 : i32
      %dma_wait3A_1299 = arith.constant 8 : i32
      %dma_wait3A_1300 = arith.constant 0 : i32
      %dma_wait3A_1301 = arith.constant 0 : i32
      %dma_wait3A_1302 = tpu.memref_slice %arg13[%dma_wait3A_1299, %dma_wait3A_1300, %dma_wait3A_1301] : memref<16x512x2xf32, #tpu.memory_space<vmem>> -> memref<1x128x2xf32, #tpu.memory_space<vmem>>
      %dma_wait3A_1303 = tpu.memref_squeeze %dma_wait3A_1302 : memref<1x128x2xf32, #tpu.memory_space<vmem>> -> memref<128x2xf32, #tpu.memory_space<vmem>>
      %dma_wait3A_1304 = arith.constant 0 : i32
      %dma_wait3A_1305 = tpu.memref_slice %arg10[%dma_wait3A_1297, %dma_wait3A_1298, %dma_wait3A_1304] : memref<16x4x128xi32, #tpu.memory_space<vmem>> -> memref<1x1x128xi32, #tpu.memory_space<vmem>>
      %dma_wait3A_1306 = tpu.memref_squeeze %dma_wait3A_1305 : memref<1x1x128xi32, #tpu.memory_space<vmem>> -> memref<128xi32, #tpu.memory_space<vmem>>
      %dma_wait3A_1307 = arith.constant 0 : i32
      %dma_wait3A_1308 = arith.constant 0 : i32
      %dma_wait3A_1309 = tpu.memref_slice %arg5[%dma_wait3A_1307, %dma_wait3A_1308] : memref<524288x2xf32, #tpu.memory_space<hbm>> -> memref<524288x2xf32, #tpu.memory_space<hbm>>
      tpu.wait_indirect_dma semaphore(%arg16 : memref<!tpu.dma_semaphore, #tpu.memory_space<semaphore_mem>>) src(%dma_wait3A_1309 : memref<524288x2xf32, #tpu.memory_space<hbm>>) dst(%dma_wait3A_1303 : memref<128x2xf32, #tpu.memory_space<vmem>>)
      %dma_wait3A_1310 = arith.constant 8 : i32
      %dma_wait3A_1311 = arith.constant 1 : i32
      %dma_wait3A_1312 = arith.constant 8 : i32
      %dma_wait3A_1313 = arith.constant 128 : i32
      %dma_wait3A_1314 = arith.constant 0 : i32
      %dma_wait3A_1315 = tpu.memref_slice %arg13[%dma_wait3A_1312, %dma_wait3A_1313, %dma_wait3A_1314] : memref<16x512x2xf32, #tpu.memory_space<vmem>> -> memref<1x128x2xf32, #tpu.memory_space<vmem>>
      %dma_wait3A_1316 = tpu.memref_squeeze %dma_wait3A_1315 : memref<1x128x2xf32, #tpu.memory_space<vmem>> -> memref<128x2xf32, #tpu.memory_space<vmem>>
      %dma_wait3A_1317 = arith.constant 0 : i32
      %dma_wait3A_1318 = tpu.memref_slice %arg10[%dma_wait3A_1310, %dma_wait3A_1311, %dma_wait3A_1317] : memref<16x4x128xi32, #tpu.memory_space<vmem>> -> memref<1x1x128xi32, #tpu.memory_space<vmem>>
      %dma_wait3A_1319 = tpu.memref_squeeze %dma_wait3A_1318 : memref<1x1x128xi32, #tpu.memory_space<vmem>> -> memref<128xi32, #tpu.memory_space<vmem>>
      %dma_wait3A_1320 = arith.constant 0 : i32
      %dma_wait3A_1321 = arith.constant 0 : i32
      %dma_wait3A_1322 = tpu.memref_slice %arg5[%dma_wait3A_1320, %dma_wait3A_1321] : memref<524288x2xf32, #tpu.memory_space<hbm>> -> memref<524288x2xf32, #tpu.memory_space<hbm>>
      tpu.wait_indirect_dma semaphore(%arg16 : memref<!tpu.dma_semaphore, #tpu.memory_space<semaphore_mem>>) src(%dma_wait3A_1322 : memref<524288x2xf32, #tpu.memory_space<hbm>>) dst(%dma_wait3A_1316 : memref<128x2xf32, #tpu.memory_space<vmem>>)
      %dma_wait3A_1323 = arith.constant 8 : i32
      %dma_wait3A_1324 = arith.constant 2 : i32
      %dma_wait3A_1325 = arith.constant 8 : i32
      %dma_wait3A_1326 = arith.constant 256 : i32
      %dma_wait3A_1327 = arith.constant 0 : i32
      %dma_wait3A_1328 = tpu.memref_slice %arg13[%dma_wait3A_1325, %dma_wait3A_1326, %dma_wait3A_1327] : memref<16x512x2xf32, #tpu.memory_space<vmem>> -> memref<1x128x2xf32, #tpu.memory_space<vmem>>
      %dma_wait3A_1329 = tpu.memref_squeeze %dma_wait3A_1328 : memref<1x128x2xf32, #tpu.memory_space<vmem>> -> memref<128x2xf32, #tpu.memory_space<vmem>>
      %dma_wait3A_1330 = arith.constant 0 : i32
      %dma_wait3A_1331 = tpu.memref_slice %arg10[%dma_wait3A_1323, %dma_wait3A_1324, %dma_wait3A_1330] : memref<16x4x128xi32, #tpu.memory_space<vmem>> -> memref<1x1x128xi32, #tpu.memory_space<vmem>>
      %dma_wait3A_1332 = tpu.memref_squeeze %dma_wait3A_1331 : memref<1x1x128xi32, #tpu.memory_space<vmem>> -> memref<128xi32, #tpu.memory_space<vmem>>
      %dma_wait3A_1333 = arith.constant 0 : i32
      %dma_wait3A_1334 = arith.constant 0 : i32
      %dma_wait3A_1335 = tpu.memref_slice %arg5[%dma_wait3A_1333, %dma_wait3A_1334] : memref<524288x2xf32, #tpu.memory_space<hbm>> -> memref<524288x2xf32, #tpu.memory_space<hbm>>
      tpu.wait_indirect_dma semaphore(%arg16 : memref<!tpu.dma_semaphore, #tpu.memory_space<semaphore_mem>>) src(%dma_wait3A_1335 : memref<524288x2xf32, #tpu.memory_space<hbm>>) dst(%dma_wait3A_1329 : memref<128x2xf32, #tpu.memory_space<vmem>>)
      %dma_wait3A_1336 = arith.constant 8 : i32
      %dma_wait3A_1337 = arith.constant 3 : i32
      %dma_wait3A_1338 = arith.constant 8 : i32
      %dma_wait3A_1339 = arith.constant 384 : i32
      %dma_wait3A_1340 = arith.constant 0 : i32
      %dma_wait3A_1341 = tpu.memref_slice %arg13[%dma_wait3A_1338, %dma_wait3A_1339, %dma_wait3A_1340] : memref<16x512x2xf32, #tpu.memory_space<vmem>> -> memref<1x128x2xf32, #tpu.memory_space<vmem>>
      %dma_wait3A_1342 = tpu.memref_squeeze %dma_wait3A_1341 : memref<1x128x2xf32, #tpu.memory_space<vmem>> -> memref<128x2xf32, #tpu.memory_space<vmem>>
      %dma_wait3A_1343 = arith.constant 0 : i32
      %dma_wait3A_1344 = tpu.memref_slice %arg10[%dma_wait3A_1336, %dma_wait3A_1337, %dma_wait3A_1343] : memref<16x4x128xi32, #tpu.memory_space<vmem>> -> memref<1x1x128xi32, #tpu.memory_space<vmem>>
      %dma_wait3A_1345 = tpu.memref_squeeze %dma_wait3A_1344 : memref<1x1x128xi32, #tpu.memory_space<vmem>> -> memref<128xi32, #tpu.memory_space<vmem>>
      %dma_wait3A_1346 = arith.constant 0 : i32
      %dma_wait3A_1347 = arith.constant 0 : i32
      %dma_wait3A_1348 = tpu.memref_slice %arg5[%dma_wait3A_1346, %dma_wait3A_1347] : memref<524288x2xf32, #tpu.memory_space<hbm>> -> memref<524288x2xf32, #tpu.memory_space<hbm>>
      tpu.wait_indirect_dma semaphore(%arg16 : memref<!tpu.dma_semaphore, #tpu.memory_space<semaphore_mem>>) src(%dma_wait3A_1348 : memref<524288x2xf32, #tpu.memory_space<hbm>>) dst(%dma_wait3A_1342 : memref<128x2xf32, #tpu.memory_space<vmem>>)
      %dma_wait3A_1349 = arith.constant 9 : i32
      %dma_wait3A_1350 = arith.constant 0 : i32
      %dma_wait3A_1351 = arith.constant 9 : i32
      %dma_wait3A_1352 = arith.constant 0 : i32
      %dma_wait3A_1353 = arith.constant 0 : i32
      %dma_wait3A_1354 = tpu.memref_slice %arg13[%dma_wait3A_1351, %dma_wait3A_1352, %dma_wait3A_1353] : memref<16x512x2xf32, #tpu.memory_space<vmem>> -> memref<1x128x2xf32, #tpu.memory_space<vmem>>
      %dma_wait3A_1355 = tpu.memref_squeeze %dma_wait3A_1354 : memref<1x128x2xf32, #tpu.memory_space<vmem>> -> memref<128x2xf32, #tpu.memory_space<vmem>>
      %dma_wait3A_1356 = arith.constant 0 : i32
      %dma_wait3A_1357 = tpu.memref_slice %arg10[%dma_wait3A_1349, %dma_wait3A_1350, %dma_wait3A_1356] : memref<16x4x128xi32, #tpu.memory_space<vmem>> -> memref<1x1x128xi32, #tpu.memory_space<vmem>>
      %dma_wait3A_1358 = tpu.memref_squeeze %dma_wait3A_1357 : memref<1x1x128xi32, #tpu.memory_space<vmem>> -> memref<128xi32, #tpu.memory_space<vmem>>
      %dma_wait3A_1359 = arith.constant 0 : i32
      %dma_wait3A_1360 = arith.constant 0 : i32
      %dma_wait3A_1361 = tpu.memref_slice %arg5[%dma_wait3A_1359, %dma_wait3A_1360] : memref<524288x2xf32, #tpu.memory_space<hbm>> -> memref<524288x2xf32, #tpu.memory_space<hbm>>
      tpu.wait_indirect_dma semaphore(%arg16 : memref<!tpu.dma_semaphore, #tpu.memory_space<semaphore_mem>>) src(%dma_wait3A_1361 : memref<524288x2xf32, #tpu.memory_space<hbm>>) dst(%dma_wait3A_1355 : memref<128x2xf32, #tpu.memory_space<vmem>>)
      %dma_wait3A_1362 = arith.constant 9 : i32
      %dma_wait3A_1363 = arith.constant 1 : i32
      %dma_wait3A_1364 = arith.constant 9 : i32
      %dma_wait3A_1365 = arith.constant 128 : i32
      %dma_wait3A_1366 = arith.constant 0 : i32
      %dma_wait3A_1367 = tpu.memref_slice %arg13[%dma_wait3A_1364, %dma_wait3A_1365, %dma_wait3A_1366] : memref<16x512x2xf32, #tpu.memory_space<vmem>> -> memref<1x128x2xf32, #tpu.memory_space<vmem>>
      %dma_wait3A_1368 = tpu.memref_squeeze %dma_wait3A_1367 : memref<1x128x2xf32, #tpu.memory_space<vmem>> -> memref<128x2xf32, #tpu.memory_space<vmem>>
      %dma_wait3A_1369 = arith.constant 0 : i32
      %dma_wait3A_1370 = tpu.memref_slice %arg10[%dma_wait3A_1362, %dma_wait3A_1363, %dma_wait3A_1369] : memref<16x4x128xi32, #tpu.memory_space<vmem>> -> memref<1x1x128xi32, #tpu.memory_space<vmem>>
      %dma_wait3A_1371 = tpu.memref_squeeze %dma_wait3A_1370 : memref<1x1x128xi32, #tpu.memory_space<vmem>> -> memref<128xi32, #tpu.memory_space<vmem>>
      %dma_wait3A_1372 = arith.constant 0 : i32
      %dma_wait3A_1373 = arith.constant 0 : i32
      %dma_wait3A_1374 = tpu.memref_slice %arg5[%dma_wait3A_1372, %dma_wait3A_1373] : memref<524288x2xf32, #tpu.memory_space<hbm>> -> memref<524288x2xf32, #tpu.memory_space<hbm>>
      tpu.wait_indirect_dma semaphore(%arg16 : memref<!tpu.dma_semaphore, #tpu.memory_space<semaphore_mem>>) src(%dma_wait3A_1374 : memref<524288x2xf32, #tpu.memory_space<hbm>>) dst(%dma_wait3A_1368 : memref<128x2xf32, #tpu.memory_space<vmem>>)
      %dma_wait3A_1375 = arith.constant 9 : i32
      %dma_wait3A_1376 = arith.constant 2 : i32
      %dma_wait3A_1377 = arith.constant 9 : i32
      %dma_wait3A_1378 = arith.constant 256 : i32
      %dma_wait3A_1379 = arith.constant 0 : i32
      %dma_wait3A_1380 = tpu.memref_slice %arg13[%dma_wait3A_1377, %dma_wait3A_1378, %dma_wait3A_1379] : memref<16x512x2xf32, #tpu.memory_space<vmem>> -> memref<1x128x2xf32, #tpu.memory_space<vmem>>
      %dma_wait3A_1381 = tpu.memref_squeeze %dma_wait3A_1380 : memref<1x128x2xf32, #tpu.memory_space<vmem>> -> memref<128x2xf32, #tpu.memory_space<vmem>>
      %dma_wait3A_1382 = arith.constant 0 : i32
      %dma_wait3A_1383 = tpu.memref_slice %arg10[%dma_wait3A_1375, %dma_wait3A_1376, %dma_wait3A_1382] : memref<16x4x128xi32, #tpu.memory_space<vmem>> -> memref<1x1x128xi32, #tpu.memory_space<vmem>>
      %dma_wait3A_1384 = tpu.memref_squeeze %dma_wait3A_1383 : memref<1x1x128xi32, #tpu.memory_space<vmem>> -> memref<128xi32, #tpu.memory_space<vmem>>
      %dma_wait3A_1385 = arith.constant 0 : i32
      %dma_wait3A_1386 = arith.constant 0 : i32
      %dma_wait3A_1387 = tpu.memref_slice %arg5[%dma_wait3A_1385, %dma_wait3A_1386] : memref<524288x2xf32, #tpu.memory_space<hbm>> -> memref<524288x2xf32, #tpu.memory_space<hbm>>
      tpu.wait_indirect_dma semaphore(%arg16 : memref<!tpu.dma_semaphore, #tpu.memory_space<semaphore_mem>>) src(%dma_wait3A_1387 : memref<524288x2xf32, #tpu.memory_space<hbm>>) dst(%dma_wait3A_1381 : memref<128x2xf32, #tpu.memory_space<vmem>>)
      %dma_wait3A_1388 = arith.constant 9 : i32
      %dma_wait3A_1389 = arith.constant 3 : i32
      %dma_wait3A_1390 = arith.constant 9 : i32
      %dma_wait3A_1391 = arith.constant 384 : i32
      %dma_wait3A_1392 = arith.constant 0 : i32
      %dma_wait3A_1393 = tpu.memref_slice %arg13[%dma_wait3A_1390, %dma_wait3A_1391, %dma_wait3A_1392] : memref<16x512x2xf32, #tpu.memory_space<vmem>> -> memref<1x128x2xf32, #tpu.memory_space<vmem>>
      %dma_wait3A_1394 = tpu.memref_squeeze %dma_wait3A_1393 : memref<1x128x2xf32, #tpu.memory_space<vmem>> -> memref<128x2xf32, #tpu.memory_space<vmem>>
      %dma_wait3A_1395 = arith.constant 0 : i32
      %dma_wait3A_1396 = tpu.memref_slice %arg10[%dma_wait3A_1388, %dma_wait3A_1389, %dma_wait3A_1395] : memref<16x4x128xi32, #tpu.memory_space<vmem>> -> memref<1x1x128xi32, #tpu.memory_space<vmem>>
      %dma_wait3A_1397 = tpu.memref_squeeze %dma_wait3A_1396 : memref<1x1x128xi32, #tpu.memory_space<vmem>> -> memref<128xi32, #tpu.memory_space<vmem>>
      %dma_wait3A_1398 = arith.constant 0 : i32
      %dma_wait3A_1399 = arith.constant 0 : i32
      %dma_wait3A_1400 = tpu.memref_slice %arg5[%dma_wait3A_1398, %dma_wait3A_1399] : memref<524288x2xf32, #tpu.memory_space<hbm>> -> memref<524288x2xf32, #tpu.memory_space<hbm>>
      tpu.wait_indirect_dma semaphore(%arg16 : memref<!tpu.dma_semaphore, #tpu.memory_space<semaphore_mem>>) src(%dma_wait3A_1400 : memref<524288x2xf32, #tpu.memory_space<hbm>>) dst(%dma_wait3A_1394 : memref<128x2xf32, #tpu.memory_space<vmem>>)
      %dma_wait3A_1401 = arith.constant 10 : i32
      %dma_wait3A_1402 = arith.constant 0 : i32
      %dma_wait3A_1403 = arith.constant 10 : i32
      %dma_wait3A_1404 = arith.constant 0 : i32
      %dma_wait3A_1405 = arith.constant 0 : i32
      %dma_wait3A_1406 = tpu.memref_slice %arg13[%dma_wait3A_1403, %dma_wait3A_1404, %dma_wait3A_1405] : memref<16x512x2xf32, #tpu.memory_space<vmem>> -> memref<1x128x2xf32, #tpu.memory_space<vmem>>
      %dma_wait3A_1407 = tpu.memref_squeeze %dma_wait3A_1406 : memref<1x128x2xf32, #tpu.memory_space<vmem>> -> memref<128x2xf32, #tpu.memory_space<vmem>>
      %dma_wait3A_1408 = arith.constant 0 : i32
      %dma_wait3A_1409 = tpu.memref_slice %arg10[%dma_wait3A_1401, %dma_wait3A_1402, %dma_wait3A_1408] : memref<16x4x128xi32, #tpu.memory_space<vmem>> -> memref<1x1x128xi32, #tpu.memory_space<vmem>>
      %dma_wait3A_1410 = tpu.memref_squeeze %dma_wait3A_1409 : memref<1x1x128xi32, #tpu.memory_space<vmem>> -> memref<128xi32, #tpu.memory_space<vmem>>
      %dma_wait3A_1411 = arith.constant 0 : i32
      %dma_wait3A_1412 = arith.constant 0 : i32
      %dma_wait3A_1413 = tpu.memref_slice %arg5[%dma_wait3A_1411, %dma_wait3A_1412] : memref<524288x2xf32, #tpu.memory_space<hbm>> -> memref<524288x2xf32, #tpu.memory_space<hbm>>
      tpu.wait_indirect_dma semaphore(%arg16 : memref<!tpu.dma_semaphore, #tpu.memory_space<semaphore_mem>>) src(%dma_wait3A_1413 : memref<524288x2xf32, #tpu.memory_space<hbm>>) dst(%dma_wait3A_1407 : memref<128x2xf32, #tpu.memory_space<vmem>>)
      %dma_wait3A_1414 = arith.constant 10 : i32
      %dma_wait3A_1415 = arith.constant 1 : i32
      %dma_wait3A_1416 = arith.constant 10 : i32
      %dma_wait3A_1417 = arith.constant 128 : i32
      %dma_wait3A_1418 = arith.constant 0 : i32
      %dma_wait3A_1419 = tpu.memref_slice %arg13[%dma_wait3A_1416, %dma_wait3A_1417, %dma_wait3A_1418] : memref<16x512x2xf32, #tpu.memory_space<vmem>> -> memref<1x128x2xf32, #tpu.memory_space<vmem>>
      %dma_wait3A_1420 = tpu.memref_squeeze %dma_wait3A_1419 : memref<1x128x2xf32, #tpu.memory_space<vmem>> -> memref<128x2xf32, #tpu.memory_space<vmem>>
      %dma_wait3A_1421 = arith.constant 0 : i32
      %dma_wait3A_1422 = tpu.memref_slice %arg10[%dma_wait3A_1414, %dma_wait3A_1415, %dma_wait3A_1421] : memref<16x4x128xi32, #tpu.memory_space<vmem>> -> memref<1x1x128xi32, #tpu.memory_space<vmem>>
      %dma_wait3A_1423 = tpu.memref_squeeze %dma_wait3A_1422 : memref<1x1x128xi32, #tpu.memory_space<vmem>> -> memref<128xi32, #tpu.memory_space<vmem>>
      %dma_wait3A_1424 = arith.constant 0 : i32
      %dma_wait3A_1425 = arith.constant 0 : i32
      %dma_wait3A_1426 = tpu.memref_slice %arg5[%dma_wait3A_1424, %dma_wait3A_1425] : memref<524288x2xf32, #tpu.memory_space<hbm>> -> memref<524288x2xf32, #tpu.memory_space<hbm>>
      tpu.wait_indirect_dma semaphore(%arg16 : memref<!tpu.dma_semaphore, #tpu.memory_space<semaphore_mem>>) src(%dma_wait3A_1426 : memref<524288x2xf32, #tpu.memory_space<hbm>>) dst(%dma_wait3A_1420 : memref<128x2xf32, #tpu.memory_space<vmem>>)
      %dma_wait3A_1427 = arith.constant 10 : i32
      %dma_wait3A_1428 = arith.constant 2 : i32
      %dma_wait3A_1429 = arith.constant 10 : i32
      %dma_wait3A_1430 = arith.constant 256 : i32
      %dma_wait3A_1431 = arith.constant 0 : i32
      %dma_wait3A_1432 = tpu.memref_slice %arg13[%dma_wait3A_1429, %dma_wait3A_1430, %dma_wait3A_1431] : memref<16x512x2xf32, #tpu.memory_space<vmem>> -> memref<1x128x2xf32, #tpu.memory_space<vmem>>
      %dma_wait3A_1433 = tpu.memref_squeeze %dma_wait3A_1432 : memref<1x128x2xf32, #tpu.memory_space<vmem>> -> memref<128x2xf32, #tpu.memory_space<vmem>>
      %dma_wait3A_1434 = arith.constant 0 : i32
      %dma_wait3A_1435 = tpu.memref_slice %arg10[%dma_wait3A_1427, %dma_wait3A_1428, %dma_wait3A_1434] : memref<16x4x128xi32, #tpu.memory_space<vmem>> -> memref<1x1x128xi32, #tpu.memory_space<vmem>>
      %dma_wait3A_1436 = tpu.memref_squeeze %dma_wait3A_1435 : memref<1x1x128xi32, #tpu.memory_space<vmem>> -> memref<128xi32, #tpu.memory_space<vmem>>
      %dma_wait3A_1437 = arith.constant 0 : i32
      %dma_wait3A_1438 = arith.constant 0 : i32
      %dma_wait3A_1439 = tpu.memref_slice %arg5[%dma_wait3A_1437, %dma_wait3A_1438] : memref<524288x2xf32, #tpu.memory_space<hbm>> -> memref<524288x2xf32, #tpu.memory_space<hbm>>
      tpu.wait_indirect_dma semaphore(%arg16 : memref<!tpu.dma_semaphore, #tpu.memory_space<semaphore_mem>>) src(%dma_wait3A_1439 : memref<524288x2xf32, #tpu.memory_space<hbm>>) dst(%dma_wait3A_1433 : memref<128x2xf32, #tpu.memory_space<vmem>>)
      %dma_wait3A_1440 = arith.constant 10 : i32
      %dma_wait3A_1441 = arith.constant 3 : i32
      %dma_wait3A_1442 = arith.constant 10 : i32
      %dma_wait3A_1443 = arith.constant 384 : i32
      %dma_wait3A_1444 = arith.constant 0 : i32
      %dma_wait3A_1445 = tpu.memref_slice %arg13[%dma_wait3A_1442, %dma_wait3A_1443, %dma_wait3A_1444] : memref<16x512x2xf32, #tpu.memory_space<vmem>> -> memref<1x128x2xf32, #tpu.memory_space<vmem>>
      %dma_wait3A_1446 = tpu.memref_squeeze %dma_wait3A_1445 : memref<1x128x2xf32, #tpu.memory_space<vmem>> -> memref<128x2xf32, #tpu.memory_space<vmem>>
      %dma_wait3A_1447 = arith.constant 0 : i32
      %dma_wait3A_1448 = tpu.memref_slice %arg10[%dma_wait3A_1440, %dma_wait3A_1441, %dma_wait3A_1447] : memref<16x4x128xi32, #tpu.memory_space<vmem>> -> memref<1x1x128xi32, #tpu.memory_space<vmem>>
      %dma_wait3A_1449 = tpu.memref_squeeze %dma_wait3A_1448 : memref<1x1x128xi32, #tpu.memory_space<vmem>> -> memref<128xi32, #tpu.memory_space<vmem>>
      %dma_wait3A_1450 = arith.constant 0 : i32
      %dma_wait3A_1451 = arith.constant 0 : i32
      %dma_wait3A_1452 = tpu.memref_slice %arg5[%dma_wait3A_1450, %dma_wait3A_1451] : memref<524288x2xf32, #tpu.memory_space<hbm>> -> memref<524288x2xf32, #tpu.memory_space<hbm>>
      tpu.wait_indirect_dma semaphore(%arg16 : memref<!tpu.dma_semaphore, #tpu.memory_space<semaphore_mem>>) src(%dma_wait3A_1452 : memref<524288x2xf32, #tpu.memory_space<hbm>>) dst(%dma_wait3A_1446 : memref<128x2xf32, #tpu.memory_space<vmem>>)
      %dma_wait3A_1453 = arith.constant 11 : i32
      %dma_wait3A_1454 = arith.constant 0 : i32
      %dma_wait3A_1455 = arith.constant 11 : i32
      %dma_wait3A_1456 = arith.constant 0 : i32
      %dma_wait3A_1457 = arith.constant 0 : i32
      %dma_wait3A_1458 = tpu.memref_slice %arg13[%dma_wait3A_1455, %dma_wait3A_1456, %dma_wait3A_1457] : memref<16x512x2xf32, #tpu.memory_space<vmem>> -> memref<1x128x2xf32, #tpu.memory_space<vmem>>
      %dma_wait3A_1459 = tpu.memref_squeeze %dma_wait3A_1458 : memref<1x128x2xf32, #tpu.memory_space<vmem>> -> memref<128x2xf32, #tpu.memory_space<vmem>>
      %dma_wait3A_1460 = arith.constant 0 : i32
      %dma_wait3A_1461 = tpu.memref_slice %arg10[%dma_wait3A_1453, %dma_wait3A_1454, %dma_wait3A_1460] : memref<16x4x128xi32, #tpu.memory_space<vmem>> -> memref<1x1x128xi32, #tpu.memory_space<vmem>>
      %dma_wait3A_1462 = tpu.memref_squeeze %dma_wait3A_1461 : memref<1x1x128xi32, #tpu.memory_space<vmem>> -> memref<128xi32, #tpu.memory_space<vmem>>
      %dma_wait3A_1463 = arith.constant 0 : i32
      %dma_wait3A_1464 = arith.constant 0 : i32
      %dma_wait3A_1465 = tpu.memref_slice %arg5[%dma_wait3A_1463, %dma_wait3A_1464] : memref<524288x2xf32, #tpu.memory_space<hbm>> -> memref<524288x2xf32, #tpu.memory_space<hbm>>
      tpu.wait_indirect_dma semaphore(%arg16 : memref<!tpu.dma_semaphore, #tpu.memory_space<semaphore_mem>>) src(%dma_wait3A_1465 : memref<524288x2xf32, #tpu.memory_space<hbm>>) dst(%dma_wait3A_1459 : memref<128x2xf32, #tpu.memory_space<vmem>>)
      %dma_wait3A_1466 = arith.constant 11 : i32
      %dma_wait3A_1467 = arith.constant 1 : i32
      %dma_wait3A_1468 = arith.constant 11 : i32
      %dma_wait3A_1469 = arith.constant 128 : i32
      %dma_wait3A_1470 = arith.constant 0 : i32
      %dma_wait3A_1471 = tpu.memref_slice %arg13[%dma_wait3A_1468, %dma_wait3A_1469, %dma_wait3A_1470] : memref<16x512x2xf32, #tpu.memory_space<vmem>> -> memref<1x128x2xf32, #tpu.memory_space<vmem>>
      %dma_wait3A_1472 = tpu.memref_squeeze %dma_wait3A_1471 : memref<1x128x2xf32, #tpu.memory_space<vmem>> -> memref<128x2xf32, #tpu.memory_space<vmem>>
      %dma_wait3A_1473 = arith.constant 0 : i32
      %dma_wait3A_1474 = tpu.memref_slice %arg10[%dma_wait3A_1466, %dma_wait3A_1467, %dma_wait3A_1473] : memref<16x4x128xi32, #tpu.memory_space<vmem>> -> memref<1x1x128xi32, #tpu.memory_space<vmem>>
      %dma_wait3A_1475 = tpu.memref_squeeze %dma_wait3A_1474 : memref<1x1x128xi32, #tpu.memory_space<vmem>> -> memref<128xi32, #tpu.memory_space<vmem>>
      %dma_wait3A_1476 = arith.constant 0 : i32
      %dma_wait3A_1477 = arith.constant 0 : i32
      %dma_wait3A_1478 = tpu.memref_slice %arg5[%dma_wait3A_1476, %dma_wait3A_1477] : memref<524288x2xf32, #tpu.memory_space<hbm>> -> memref<524288x2xf32, #tpu.memory_space<hbm>>
      tpu.wait_indirect_dma semaphore(%arg16 : memref<!tpu.dma_semaphore, #tpu.memory_space<semaphore_mem>>) src(%dma_wait3A_1478 : memref<524288x2xf32, #tpu.memory_space<hbm>>) dst(%dma_wait3A_1472 : memref<128x2xf32, #tpu.memory_space<vmem>>)
      %dma_wait3A_1479 = arith.constant 11 : i32
      %dma_wait3A_1480 = arith.constant 2 : i32
      %dma_wait3A_1481 = arith.constant 11 : i32
      %dma_wait3A_1482 = arith.constant 256 : i32
      %dma_wait3A_1483 = arith.constant 0 : i32
      %dma_wait3A_1484 = tpu.memref_slice %arg13[%dma_wait3A_1481, %dma_wait3A_1482, %dma_wait3A_1483] : memref<16x512x2xf32, #tpu.memory_space<vmem>> -> memref<1x128x2xf32, #tpu.memory_space<vmem>>
      %dma_wait3A_1485 = tpu.memref_squeeze %dma_wait3A_1484 : memref<1x128x2xf32, #tpu.memory_space<vmem>> -> memref<128x2xf32, #tpu.memory_space<vmem>>
      %dma_wait3A_1486 = arith.constant 0 : i32
      %dma_wait3A_1487 = tpu.memref_slice %arg10[%dma_wait3A_1479, %dma_wait3A_1480, %dma_wait3A_1486] : memref<16x4x128xi32, #tpu.memory_space<vmem>> -> memref<1x1x128xi32, #tpu.memory_space<vmem>>
      %dma_wait3A_1488 = tpu.memref_squeeze %dma_wait3A_1487 : memref<1x1x128xi32, #tpu.memory_space<vmem>> -> memref<128xi32, #tpu.memory_space<vmem>>
      %dma_wait3A_1489 = arith.constant 0 : i32
      %dma_wait3A_1490 = arith.constant 0 : i32
      %dma_wait3A_1491 = tpu.memref_slice %arg5[%dma_wait3A_1489, %dma_wait3A_1490] : memref<524288x2xf32, #tpu.memory_space<hbm>> -> memref<524288x2xf32, #tpu.memory_space<hbm>>
      tpu.wait_indirect_dma semaphore(%arg16 : memref<!tpu.dma_semaphore, #tpu.memory_space<semaphore_mem>>) src(%dma_wait3A_1491 : memref<524288x2xf32, #tpu.memory_space<hbm>>) dst(%dma_wait3A_1485 : memref<128x2xf32, #tpu.memory_space<vmem>>)
      %dma_wait3A_1492 = arith.constant 11 : i32
      %dma_wait3A_1493 = arith.constant 3 : i32
      %dma_wait3A_1494 = arith.constant 11 : i32
      %dma_wait3A_1495 = arith.constant 384 : i32
      %dma_wait3A_1496 = arith.constant 0 : i32
      %dma_wait3A_1497 = tpu.memref_slice %arg13[%dma_wait3A_1494, %dma_wait3A_1495, %dma_wait3A_1496] : memref<16x512x2xf32, #tpu.memory_space<vmem>> -> memref<1x128x2xf32, #tpu.memory_space<vmem>>
      %dma_wait3A_1498 = tpu.memref_squeeze %dma_wait3A_1497 : memref<1x128x2xf32, #tpu.memory_space<vmem>> -> memref<128x2xf32, #tpu.memory_space<vmem>>
      %dma_wait3A_1499 = arith.constant 0 : i32
      %dma_wait3A_1500 = tpu.memref_slice %arg10[%dma_wait3A_1492, %dma_wait3A_1493, %dma_wait3A_1499] : memref<16x4x128xi32, #tpu.memory_space<vmem>> -> memref<1x1x128xi32, #tpu.memory_space<vmem>>
      %dma_wait3A_1501 = tpu.memref_squeeze %dma_wait3A_1500 : memref<1x1x128xi32, #tpu.memory_space<vmem>> -> memref<128xi32, #tpu.memory_space<vmem>>
      %dma_wait3A_1502 = arith.constant 0 : i32
      %dma_wait3A_1503 = arith.constant 0 : i32
      %dma_wait3A_1504 = tpu.memref_slice %arg5[%dma_wait3A_1502, %dma_wait3A_1503] : memref<524288x2xf32, #tpu.memory_space<hbm>> -> memref<524288x2xf32, #tpu.memory_space<hbm>>
      tpu.wait_indirect_dma semaphore(%arg16 : memref<!tpu.dma_semaphore, #tpu.memory_space<semaphore_mem>>) src(%dma_wait3A_1504 : memref<524288x2xf32, #tpu.memory_space<hbm>>) dst(%dma_wait3A_1498 : memref<128x2xf32, #tpu.memory_space<vmem>>)
      %dma_wait3A_1505 = arith.constant 12 : i32
      %dma_wait3A_1506 = arith.constant 0 : i32
      %dma_wait3A_1507 = arith.constant 12 : i32
      %dma_wait3A_1508 = arith.constant 0 : i32
      %dma_wait3A_1509 = arith.constant 0 : i32
      %dma_wait3A_1510 = tpu.memref_slice %arg13[%dma_wait3A_1507, %dma_wait3A_1508, %dma_wait3A_1509] : memref<16x512x2xf32, #tpu.memory_space<vmem>> -> memref<1x128x2xf32, #tpu.memory_space<vmem>>
      %dma_wait3A_1511 = tpu.memref_squeeze %dma_wait3A_1510 : memref<1x128x2xf32, #tpu.memory_space<vmem>> -> memref<128x2xf32, #tpu.memory_space<vmem>>
      %dma_wait3A_1512 = arith.constant 0 : i32
      %dma_wait3A_1513 = tpu.memref_slice %arg10[%dma_wait3A_1505, %dma_wait3A_1506, %dma_wait3A_1512] : memref<16x4x128xi32, #tpu.memory_space<vmem>> -> memref<1x1x128xi32, #tpu.memory_space<vmem>>
      %dma_wait3A_1514 = tpu.memref_squeeze %dma_wait3A_1513 : memref<1x1x128xi32, #tpu.memory_space<vmem>> -> memref<128xi32, #tpu.memory_space<vmem>>
      %dma_wait3A_1515 = arith.constant 0 : i32
      %dma_wait3A_1516 = arith.constant 0 : i32
      %dma_wait3A_1517 = tpu.memref_slice %arg6[%dma_wait3A_1515, %dma_wait3A_1516] : memref<2097152x2xf32, #tpu.memory_space<hbm>> -> memref<2097152x2xf32, #tpu.memory_space<hbm>>
      tpu.wait_indirect_dma semaphore(%arg16 : memref<!tpu.dma_semaphore, #tpu.memory_space<semaphore_mem>>) src(%dma_wait3A_1517 : memref<2097152x2xf32, #tpu.memory_space<hbm>>) dst(%dma_wait3A_1511 : memref<128x2xf32, #tpu.memory_space<vmem>>)
      %dma_wait3A_1518 = arith.constant 12 : i32
      %dma_wait3A_1519 = arith.constant 1 : i32
      %dma_wait3A_1520 = arith.constant 12 : i32
      %dma_wait3A_1521 = arith.constant 128 : i32
      %dma_wait3A_1522 = arith.constant 0 : i32
      %dma_wait3A_1523 = tpu.memref_slice %arg13[%dma_wait3A_1520, %dma_wait3A_1521, %dma_wait3A_1522] : memref<16x512x2xf32, #tpu.memory_space<vmem>> -> memref<1x128x2xf32, #tpu.memory_space<vmem>>
      %dma_wait3A_1524 = tpu.memref_squeeze %dma_wait3A_1523 : memref<1x128x2xf32, #tpu.memory_space<vmem>> -> memref<128x2xf32, #tpu.memory_space<vmem>>
      %dma_wait3A_1525 = arith.constant 0 : i32
      %dma_wait3A_1526 = tpu.memref_slice %arg10[%dma_wait3A_1518, %dma_wait3A_1519, %dma_wait3A_1525] : memref<16x4x128xi32, #tpu.memory_space<vmem>> -> memref<1x1x128xi32, #tpu.memory_space<vmem>>
      %dma_wait3A_1527 = tpu.memref_squeeze %dma_wait3A_1526 : memref<1x1x128xi32, #tpu.memory_space<vmem>> -> memref<128xi32, #tpu.memory_space<vmem>>
      %dma_wait3A_1528 = arith.constant 0 : i32
      %dma_wait3A_1529 = arith.constant 0 : i32
      %dma_wait3A_1530 = tpu.memref_slice %arg6[%dma_wait3A_1528, %dma_wait3A_1529] : memref<2097152x2xf32, #tpu.memory_space<hbm>> -> memref<2097152x2xf32, #tpu.memory_space<hbm>>
      tpu.wait_indirect_dma semaphore(%arg16 : memref<!tpu.dma_semaphore, #tpu.memory_space<semaphore_mem>>) src(%dma_wait3A_1530 : memref<2097152x2xf32, #tpu.memory_space<hbm>>) dst(%dma_wait3A_1524 : memref<128x2xf32, #tpu.memory_space<vmem>>)
      %dma_wait3A_1531 = arith.constant 12 : i32
      %dma_wait3A_1532 = arith.constant 2 : i32
      %dma_wait3A_1533 = arith.constant 12 : i32
      %dma_wait3A_1534 = arith.constant 256 : i32
      %dma_wait3A_1535 = arith.constant 0 : i32
      %dma_wait3A_1536 = tpu.memref_slice %arg13[%dma_wait3A_1533, %dma_wait3A_1534, %dma_wait3A_1535] : memref<16x512x2xf32, #tpu.memory_space<vmem>> -> memref<1x128x2xf32, #tpu.memory_space<vmem>>
      %dma_wait3A_1537 = tpu.memref_squeeze %dma_wait3A_1536 : memref<1x128x2xf32, #tpu.memory_space<vmem>> -> memref<128x2xf32, #tpu.memory_space<vmem>>
      %dma_wait3A_1538 = arith.constant 0 : i32
      %dma_wait3A_1539 = tpu.memref_slice %arg10[%dma_wait3A_1531, %dma_wait3A_1532, %dma_wait3A_1538] : memref<16x4x128xi32, #tpu.memory_space<vmem>> -> memref<1x1x128xi32, #tpu.memory_space<vmem>>
      %dma_wait3A_1540 = tpu.memref_squeeze %dma_wait3A_1539 : memref<1x1x128xi32, #tpu.memory_space<vmem>> -> memref<128xi32, #tpu.memory_space<vmem>>
      %dma_wait3A_1541 = arith.constant 0 : i32
      %dma_wait3A_1542 = arith.constant 0 : i32
      %dma_wait3A_1543 = tpu.memref_slice %arg6[%dma_wait3A_1541, %dma_wait3A_1542] : memref<2097152x2xf32, #tpu.memory_space<hbm>> -> memref<2097152x2xf32, #tpu.memory_space<hbm>>
      tpu.wait_indirect_dma semaphore(%arg16 : memref<!tpu.dma_semaphore, #tpu.memory_space<semaphore_mem>>) src(%dma_wait3A_1543 : memref<2097152x2xf32, #tpu.memory_space<hbm>>) dst(%dma_wait3A_1537 : memref<128x2xf32, #tpu.memory_space<vmem>>)
      %dma_wait3A_1544 = arith.constant 12 : i32
      %dma_wait3A_1545 = arith.constant 3 : i32
      %dma_wait3A_1546 = arith.constant 12 : i32
      %dma_wait3A_1547 = arith.constant 384 : i32
      %dma_wait3A_1548 = arith.constant 0 : i32
      %dma_wait3A_1549 = tpu.memref_slice %arg13[%dma_wait3A_1546, %dma_wait3A_1547, %dma_wait3A_1548] : memref<16x512x2xf32, #tpu.memory_space<vmem>> -> memref<1x128x2xf32, #tpu.memory_space<vmem>>
      %dma_wait3A_1550 = tpu.memref_squeeze %dma_wait3A_1549 : memref<1x128x2xf32, #tpu.memory_space<vmem>> -> memref<128x2xf32, #tpu.memory_space<vmem>>
      %dma_wait3A_1551 = arith.constant 0 : i32
      %dma_wait3A_1552 = tpu.memref_slice %arg10[%dma_wait3A_1544, %dma_wait3A_1545, %dma_wait3A_1551] : memref<16x4x128xi32, #tpu.memory_space<vmem>> -> memref<1x1x128xi32, #tpu.memory_space<vmem>>
      %dma_wait3A_1553 = tpu.memref_squeeze %dma_wait3A_1552 : memref<1x1x128xi32, #tpu.memory_space<vmem>> -> memref<128xi32, #tpu.memory_space<vmem>>
      %dma_wait3A_1554 = arith.constant 0 : i32
      %dma_wait3A_1555 = arith.constant 0 : i32
      %dma_wait3A_1556 = tpu.memref_slice %arg6[%dma_wait3A_1554, %dma_wait3A_1555] : memref<2097152x2xf32, #tpu.memory_space<hbm>> -> memref<2097152x2xf32, #tpu.memory_space<hbm>>
      tpu.wait_indirect_dma semaphore(%arg16 : memref<!tpu.dma_semaphore, #tpu.memory_space<semaphore_mem>>) src(%dma_wait3A_1556 : memref<2097152x2xf32, #tpu.memory_space<hbm>>) dst(%dma_wait3A_1550 : memref<128x2xf32, #tpu.memory_space<vmem>>)
      %dma_wait3A_1557 = arith.constant 13 : i32
      %dma_wait3A_1558 = arith.constant 0 : i32
      %dma_wait3A_1559 = arith.constant 13 : i32
      %dma_wait3A_1560 = arith.constant 0 : i32
      %dma_wait3A_1561 = arith.constant 0 : i32
      %dma_wait3A_1562 = tpu.memref_slice %arg13[%dma_wait3A_1559, %dma_wait3A_1560, %dma_wait3A_1561] : memref<16x512x2xf32, #tpu.memory_space<vmem>> -> memref<1x128x2xf32, #tpu.memory_space<vmem>>
      %dma_wait3A_1563 = tpu.memref_squeeze %dma_wait3A_1562 : memref<1x128x2xf32, #tpu.memory_space<vmem>> -> memref<128x2xf32, #tpu.memory_space<vmem>>
      %dma_wait3A_1564 = arith.constant 0 : i32
      %dma_wait3A_1565 = tpu.memref_slice %arg10[%dma_wait3A_1557, %dma_wait3A_1558, %dma_wait3A_1564] : memref<16x4x128xi32, #tpu.memory_space<vmem>> -> memref<1x1x128xi32, #tpu.memory_space<vmem>>
      %dma_wait3A_1566 = tpu.memref_squeeze %dma_wait3A_1565 : memref<1x1x128xi32, #tpu.memory_space<vmem>> -> memref<128xi32, #tpu.memory_space<vmem>>
      %dma_wait3A_1567 = arith.constant 0 : i32
      %dma_wait3A_1568 = arith.constant 0 : i32
      %dma_wait3A_1569 = tpu.memref_slice %arg6[%dma_wait3A_1567, %dma_wait3A_1568] : memref<2097152x2xf32, #tpu.memory_space<hbm>> -> memref<2097152x2xf32, #tpu.memory_space<hbm>>
      tpu.wait_indirect_dma semaphore(%arg16 : memref<!tpu.dma_semaphore, #tpu.memory_space<semaphore_mem>>) src(%dma_wait3A_1569 : memref<2097152x2xf32, #tpu.memory_space<hbm>>) dst(%dma_wait3A_1563 : memref<128x2xf32, #tpu.memory_space<vmem>>)
      %dma_wait3A_1570 = arith.constant 13 : i32
      %dma_wait3A_1571 = arith.constant 1 : i32
      %dma_wait3A_1572 = arith.constant 13 : i32
      %dma_wait3A_1573 = arith.constant 128 : i32
      %dma_wait3A_1574 = arith.constant 0 : i32
      %dma_wait3A_1575 = tpu.memref_slice %arg13[%dma_wait3A_1572, %dma_wait3A_1573, %dma_wait3A_1574] : memref<16x512x2xf32, #tpu.memory_space<vmem>> -> memref<1x128x2xf32, #tpu.memory_space<vmem>>
      %dma_wait3A_1576 = tpu.memref_squeeze %dma_wait3A_1575 : memref<1x128x2xf32, #tpu.memory_space<vmem>> -> memref<128x2xf32, #tpu.memory_space<vmem>>
      %dma_wait3A_1577 = arith.constant 0 : i32
      %dma_wait3A_1578 = tpu.memref_slice %arg10[%dma_wait3A_1570, %dma_wait3A_1571, %dma_wait3A_1577] : memref<16x4x128xi32, #tpu.memory_space<vmem>> -> memref<1x1x128xi32, #tpu.memory_space<vmem>>
      %dma_wait3A_1579 = tpu.memref_squeeze %dma_wait3A_1578 : memref<1x1x128xi32, #tpu.memory_space<vmem>> -> memref<128xi32, #tpu.memory_space<vmem>>
      %dma_wait3A_1580 = arith.constant 0 : i32
      %dma_wait3A_1581 = arith.constant 0 : i32
      %dma_wait3A_1582 = tpu.memref_slice %arg6[%dma_wait3A_1580, %dma_wait3A_1581] : memref<2097152x2xf32, #tpu.memory_space<hbm>> -> memref<2097152x2xf32, #tpu.memory_space<hbm>>
      tpu.wait_indirect_dma semaphore(%arg16 : memref<!tpu.dma_semaphore, #tpu.memory_space<semaphore_mem>>) src(%dma_wait3A_1582 : memref<2097152x2xf32, #tpu.memory_space<hbm>>) dst(%dma_wait3A_1576 : memref<128x2xf32, #tpu.memory_space<vmem>>)
      %dma_wait3A_1583 = arith.constant 13 : i32
      %dma_wait3A_1584 = arith.constant 2 : i32
      %dma_wait3A_1585 = arith.constant 13 : i32
      %dma_wait3A_1586 = arith.constant 256 : i32
      %dma_wait3A_1587 = arith.constant 0 : i32
      %dma_wait3A_1588 = tpu.memref_slice %arg13[%dma_wait3A_1585, %dma_wait3A_1586, %dma_wait3A_1587] : memref<16x512x2xf32, #tpu.memory_space<vmem>> -> memref<1x128x2xf32, #tpu.memory_space<vmem>>
      %dma_wait3A_1589 = tpu.memref_squeeze %dma_wait3A_1588 : memref<1x128x2xf32, #tpu.memory_space<vmem>> -> memref<128x2xf32, #tpu.memory_space<vmem>>
      %dma_wait3A_1590 = arith.constant 0 : i32
      %dma_wait3A_1591 = tpu.memref_slice %arg10[%dma_wait3A_1583, %dma_wait3A_1584, %dma_wait3A_1590] : memref<16x4x128xi32, #tpu.memory_space<vmem>> -> memref<1x1x128xi32, #tpu.memory_space<vmem>>
      %dma_wait3A_1592 = tpu.memref_squeeze %dma_wait3A_1591 : memref<1x1x128xi32, #tpu.memory_space<vmem>> -> memref<128xi32, #tpu.memory_space<vmem>>
      %dma_wait3A_1593 = arith.constant 0 : i32
      %dma_wait3A_1594 = arith.constant 0 : i32
      %dma_wait3A_1595 = tpu.memref_slice %arg6[%dma_wait3A_1593, %dma_wait3A_1594] : memref<2097152x2xf32, #tpu.memory_space<hbm>> -> memref<2097152x2xf32, #tpu.memory_space<hbm>>
      tpu.wait_indirect_dma semaphore(%arg16 : memref<!tpu.dma_semaphore, #tpu.memory_space<semaphore_mem>>) src(%dma_wait3A_1595 : memref<2097152x2xf32, #tpu.memory_space<hbm>>) dst(%dma_wait3A_1589 : memref<128x2xf32, #tpu.memory_space<vmem>>)
      %dma_wait3A_1596 = arith.constant 13 : i32
      %dma_wait3A_1597 = arith.constant 3 : i32
      %dma_wait3A_1598 = arith.constant 13 : i32
      %dma_wait3A_1599 = arith.constant 384 : i32
      %dma_wait3A_1600 = arith.constant 0 : i32
      %dma_wait3A_1601 = tpu.memref_slice %arg13[%dma_wait3A_1598, %dma_wait3A_1599, %dma_wait3A_1600] : memref<16x512x2xf32, #tpu.memory_space<vmem>> -> memref<1x128x2xf32, #tpu.memory_space<vmem>>
      %dma_wait3A_1602 = tpu.memref_squeeze %dma_wait3A_1601 : memref<1x128x2xf32, #tpu.memory_space<vmem>> -> memref<128x2xf32, #tpu.memory_space<vmem>>
      %dma_wait3A_1603 = arith.constant 0 : i32
      %dma_wait3A_1604 = tpu.memref_slice %arg10[%dma_wait3A_1596, %dma_wait3A_1597, %dma_wait3A_1603] : memref<16x4x128xi32, #tpu.memory_space<vmem>> -> memref<1x1x128xi32, #tpu.memory_space<vmem>>
      %dma_wait3A_1605 = tpu.memref_squeeze %dma_wait3A_1604 : memref<1x1x128xi32, #tpu.memory_space<vmem>> -> memref<128xi32, #tpu.memory_space<vmem>>
      %dma_wait3A_1606 = arith.constant 0 : i32
      %dma_wait3A_1607 = arith.constant 0 : i32
      %dma_wait3A_1608 = tpu.memref_slice %arg6[%dma_wait3A_1606, %dma_wait3A_1607] : memref<2097152x2xf32, #tpu.memory_space<hbm>> -> memref<2097152x2xf32, #tpu.memory_space<hbm>>
      tpu.wait_indirect_dma semaphore(%arg16 : memref<!tpu.dma_semaphore, #tpu.memory_space<semaphore_mem>>) src(%dma_wait3A_1608 : memref<2097152x2xf32, #tpu.memory_space<hbm>>) dst(%dma_wait3A_1602 : memref<128x2xf32, #tpu.memory_space<vmem>>)
      %dma_wait3A_1609 = arith.constant 14 : i32
      %dma_wait3A_1610 = arith.constant 0 : i32
      %dma_wait3A_1611 = arith.constant 14 : i32
      %dma_wait3A_1612 = arith.constant 0 : i32
      %dma_wait3A_1613 = arith.constant 0 : i32
      %dma_wait3A_1614 = tpu.memref_slice %arg13[%dma_wait3A_1611, %dma_wait3A_1612, %dma_wait3A_1613] : memref<16x512x2xf32, #tpu.memory_space<vmem>> -> memref<1x128x2xf32, #tpu.memory_space<vmem>>
      %dma_wait3A_1615 = tpu.memref_squeeze %dma_wait3A_1614 : memref<1x128x2xf32, #tpu.memory_space<vmem>> -> memref<128x2xf32, #tpu.memory_space<vmem>>
      %dma_wait3A_1616 = arith.constant 0 : i32
      %dma_wait3A_1617 = tpu.memref_slice %arg10[%dma_wait3A_1609, %dma_wait3A_1610, %dma_wait3A_1616] : memref<16x4x128xi32, #tpu.memory_space<vmem>> -> memref<1x1x128xi32, #tpu.memory_space<vmem>>
      %dma_wait3A_1618 = tpu.memref_squeeze %dma_wait3A_1617 : memref<1x1x128xi32, #tpu.memory_space<vmem>> -> memref<128xi32, #tpu.memory_space<vmem>>
      %dma_wait3A_1619 = arith.constant 0 : i32
      %dma_wait3A_1620 = arith.constant 0 : i32
      %dma_wait3A_1621 = tpu.memref_slice %arg6[%dma_wait3A_1619, %dma_wait3A_1620] : memref<2097152x2xf32, #tpu.memory_space<hbm>> -> memref<2097152x2xf32, #tpu.memory_space<hbm>>
      tpu.wait_indirect_dma semaphore(%arg16 : memref<!tpu.dma_semaphore, #tpu.memory_space<semaphore_mem>>) src(%dma_wait3A_1621 : memref<2097152x2xf32, #tpu.memory_space<hbm>>) dst(%dma_wait3A_1615 : memref<128x2xf32, #tpu.memory_space<vmem>>)
      %dma_wait3A_1622 = arith.constant 14 : i32
      %dma_wait3A_1623 = arith.constant 1 : i32
      %dma_wait3A_1624 = arith.constant 14 : i32
      %dma_wait3A_1625 = arith.constant 128 : i32
      %dma_wait3A_1626 = arith.constant 0 : i32
      %dma_wait3A_1627 = tpu.memref_slice %arg13[%dma_wait3A_1624, %dma_wait3A_1625, %dma_wait3A_1626] : memref<16x512x2xf32, #tpu.memory_space<vmem>> -> memref<1x128x2xf32, #tpu.memory_space<vmem>>
      %dma_wait3A_1628 = tpu.memref_squeeze %dma_wait3A_1627 : memref<1x128x2xf32, #tpu.memory_space<vmem>> -> memref<128x2xf32, #tpu.memory_space<vmem>>
      %dma_wait3A_1629 = arith.constant 0 : i32
      %dma_wait3A_1630 = tpu.memref_slice %arg10[%dma_wait3A_1622, %dma_wait3A_1623, %dma_wait3A_1629] : memref<16x4x128xi32, #tpu.memory_space<vmem>> -> memref<1x1x128xi32, #tpu.memory_space<vmem>>
      %dma_wait3A_1631 = tpu.memref_squeeze %dma_wait3A_1630 : memref<1x1x128xi32, #tpu.memory_space<vmem>> -> memref<128xi32, #tpu.memory_space<vmem>>
      %dma_wait3A_1632 = arith.constant 0 : i32
      %dma_wait3A_1633 = arith.constant 0 : i32
      %dma_wait3A_1634 = tpu.memref_slice %arg6[%dma_wait3A_1632, %dma_wait3A_1633] : memref<2097152x2xf32, #tpu.memory_space<hbm>> -> memref<2097152x2xf32, #tpu.memory_space<hbm>>
      tpu.wait_indirect_dma semaphore(%arg16 : memref<!tpu.dma_semaphore, #tpu.memory_space<semaphore_mem>>) src(%dma_wait3A_1634 : memref<2097152x2xf32, #tpu.memory_space<hbm>>) dst(%dma_wait3A_1628 : memref<128x2xf32, #tpu.memory_space<vmem>>)
      %dma_wait3A_1635 = arith.constant 14 : i32
      %dma_wait3A_1636 = arith.constant 2 : i32
      %dma_wait3A_1637 = arith.constant 14 : i32
      %dma_wait3A_1638 = arith.constant 256 : i32
      %dma_wait3A_1639 = arith.constant 0 : i32
      %dma_wait3A_1640 = tpu.memref_slice %arg13[%dma_wait3A_1637, %dma_wait3A_1638, %dma_wait3A_1639] : memref<16x512x2xf32, #tpu.memory_space<vmem>> -> memref<1x128x2xf32, #tpu.memory_space<vmem>>
      %dma_wait3A_1641 = tpu.memref_squeeze %dma_wait3A_1640 : memref<1x128x2xf32, #tpu.memory_space<vmem>> -> memref<128x2xf32, #tpu.memory_space<vmem>>
      %dma_wait3A_1642 = arith.constant 0 : i32
      %dma_wait3A_1643 = tpu.memref_slice %arg10[%dma_wait3A_1635, %dma_wait3A_1636, %dma_wait3A_1642] : memref<16x4x128xi32, #tpu.memory_space<vmem>> -> memref<1x1x128xi32, #tpu.memory_space<vmem>>
      %dma_wait3A_1644 = tpu.memref_squeeze %dma_wait3A_1643 : memref<1x1x128xi32, #tpu.memory_space<vmem>> -> memref<128xi32, #tpu.memory_space<vmem>>
      %dma_wait3A_1645 = arith.constant 0 : i32
      %dma_wait3A_1646 = arith.constant 0 : i32
      %dma_wait3A_1647 = tpu.memref_slice %arg6[%dma_wait3A_1645, %dma_wait3A_1646] : memref<2097152x2xf32, #tpu.memory_space<hbm>> -> memref<2097152x2xf32, #tpu.memory_space<hbm>>
      tpu.wait_indirect_dma semaphore(%arg16 : memref<!tpu.dma_semaphore, #tpu.memory_space<semaphore_mem>>) src(%dma_wait3A_1647 : memref<2097152x2xf32, #tpu.memory_space<hbm>>) dst(%dma_wait3A_1641 : memref<128x2xf32, #tpu.memory_space<vmem>>)
      %dma_wait3A_1648 = arith.constant 14 : i32
      %dma_wait3A_1649 = arith.constant 3 : i32
      %dma_wait3A_1650 = arith.constant 14 : i32
      %dma_wait3A_1651 = arith.constant 384 : i32
      %dma_wait3A_1652 = arith.constant 0 : i32
      %dma_wait3A_1653 = tpu.memref_slice %arg13[%dma_wait3A_1650, %dma_wait3A_1651, %dma_wait3A_1652] : memref<16x512x2xf32, #tpu.memory_space<vmem>> -> memref<1x128x2xf32, #tpu.memory_space<vmem>>
      %dma_wait3A_1654 = tpu.memref_squeeze %dma_wait3A_1653 : memref<1x128x2xf32, #tpu.memory_space<vmem>> -> memref<128x2xf32, #tpu.memory_space<vmem>>
      %dma_wait3A_1655 = arith.constant 0 : i32
      %dma_wait3A_1656 = tpu.memref_slice %arg10[%dma_wait3A_1648, %dma_wait3A_1649, %dma_wait3A_1655] : memref<16x4x128xi32, #tpu.memory_space<vmem>> -> memref<1x1x128xi32, #tpu.memory_space<vmem>>
      %dma_wait3A_1657 = tpu.memref_squeeze %dma_wait3A_1656 : memref<1x1x128xi32, #tpu.memory_space<vmem>> -> memref<128xi32, #tpu.memory_space<vmem>>
      %dma_wait3A_1658 = arith.constant 0 : i32
      %dma_wait3A_1659 = arith.constant 0 : i32
      %dma_wait3A_1660 = tpu.memref_slice %arg6[%dma_wait3A_1658, %dma_wait3A_1659] : memref<2097152x2xf32, #tpu.memory_space<hbm>> -> memref<2097152x2xf32, #tpu.memory_space<hbm>>
      tpu.wait_indirect_dma semaphore(%arg16 : memref<!tpu.dma_semaphore, #tpu.memory_space<semaphore_mem>>) src(%dma_wait3A_1660 : memref<2097152x2xf32, #tpu.memory_space<hbm>>) dst(%dma_wait3A_1654 : memref<128x2xf32, #tpu.memory_space<vmem>>)
      %dma_wait3A_1661 = arith.constant 15 : i32
      %dma_wait3A_1662 = arith.constant 0 : i32
      %dma_wait3A_1663 = arith.constant 15 : i32
      %dma_wait3A_1664 = arith.constant 0 : i32
      %dma_wait3A_1665 = arith.constant 0 : i32
      %dma_wait3A_1666 = tpu.memref_slice %arg13[%dma_wait3A_1663, %dma_wait3A_1664, %dma_wait3A_1665] : memref<16x512x2xf32, #tpu.memory_space<vmem>> -> memref<1x128x2xf32, #tpu.memory_space<vmem>>
      %dma_wait3A_1667 = tpu.memref_squeeze %dma_wait3A_1666 : memref<1x128x2xf32, #tpu.memory_space<vmem>> -> memref<128x2xf32, #tpu.memory_space<vmem>>
      %dma_wait3A_1668 = arith.constant 0 : i32
      %dma_wait3A_1669 = tpu.memref_slice %arg10[%dma_wait3A_1661, %dma_wait3A_1662, %dma_wait3A_1668] : memref<16x4x128xi32, #tpu.memory_space<vmem>> -> memref<1x1x128xi32, #tpu.memory_space<vmem>>
      %dma_wait3A_1670 = tpu.memref_squeeze %dma_wait3A_1669 : memref<1x1x128xi32, #tpu.memory_space<vmem>> -> memref<128xi32, #tpu.memory_space<vmem>>
      %dma_wait3A_1671 = arith.constant 0 : i32
      %dma_wait3A_1672 = arith.constant 0 : i32
      %dma_wait3A_1673 = tpu.memref_slice %arg6[%dma_wait3A_1671, %dma_wait3A_1672] : memref<2097152x2xf32, #tpu.memory_space<hbm>> -> memref<2097152x2xf32, #tpu.memory_space<hbm>>
      tpu.wait_indirect_dma semaphore(%arg16 : memref<!tpu.dma_semaphore, #tpu.memory_space<semaphore_mem>>) src(%dma_wait3A_1673 : memref<2097152x2xf32, #tpu.memory_space<hbm>>) dst(%dma_wait3A_1667 : memref<128x2xf32, #tpu.memory_space<vmem>>)
      %dma_wait3A_1674 = arith.constant 15 : i32
      %dma_wait3A_1675 = arith.constant 1 : i32
      %dma_wait3A_1676 = arith.constant 15 : i32
      %dma_wait3A_1677 = arith.constant 128 : i32
      %dma_wait3A_1678 = arith.constant 0 : i32
      %dma_wait3A_1679 = tpu.memref_slice %arg13[%dma_wait3A_1676, %dma_wait3A_1677, %dma_wait3A_1678] : memref<16x512x2xf32, #tpu.memory_space<vmem>> -> memref<1x128x2xf32, #tpu.memory_space<vmem>>
      %dma_wait3A_1680 = tpu.memref_squeeze %dma_wait3A_1679 : memref<1x128x2xf32, #tpu.memory_space<vmem>> -> memref<128x2xf32, #tpu.memory_space<vmem>>
      %dma_wait3A_1681 = arith.constant 0 : i32
      %dma_wait3A_1682 = tpu.memref_slice %arg10[%dma_wait3A_1674, %dma_wait3A_1675, %dma_wait3A_1681] : memref<16x4x128xi32, #tpu.memory_space<vmem>> -> memref<1x1x128xi32, #tpu.memory_space<vmem>>
      %dma_wait3A_1683 = tpu.memref_squeeze %dma_wait3A_1682 : memref<1x1x128xi32, #tpu.memory_space<vmem>> -> memref<128xi32, #tpu.memory_space<vmem>>
      %dma_wait3A_1684 = arith.constant 0 : i32
      %dma_wait3A_1685 = arith.constant 0 : i32
      %dma_wait3A_1686 = tpu.memref_slice %arg6[%dma_wait3A_1684, %dma_wait3A_1685] : memref<2097152x2xf32, #tpu.memory_space<hbm>> -> memref<2097152x2xf32, #tpu.memory_space<hbm>>
      tpu.wait_indirect_dma semaphore(%arg16 : memref<!tpu.dma_semaphore, #tpu.memory_space<semaphore_mem>>) src(%dma_wait3A_1686 : memref<2097152x2xf32, #tpu.memory_space<hbm>>) dst(%dma_wait3A_1680 : memref<128x2xf32, #tpu.memory_space<vmem>>)
      %dma_wait3A_1687 = arith.constant 15 : i32
      %dma_wait3A_1688 = arith.constant 2 : i32
      %dma_wait3A_1689 = arith.constant 15 : i32
      %dma_wait3A_1690 = arith.constant 256 : i32
      %dma_wait3A_1691 = arith.constant 0 : i32
      %dma_wait3A_1692 = tpu.memref_slice %arg13[%dma_wait3A_1689, %dma_wait3A_1690, %dma_wait3A_1691] : memref<16x512x2xf32, #tpu.memory_space<vmem>> -> memref<1x128x2xf32, #tpu.memory_space<vmem>>
      %dma_wait3A_1693 = tpu.memref_squeeze %dma_wait3A_1692 : memref<1x128x2xf32, #tpu.memory_space<vmem>> -> memref<128x2xf32, #tpu.memory_space<vmem>>
      %dma_wait3A_1694 = arith.constant 0 : i32
      %dma_wait3A_1695 = tpu.memref_slice %arg10[%dma_wait3A_1687, %dma_wait3A_1688, %dma_wait3A_1694] : memref<16x4x128xi32, #tpu.memory_space<vmem>> -> memref<1x1x128xi32, #tpu.memory_space<vmem>>
      %dma_wait3A_1696 = tpu.memref_squeeze %dma_wait3A_1695 : memref<1x1x128xi32, #tpu.memory_space<vmem>> -> memref<128xi32, #tpu.memory_space<vmem>>
      %dma_wait3A_1697 = arith.constant 0 : i32
      %dma_wait3A_1698 = arith.constant 0 : i32
      %dma_wait3A_1699 = tpu.memref_slice %arg6[%dma_wait3A_1697, %dma_wait3A_1698] : memref<2097152x2xf32, #tpu.memory_space<hbm>> -> memref<2097152x2xf32, #tpu.memory_space<hbm>>
      tpu.wait_indirect_dma semaphore(%arg16 : memref<!tpu.dma_semaphore, #tpu.memory_space<semaphore_mem>>) src(%dma_wait3A_1699 : memref<2097152x2xf32, #tpu.memory_space<hbm>>) dst(%dma_wait3A_1693 : memref<128x2xf32, #tpu.memory_space<vmem>>)
      %dma_wait3A_1700 = arith.constant 15 : i32
      %dma_wait3A_1701 = arith.constant 3 : i32
      %dma_wait3A_1702 = arith.constant 15 : i32
      %dma_wait3A_1703 = arith.constant 384 : i32
      %dma_wait3A_1704 = arith.constant 0 : i32
      %dma_wait3A_1705 = tpu.memref_slice %arg13[%dma_wait3A_1702, %dma_wait3A_1703, %dma_wait3A_1704] : memref<16x512x2xf32, #tpu.memory_space<vmem>> -> memref<1x128x2xf32, #tpu.memory_space<vmem>>
      %dma_wait3A_1706 = tpu.memref_squeeze %dma_wait3A_1705 : memref<1x128x2xf32, #tpu.memory_space<vmem>> -> memref<128x2xf32, #tpu.memory_space<vmem>>
      %dma_wait3A_1707 = arith.constant 0 : i32
      %dma_wait3A_1708 = tpu.memref_slice %arg10[%dma_wait3A_1700, %dma_wait3A_1701, %dma_wait3A_1707] : memref<16x4x128xi32, #tpu.memory_space<vmem>> -> memref<1x1x128xi32, #tpu.memory_space<vmem>>
      %dma_wait3A_1709 = tpu.memref_squeeze %dma_wait3A_1708 : memref<1x1x128xi32, #tpu.memory_space<vmem>> -> memref<128xi32, #tpu.memory_space<vmem>>
      %dma_wait3A_1710 = arith.constant 0 : i32
      %dma_wait3A_1711 = arith.constant 0 : i32
      %dma_wait3A_1712 = tpu.memref_slice %arg6[%dma_wait3A_1710, %dma_wait3A_1711] : memref<2097152x2xf32, #tpu.memory_space<hbm>> -> memref<2097152x2xf32, #tpu.memory_space<hbm>>
      tpu.wait_indirect_dma semaphore(%arg16 : memref<!tpu.dma_semaphore, #tpu.memory_space<semaphore_mem>>) src(%dma_wait3A_1712 : memref<2097152x2xf32, #tpu.memory_space<hbm>>) dst(%dma_wait3A_1706 : memref<128x2xf32, #tpu.memory_space<vmem>>)
      %shift_right_arithmetic3A = arith.constant 1 : i32
      %shift_right_arithmetic3A_1713 = vector.broadcast %shift_right_arithmetic3A : i32 to vector<16xi32>
      %shift_right_arithmetic3A_1714 = arith.shrsi %iota3A, %shift_right_arithmetic3A_1713 : vector<16xi32>
      %and3A = arith.constant 1 : i32
      %and3A_1715 = vector.broadcast %and3A : i32 to vector<16xi32>
      %and3A_1716 = arith.andi %iota3A, %and3A_1715 : vector<16xi32>
      %scan3A_1717 = arith.constant 0 : i32
      %scan3A_1718 = arith.constant 0 : i32
      %scan3A_1719 = arith.constant 64 : i32
      %scan3A_1720 = arith.addi %scan3A_1718, %scan3A_1719 : i32
      %scan3A_1721 = arith.constant 1 : i32
      scf.for %scan3A_1744 = %scan3A_1718 to %scan3A_1720 step %scan3A_1721  : i32 {
        %mul3A_1745 = arith.constant 8 : i32
        %mul3A_1746 = arith.muli %scan3A_1744, %mul3A_1745 : i32
        %add3A_1747 = vector.broadcast %mul3A_1746 : i32 to vector<16xi32>
        %add3A_1748 = arith.addi %add3A_1747, %shift_right_arithmetic3A_1714 : vector<16xi32>
        %and3A_1749 = arith.constant 15 : i32
        %and3A_1750 = arith.andi %scan3A_1744, %and3A_1749 : i32
        %mul3A_1751 = arith.constant 8 : i32
        %mul3A_1752 = arith.muli %and3A_1750, %mul3A_1751 : i32
        %add3A_1753 = vector.broadcast %mul3A_1752 : i32 to vector<16xi32>
        %add3A_1754 = arith.addi %add3A_1753, %shift_right_arithmetic3A_1714 : vector<16xi32>
        %shift_right_arithmetic3A_1755 = arith.constant 4 : i32
        %shift_right_arithmetic3A_1756 = arith.shrsi %scan3A_1744, %shift_right_arithmetic3A_1755 : i32
        %mul3A_1757 = arith.constant 8 : i32
        %mul3A_1758 = arith.muli %shift_right_arithmetic3A_1756, %mul3A_1757 : i32
        %broadcast_in_dim3A_1759 = arith.constant 0 : i32
        %broadcast_in_dim3A_1760 = vector.broadcast %broadcast_in_dim3A_1759 : i32 to vector<16xi32>
        %gather3A_1761 = tpu.vector_load_idx %arg13[%broadcast_in_dim3A_1760, %add3A_1748, %and3A_1716] : memref<16x512x2xf32, #tpu.memory_space<vmem>>[vector<16xi32>, vector<16xi32>, vector<16xi32>], vector<16xf32>,
        %broadcast_in_dim3A_1762 = arith.constant 1 : i32
        %broadcast_in_dim3A_1763 = vector.broadcast %broadcast_in_dim3A_1762 : i32 to vector<16xi32>
        %gather3A_1764 = tpu.vector_load_idx %arg13[%broadcast_in_dim3A_1763, %add3A_1748, %and3A_1716] : memref<16x512x2xf32, #tpu.memory_space<vmem>>[vector<16xi32>, vector<16xi32>, vector<16xi32>], vector<16xf32>,
        %broadcast_in_dim3A_1765 = arith.constant 2 : i32
        %broadcast_in_dim3A_1766 = vector.broadcast %broadcast_in_dim3A_1765 : i32 to vector<16xi32>
        %gather3A_1767 = tpu.vector_load_idx %arg13[%broadcast_in_dim3A_1766, %add3A_1748, %and3A_1716] : memref<16x512x2xf32, #tpu.memory_space<vmem>>[vector<16xi32>, vector<16xi32>, vector<16xi32>], vector<16xf32>,
        %broadcast_in_dim3A_1768 = arith.constant 3 : i32
        %broadcast_in_dim3A_1769 = vector.broadcast %broadcast_in_dim3A_1768 : i32 to vector<16xi32>
        %gather3A_1770 = tpu.vector_load_idx %arg13[%broadcast_in_dim3A_1769, %add3A_1748, %and3A_1716] : memref<16x512x2xf32, #tpu.memory_space<vmem>>[vector<16xi32>, vector<16xi32>, vector<16xi32>], vector<16xf32>,
        %broadcast_in_dim3A_1771 = arith.constant 0 : i32
        %broadcast_in_dim3A_1772 = vector.broadcast %broadcast_in_dim3A_1771 : i32 to vector<16xi32>
        %gather3A_1773 = tpu.vector_load_idx %arg11[%broadcast_in_dim3A_1772, %add3A_1748] : memref<4x512xf32, #tpu.memory_space<vmem>>[vector<16xi32>, vector<16xi32>], vector<16xf32>,
        %broadcast_in_dim3A_1774 = arith.constant 0 : i32
        %broadcast_in_dim3A_1775 = vector.broadcast %broadcast_in_dim3A_1774 : i32 to vector<16xi32>
        %gather3A_1776 = tpu.vector_load_idx %arg12[%broadcast_in_dim3A_1775, %add3A_1748] : memref<4x512xf32, #tpu.memory_space<vmem>>[vector<16xi32>, vector<16xi32>], vector<16xf32>,
        %broadcast_in_dim3A_1777 = arith.constant 0 : i32
        %broadcast_in_dim3A_1778 = vector.broadcast %broadcast_in_dim3A_1777 : i32 to vector<16xi32>
        %gather3A_1779 = tpu.vector_load_idx %arg15[%broadcast_in_dim3A_1778] : memref<16xf32, #tpu.memory_space<vmem>>[vector<16xi32>], vector<16xf32>,
        %sub3A_1780 = arith.subf %gather3A_1764, %gather3A_1761 : vector<16xf32>
        %mul3A_1781 = arith.mulf %gather3A_1773, %sub3A_1780 : vector<16xf32>
        %add3A_1782 = arith.addf %gather3A_1761, %mul3A_1781 : vector<16xf32>
        %sub3A_1783 = arith.subf %gather3A_1770, %gather3A_1767 : vector<16xf32>
        %mul3A_1784 = arith.mulf %gather3A_1773, %sub3A_1783 : vector<16xf32>
        %add3A_1785 = arith.addf %gather3A_1767, %mul3A_1784 : vector<16xf32>
        %sub3A_1786 = arith.subf %add3A_1785, %add3A_1782 : vector<16xf32>
        %mul3A_1787 = arith.mulf %gather3A_1776, %sub3A_1786 : vector<16xf32>
        %add3A_1788 = arith.addf %add3A_1782, %mul3A_1787 : vector<16xf32>
        %add3A_1789 = arith.constant 0 : i32
        %add3A_1790 = arith.addi %mul3A_1758, %add3A_1789 : i32
        %broadcast_in_dim3A_1791 = vector.broadcast %add3A_1790 : i32 to vector<16xi32>
        %add3A_1792 = arith.addi %broadcast_in_dim3A_1791, %and3A_1716 : vector<16xi32>
        %mul3A_1793 = arith.mulf %gather3A_1779, %add3A_1788 : vector<16xf32>
        tpu.vector_store_idx %arg14[%add3A_1792, %add3A_1754], %mul3A_1793 : memref<32x128xf32, #tpu.memory_space<vmem>>[vector<16xi32>, vector<16xi32>], vector<16xf32>,
        %broadcast_in_dim3A_1794 = arith.constant 4 : i32
        %broadcast_in_dim3A_1795 = vector.broadcast %broadcast_in_dim3A_1794 : i32 to vector<16xi32>
        %gather3A_1796 = tpu.vector_load_idx %arg13[%broadcast_in_dim3A_1795, %add3A_1748, %and3A_1716] : memref<16x512x2xf32, #tpu.memory_space<vmem>>[vector<16xi32>, vector<16xi32>, vector<16xi32>], vector<16xf32>,
        %broadcast_in_dim3A_1797 = arith.constant 5 : i32
        %broadcast_in_dim3A_1798 = vector.broadcast %broadcast_in_dim3A_1797 : i32 to vector<16xi32>
        %gather3A_1799 = tpu.vector_load_idx %arg13[%broadcast_in_dim3A_1798, %add3A_1748, %and3A_1716] : memref<16x512x2xf32, #tpu.memory_space<vmem>>[vector<16xi32>, vector<16xi32>, vector<16xi32>], vector<16xf32>,
        %broadcast_in_dim3A_1800 = arith.constant 6 : i32
        %broadcast_in_dim3A_1801 = vector.broadcast %broadcast_in_dim3A_1800 : i32 to vector<16xi32>
        %gather3A_1802 = tpu.vector_load_idx %arg13[%broadcast_in_dim3A_1801, %add3A_1748, %and3A_1716] : memref<16x512x2xf32, #tpu.memory_space<vmem>>[vector<16xi32>, vector<16xi32>, vector<16xi32>], vector<16xf32>,
        %broadcast_in_dim3A_1803 = arith.constant 7 : i32
        %broadcast_in_dim3A_1804 = vector.broadcast %broadcast_in_dim3A_1803 : i32 to vector<16xi32>
        %gather3A_1805 = tpu.vector_load_idx %arg13[%broadcast_in_dim3A_1804, %add3A_1748, %and3A_1716] : memref<16x512x2xf32, #tpu.memory_space<vmem>>[vector<16xi32>, vector<16xi32>, vector<16xi32>], vector<16xf32>,
        %broadcast_in_dim3A_1806 = arith.constant 1 : i32
        %broadcast_in_dim3A_1807 = vector.broadcast %broadcast_in_dim3A_1806 : i32 to vector<16xi32>
        %gather3A_1808 = tpu.vector_load_idx %arg11[%broadcast_in_dim3A_1807, %add3A_1748] : memref<4x512xf32, #tpu.memory_space<vmem>>[vector<16xi32>, vector<16xi32>], vector<16xf32>,
        %broadcast_in_dim3A_1809 = arith.constant 1 : i32
        %broadcast_in_dim3A_1810 = vector.broadcast %broadcast_in_dim3A_1809 : i32 to vector<16xi32>
        %gather3A_1811 = tpu.vector_load_idx %arg12[%broadcast_in_dim3A_1810, %add3A_1748] : memref<4x512xf32, #tpu.memory_space<vmem>>[vector<16xi32>, vector<16xi32>], vector<16xf32>,
        %broadcast_in_dim3A_1812 = arith.constant 1 : i32
        %broadcast_in_dim3A_1813 = vector.broadcast %broadcast_in_dim3A_1812 : i32 to vector<16xi32>
        %gather3A_1814 = tpu.vector_load_idx %arg15[%broadcast_in_dim3A_1813] : memref<16xf32, #tpu.memory_space<vmem>>[vector<16xi32>], vector<16xf32>,
        %sub3A_1815 = arith.subf %gather3A_1799, %gather3A_1796 : vector<16xf32>
        %mul3A_1816 = arith.mulf %gather3A_1808, %sub3A_1815 : vector<16xf32>
        %add3A_1817 = arith.addf %gather3A_1796, %mul3A_1816 : vector<16xf32>
        %sub3A_1818 = arith.subf %gather3A_1805, %gather3A_1802 : vector<16xf32>
        %mul3A_1819 = arith.mulf %gather3A_1808, %sub3A_1818 : vector<16xf32>
        %add3A_1820 = arith.addf %gather3A_1802, %mul3A_1819 : vector<16xf32>
        %sub3A_1821 = arith.subf %add3A_1820, %add3A_1817 : vector<16xf32>
        %mul3A_1822 = arith.mulf %gather3A_1811, %sub3A_1821 : vector<16xf32>
        %add3A_1823 = arith.addf %add3A_1817, %mul3A_1822 : vector<16xf32>
        %add3A_1824 = arith.constant 2 : i32
        %add3A_1825 = arith.addi %mul3A_1758, %add3A_1824 : i32
        %broadcast_in_dim3A_1826 = vector.broadcast %add3A_1825 : i32 to vector<16xi32>
        %add3A_1827 = arith.addi %broadcast_in_dim3A_1826, %and3A_1716 : vector<16xi32>
        %mul3A_1828 = arith.mulf %gather3A_1814, %add3A_1823 : vector<16xf32>
        tpu.vector_store_idx %arg14[%add3A_1827, %add3A_1754], %mul3A_1828 : memref<32x128xf32, #tpu.memory_space<vmem>>[vector<16xi32>, vector<16xi32>], vector<16xf32>,
        %broadcast_in_dim3A_1829 = arith.constant 8 : i32
        %broadcast_in_dim3A_1830 = vector.broadcast %broadcast_in_dim3A_1829 : i32 to vector<16xi32>
        %gather3A_1831 = tpu.vector_load_idx %arg13[%broadcast_in_dim3A_1830, %add3A_1748, %and3A_1716] : memref<16x512x2xf32, #tpu.memory_space<vmem>>[vector<16xi32>, vector<16xi32>, vector<16xi32>], vector<16xf32>,
        %broadcast_in_dim3A_1832 = arith.constant 9 : i32
        %broadcast_in_dim3A_1833 = vector.broadcast %broadcast_in_dim3A_1832 : i32 to vector<16xi32>
        %gather3A_1834 = tpu.vector_load_idx %arg13[%broadcast_in_dim3A_1833, %add3A_1748, %and3A_1716] : memref<16x512x2xf32, #tpu.memory_space<vmem>>[vector<16xi32>, vector<16xi32>, vector<16xi32>], vector<16xf32>,
        %broadcast_in_dim3A_1835 = arith.constant 10 : i32
        %broadcast_in_dim3A_1836 = vector.broadcast %broadcast_in_dim3A_1835 : i32 to vector<16xi32>
        %gather3A_1837 = tpu.vector_load_idx %arg13[%broadcast_in_dim3A_1836, %add3A_1748, %and3A_1716] : memref<16x512x2xf32, #tpu.memory_space<vmem>>[vector<16xi32>, vector<16xi32>, vector<16xi32>], vector<16xf32>,
        %broadcast_in_dim3A_1838 = arith.constant 11 : i32
        %broadcast_in_dim3A_1839 = vector.broadcast %broadcast_in_dim3A_1838 : i32 to vector<16xi32>
        %gather3A_1840 = tpu.vector_load_idx %arg13[%broadcast_in_dim3A_1839, %add3A_1748, %and3A_1716] : memref<16x512x2xf32, #tpu.memory_space<vmem>>[vector<16xi32>, vector<16xi32>, vector<16xi32>], vector<16xf32>,
        %broadcast_in_dim3A_1841 = arith.constant 2 : i32
        %broadcast_in_dim3A_1842 = vector.broadcast %broadcast_in_dim3A_1841 : i32 to vector<16xi32>
        %gather3A_1843 = tpu.vector_load_idx %arg11[%broadcast_in_dim3A_1842, %add3A_1748] : memref<4x512xf32, #tpu.memory_space<vmem>>[vector<16xi32>, vector<16xi32>], vector<16xf32>,
        %broadcast_in_dim3A_1844 = arith.constant 2 : i32
        %broadcast_in_dim3A_1845 = vector.broadcast %broadcast_in_dim3A_1844 : i32 to vector<16xi32>
        %gather3A_1846 = tpu.vector_load_idx %arg12[%broadcast_in_dim3A_1845, %add3A_1748] : memref<4x512xf32, #tpu.memory_space<vmem>>[vector<16xi32>, vector<16xi32>], vector<16xf32>,
        %broadcast_in_dim3A_1847 = arith.constant 2 : i32
        %broadcast_in_dim3A_1848 = vector.broadcast %broadcast_in_dim3A_1847 : i32 to vector<16xi32>
        %gather3A_1849 = tpu.vector_load_idx %arg15[%broadcast_in_dim3A_1848] : memref<16xf32, #tpu.memory_space<vmem>>[vector<16xi32>], vector<16xf32>,
        %sub3A_1850 = arith.subf %gather3A_1834, %gather3A_1831 : vector<16xf32>
        %mul3A_1851 = arith.mulf %gather3A_1843, %sub3A_1850 : vector<16xf32>
        %add3A_1852 = arith.addf %gather3A_1831, %mul3A_1851 : vector<16xf32>
        %sub3A_1853 = arith.subf %gather3A_1840, %gather3A_1837 : vector<16xf32>
        %mul3A_1854 = arith.mulf %gather3A_1843, %sub3A_1853 : vector<16xf32>
        %add3A_1855 = arith.addf %gather3A_1837, %mul3A_1854 : vector<16xf32>
        %sub3A_1856 = arith.subf %add3A_1855, %add3A_1852 : vector<16xf32>
        %mul3A_1857 = arith.mulf %gather3A_1846, %sub3A_1856 : vector<16xf32>
        %add3A_1858 = arith.addf %add3A_1852, %mul3A_1857 : vector<16xf32>
        %add3A_1859 = arith.constant 4 : i32
        %add3A_1860 = arith.addi %mul3A_1758, %add3A_1859 : i32
        %broadcast_in_dim3A_1861 = vector.broadcast %add3A_1860 : i32 to vector<16xi32>
        %add3A_1862 = arith.addi %broadcast_in_dim3A_1861, %and3A_1716 : vector<16xi32>
        %mul3A_1863 = arith.mulf %gather3A_1849, %add3A_1858 : vector<16xf32>
        tpu.vector_store_idx %arg14[%add3A_1862, %add3A_1754], %mul3A_1863 : memref<32x128xf32, #tpu.memory_space<vmem>>[vector<16xi32>, vector<16xi32>], vector<16xf32>,
        %broadcast_in_dim3A_1864 = arith.constant 12 : i32
        %broadcast_in_dim3A_1865 = vector.broadcast %broadcast_in_dim3A_1864 : i32 to vector<16xi32>
        %gather3A_1866 = tpu.vector_load_idx %arg13[%broadcast_in_dim3A_1865, %add3A_1748, %and3A_1716] : memref<16x512x2xf32, #tpu.memory_space<vmem>>[vector<16xi32>, vector<16xi32>, vector<16xi32>], vector<16xf32>,
        %broadcast_in_dim3A_1867 = arith.constant 13 : i32
        %broadcast_in_dim3A_1868 = vector.broadcast %broadcast_in_dim3A_1867 : i32 to vector<16xi32>
        %gather3A_1869 = tpu.vector_load_idx %arg13[%broadcast_in_dim3A_1868, %add3A_1748, %and3A_1716] : memref<16x512x2xf32, #tpu.memory_space<vmem>>[vector<16xi32>, vector<16xi32>, vector<16xi32>], vector<16xf32>,
        %broadcast_in_dim3A_1870 = arith.constant 14 : i32
        %broadcast_in_dim3A_1871 = vector.broadcast %broadcast_in_dim3A_1870 : i32 to vector<16xi32>
        %gather3A_1872 = tpu.vector_load_idx %arg13[%broadcast_in_dim3A_1871, %add3A_1748, %and3A_1716] : memref<16x512x2xf32, #tpu.memory_space<vmem>>[vector<16xi32>, vector<16xi32>, vector<16xi32>], vector<16xf32>,
        %broadcast_in_dim3A_1873 = arith.constant 15 : i32
        %broadcast_in_dim3A_1874 = vector.broadcast %broadcast_in_dim3A_1873 : i32 to vector<16xi32>
        %gather3A_1875 = tpu.vector_load_idx %arg13[%broadcast_in_dim3A_1874, %add3A_1748, %and3A_1716] : memref<16x512x2xf32, #tpu.memory_space<vmem>>[vector<16xi32>, vector<16xi32>, vector<16xi32>], vector<16xf32>,
        %broadcast_in_dim3A_1876 = arith.constant 3 : i32
        %broadcast_in_dim3A_1877 = vector.broadcast %broadcast_in_dim3A_1876 : i32 to vector<16xi32>
        %gather3A_1878 = tpu.vector_load_idx %arg11[%broadcast_in_dim3A_1877, %add3A_1748] : memref<4x512xf32, #tpu.memory_space<vmem>>[vector<16xi32>, vector<16xi32>], vector<16xf32>,
        %broadcast_in_dim3A_1879 = arith.constant 3 : i32
        %broadcast_in_dim3A_1880 = vector.broadcast %broadcast_in_dim3A_1879 : i32 to vector<16xi32>
        %gather3A_1881 = tpu.vector_load_idx %arg12[%broadcast_in_dim3A_1880, %add3A_1748] : memref<4x512xf32, #tpu.memory_space<vmem>>[vector<16xi32>, vector<16xi32>], vector<16xf32>,
        %broadcast_in_dim3A_1882 = arith.constant 3 : i32
        %broadcast_in_dim3A_1883 = vector.broadcast %broadcast_in_dim3A_1882 : i32 to vector<16xi32>
        %gather3A_1884 = tpu.vector_load_idx %arg15[%broadcast_in_dim3A_1883] : memref<16xf32, #tpu.memory_space<vmem>>[vector<16xi32>], vector<16xf32>,
        %sub3A_1885 = arith.subf %gather3A_1869, %gather3A_1866 : vector<16xf32>
        %mul3A_1886 = arith.mulf %gather3A_1878, %sub3A_1885 : vector<16xf32>
        %add3A_1887 = arith.addf %gather3A_1866, %mul3A_1886 : vector<16xf32>
        %sub3A_1888 = arith.subf %gather3A_1875, %gather3A_1872 : vector<16xf32>
        %mul3A_1889 = arith.mulf %gather3A_1878, %sub3A_1888 : vector<16xf32>
        %add3A_1890 = arith.addf %gather3A_1872, %mul3A_1889 : vector<16xf32>
        %sub3A_1891 = arith.subf %add3A_1890, %add3A_1887 : vector<16xf32>
        %mul3A_1892 = arith.mulf %gather3A_1881, %sub3A_1891 : vector<16xf32>
        %add3A_1893 = arith.addf %add3A_1887, %mul3A_1892 : vector<16xf32>
        %add3A_1894 = arith.constant 6 : i32
        %add3A_1895 = arith.addi %mul3A_1758, %add3A_1894 : i32
        %broadcast_in_dim3A_1896 = vector.broadcast %add3A_1895 : i32 to vector<16xi32>
        %add3A_1897 = arith.addi %broadcast_in_dim3A_1896, %and3A_1716 : vector<16xi32>
        %mul3A_1898 = arith.mulf %gather3A_1884, %add3A_1893 : vector<16xf32>
        tpu.vector_store_idx %arg14[%add3A_1897, %add3A_1754], %mul3A_1898 : memref<32x128xf32, #tpu.memory_space<vmem>>[vector<16xi32>, vector<16xi32>], vector<16xf32>,
      }
      %scan3A_1722 = arith.constant 64 : i32
      %jit3A = arith.constant 128 : i32
      %div3A_1723 = arith.divsi %add3A_44, %jit3A : i32
      %sign3A = arith.constant 0 : i32
      %sign3A_1724 = arith.cmpi sgt, %add3A_44, %sign3A : i32
      %sign3A_1725 = arith.extui %sign3A_1724 : i1 to i32
      %sign3A_1726 = arith.constant 0 : i32
      %sign3A_1727 = arith.cmpi slt, %add3A_44, %sign3A_1726 : i32
      %sign3A_1728 = arith.extui %sign3A_1727 : i1 to i32
      %sign3A_1729 = arith.subi %sign3A_1725, %sign3A_1728 : i32
      %sign3A_1730 = arith.constant 0 : i32
      %sign3A_1731 = arith.cmpi sgt, %jit3A, %sign3A_1730 : i32
      %sign3A_1732 = arith.extui %sign3A_1731 : i1 to i32
      %sign3A_1733 = arith.constant 0 : i32
      %sign3A_1734 = arith.cmpi slt, %jit3A, %sign3A_1733 : i32
      %sign3A_1735 = arith.extui %sign3A_1734 : i1 to i32
      %sign3A_1736 = arith.subi %sign3A_1732, %sign3A_1735 : i32
      %ne3A = arith.cmpi ne, %sign3A_1729, %sign3A_1736 : i32
      %rem3A = arith.remsi %add3A_44, %jit3A : i32
      %ne3A_1737 = arith.constant 0 : i32
      %ne3A_1738 = arith.cmpi ne, %rem3A, %ne3A_1737 : i32
      %and3A_1739 = arith.andi %ne3A, %ne3A_1738 : i1
      %sub3A_1740 = arith.constant 1 : i32
      %sub3A_1741 = arith.subi %div3A_1723, %sub3A_1740 : i32
      %select_n3A = arith.select %and3A_1739, %sub3A_1741, %div3A_1723 : i32
      %mul3A_1742 = arith.constant 8 : i32
      %mul3A_1743 = arith.muli %select_n3A, %mul3A_1742 : i32
      "tpu.region"() ({
        %run_scoped3A = tpu.sem_alloc : memref<!tpu.dma_semaphore, #tpu.memory_space<semaphore_mem>>
        %dma_start3A_1744 = arith.constant 0 : i32
        %dma_start3A_1745 = tpu.memref_slice %arg8[%mul3A_1743, %dma_start3A_1744] : memref<65536x128xf32, #tpu.memory_space<hbm>> -> memref<32x128xf32, #tpu.memory_space<hbm>>
        %dma_start3A_1746 = arith.constant 0 : i32
        %dma_start3A_1747 = tpu.memref_slice %arg8[%mul3A_1743, %dma_start3A_1746] : memref<65536x128xf32, #tpu.memory_space<hbm>> -> memref<32x128xf32, #tpu.memory_space<hbm>>
        tpu.enqueue_dma source(%arg14 : memref<32x128xf32, #tpu.memory_space<vmem>>) target(%dma_start3A_1747 : memref<32x128xf32, #tpu.memory_space<hbm>>) target_semaphore(%run_scoped3A : memref<!tpu.dma_semaphore, #tpu.memory_space<semaphore_mem>>)
        %dma_wait3A_1748 = arith.constant 0 : i32
        %dma_wait3A_1749 = tpu.memref_slice %arg8[%mul3A_1743, %dma_wait3A_1748] : memref<65536x128xf32, #tpu.memory_space<hbm>> -> memref<32x128xf32, #tpu.memory_space<hbm>>
        %dma_wait3A_1750 = arith.constant 0 : i32
        %dma_wait3A_1751 = tpu.memref_slice %arg8[%mul3A_1743, %dma_wait3A_1750] : memref<65536x128xf32, #tpu.memory_space<hbm>> -> memref<32x128xf32, #tpu.memory_space<hbm>>
        tpu.wait_dma2 semaphore(%run_scoped3A : memref<!tpu.dma_semaphore, #tpu.memory_space<semaphore_mem>>) src(%arg14 : memref<32x128xf32, #tpu.memory_space<vmem>>) dst(%dma_wait3A_1751 : memref<32x128xf32, #tpu.memory_space<hbm>>)
        tpu.yield
      }) : () -> ()
    }
    %scan3A_40 = arith.constant 64 : i32
    return
  }
}

</mosaic_0001>

<sc_bundles>
// kernel: kernel.3.cloned.1.call-start
scs
__scs_entry_jumppad:
0x0: {  	(pc) =	sbr.rel $0x88, $3  }
0x1: {  	(tag) =	ssettag $0x0;
	lr =	simm.s32 $0x1  }
0x2: {  	[smem:$0x3F9B] =	sst lr;
	_ =	strace $0xD0000000  }
0x3: {  	_ = 	snop  }
0x4: {  	_ = 	snop  }
0x5: {  	_ = 	snop  }
0x6: {  	_ = 	snop  }
0x7: {  	_ = 	snop  }
__scs_overlays_trampoline_lowered:
0x8: {  	[smem:$0x3FAA] =	sst s0  }
0x9: {  	[smem:$0x3FAB] =	sst s1  }
0xa: {  	[smem:$0x3FAC] =	sst s2  }
0xb: {  	[smem:$0x3FAD] =	sst s3  }
0xc: {  	[smem:$0x3FAE] =	sst s4  }
0xd: {  	[smem:$0x3FAF] =	sst s5  }
0xe: {  	[smem:$0x3FB0] =	sst s6  }
0xf: {  	[smem:$0x3FB1] =	sst s7  }
0x10: {  	[smem:$0x3FB2] =	sst s8  }
0x11: {  	[smem:$0x3FB3] =	sst s9;
	s0 =	simm.s32 @!p0 $0x0  }
0x12: {  	s1 =	sld [smem:$0x3F99];
	s0 =	simm.s32 @p0 $0x1  }
0x13: {  	[smem:$0x3FB4] =	sst s0;
	s0 =	simm.s32 @!p1 $0x0  }
0x14: {  	s2 =	sld [smem:$0x3F98];
	s0 =	simm.s32 @p1 $0x1  }
0x15: {  	[smem:$0x3FB5] =	sst s0;
	s0 =	simm.s32 @!p2 $0x0  }
0x16: {  	s3 =	sld [smem:$0x3FDB];
	s0 =	simm.s32 @p2 $0x1  }
0x17: {  	s4 =	simm.s32 $0x1BF5;
	[smem:$0x3FB7] =	sst s0  }
0x18: {  	s0 =	sld [smem:$0x3F9A];
	_ =	swait.ge [sflag:s4], $0x0  }
0x19: {  	s7 =	sld [smem:$0x3F9B]  }
0x1a: {  	s8 =	sadd.s32 $0xFFFFE003, lr  }
0x1b: {  	s9 =	sadd.s32 $0xFFFFFEF7, lr;
	s5 =	simm.s32 $0xFFFFFFFF;
	p2 =	slt.u32 s8, $0xFFFFF086  }
0x1c: {  	p1 =	slt.u32 s9, $0xF7A;
	s5 =	simm.s32 @!p2 $0x0  }
0x1d: {  	s5 =	simm.s32 @p1 $0x1;
	p0 =	seq.s32 s7, s2  }
0x1e: {  	s7 =	smul.u32 @!p0 $0xF7A, s2;
	p2 =	seq.s32 @!p0 s5, $0x0  }
0x1f: {  	s9 =	smul.u32 $0xF7A, s1;
	s8 =	simm.s32 @!p0 $0x1BF5;
	p2 =	por !p2, p0  }
0x20: {  	[sflag:s8] =	ssyncset.s32 @!p0 $0xFFFFF086;
	s6 =	sadd.s32 @!p0 s3, s7;
	s7 =	simm.s32 @!p0 $0x108  }
0x21: {  	s3 =	sadd.s32 s3, s9;
	s6 =	sadd.s32 @!p0 $0x88, s6;
	s7 =	simm.s32 @p2 $0x1082  }
0x22: {  	[simem:s7], [sflag:s8] =	dma.local @!p0 [hbm:s6], $0xF7A  }
0x23: {  	s9 =	sor.u32 $0xD0000000, s2;
	s6 =	simm.s32 $0x108;
	_ =	swait.ge @!p0 [sflag:s8], $0x0  }
0x24: {  	s3 =	sadd.s32 $0x88, s3;
	s6 =	simm.s32 @!p1 $0x1082;
	[sflag:s4] =	ssyncset.s32 $0xFFFFF086  }
0x25: {  	[simem:s6], [sflag:s4] =	dma.local [hbm:s3], $0xF7A  }
0x26: {  	[smem:$0x3F9B] =	sst s1;
	(tag) =	ssettag s2;
	_ =	strace s9  }
0x27: {  	s1 =	sld [smem:$0x3FAB]  }
0x28: {  	s2 =	sld [smem:$0x3FAC]  }
0x29: {  	s4 =	sld [smem:$0x3FAE]  }
0x2a: {  	p0 =	seq.s32 s5, $0x0;
	s5 =	sld [smem:$0x3FAF]  }
0x2b: {  	s6 =	sld [smem:$0x3FB0]  }
0x2c: {  	s7 =	sld [smem:$0x3FB1]  }
0x2d: {  	s3 =	simm.s32 $0x108;
	s8 =	sld [smem:$0x3FB2]  }
0x2e: {  	s3 =	simm.s32 @!p0 $0x1082;
	s9 =	sld [smem:$0x3FB3]  }
0x2f: {  	lr =	sadd.s32 s0, s3;
	s0 =	sld [smem:$0x3FAA]  }
0x30: {  	s3 =	sld [smem:$0x3FAD]  }
0x31: {  	[smem:$0x3FB6] =	sst s10  }
0x32: {  	s10 =	sld [smem:$0x3FB4];
	_ =	sdelay $0x3  }
0x33: {  	p0 =	seq.s32 s10, $0x1;
	s10 =	sld [smem:$0x3FB6];
	_ =	sdelay $0x3  }
0x34: {  	[smem:$0x3FB6] =	sst s10  }
0x35: {  	s10 =	sld [smem:$0x3FB5];
	_ =	sdelay $0x3  }
0x36: {  	p1 =	seq.s32 s10, $0x1;
	s10 =	sld [smem:$0x3FB6];
	_ =	sdelay $0x3  }
0x37: {  	[smem:$0x3FB6] =	sst s10  }
0x38: {  	s10 =	sld [smem:$0x3FB7]  }
0x39: {  	_ = 	snop;
	(pc) =	sbr.ind lr, $3  }
0x3a: {  	_ = 	snop  }
0x3b: {  	_ = 	snop  }
0x3c: {  	p2 =	seq.s32 s10, $0x1;
	s10 =	sld [smem:$0x3FB6]  }
0x3d: {  	_ =	shalt  }
0x3e: {  	_ =	shalt  }
0x3f: {  	_ =	shalt  }
0x40: {  	_ =	shalt  }
0x41: {  	_ =	shalt  }
0x42: {  	_ =	shalt  }
0x43: {  	_ =	shalt  }
0x44: {  	_ =	shalt  }
0x45: {  	_ =	shalt  }
0x46: {  	_ =	shalt  }
0x47: {  	_ =	shalt  }
0x48: {  	_ =	shalt  }
0x49: {  	_ =	shalt  }
0x4a: {  	_ =	shalt  }
0x4b: {  	_ =	shalt  }
0x4c: {  	_ =	shalt  }
0x4d: {  	_ =	shalt  }
0x4e: {  	_ =	shalt  }
0x4f: {  	_ =	shalt  }
0x50: {  	_ =	shalt  }
0x51: {  	_ =	shalt  }
0x52: {  	_ =	shalt  }
0x53: {  	_ =	shalt  }
0x54: {  	_ =	shalt  }
0x55: {  	_ =	shalt  }
0x56: {  	_ =	shalt  }
0x57: {  	_ =	shalt  }
0x58: {  	_ =	shalt  }
0x59: {  	_ =	shalt  }
0x5a: {  	_ =	shalt  }
0x5b: {  	_ =	shalt  }
0x5c: {  	_ =	shalt  }
0x5d: {  	_ =	shalt  }
0x5e: {  	_ =	shalt  }
0x5f: {  	_ =	shalt  }
0x60: {  	_ =	shalt  }
0x61: {  	_ =	shalt  }
0x62: {  	_ =	shalt  }
0x63: {  	_ =	shalt  }
0x64: {  	_ =	shalt  }
0x65: {  	_ =	shalt  }
0x66: {  	_ =	shalt  }
0x67: {  	_ =	shalt  }
0x68: {  	_ =	shalt  }
0x69: {  	_ =	shalt  }
0x6a: {  	_ =	shalt  }
0x6b: {  	_ =	shalt  }
0x6c: {  	_ =	shalt  }
0x6d: {  	_ =	shalt  }
0x6e: {  	_ =	shalt  }
0x6f: {  	_ =	shalt  }
0x70: {  	_ =	shalt  }
0x71: {  	_ =	shalt  }
0x72: {  	_ =	shalt  }
0x73: {  	_ =	shalt  }
0x74: {  	_ =	shalt  }
0x75: {  	_ =	shalt  }
0x76: {  	_ =	shalt  }
0x77: {  	_ =	shalt  }
0x78: {  	_ =	shalt  }
0x79: {  	_ =	shalt  }
0x7a: {  	_ =	shalt  }
0x7b: {  	_ =	shalt  }
0x7c: {  	_ =	shalt  }
0x7d: {  	_ =	shalt  }
0x7e: {  	_ =	shalt  }
0x7f: {  	_ =	shalt  }
0x80: {  	_ =	shalt  }
0x81: {  	_ =	shalt  }
0x82: {  	_ =	shalt  }
0x83: {  	_ =	shalt  }
0x84: {  	_ =	shalt  }
0x85: {  	_ =	shalt  }
0x86: {  	_ =	shalt  }
0x87: {  	_ =	shalt  }
.Lfunc_end0:
.L_simem_size_0:
called_computation_lowered:
.L_overlay_start_0:
0x88: {  	s2 =	sld [smem:$0x3FD9]  }
0x89: {  	s3 =	sld [smem:$0x3FFE];
	_ =	sdelay $0x1  }
0x8a: {  	s1 =	srdreg.scid  }
0x8b: {  	s0 =	sand.u32 $0x1, s1  }
0x8c: {  	s17 =	sshll.u32 s0, $0xA;
	s2 =	sadd.s32 s3, s2  }
0x8d: {  	s2 =	sadd.s32 s2, s17  }
0x8e: {  	[smem:$0x3FC2] =	sst s2  }
0x8f: {  	_ = 	snop  }
0x90: {  	s2 =	sld [smem:$0x3FD0];
	(tm) =	ssettm $0x1  }
0x91: {  	s18 =	sld [smem:$0x3FFB];
	_ =	sdelay $0x3  }
0x92: {  	_ =	strace s18  }
0x93: {  	s3 =	sld [smem:$0x3FFC];
	_ =	sdelay $0x3  }
0x94: {  	_ =	strace s3  }
0x95: {  	s3 =	sld [smem:$0x3FFD];
	_ =	sdelay $0x3  }
0x96: {  	_ =	strace s3  }
0x97: {  	_ =	strace $0x8FFFFFFF  }
0x98: {  	s19 =	sld [smem:$0x3FDB];
	_ =	sdelay $0x1  }
0x99: {  	s4 =	simm.s32 $_scs_section_size  }
0x9a: {  	s5 =	simm.s32 $_size__tile_overlayer_lowered;
	s6 =	simm.s32 $_tile_overlayer_lowered  }
0x9b: {  	s22 =	simm.s32 $0x1BFF;
	s21 =	sshll.u32 s6, $0x1;
	s3 =	sadd.s32 s4, s19  }
0x9c: {  	s7 =	simm.s32 $0x0;
	s20 =	sshll.u32 s5, $0x1;
	s5 =	sadd.s32 s21, s3  }
0x9d: {  	[timem:s7], [sflag:s22] =	dma.local [hbm:s5], s20  }
0x9e: {  	_ =	swait.ge [sflag:s22], s20  }
0x9f: {  	s4 =	ssub.s32 $0x0, s20;
	[sflag:s22] =	ssyncset.done $0x0  }
0xa0: {  	[sflag:s22] =	ssyncadd.s32 s4;
	_ =	sdelay $0x1  }
0xa1: {  	s23 =	simm.s32 $0x1B8B  }
0xa2: {  	_ =	swait.ge [sflag:s23], $0x1  }
0xa3: {  	[sflag:s23] =	ssyncset.done $0x0  }
0xa4: {  	s25 =	simm.s32 $0x1B8E;
	s24 =	sld [smem:$0x3FFE];
	[sflag:s23] =	ssyncadd.s32 $0xFFFFFFFF  }
0xa5: {  	s26 =	simm.s32 $execute0_lowered;
	[smem:$0x3FD2] =	sst s25  }
0xa6: {  	s5 =	sshll.u32 s26, $0x1;
	_ =	strace $0x80000046;
	[dreg:$0x1] =	wrdreg $0xFFFFFFFF  }
0xa7: {  	s28 =	simm.s32 $_size_execute0_lowered;
	s3 =	sadd.s32 s3, s5;
	[dreg:$0x0] =	wrdreg $0x0  }
0xa8: {  	s5 =	sshll.u32 s28, $0x1;
	[dreg:$0x2] =	wrdreg s3  }
0xa9: {  	[dreg:$0x3] =	wrdreg s5  }
0xaa: {  	[dreg:$0x4] =	wrdreg $0xC0  }
0xab: {  	_ =	task [dreg:s7], $0x5FFFF  }
0xac: {  	[dreg:$0x1] =	wrdreg $0xFFFFFFFF  }
0xad: {  	[dreg:$0x0] =	wrdreg $0x60  }
0xae: {  	[dreg:$0x2] =	wrdreg s24  }
0xaf: {  	[dreg:$0x3] =	wrdreg s2  }
0xb0: {  	[dreg:$0x4] =	wrdreg $0x9  }
0xb1: {  	_ =	task.clear_ibuf [dreg:s7], $0x5FFFF;
	_ =	strace $0x90000046  }
0xb2: {  	s29 =	simm.s32 $0x9;
	_ =	strace $0x80000048  }
0xb3: {  	_ =	swait.ge [sflag:s29], $0x1  }
0xb4: {  	[sflag:s29] =	ssyncadd.s32 $0xFFFFFFFF  }
0xb5: {  	_ =	strace $0x90000048  }
0xb6: {  	_ =	sfence  }
0xb7: {  	s30 =	sld [smem:$0x0];
	_ =	sdelay $0x2  }
0xb8: {  	s31 =	sshll.u32 s1, $0xD;
	s1 =	sshrl.u32 s1, $0x2  }
0xb9: {  	s3 =	sand.u32 $0x4000, s31;
	s1 =	sadd.s32 s1, s30  }
0xba: {  	s0 =	sor.u32 s3, s0;
	s1 =	sshll.u32 s1, $0x11  }
0xbb: {  	s0 =	sor.u32 s1, s0  }
0xbc: {  	s0 =	sadd.s32 $0x8F2B, s0  }
0xbd: {  	[sflag:s0] =	ssyncadd.remote.s32 $0x1  }
0xbe: {  	_ =	sfence.sel $0xFFFF  }
0xbf: {  	[dreg:$0x0] =	wrdreg $0xFFFFFFFF;
	(pc) =	sbr.abs _section_cstart, $3  }
0xc0: {  	[dreg:$0x1] =	wrdreg $0xFFFFFFFF  }
0xc1: {  	_ =	task.clear_ibuf [dreg:s7], $0x2FFFF;
	_ =	strace $0x9FFFFFFF  }
0xc2: {  	(tm) =	ssettm $0x7FFFFFFF  }
0xc3: {  	_ =	shalt  }
tec
execute0_lowered:
.L_overlay_start_1:
0x0: {  	(tag) =	ssettag $0x1  }
0x1: {  	v10 =	vimm.s32 $0x1;
	v0 =	vlaneseq.u32  }
0x2: {  	s2 =	simm.s32 $0x0;
	v11 =	vimm.s32 $0x2;
	v12 =	vimm.s32 $0x3;
	v5 =	vshrl.u32 v0, $0x3  }
0x3: {  	[smem:$0x7FF] =	sst s2;
	v59 =	vmul.u32 $0x8, v0;
	v21 =	vand.u32 $0x7, v0;
	v13 =	vand.u32 $0x1, v0  }
0x4: {  	s0 =	rddreg [dreg:$0x0];
	s12 =	simm.s32 $0x15000;
	v22 =	vshrl.u32 v0, $0x1;
	_ =	strace $0x80000047;
	v62 =	vmul.u32 $0x8, v5;
	v14 =	vor.u32 $0x1000, v13;
	[tilespmem:$0x1FF40] =	vst v13  }
0x5: {  	s16 =	simm.s32 $0x4000;
	s28 =	simm.s32 $0x2F80;
	v18 =	vor.u32 $0x200, v21;
	v20 =	vor.u32 $0x400, v21;
	v15 =	vor.u32 $0x2000, v13;
	[tilespmem:$0x1FF50] =	vst v14  }
0x6: {  	s29 =	simm.s32 $0x13C00;
	s31 =	simm.s32 $0x3000;
	v19 =	vor.u32 $0x600, v21;
	v16 =	vor.u32 $0x800, v21;
	v32 =	vor.u32 $0x3000, v13;
	[tilespmem:$0x1FF60] =	vst v15  }
0x7: {  	s1 =	srdreg.scid;
	s9 =	stileid.u32;
	s3 =	sadd.s32 $0x200E00, s0;
	v17 =	vor.u32 $0xA00, v21;
	v23 =	vor.u32 $0xC00, v21;
	v33 =	vor.u32 $0x4000, v13;
	[tilespmem:$0x1FF70] =	vst v32  }
0x8: {  	s13 =	simm.s32 $0x2;
	s14 =	simm.s32 $0x1000;
	s4 =	sadd.s32 $0x3A0E00, s0;
	v63 =	vor.u32 $0xE00, v21;
	v24 =	vor.u32 $0x1000, v21;
	v34 =	vor.u32 $0x5000, v13;
	[tilespmem:$0x1FF80] =	vst v33  }
0x9: {  	s15 =	simm.s32 $0x80;
	s30 =	simm.s32 $0x1;
	s5 =	sadd.s32 $0x380E00, s0;
	v25 =	vor.u32 $0x1200, v21;
	v27 =	vor.u32 $0x1400, v21;
	v50 =	vor.u32 $0x6000, v13;
	[tilespmem:$0x1FF90] =	vst v34  }
0xa: {  	s1 =	sand.u32 $0x1, s1;
	s7 =	sadd.s32 $0x300E00, s0;
	s8 =	sadd.s32 $0xE00, s0;
	v28 =	vor.u32 $0x1600, v21;
	v29 =	vor.u32 $0x1800, v21;
	v51 =	vor.u32 $0x7000, v13;
	[tilespmem:$0x1FFA0] =	vst v50  }
0xb: {  	s0 =	sadd.s32 $0x3A8E00, s0;
	s26 =	sshll.u32 s9, $0x10;
	s6 =	ssub.s32 $0x2, s1;
	v30 =	vor.u32 $0x1A00, v21;
	v31 =	vor.u32 $0x1C00, v21;
	v52 =	vor.u32 $0x200, v22;
	[tilespmem:$0x1FFB0] =	vst v51  }
0xc: {  	s9 =	simm.s32 $0x0;
	s1 =	sshll.u32 s1, $0xF;
	v21 =	vor.u32 $0x1E00, v21;
	v26 =	vmul.u32 $0x80, v13;
	v53 =	vor.u32 $0x8000, v13;
	s25 =	sshrl.u32 s6, $0x1;
	[tilespmem:$0x1FFC0] =	vst v52  }
0xd: {  	[dreg:$0x3] =	wrdreg s0;
	v54 =	vor.u32 $0x9000, v13;
	v55 =	vor.u32 $0xA000, v13;
	v35 =	vor.u32 $0xB000, v13;
	s10 =	sor.u32 s1, s26;
	[tilespmem:$0x1FFD0] =	vst v53;
	s0 =	ssub.s32 s6, s25  }
0xe: {  	v36 =	vor.u32 $0x400, v22;
	v37 =	vor.u32 $0xC000, v13;
	v38 =	vor.u32 $0xD000, v13;
	s26 =	simm.s32 $0x13800;
	[tilespmem:$0x1FFE0] =	vst v54;
	s25 =	simm.s32 $0x2F00;
	s0 =	smax.u32 s0, $0x1  }
0xf: {  	v39 =	vor.u32 $0xE000, v13;
	v40 =	vor.u32 $0xF000, v13;
	v41 =	vor.u32 $0x600, v22;
	[tilespmem:$0x1FFF0] =	vst v55;
	s6 =	simm.s32 $0x14000;
	[dreg:$0x4] =	wrdreg s0;
	s0 =	simm.s32 $0x3800  }
.LBB2_1:
0x10: {  	[dreg:$0x5] =	wrdreg s9  }
0x11: {  	s1 =	rddreg [dreg:$0x3]  }
0x12: {  	[tilespmem:s12], [sflag:$0x2] =	stream.linear.gather [hbm4b:s1+s2], $0x10, $0x38;
	[tilespmem:$0x15010] =	vst v63  }
0x13: {  	_ =	swait.ge [sflag:s13], $0x10  }
0x14: {  	[sflag:s13] =	ssyncset.done $0x0  }
0x15: {  	[sflag:s13] =	ssyncadd.s32 $0xFFFFFFF0  }
0x16: {  	v42 =	vld.msk [tilespmem:s12+$0x0], $0xffff  }
0x17: {  	v43 =	vld.idx.msk [tilespmem:v10+s12+$0x0], $0xffff  }
0x18: {  	v44 =	vld.idx.msk [tilespmem:v11+s12+$0x0], $0xffff  }
0x19: {  	v45 =	vld.idx.msk [tilespmem:v12+s12+$0x0], $0xffff;
	_ =	sdelay $0x1  }
0x1a: {  	v46 =	vld [tilespmem:$0x15000];
	_ =	sdelay $0x2  }
0x1b: {  	v42 =	vmax.f32 v42, v43;
	v55 =	vmax.f32 v44, v45  }
0x1c: {  	v42 =	vmax.f32 v42, v55  }
0x1d: {  	v42 =	vsub.f32 v46, v42;
	_ =	sdelay $0x1  }
0x1e: {  	v42 =	vmul.f32 $1.442695020e+00, v42;
	_ =	sdelay $0x1  }
0x1f: {  	(erf) = vpow2.f32 v42;
	_ =	sdelay $0x8  }
0x20: {  	v42 =	vpop (erf)  }
0x21: {  	[tilespmem:$0x15000] =	vst v42  }
0x22: {  	v56 =	vld.msk [tilespmem:s12+$0x0], $0xffff  }
0x23: {  	v57 =	vld.idx.msk [tilespmem:v10+s12+$0x0], $0xffff  }
0x24: {  	v58 =	vld.idx.msk [tilespmem:v11+s12+$0x0], $0xffff  }
0x25: {  	v60 =	vld.idx.msk [tilespmem:v12+s12+$0x0], $0xffff;
	_ =	sdelay $0x4  }
0x26: {  	v43 =	vadd.f32 v57, v56;
	v61 =	vadd.f32 v60, v58;
	_ =	sdelay $0x1  }
0x27: {  	v43 =	vadd.f32 v61, v43;
	_ =	sdelay $0x1  }
0x28: {  	(erf) = vrcp.f32 v43;
	_ =	sdelay $0x8  }
0x29: {  	v43 =	vpop (erf)  }
0x2a: {  	v42 =	vmul.f32 v43, v42;
	_ =	sdelay $0x1  }
0x2b: {  	s9 =	simm.s32 $0x0;
	[tilespmem:$0x15000] =	vst v42  }
.LBB2_2:
0x2c: {  	s21 =	simm.s32 $0x0  }
0x2d: {  	s1 =	sshll.u32 s9, $0x9;
	v42 =	vmov s21  }
0x2e: {  	s22 =	simm.s32 $0x10;
	s18 =	simm.s32 $0x0;
	s20 =	simm.s32 $0x10;
	v42 =	vshll.u32 v42, $0x3  }
0x2f: {  	s11 =	sadd.s32 s10, s1;
	s1 =	sand.u32 $0x70, s21;
	s19 =	sand.u32 $0x70, s22;
	v47 =	vor.u32 v59, v42  }
0x30: {  	s23 =	sand.u32 $0xFFFFFF80, s18;
	s24 =	sand.u32 $0xFFFFFF80, s20;
	s17 =	sadd.s32 s3, s11;
	v48 =	vor.u32 $0x1, v47  }
0x31: {  	v60 =	vmov s1;
	v43 =	vmov s19;
	[tilespmem:s21], [sflag:$0x2] =	stream.linear.gather [hbm4b:s17+s21], $0x1000, $0x38;
	[tilespmem:$0x15010] =	vst v63  }
0x32: {  	v44 =	vmov s22;
	v42 =	vor.u32 s23, v60;
	v43 =	vor.u32 s24, v43;
	_ =	swait.ge [sflag:s13], $0x1000  }
0x33: {  	s18 =	simm.s32 $0x3C00;
	v61 =	vshll.u32 v44, $0x3;
	v46 =	vbroadcast v42, $0x0;
	v43 =	vbroadcast v43, $0x0;
	[sflag:s13] =	ssyncset.done $0x0  }
0x34: {  	v15 =	vlaneseq.u32;
	s20 =	simm.s32 $0x20;
	s19 =	simm.s32 $0x3400;
	v50 =	vor.u32 v59, v61;
	[sflag:s13] =	ssyncadd.s32 $0xFFFFF000  }
0x35: {  	s1 =	simm.s32 $0x3C10;
	s21 =	simm.s32 $0x2;
	s17 =	simm.s32 $0x3410;
	v44 =	vor.u32 $0x1, v50;
	v45 =	vor.u32 v62, v46;
	v42 =	vor.u32 v62, v43;
	v54 =	vld.idx.msk [tilespmem:v48+s2+$0x0], $0xffff  }
.LBB2_3:
0x36: {  	v56 =	vld.idx.msk [tilespmem:v47+s2+$0x0], $0xffff;
	v49 =	vor.u32 v31, v45;
	v48 =	vor.u32 v21, v45;
	s22 =	smov.u32 s21;
	v51 =	vor.u32 v29, v45  }
0x37: {  	s23 =	sand.u32 $0x70, s20;
	s24 =	sshll.u32 s21, $0x4;
	v47 =	vmovc v50;
	v50 =	vor.u32 v30, v45;
	v53 =	vor.u32 v27, v45;
	v58 =	vor.u32 v24, v45;
	s22 =	sadd.s32 $0x1, s21  }
0x38: {  	p0 =	sne.s32 s21, $0x1F;
	v34 =	vor.u32 v16, v45;
	v60 =	vor.u32 v17, v45;
	v52 =	vmov s23;
	s23 =	sand.u32 $0xFFFFFF80, s24  }
0x39: {  	v61 =	vor.u32 v23, v45;
	v55 =	vor.u32 s23, v52;
	v52 =	vor.u32 v28, v45  }
0x3a: {  	v32 =	vmovc v25;
	v57 =	vbroadcast v55, $0x0;
	v55 =	vor.u32 v25, v45;
	v25 =	vmovc v63;
	v63 =	vmul.f32 $1.600000000e+01, v54  }
0x3b: {  	v2 =	vor.u32 v19, v45;
	v0 =	vmul.f32 $6.400000000e+01, v54;
	v1 =	vmul.f32 $1.600000000e+01, v56  }
0x3c: {  	v33 =	vor.u32 v62, v57;
	v3 =	vmul.f32 $6.400000000e+01, v56;
	v4 =	vtrunc.f32 v63  }
0x3d: {  	v5 =	vor.u32 v20, v45;
	v6 =	vmul.f32 $1.024000000e+03, v54;
	v4 =	vcvt.f32.s32 v4  }
0x3e: {  	v8 =	vor.u32 v18, v45;
	v7 =	vtrunc.f32 v1;
	v10 =	vtrunc.f32 v3  }
0x3f: {  	v9 =	vor.u32 v15, v46;
	v46 =	vmovc v43;
	v43 =	vmovc v57;
	v10 =	vcvt.f32.s32 v10;
	v57 =	vcvt.s32.f32 v4  }
0x40: {  	v7 =	vcvt.f32.s32 v7  }
0x41: {  	v4 =	vmul.u32 $0x127409F, v4;
	v57 =	vsub.f32 v63, v57;
	v63 =	vcvt.s32.f32 v10  }
0x42: {  	v12 =	vtrunc.f32 v0;
	v11 =	vcvt.s32.f32 v7;
	v7 =	vmul.u32 $0x466F45D, v7  }
0x43: {  	v12 =	vcvt.f32.s32 v12  }
0x44: {  	v1 =	vsub.f32 v1, v11;
	v11 =	vadd.s32 $0x466F45D, v7;
	v13 =	vxor.u32 v7, v4  }
0x45: {  	v14 =	vxor.u32 v4, v11;
	v13 =	vand.u32 $0x7FFF, v13;
	v3 =	vsub.f32 v3, v63;
	v63 =	vmovc v25;
	v25 =	vmovc v32  }
0x46: {  	v10 =	vmul.u32 $0x466F45D, v10;
	[tilespmem:s19+$0xFFFFFC00] =	vst v1;
	v1 =	vand.u32 $0x7FFF, v14;
	v14 =	vcvt.s32.f32 v12  }
0x47: {  	v54 =	vmul.f32 $2.560000000e+02, v54;
	v12 =	vmul.u32 $0x127409F, v12;
	[tilespmem:s18+$0xFFFFFC00] =	vst v57;
	v57 =	vmul.f32 $2.560000000e+02, v56  }
0x48: {  	v4 =	vadd.s32 $0x127409F, v4;
	[tilespmem:v9+s14+$0x0] =	vst.idx.msk $0xffff, v13;
	v0 =	vsub.f32 v0, v14;
	v9 =	vadd.s32 $0x466F45D, v10  }
0x49: {  	v7 =	vxor.u32 v7, v4;
	v4 =	vxor.u32 v11, v4;
	v11 =	vxor.u32 v10, v12  }
0x4a: {  	v4 =	vand.u32 $0x7FFF, v4;
	[tilespmem:v8+s14+$0x0] =	vst.idx.msk $0xffff, v1;
	v1 =	vand.u32 $0x7FFF, v7;
	v7 =	vxor.u32 v12, v9  }
0x4b: {  	v8 =	vtrunc.f32 v54;
	[tilespmem:v5+s14+$0x0] =	vst.idx.msk $0xffff, v1;
	v1 =	vadd.s32 $0x127409F, v12;
	v5 =	vtrunc.f32 v57  }
0x4c: {  	[tilespmem:v2+s14+$0x0] =	vst.idx.msk $0xffff, v4;
	v2 =	vxor.u32 v10, v1;
	v1 =	vxor.u32 v9, v1;
	v4 =	vcvt.f32.s32 v5  }
0x4d: {  	v5 =	vcvt.f32.s32 v8;
	v8 =	vmul.f32 $1.024000000e+03, v56;
	[tilespmem:s19+$0xFFFFFE00] =	vst v3;
	v3 =	vor.u32 v63, v45;
	v45 =	vmovc v42;
	v42 =	vmovc v33  }
0x4e: {  	[tilespmem:s18+$0xFFFFFE00] =	vst v0;
	v0 =	vand.u32 $0x1FFFF, v11;
	v9 =	vcvt.s32.f32 v4;
	v4 =	vmul.u32 $0x466F45D, v4  }
0x4f: {  	v10 =	vtrunc.f32 v8;
	[tilespmem:v34+s14+$0x0] =	vst.idx.msk $0xffff, v0;
	v0 =	vand.u32 $0x1FFFF, v7;
	v7 =	vmul.u32 $0x127409F, v5  }
0x50: {  	v5 =	vcvt.s32.f32 v5;
	[tilespmem:v60+s14+$0x0] =	vst.idx.msk $0xffff, v0;
	v0 =	vand.u32 $0x1FFFF, v2;
	v2 =	vsub.f32 v57, v9  }
0x51: {  	[tilespmem:v61+s14+$0x0] =	vst.idx.msk $0xffff, v0;
	v0 =	vand.u32 $0x1FFFF, v1;
	v1 =	vadd.s32 $0x466F45D, v4;
	v9 =	vxor.u32 v4, v7  }
0x52: {  	[tilespmem:v3+s14+$0x0] =	vst.idx.msk $0xffff, v0;
	v0 =	vsub.f32 v54, v5;
	v3 =	vadd.s32 $0x127409F, v7;
	v5 =	vtrunc.f32 v6  }
0x53: {  	[tilespmem:s19+$0x0] =	vst v2;
	v2 =	vxor.u32 v7, v1;
	v4 =	vxor.u32 v4, v3;
	v7 =	vcvt.f32.s32 v10  }
0x54: {  	[tilespmem:s18+$0x0] =	vst v0;
	v0 =	vxor.u32 v1, v3;
	v1 =	vand.u32 $0x7FFFF, v9;
	v3 =	vcvt.f32.s32 v5  }
0x55: {  	[tilespmem:v58+s14+$0x0] =	vst.idx.msk $0xffff, v1;
	v1 =	vand.u32 $0x7FFFF, v2;
	v2 =	vcvt.s32.f32 v7;
	v5 =	vmul.u32 $0x466F45D, v7  }
0x56: {  	[tilespmem:v55+s14+$0x0] =	vst.idx.msk $0xffff, v1;
	v1 =	vand.u32 $0x7FFFF, v4;
	v4 =	vcvt.s32.f32 v3;
	v3 =	vmul.u32 $0x127409F, v3  }
0x57: {  	v0 =	vand.u32 $0x7FFFF, v0;
	[tilespmem:v53+s14+$0x0] =	vst.idx.msk $0xffff, v1;
	v1 =	vsub.f32 v8, v2;
	v2 =	vadd.s32 $0x466F45D, v5  }
0x58: {  	[tilespmem:v52+s14+$0x0] =	vst.idx.msk $0xffff, v0;
	v0 =	vsub.f32 v6, v4;
	v4 =	vadd.s32 $0x127409F, v3;
	v6 =	vxor.u32 v5, v3  }
0x59: {  	[tilespmem:s19+$0x200] =	vst v1;
	v1 =	vxor.u32 v3, v2;
	v3 =	vxor.u32 v5, v4;
	v2 =	vxor.u32 v2, v4;
	s19 =	smov.u32 s17  }
0x5a: {  	[tilespmem:s18+$0x200] =	vst v0;
	v0 =	vand.u32 $0x1FFFFF, v6;
	s18 =	smov.u32 s1  }
.Ltmp0:
0x5b: {  	[tilespmem:v51+s14+$0x0] =	vst.idx.msk $0xffff, v0;
	v0 =	vand.u32 $0x1FFFFF, v1;
	(pc) =	sbr.rel @p0 .LBB2_3-.Ltmp0, $4  }
0x5c: {  	v1 =	vmov s20;
	[tilespmem:v50+s14+$0x0] =	vst.idx.msk $0xffff, v0;
	v0 =	vand.u32 $0x1FFFFF, v3  }
0x5d: {  	v1 =	vshll.u32 v1, $0x3;
	[tilespmem:v49+s14+$0x0] =	vst.idx.msk $0xffff, v0;
	v0 =	vand.u32 $0x1FFFFF, v2  }
0x5e: {  	s21 =	smov.u32 s22;
	v50 =	vor.u32 v59, v1;
	[tilespmem:v48+s14+$0x0] =	vst.idx.msk $0xffff, v0  }
0x5f: {  	s17 =	sadd.s32 $0x10, s17;
	s1 =	sadd.s32 $0x10, s1;
	s20 =	sadd.s32 $0x10, s20;
	v54 =	vld.idx.msk [tilespmem:v44+s2+$0x0], $0xffff;
	v44 =	vor.u32 $0x1, v50  }
0x60: {  	_ =	sdelay $0x3  }
0x61: {  	v0 =	vld.idx.msk [tilespmem:v47+s2+$0x0], $0xffff  }
0x62: {  	v1 =	vor.u32 v29, v45  }
0x63: {  	v2 =	vor.u32 v30, v45;
	v3 =	vor.u32 v27, v45;
	v4 =	vor.u32 v28, v45  }
0x64: {  	v5 =	vor.u32 v24, v45;
	v6 =	vor.u32 v25, v45;
	v7 =	vmul.f32 $1.600000000e+01, v54  }
0x65: {  	v8 =	vor.u32 v16, v45;
	v9 =	vmul.f32 $6.400000000e+01, v54;
	v49 =	vmul.f32 $1.024000000e+03, v54  }
0x66: {  	v11 =	vor.u32 v17, v45;
	v54 =	vmul.f32 $2.560000000e+02, v54;
	v10 =	vmul.f32 $1.600000000e+01, v0  }
0x67: {  	v14 =	vor.u32 v23, v45;
	v12 =	vmul.f32 $6.400000000e+01, v0;
	v13 =	vtrunc.f32 v7  }
0x68: {  	v48 =	vor.u32 v19, v45;
	v56 =	vtrunc.f32 v9;
	v58 =	vtrunc.f32 v10  }
0x69: {  	v51 =	vor.u32 v20, v45;
	v13 =	vcvt.f32.s32 v13;
	v52 =	vtrunc.f32 v12  }
0x6a: {  	v55 =	vor.u32 v18, v45;
	v56 =	vcvt.f32.s32 v56;
	v47 =	vcvt.f32.s32 v58  }
0x6b: {  	v46 =	vor.u32 v15, v46;
	v52 =	vcvt.f32.s32 v52;
	v53 =	vcvt.s32.f32 v13  }
0x6c: {  	v13 =	vmul.u32 $0x127409F, v13;
	v60 =	vcvt.s32.f32 v56;
	v57 =	vcvt.s32.f32 v47  }
0x6d: {  	v34 =	vmul.u32 $0x127409F, v56;
	v47 =	vmul.u32 $0x466F45D, v47;
	v58 =	vcvt.s32.f32 v52  }
0x6e: {  	v52 =	vmul.u32 $0x466F45D, v52;
	v7 =	vsub.f32 v7, v53;
	v10 =	vsub.f32 v10, v57  }
0x6f: {  	v9 =	vsub.f32 v9, v60;
	v60 =	vadd.s32 $0x127409F, v34;
	v61 =	vadd.s32 $0x466F45D, v47  }
0x70: {  	v12 =	vsub.f32 v12, v58;
	v32 =	vxor.u32 v47, v13;
	v57 =	vadd.s32 $0x466F45D, v52;
	[tilespmem:s19+$0xFFFFFC00] =	vst v10  }
0x71: {  	v33 =	vxor.u32 v13, v61;
	v58 =	vand.u32 $0x7FFF, v32;
	v13 =	vadd.s32 $0x127409F, v13;
	[tilespmem:s18+$0xFFFFFC00] =	vst v7  }
0x72: {  	v10 =	vand.u32 $0x7FFF, v33;
	v56 =	vxor.u32 v47, v13;
	v7 =	vmul.f32 $2.560000000e+02, v0;
	[tilespmem:v46+s14+$0x0] =	vst.idx.msk $0xffff, v58  }
0x73: {  	v32 =	vxor.u32 v52, v60;
	v13 =	vxor.u32 v61, v13;
	v46 =	vand.u32 $0x7FFF, v56;
	[tilespmem:v55+s14+$0x0] =	vst.idx.msk $0xffff, v10  }
0x74: {  	v13 =	vand.u32 $0x7FFF, v13;
	v0 =	vmul.f32 $1.024000000e+03, v0;
	v61 =	vtrunc.f32 v7;
	[tilespmem:v51+s14+$0x0] =	vst.idx.msk $0xffff, v46  }
0x75: {  	v47 =	vxor.u32 v57, v60;
	v33 =	vcvt.f32.s32 v61;
	[tilespmem:v48+s14+$0x0] =	vst.idx.msk $0xffff, v13;
	v13 =	vtrunc.f32 v54  }
0x76: {  	v10 =	vxor.u32 v52, v34;
	[tilespmem:s19+$0xFFFFFE00] =	vst v12;
	v12 =	vor.u32 v63, v45;
	v13 =	vcvt.f32.s32 v13  }
0x77: {  	v58 =	vxor.u32 v34, v57;
	[tilespmem:s18+$0xFFFFFE00] =	vst v9;
	v9 =	vand.u32 $0x1FFFF, v10;
	v10 =	vcvt.s32.f32 v33  }
0x78: {  	v34 =	vmul.u32 $0x466F45D, v33;
	[tilespmem:v8+s14+$0x0] =	vst.idx.msk $0xffff, v9;
	v8 =	vand.u32 $0x1FFFF, v58;
	v9 =	vmul.u32 $0x127409F, v13  }
0x79: {  	[tilespmem:v11+s14+$0x0] =	vst.idx.msk $0xffff, v8;
	v8 =	vand.u32 $0x1FFFF, v32;
	v11 =	vcvt.s32.f32 v13;
	v7 =	vsub.f32 v7, v10  }
0x7a: {  	v10 =	vadd.s32 $0x466F45D, v34;
	[tilespmem:v14+s14+$0x0] =	vst.idx.msk $0xffff, v8;
	v8 =	vand.u32 $0x1FFFF, v47;
	v13 =	vxor.u32 v34, v9  }
0x7b: {  	v52 =	vtrunc.f32 v0;
	v53 =	vxor.u32 v9, v10;
	[tilespmem:v12+s14+$0x0] =	vst.idx.msk $0xffff, v8;
	v8 =	vsub.f32 v54, v11  }
0x7c: {  	v11 =	vadd.s32 $0x127409F, v9;
	v12 =	vtrunc.f32 v49;
	v9 =	vcvt.f32.s32 v52;
	[tilespmem:s19+$0x0] =	vst v7  }
0x7d: {  	v54 =	vand.u32 $0x7FFFF, v53;
	v12 =	vcvt.f32.s32 v12;
	[tilespmem:s18+$0x0] =	vst v8;
	v8 =	vand.u32 $0x7FFFF, v13  }
0x7e: {  	v14 =	vxor.u32 v34, v11;
	v10 =	vxor.u32 v10, v11;
	v55 =	vcvt.s32.f32 v9;
	[tilespmem:v5+s14+$0x0] =	vst.idx.msk $0xffff, v8  }
0x7f: {  	v56 =	vand.u32 $0x7FFFF, v14;
	v58 =	vand.u32 $0x7FFFF, v10;
	v57 =	vcvt.s32.f32 v12;
	[tilespmem:v6+s14+$0x0] =	vst.idx.msk $0xffff, v54  }
0x80: {  	v8 =	vmul.u32 $0x466F45D, v9;
	v9 =	vmul.u32 $0x127409F, v12;
	v0 =	vsub.f32 v0, v55;
	[tilespmem:v3+s14+$0x0] =	vst.idx.msk $0xffff, v56  }
0x81: {  	v60 =	vor.u32 v31, v45;
	v61 =	vsub.f32 v49, v57;
	[tilespmem:v4+s14+$0x0] =	vst.idx.msk $0xffff, v58  }
0x82: {  	v32 =	vor.u32 v21, v45;
	v33 =	vadd.s32 $0x466F45D, v8;
	v34 =	vxor.u32 v8, v9;
	[tilespmem:s19+$0x200] =	vst v0  }
0x83: {  	v45 =	vadd.s32 $0x127409F, v9;
	v9 =	vxor.u32 v9, v33;
	v46 =	vand.u32 $0x1FFFFF, v34;
	[tilespmem:s18+$0x200] =	vst v61  }
0x84: {  	v47 =	vxor.u32 v8, v45;
	v48 =	vand.u32 $0x1FFFFF, v9;
	[tilespmem:v1+s14+$0x0] =	vst.idx.msk $0xffff, v46  }
0x85: {  	v49 =	vxor.u32 v33, v45;
	v51 =	vand.u32 $0x1FFFFF, v47;
	[tilespmem:v2+s14+$0x0] =	vst.idx.msk $0xffff, v48  }
0x86: {  	v52 =	vand.u32 $0x1FFFFF, v49;
	[tilespmem:v60+s14+$0x0] =	vst.idx.msk $0xffff, v51  }
0x87: {  	[tilespmem:v32+s14+$0x0] =	vst.idx.msk $0xffff, v52  }
0x88: {  	v0 =	vld.idx.msk [tilespmem:v44+s2+$0x0], $0xffff  }
0x89: {  	v1 =	vld.idx.msk [tilespmem:v50+s2+$0x0], $0xffff;
	_ =	sdelay $0x1  }
0x8a: {  	v43 =	vor.u32 v15, v43  }
0x8b: {  	v7 =	vor.u32 v16, v42;
	v13 =	vor.u32 v19, v42;
	v5 =	vor.u32 v24, v42  }
0x8c: {  	v6 =	vor.u32 v25, v42;
	v3 =	vor.u32 v27, v42;
	v10 =	vmul.f32 $1.600000000e+01, v0  }
0x8d: {  	v4 =	vor.u32 v28, v42;
	v11 =	vmul.f32 $6.400000000e+01, v0;
	v12 =	vmul.f32 $1.600000000e+01, v1  }
0x8e: {  	v8 =	vor.u32 v17, v42;
	v14 =	vmul.f32 $6.400000000e+01, v1;
	v46 =	vmul.f32 $1.024000000e+03, v0  }
0x8f: {  	v45 =	vor.u32 v20, v42;
	v0 =	vmul.f32 $2.560000000e+02, v0;
	v53 =	vtrunc.f32 v10  }
0x90: {  	v9 =	vor.u32 v23, v42;
	v54 =	vtrunc.f32 v12;
	v55 =	vtrunc.f32 v14  }
0x91: {  	v2 =	vor.u32 v29, v42;
	v58 =	vtrunc.f32 v11;
	v44 =	vcvt.f32.s32 v53  }
0x92: {  	v48 =	vor.u32 v18, v42;
	v47 =	vcvt.f32.s32 v54;
	v49 =	vcvt.f32.s32 v55  }
0x93: {  	v60 =	vcvt.f32.s32 v58;
	v54 =	vor.u32 v30, v42;
	v56 =	vcvt.s32.f32 v44  }
0x94: {  	v44 =	vmul.u32 $0x127409F, v44;
	v57 =	vcvt.s32.f32 v47;
	v47 =	vmul.u32 $0x466F45D, v47  }
0x95: {  	v61 =	vcvt.s32.f32 v49;
	v49 =	vmul.u32 $0x466F45D, v49;
	v10 =	vsub.f32 v10, v56  }
0x96: {  	v12 =	vsub.f32 v12, v57;
	v32 =	vadd.s32 $0x466F45D, v47;
	v33 =	vxor.u32 v47, v44  }
0x97: {  	v14 =	vsub.f32 v14, v61;
	v56 =	vcvt.s32.f32 v60;
	v57 =	vmul.f32 $2.560000000e+02, v1  }
0x98: {  	v58 =	vadd.s32 $0x127409F, v44;
	v1 =	vmul.f32 $1.024000000e+03, v1;
	v34 =	vxor.u32 v44, v32;
	[tilespmem:s17+$0xFFFFFC00] =	vst v12  }
0x99: {  	v53 =	vand.u32 $0x7FFF, v33;
	v47 =	vxor.u32 v47, v58;
	v12 =	vand.u32 $0x7FFF, v34;
	[tilespmem:s1+$0xFFFFFC00] =	vst v10  }
0x9a: {  	v11 =	vsub.f32 v11, v56;
	v51 =	vtrunc.f32 v1;
	v10 =	vmul.u32 $0x127409F, v60;
	[tilespmem:v43+s14+$0x0] =	vst.idx.msk $0xffff, v53  }
0x9b: {  	v60 =	vadd.s32 $0x466F45D, v49;
	v43 =	vxor.u32 v32, v58;
	[tilespmem:v48+s14+$0x0] =	vst.idx.msk $0xffff, v12;
	v12 =	vand.u32 $0x7FFF, v47  }
0x9c: {  	v32 =	vtrunc.f32 v57;
	v61 =	vxor.u32 v49, v10;
	v43 =	vand.u32 $0x7FFF, v43;
	[tilespmem:v45+s14+$0x0] =	vst.idx.msk $0xffff, v12  }
0x9d: {  	v33 =	vcvt.f32.s32 v32;
	v12 =	vxor.u32 v10, v60;
	v10 =	vadd.s32 $0x127409F, v10;
	[tilespmem:v13+s14+$0x0] =	vst.idx.msk $0xffff, v43  }
0x9e: {  	v13 =	vtrunc.f32 v0;
	v34 =	vxor.u32 v49, v10;
	[tilespmem:s17+$0xFFFFFE00] =	vst v14;
	v14 =	vor.u32 v63, v42  }
0x9f: {  	v10 =	vxor.u32 v60, v10;
	v13 =	vcvt.f32.s32 v13;
	[tilespmem:s1+$0xFFFFFE00] =	vst v11;
	v11 =	vand.u32 $0x1FFFF, v61  }
0xa0: {  	v48 =	vcvt.s32.f32 v33;
	v45 =	vmul.u32 $0x466F45D, v33;
	v49 =	vand.u32 $0x1FFFF, v12;
	[tilespmem:v7+s14+$0x0] =	vst.idx.msk $0xffff, v11  }
0xa1: {  	v12 =	vmul.u32 $0x127409F, v13;
	v13 =	vcvt.s32.f32 v13;
	[tilespmem:v8+s14+$0x0] =	vst.idx.msk $0xffff, v49;
	v8 =	vand.u32 $0x1FFFF, v34  }
0xa2: {  	v11 =	vsub.f32 v57, v48;
	v7 =	vcvt.f32.s32 v51;
	[tilespmem:v9+s14+$0x0] =	vst.idx.msk $0xffff, v8;
	v8 =	vand.u32 $0x1FFFF, v10  }
0xa3: {  	v9 =	vadd.s32 $0x466F45D, v45;
	v10 =	vxor.u32 v45, v12;
	v0 =	vsub.f32 v0, v13;
	[tilespmem:v14+s14+$0x0] =	vst.idx.msk $0xffff, v8  }
0xa4: {  	v8 =	vadd.s32 $0x127409F, v12;
	v12 =	vxor.u32 v12, v9;
	[tilespmem:s17+$0x0] =	vst v11;
	v11 =	vtrunc.f32 v46  }
0xa5: {  	v52 =	vand.u32 $0x7FFFF, v10;
	v13 =	vxor.u32 v45, v8;
	[tilespmem:s1+$0x0] =	vst v0;
	v10 =	vcvt.f32.s32 v11  }
0xa6: {  	v53 =	vxor.u32 v9, v8;
	v8 =	vand.u32 $0x7FFFF, v12;
	v11 =	vcvt.s32.f32 v7;
	[tilespmem:v5+s14+$0x0] =	vst.idx.msk $0xffff, v52  }
0xa7: {  	v56 =	vmul.u32 $0x466F45D, v7;
	v55 =	vand.u32 $0x7FFFF, v13;
	[tilespmem:v6+s14+$0x0] =	vst.idx.msk $0xffff, v8;
	v8 =	vcvt.s32.f32 v10  }
0xa8: {  	v0 =	vand.u32 $0x7FFFF, v53;
	v1 =	vsub.f32 v1, v11;
	v57 =	vmul.u32 $0x127409F, v10;
	[tilespmem:v3+s14+$0x0] =	vst.idx.msk $0xffff, v55  }
0xa9: {  	v58 =	vor.u32 v31, v42;
	[tilespmem:v4+s14+$0x0] =	vst.idx.msk $0xffff, v0;
	v60 =	vsub.f32 v46, v8  }
0xaa: {  	v61 =	vor.u32 v21, v42;
	v8 =	vadd.s32 $0x466F45D, v56;
	v32 =	vxor.u32 v56, v57;
	[tilespmem:s17+$0x200] =	vst v1  }
0xab: {  	v33 =	vadd.s32 $0x127409F, v57;
	v6 =	vxor.u32 v57, v8;
	v1 =	vand.u32 $0x1FFFFF, v32;
	[tilespmem:s1+$0x200] =	vst v60  }
0xac: {  	v34 =	vxor.u32 v56, v33;
	v42 =	vand.u32 $0x1FFFFF, v6;
	[tilespmem:v2+s14+$0x0] =	vst.idx.msk $0xffff, v1  }
0xad: {  	v43 =	vxor.u32 v8, v33;
	v1 =	vand.u32 $0x1FFFFF, v34;
	[tilespmem:v54+s14+$0x0] =	vst.idx.msk $0xffff, v42  }
0xae: {  	v44 =	vand.u32 $0x1FFFFF, v43;
	[tilespmem:v58+s14+$0x0] =	vst.idx.msk $0xffff, v1  }
0xaf: {  	[tilespmem:v61+s14+$0x0] =	vst.idx.msk $0xffff, v44  }
0xb0: {  	[tilespmem:s16], [sflag:$0x1] =	stream.indirect.gather [hbm4b:s4+s15], $0x2, s14, s15, $0xb8;
	[tilespmem:$0x15010] =	vst v63  }
0xb1: {  	s20 =	simm.s32 $0x4400;
	s19 =	simm.s32 $0x1080  }
0xb2: {  	[tilespmem:s20], [sflag:$0x1] =	stream.indirect.gather [hbm4b:s4+s15], $0x2, s19, s15, $0xb8;
	[tilespmem:$0x15010] =	vst v63  }
0xb3: {  	s21 =	simm.s32 $0x1100;
	s22 =	simm.s32 $0x4800  }
0xb4: {  	[tilespmem:s22], [sflag:$0x1] =	stream.indirect.gather [hbm4b:s4+s15], $0x2, s21, s15, $0xb8;
	[tilespmem:$0x15010] =	vst v63  }
0xb5: {  	s23 =	simm.s32 $0x1180;
	s24 =	simm.s32 $0x4C00  }
0xb6: {  	[tilespmem:s24], [sflag:$0x1] =	stream.indirect.gather [hbm4b:s4+s15], $0x2, s23, s15, $0xb8;
	[tilespmem:$0x15010] =	vst v63  }
0xb7: {  	s18 =	simm.s32 $0x5000;
	s17 =	simm.s32 $0x1200  }
0xb8: {  	[tilespmem:s18], [sflag:$0x1] =	stream.indirect.gather [hbm4b:s4+s15], $0x2, s17, s15, $0xb8;
	[tilespmem:$0x15010] =	vst v63  }
0xb9: {  	s19 =	simm.s32 $0x1280;
	s20 =	simm.s32 $0x5400  }
0xba: {  	[tilespmem:s20], [sflag:$0x1] =	stream.indirect.gather [hbm4b:s4+s15], $0x2, s19, s15, $0xb8;
	[tilespmem:$0x15010] =	vst v63  }
0xbb: {  	s21 =	simm.s32 $0x1300;
	s22 =	simm.s32 $0x5800  }
0xbc: {  	[tilespmem:s22], [sflag:$0x1] =	stream.indirect.gather [hbm4b:s4+s15], $0x2, s21, s15, $0xb8;
	[tilespmem:$0x15010] =	vst v63  }
0xbd: {  	s23 =	simm.s32 $0x1380;
	s24 =	simm.s32 $0x5C00  }
0xbe: {  	[tilespmem:s24], [sflag:$0x1] =	stream.indirect.gather [hbm4b:s4+s15], $0x2, s23, s15, $0xb8;
	[tilespmem:$0x15010] =	vst v63  }
0xbf: {  	s17 =	simm.s32 $0x1400;
	s18 =	simm.s32 $0x6000  }
0xc0: {  	[tilespmem:s18], [sflag:$0x1] =	stream.indirect.gather [hbm4b:s4+s15], $0x2, s17, s15, $0xb8;
	[tilespmem:$0x15010] =	vst v63  }
0xc1: {  	s19 =	simm.s32 $0x1480;
	s20 =	simm.s32 $0x6400  }
0xc2: {  	[tilespmem:s20], [sflag:$0x1] =	stream.indirect.gather [hbm4b:s4+s15], $0x2, s19, s15, $0xb8;
	[tilespmem:$0x15010] =	vst v63  }
0xc3: {  	s21 =	simm.s32 $0x1500;
	s22 =	simm.s32 $0x6800  }
0xc4: {  	[tilespmem:s22], [sflag:$0x1] =	stream.indirect.gather [hbm4b:s4+s15], $0x2, s21, s15, $0xb8;
	[tilespmem:$0x15010] =	vst v63  }
0xc5: {  	s23 =	simm.s32 $0x1580;
	s24 =	simm.s32 $0x6C00  }
0xc6: {  	[tilespmem:s24], [sflag:$0x1] =	stream.indirect.gather [hbm4b:s4+s15], $0x2, s23, s15, $0xb8;
	[tilespmem:$0x15010] =	vst v63  }
0xc7: {  	s17 =	simm.s32 $0x1600;
	s18 =	simm.s32 $0x7000  }
0xc8: {  	[tilespmem:s18], [sflag:$0x1] =	stream.indirect.gather [hbm4b:s4+s15], $0x2, s17, s15, $0xb8;
	[tilespmem:$0x15010] =	vst v63  }
0xc9: {  	s19 =	simm.s32 $0x1680;
	s20 =	simm.s32 $0x7400  }
0xca: {  	[tilespmem:s20], [sflag:$0x1] =	stream.indirect.gather [hbm4b:s4+s15], $0x2, s19, s15, $0xb8;
	[tilespmem:$0x15010] =	vst v63  }
0xcb: {  	s21 =	simm.s32 $0x1700;
	s22 =	simm.s32 $0x7800  }
0xcc: {  	[tilespmem:s22], [sflag:$0x1] =	stream.indirect.gather [hbm4b:s4+s15], $0x2, s21, s15, $0xb8;
	[tilespmem:$0x15010] =	vst v63  }
0xcd: {  	s23 =	simm.s32 $0x1780;
	s24 =	simm.s32 $0x7C00  }
0xce: {  	[tilespmem:s24], [sflag:$0x1] =	stream.indirect.gather [hbm4b:s4+s15], $0x2, s23, s15, $0xb8;
	[tilespmem:$0x15010] =	vst v63  }
0xcf: {  	s17 =	simm.s32 $0x1800;
	s18 =	simm.s32 $0x8000  }
0xd0: {  	[tilespmem:s18], [sflag:$0x1] =	stream.indirect.gather [hbm4b:s5+s15], $0x2, s17, s15, $0xb8;
	[tilespmem:$0x15010] =	vst v63  }
0xd1: {  	s19 =	simm.s32 $0x1880;
	s20 =	simm.s32 $0x8400  }
0xd2: {  	[tilespmem:s20], [sflag:$0x1] =	stream.indirect.gather [hbm4b:s5+s15], $0x2, s19, s15, $0xb8;
	[tilespmem:$0x15010] =	vst v63  }
0xd3: {  	s21 =	simm.s32 $0x1900;
	s22 =	simm.s32 $0x8800  }
0xd4: {  	[tilespmem:s22], [sflag:$0x1] =	stream.indirect.gather [hbm4b:s5+s15], $0x2, s21, s15, $0xb8;
	[tilespmem:$0x15010] =	vst v63  }
0xd5: {  	s23 =	simm.s32 $0x1980;
	s24 =	simm.s32 $0x8C00  }
0xd6: {  	[tilespmem:s24], [sflag:$0x1] =	stream.indirect.gather [hbm4b:s5+s15], $0x2, s23, s15, $0xb8;
	[tilespmem:$0x15010] =	vst v63  }
0xd7: {  	s17 =	simm.s32 $0x1A00;
	s18 =	simm.s32 $0x9000  }
0xd8: {  	[tilespmem:s18], [sflag:$0x1] =	stream.indirect.gather [hbm4b:s5+s15], $0x2, s17, s15, $0xb8;
	[tilespmem:$0x15010] =	vst v63  }
0xd9: {  	s19 =	simm.s32 $0x1A80;
	s20 =	simm.s32 $0x9400  }
0xda: {  	[tilespmem:s20], [sflag:$0x1] =	stream.indirect.gather [hbm4b:s5+s15], $0x2, s19, s15, $0xb8;
	[tilespmem:$0x15010] =	vst v63  }
0xdb: {  	s21 =	simm.s32 $0x1B00;
	s22 =	simm.s32 $0x9800  }
0xdc: {  	[tilespmem:s22], [sflag:$0x1] =	stream.indirect.gather [hbm4b:s5+s15], $0x2, s21, s15, $0xb8;
	[tilespmem:$0x15010] =	vst v63  }
0xdd: {  	s23 =	simm.s32 $0x1B80;
	s24 =	simm.s32 $0x9C00  }
0xde: {  	[tilespmem:s24], [sflag:$0x1] =	stream.indirect.gather [hbm4b:s5+s15], $0x2, s23, s15, $0xb8;
	[tilespmem:$0x15010] =	vst v63  }
0xdf: {  	s17 =	simm.s32 $0x1C00;
	s18 =	simm.s32 $0xA000  }
0xe0: {  	[tilespmem:s18], [sflag:$0x1] =	stream.indirect.gather [hbm4b:s5+s15], $0x2, s17, s15, $0xb8;
	[tilespmem:$0x15010] =	vst v63  }
0xe1: {  	s19 =	simm.s32 $0x1C80;
	s20 =	simm.s32 $0xA400  }
0xe2: {  	[tilespmem:s20], [sflag:$0x1] =	stream.indirect.gather [hbm4b:s5+s15], $0x2, s19, s15, $0xb8;
	[tilespmem:$0x15010] =	vst v63  }
0xe3: {  	s21 =	simm.s32 $0x1D00;
	s22 =	simm.s32 $0xA800  }
0xe4: {  	[tilespmem:s22], [sflag:$0x1] =	stream.indirect.gather [hbm4b:s5+s15], $0x2, s21, s15, $0xb8;
	[tilespmem:$0x15010] =	vst v63  }
0xe5: {  	s23 =	simm.s32 $0x1D80;
	s24 =	simm.s32 $0xAC00  }
0xe6: {  	[tilespmem:s24], [sflag:$0x1] =	stream.indirect.gather [hbm4b:s5+s15], $0x2, s23, s15, $0xb8;
	[tilespmem:$0x15010] =	vst v63  }
0xe7: {  	s17 =	simm.s32 $0x1E00;
	s18 =	simm.s32 $0xB000  }
0xe8: {  	[tilespmem:s18], [sflag:$0x1] =	stream.indirect.gather [hbm4b:s5+s15], $0x2, s17, s15, $0xb8;
	[tilespmem:$0x15010] =	vst v63  }
0xe9: {  	s19 =	simm.s32 $0x1E80;
	s20 =	simm.s32 $0xB400  }
0xea: {  	[tilespmem:s20], [sflag:$0x1] =	stream.indirect.gather [hbm4b:s5+s15], $0x2, s19, s15, $0xb8;
	[tilespmem:$0x15010] =	vst v63  }
0xeb: {  	s21 =	simm.s32 $0x1F00;
	s22 =	simm.s32 $0xB800  }
0xec: {  	[tilespmem:s22], [sflag:$0x1] =	stream.indirect.gather [hbm4b:s5+s15], $0x2, s21, s15, $0xb8;
	[tilespmem:$0x15010] =	vst v63  }
0xed: {  	s23 =	simm.s32 $0x1F80;
	s24 =	simm.s32 $0xBC00  }
0xee: {  	[tilespmem:s24], [sflag:$0x1] =	stream.indirect.gather [hbm4b:s5+s15], $0x2, s23, s15, $0xb8;
	[tilespmem:$0x15010] =	vst v63  }
0xef: {  	s17 =	simm.s32 $0x2000;
	s18 =	simm.s32 $0xC000  }
0xf0: {  	[tilespmem:s18], [sflag:$0x1] =	stream.indirect.gather [hbm4b:s7+s15], $0x2, s17, s15, $0xb8;
	[tilespmem:$0x15010] =	vst v63  }
0xf1: {  	s19 =	simm.s32 $0x2080;
	s20 =	simm.s32 $0xC400  }
0xf2: {  	[tilespmem:s20], [sflag:$0x1] =	stream.indirect.gather [hbm4b:s7+s15], $0x2, s19, s15, $0xb8;
	[tilespmem:$0x15010] =	vst v63  }
0xf3: {  	s21 =	simm.s32 $0x2100;
	s22 =	simm.s32 $0xC800  }
0xf4: {  	[tilespmem:s22], [sflag:$0x1] =	stream.indirect.gather [hbm4b:s7+s15], $0x2, s21, s15, $0xb8;
	[tilespmem:$0x15010] =	vst v63  }
0xf5: {  	s23 =	simm.s32 $0x2180;
	s24 =	simm.s32 $0xCC00  }
0xf6: {  	[tilespmem:s24], [sflag:$0x1] =	stream.indirect.gather [hbm4b:s7+s15], $0x2, s23, s15, $0xb8;
	[tilespmem:$0x15010] =	vst v63  }
0xf7: {  	s17 =	simm.s32 $0x2200;
	s18 =	simm.s32 $0xD000  }
0xf8: {  	[tilespmem:s18], [sflag:$0x1] =	stream.indirect.gather [hbm4b:s7+s15], $0x2, s17, s15, $0xb8;
	[tilespmem:$0x15010] =	vst v63  }
0xf9: {  	s19 =	simm.s32 $0x2280;
	s20 =	simm.s32 $0xD400  }
0xfa: {  	[tilespmem:s20], [sflag:$0x1] =	stream.indirect.gather [hbm4b:s7+s15], $0x2, s19, s15, $0xb8;
	[tilespmem:$0x15010] =	vst v63  }
0xfb: {  	s21 =	simm.s32 $0x2300;
	s22 =	simm.s32 $0xD800  }
0xfc: {  	[tilespmem:s22], [sflag:$0x1] =	stream.indirect.gather [hbm4b:s7+s15], $0x2, s21, s15, $0xb8;
	[tilespmem:$0x15010] =	vst v63  }
0xfd: {  	s23 =	simm.s32 $0x2380;
	s24 =	simm.s32 $0xDC00  }
0xfe: {  	[tilespmem:s24], [sflag:$0x1] =	stream.indirect.gather [hbm4b:s7+s15], $0x2, s23, s15, $0xb8;
	[tilespmem:$0x15010] =	vst v63  }
0xff: {  	s17 =	simm.s32 $0x2400;
	s18 =	simm.s32 $0xE000  }
0x100: {  	[tilespmem:s18], [sflag:$0x1] =	stream.indirect.gather [hbm4b:s7+s15], $0x2, s17, s15, $0xb8;
	[tilespmem:$0x15010] =	vst v63  }
0x101: {  	s19 =	simm.s32 $0x2480;
	s20 =	simm.s32 $0xE400  }
0x102: {  	[tilespmem:s20], [sflag:$0x1] =	stream.indirect.gather [hbm4b:s7+s15], $0x2, s19, s15, $0xb8;
	[tilespmem:$0x15010] =	vst v63  }
0x103: {  	s21 =	simm.s32 $0x2500;
	s22 =	simm.s32 $0xE800  }
0x104: {  	[tilespmem:s22], [sflag:$0x1] =	stream.indirect.gather [hbm4b:s7+s15], $0x2, s21, s15, $0xb8;
	[tilespmem:$0x15010] =	vst v63  }
0x105: {  	s23 =	simm.s32 $0x2580;
	s24 =	simm.s32 $0xEC00  }
0x106: {  	[tilespmem:s24], [sflag:$0x1] =	stream.indirect.gather [hbm4b:s7+s15], $0x2, s23, s15, $0xb8;
	[tilespmem:$0x15010] =	vst v63  }
0x107: {  	s17 =	simm.s32 $0x2600;
	s18 =	simm.s32 $0xF000  }
0x108: {  	[tilespmem:s18], [sflag:$0x1] =	stream.indirect.gather [hbm4b:s7+s15], $0x2, s17, s15, $0xb8;
	[tilespmem:$0x15010] =	vst v63  }
0x109: {  	s19 =	simm.s32 $0x2680;
	s20 =	simm.s32 $0xF400  }
0x10a: {  	[tilespmem:s20], [sflag:$0x1] =	stream.indirect.gather [hbm4b:s7+s15], $0x2, s19, s15, $0xb8;
	[tilespmem:$0x15010] =	vst v63  }
0x10b: {  	s21 =	simm.s32 $0x2700;
	s22 =	simm.s32 $0xF800  }
0x10c: {  	[tilespmem:s22], [sflag:$0x1] =	stream.indirect.gather [hbm4b:s7+s15], $0x2, s21, s15, $0xb8;
	[tilespmem:$0x15010] =	vst v63  }
0x10d: {  	s23 =	simm.s32 $0x2780;
	s24 =	simm.s32 $0xFC00  }
0x10e: {  	[tilespmem:s24], [sflag:$0x1] =	stream.indirect.gather [hbm4b:s7+s15], $0x2, s23, s15, $0xb8;
	[tilespmem:$0x15010] =	vst v63  }
0x10f: {  	s17 =	simm.s32 $0x2800;
	s18 =	simm.s32 $0x10000  }
0x110: {  	[tilespmem:s18], [sflag:$0x1] =	stream.indirect.gather [hbm4b:s8+s15], $0x2, s17, s15, $0xb8;
	[tilespmem:$0x15010] =	vst v63  }
0x111: {  	s19 =	simm.s32 $0x2880;
	s20 =	simm.s32 $0x10400  }
0x112: {  	[tilespmem:s20], [sflag:$0x1] =	stream.indirect.gather [hbm4b:s8+s15], $0x2, s19, s15, $0xb8;
	[tilespmem:$0x15010] =	vst v63  }
0x113: {  	s21 =	simm.s32 $0x2900;
	s22 =	simm.s32 $0x10800  }
0x114: {  	[tilespmem:s22], [sflag:$0x1] =	stream.indirect.gather [hbm4b:s8+s15], $0x2, s21, s15, $0xb8;
	[tilespmem:$0x15010] =	vst v63  }
0x115: {  	s23 =	simm.s32 $0x2980;
	s24 =	simm.s32 $0x10C00  }
0x116: {  	[tilespmem:s24], [sflag:$0x1] =	stream.indirect.gather [hbm4b:s8+s15], $0x2, s23, s15, $0xb8;
	[tilespmem:$0x15010] =	vst v63  }
0x117: {  	s17 =	simm.s32 $0x2A00;
	s18 =	simm.s32 $0x11000  }
0x118: {  	[tilespmem:s18], [sflag:$0x1] =	stream.indirect.gather [hbm4b:s8+s15], $0x2, s17, s15, $0xb8;
	[tilespmem:$0x15010] =	vst v63  }
0x119: {  	s19 =	simm.s32 $0x2A80;
	s20 =	simm.s32 $0x11400  }
0x11a: {  	[tilespmem:s20], [sflag:$0x1] =	stream.indirect.gather [hbm4b:s8+s15], $0x2, s19, s15, $0xb8;
	[tilespmem:$0x15010] =	vst v63  }
0x11b: {  	s21 =	simm.s32 $0x2B00;
	s22 =	simm.s32 $0x11800  }
0x11c: {  	[tilespmem:s22], [sflag:$0x1] =	stream.indirect.gather [hbm4b:s8+s15], $0x2, s21, s15, $0xb8;
	[tilespmem:$0x15010] =	vst v63  }
0x11d: {  	s23 =	simm.s32 $0x2B80;
	s24 =	simm.s32 $0x11C00  }
0x11e: {  	[tilespmem:s24], [sflag:$0x1] =	stream.indirect.gather [hbm4b:s8+s15], $0x2, s23, s15, $0xb8;
	[tilespmem:$0x15010] =	vst v63  }
0x11f: {  	s17 =	simm.s32 $0x2C00;
	s18 =	simm.s32 $0x12000  }
0x120: {  	[tilespmem:s18], [sflag:$0x1] =	stream.indirect.gather [hbm4b:s8+s15], $0x2, s17, s15, $0xb8;
	[tilespmem:$0x15010] =	vst v63  }
0x121: {  	s19 =	simm.s32 $0x2C80;
	s20 =	simm.s32 $0x12400  }
0x122: {  	[tilespmem:s20], [sflag:$0x1] =	stream.indirect.gather [hbm4b:s8+s15], $0x2, s19, s15, $0xb8;
	[tilespmem:$0x15010] =	vst v63  }
0x123: {  	s21 =	simm.s32 $0x2D00;
	s22 =	simm.s32 $0x12800  }
0x124: {  	[tilespmem:s22], [sflag:$0x1] =	stream.indirect.gather [hbm4b:s8+s15], $0x2, s21, s15, $0xb8;
	[tilespmem:$0x15010] =	vst v63  }
0x125: {  	s23 =	simm.s32 $0x2D80;
	s24 =	simm.s32 $0x12C00  }
0x126: {  	[tilespmem:s24], [sflag:$0x1] =	stream.indirect.gather [hbm4b:s8+s15], $0x2, s23, s15, $0xb8;
	[tilespmem:$0x15010] =	vst v63  }
0x127: {  	s17 =	simm.s32 $0x2E00;
	s18 =	simm.s32 $0x13000  }
0x128: {  	[tilespmem:s18], [sflag:$0x1] =	stream.indirect.gather [hbm4b:s8+s15], $0x2, s17, s15, $0xb8;
	[tilespmem:$0x15010] =	vst v63  }
0x129: {  	s19 =	simm.s32 $0x2E80;
	s20 =	simm.s32 $0x13400  }
0x12a: {  	[tilespmem:s20], [sflag:$0x1] =	stream.indirect.gather [hbm4b:s8+s15], $0x2, s19, s15, $0xb8;
	[tilespmem:$0x15010] =	vst v63  }
0x12b: {  	_ = 	snop  }
0x12c: {  	[tilespmem:s26], [sflag:$0x1] =	stream.indirect.gather [hbm4b:s8+s15], $0x2, s25, s15, $0xb8;
	[tilespmem:$0x15010] =	vst v63  }
0x12d: {  	_ = 	snop  }
0x12e: {  	[tilespmem:s29], [sflag:$0x1] =	stream.indirect.gather [hbm4b:s8+s15], $0x2, s28, s15, $0xb8;
	[tilespmem:$0x15010] =	vst v63  }
0x12f: {  	_ =	swait.ge [sflag:s30], $0x100  }
0x130: {  	[sflag:s30] =	ssyncset.done $0x0  }
0x131: {  	[sflag:s30] =	ssyncadd.s32 $0xFFFFFF00  }
0x132: {  	_ =	swait.ge [sflag:s30], $0x100  }
0x133: {  	[sflag:s30] =	ssyncset.done $0x0  }
0x134: {  	[sflag:s30] =	ssyncadd.s32 $0xFFFFFF00  }
0x135: {  	_ =	swait.ge [sflag:s30], $0x100  }
0x136: {  	[sflag:s30] =	ssyncset.done $0x0  }
0x137: {  	[sflag:s30] =	ssyncadd.s32 $0xFFFFFF00  }
0x138: {  	_ =	swait.ge [sflag:s30], $0x100  }
0x139: {  	[sflag:s30] =	ssyncset.done $0x0  }
0x13a: {  	[sflag:s30] =	ssyncadd.s32 $0xFFFFFF00  }
0x13b: {  	_ =	swait.ge [sflag:s30], $0x100  }
0x13c: {  	[sflag:s30] =	ssyncset.done $0x0  }
0x13d: {  	[sflag:s30] =	ssyncadd.s32 $0xFFFFFF00  }
0x13e: {  	_ =	swait.ge [sflag:s30], $0x100  }
0x13f: {  	[sflag:s30] =	ssyncset.done $0x0  }
0x140: {  	[sflag:s30] =	ssyncadd.s32 $0xFFFFFF00  }
0x141: {  	_ =	swait.ge [sflag:s30], $0x100  }
0x142: {  	[sflag:s30] =	ssyncset.done $0x0  }
0x143: {  	[sflag:s30] =	ssyncadd.s32 $0xFFFFFF00  }
0x144: {  	_ =	swait.ge [sflag:s30], $0x100  }
0x145: {  	[sflag:s30] =	ssyncset.done $0x0  }
0x146: {  	[sflag:s30] =	ssyncadd.s32 $0xFFFFFF00  }
0x147: {  	_ =	swait.ge [sflag:s30], $0x100  }
0x148: {  	[sflag:s30] =	ssyncset.done $0x0  }
0x149: {  	[sflag:s30] =	ssyncadd.s32 $0xFFFFFF00  }
0x14a: {  	_ =	swait.ge [sflag:s30], $0x100  }
0x14b: {  	[sflag:s30] =	ssyncset.done $0x0  }
0x14c: {  	[sflag:s30] =	ssyncadd.s32 $0xFFFFFF00  }
0x14d: {  	_ =	swait.ge [sflag:s30], $0x100  }
0x14e: {  	[sflag:s30] =	ssyncset.done $0x0  }
0x14f: {  	[sflag:s30] =	ssyncadd.s32 $0xFFFFFF00  }
0x150: {  	_ =	swait.ge [sflag:s30], $0x100  }
0x151: {  	[sflag:s30] =	ssyncset.done $0x0  }
0x152: {  	[sflag:s30] =	ssyncadd.s32 $0xFFFFFF00  }
0x153: {  	_ =	swait.ge [sflag:s30], $0x100  }
0x154: {  	[sflag:s30] =	ssyncset.done $0x0  }
0x155: {  	[sflag:s30] =	ssyncadd.s32 $0xFFFFFF00  }
0x156: {  	_ =	swait.ge [sflag:s30], $0x100  }
0x157: {  	[sflag:s30] =	ssyncset.done $0x0  }
0x158: {  	[sflag:s30] =	ssyncadd.s32 $0xFFFFFF00  }
0x159: {  	_ =	swait.ge [sflag:s30], $0x100  }
0x15a: {  	[sflag:s30] =	ssyncset.done $0x0  }
0x15b: {  	[sflag:s30] =	ssyncadd.s32 $0xFFFFFF00  }
0x15c: {  	_ =	swait.ge [sflag:s30], $0x100  }
0x15d: {  	[sflag:s30] =	ssyncset.done $0x0  }
0x15e: {  	[sflag:s30] =	ssyncadd.s32 $0xFFFFFF00  }
0x15f: {  	_ =	swait.ge [sflag:s30], $0x100  }
0x160: {  	[sflag:s30] =	ssyncset.done $0x0  }
0x161: {  	[sflag:s30] =	ssyncadd.s32 $0xFFFFFF00  }
0x162: {  	_ =	swait.ge [sflag:s30], $0x100  }
0x163: {  	[sflag:s30] =	ssyncset.done $0x0  }
0x164: {  	[sflag:s30] =	ssyncadd.s32 $0xFFFFFF00  }
0x165: {  	_ =	swait.ge [sflag:s30], $0x100  }
0x166: {  	[sflag:s30] =	ssyncset.done $0x0  }
0x167: {  	[sflag:s30] =	ssyncadd.s32 $0xFFFFFF00  }
0x168: {  	_ =	swait.ge [sflag:s30], $0x100  }
0x169: {  	[sflag:s30] =	ssyncset.done $0x0  }
0x16a: {  	[sflag:s30] =	ssyncadd.s32 $0xFFFFFF00  }
0x16b: {  	_ =	swait.ge [sflag:s30], $0x100  }
0x16c: {  	[sflag:s30] =	ssyncset.done $0x0  }
0x16d: {  	[sflag:s30] =	ssyncadd.s32 $0xFFFFFF00  }
0x16e: {  	_ =	swait.ge [sflag:s30], $0x100  }
0x16f: {  	[sflag:s30] =	ssyncset.done $0x0  }
0x170: {  	[sflag:s30] =	ssyncadd.s32 $0xFFFFFF00  }
0x171: {  	_ =	swait.ge [sflag:s30], $0x100  }
0x172: {  	[sflag:s30] =	ssyncset.done $0x0  }
0x173: {  	[sflag:s30] =	ssyncadd.s32 $0xFFFFFF00  }
0x174: {  	_ =	swait.ge [sflag:s30], $0x100  }
0x175: {  	[sflag:s30] =	ssyncset.done $0x0  }
0x176: {  	[sflag:s30] =	ssyncadd.s32 $0xFFFFFF00  }
0x177: {  	_ =	swait.ge [sflag:s30], $0x100  }
0x178: {  	[sflag:s30] =	ssyncset.done $0x0  }
0x179: {  	[sflag:s30] =	ssyncadd.s32 $0xFFFFFF00  }
0x17a: {  	_ =	swait.ge [sflag:s30], $0x100  }
0x17b: {  	[sflag:s30] =	ssyncset.done $0x0  }
0x17c: {  	[sflag:s30] =	ssyncadd.s32 $0xFFFFFF00  }
0x17d: {  	_ =	swait.ge [sflag:s30], $0x100  }
0x17e: {  	[sflag:s30] =	ssyncset.done $0x0  }
0x17f: {  	[sflag:s30] =	ssyncadd.s32 $0xFFFFFF00  }
0x180: {  	_ =	swait.ge [sflag:s30], $0x100  }
0x181: {  	[sflag:s30] =	ssyncset.done $0x0  }
0x182: {  	[sflag:s30] =	ssyncadd.s32 $0xFFFFFF00  }
0x183: {  	_ =	swait.ge [sflag:s30], $0x100  }
0x184: {  	[sflag:s30] =	ssyncset.done $0x0  }
0x185: {  	[sflag:s30] =	ssyncadd.s32 $0xFFFFFF00  }
0x186: {  	_ =	swait.ge [sflag:s30], $0x100  }
0x187: {  	[sflag:s30] =	ssyncset.done $0x0  }
0x188: {  	[sflag:s30] =	ssyncadd.s32 $0xFFFFFF00  }
0x189: {  	_ =	swait.ge [sflag:s30], $0x100  }
0x18a: {  	[sflag:s30] =	ssyncset.done $0x0  }
0x18b: {  	[sflag:s30] =	ssyncadd.s32 $0xFFFFFF00  }
0x18c: {  	_ =	swait.ge [sflag:s30], $0x100  }
0x18d: {  	[sflag:s30] =	ssyncset.done $0x0  }
0x18e: {  	[sflag:s30] =	ssyncadd.s32 $0xFFFFFF00  }
0x18f: {  	_ =	swait.ge [sflag:s30], $0x100  }
0x190: {  	[sflag:s30] =	ssyncset.done $0x0  }
0x191: {  	[sflag:s30] =	ssyncadd.s32 $0xFFFFFF00  }
0x192: {  	_ =	swait.ge [sflag:s30], $0x100  }
0x193: {  	[sflag:s30] =	ssyncset.done $0x0  }
0x194: {  	[sflag:s30] =	ssyncadd.s32 $0xFFFFFF00  }
0x195: {  	_ =	swait.ge [sflag:s30], $0x100  }
0x196: {  	[sflag:s30] =	ssyncset.done $0x0  }
0x197: {  	[sflag:s30] =	ssyncadd.s32 $0xFFFFFF00  }
0x198: {  	_ =	swait.ge [sflag:s30], $0x100  }
0x199: {  	[sflag:s30] =	ssyncset.done $0x0  }
0x19a: {  	[sflag:s30] =	ssyncadd.s32 $0xFFFFFF00  }
0x19b: {  	_ =	swait.ge [sflag:s30], $0x100  }
0x19c: {  	[sflag:s30] =	ssyncset.done $0x0  }
0x19d: {  	[sflag:s30] =	ssyncadd.s32 $0xFFFFFF00  }
0x19e: {  	_ =	swait.ge [sflag:s30], $0x100  }
0x19f: {  	[sflag:s30] =	ssyncset.done $0x0  }
0x1a0: {  	[sflag:s30] =	ssyncadd.s32 $0xFFFFFF00  }
0x1a1: {  	_ =	swait.ge [sflag:s30], $0x100  }
0x1a2: {  	[sflag:s30] =	ssyncset.done $0x0  }
0x1a3: {  	[sflag:s30] =	ssyncadd.s32 $0xFFFFFF00  }
0x1a4: {  	_ =	swait.ge [sflag:s30], $0x100  }
0x1a5: {  	[sflag:s30] =	ssyncset.done $0x0  }
0x1a6: {  	[sflag:s30] =	ssyncadd.s32 $0xFFFFFF00  }
0x1a7: {  	_ =	swait.ge [sflag:s30], $0x100  }
0x1a8: {  	[sflag:s30] =	ssyncset.done $0x0  }
0x1a9: {  	[sflag:s30] =	ssyncadd.s32 $0xFFFFFF00  }
0x1aa: {  	_ =	swait.ge [sflag:s30], $0x100  }
0x1ab: {  	[sflag:s30] =	ssyncset.done $0x0  }
0x1ac: {  	[sflag:s30] =	ssyncadd.s32 $0xFFFFFF00  }
0x1ad: {  	_ =	swait.ge [sflag:s30], $0x100  }
0x1ae: {  	[sflag:s30] =	ssyncset.done $0x0  }
0x1af: {  	[sflag:s30] =	ssyncadd.s32 $0xFFFFFF00  }
0x1b0: {  	_ =	swait.ge [sflag:s30], $0x100  }
0x1b1: {  	[sflag:s30] =	ssyncset.done $0x0  }
0x1b2: {  	[sflag:s30] =	ssyncadd.s32 $0xFFFFFF00  }
0x1b3: {  	_ =	swait.ge [sflag:s30], $0x100  }
0x1b4: {  	[sflag:s30] =	ssyncset.done $0x0  }
0x1b5: {  	[sflag:s30] =	ssyncadd.s32 $0xFFFFFF00  }
0x1b6: {  	_ =	swait.ge [sflag:s30], $0x100  }
0x1b7: {  	[sflag:s30] =	ssyncset.done $0x0  }
0x1b8: {  	[sflag:s30] =	ssyncadd.s32 $0xFFFFFF00  }
0x1b9: {  	_ =	swait.ge [sflag:s30], $0x100  }
0x1ba: {  	[sflag:s30] =	ssyncset.done $0x0  }
0x1bb: {  	[sflag:s30] =	ssyncadd.s32 $0xFFFFFF00  }
0x1bc: {  	_ =	swait.ge [sflag:s30], $0x100  }
0x1bd: {  	[sflag:s30] =	ssyncset.done $0x0  }
0x1be: {  	[sflag:s30] =	ssyncadd.s32 $0xFFFFFF00  }
0x1bf: {  	_ =	swait.ge [sflag:s30], $0x100  }
0x1c0: {  	[sflag:s30] =	ssyncset.done $0x0  }
0x1c1: {  	[sflag:s30] =	ssyncadd.s32 $0xFFFFFF00  }
0x1c2: {  	_ =	swait.ge [sflag:s30], $0x100  }
0x1c3: {  	[sflag:s30] =	ssyncset.done $0x0  }
0x1c4: {  	[sflag:s30] =	ssyncadd.s32 $0xFFFFFF00  }
0x1c5: {  	_ =	swait.ge [sflag:s30], $0x100  }
0x1c6: {  	[sflag:s30] =	ssyncset.done $0x0  }
0x1c7: {  	[sflag:s30] =	ssyncadd.s32 $0xFFFFFF00  }
0x1c8: {  	_ =	swait.ge [sflag:s30], $0x100  }
0x1c9: {  	[sflag:s30] =	ssyncset.done $0x0  }
0x1ca: {  	[sflag:s30] =	ssyncadd.s32 $0xFFFFFF00  }
0x1cb: {  	_ =	swait.ge [sflag:s30], $0x100  }
0x1cc: {  	[sflag:s30] =	ssyncset.done $0x0  }
0x1cd: {  	[sflag:s30] =	ssyncadd.s32 $0xFFFFFF00  }
0x1ce: {  	_ =	swait.ge [sflag:s30], $0x100  }
0x1cf: {  	[sflag:s30] =	ssyncset.done $0x0  }
0x1d0: {  	[sflag:s30] =	ssyncadd.s32 $0xFFFFFF00  }
0x1d1: {  	_ =	swait.ge [sflag:s30], $0x100  }
0x1d2: {  	[sflag:s30] =	ssyncset.done $0x0  }
0x1d3: {  	[sflag:s30] =	ssyncadd.s32 $0xFFFFFF00  }
0x1d4: {  	_ =	swait.ge [sflag:s30], $0x100  }
0x1d5: {  	[sflag:s30] =	ssyncset.done $0x0  }
0x1d6: {  	[sflag:s30] =	ssyncadd.s32 $0xFFFFFF00  }
0x1d7: {  	_ =	swait.ge [sflag:s30], $0x100  }
0x1d8: {  	[sflag:s30] =	ssyncset.done $0x0  }
0x1d9: {  	[sflag:s30] =	ssyncadd.s32 $0xFFFFFF00  }
0x1da: {  	_ =	swait.ge [sflag:s30], $0x100  }
0x1db: {  	[sflag:s30] =	ssyncset.done $0x0  }
0x1dc: {  	[sflag:s30] =	ssyncadd.s32 $0xFFFFFF00  }
0x1dd: {  	_ =	swait.ge [sflag:s30], $0x100  }
0x1de: {  	[sflag:s30] =	ssyncset.done $0x0  }
0x1df: {  	[sflag:s30] =	ssyncadd.s32 $0xFFFFFF00  }
0x1e0: {  	_ =	swait.ge [sflag:s30], $0x100  }
0x1e1: {  	[sflag:s30] =	ssyncset.done $0x0  }
0x1e2: {  	[sflag:s30] =	ssyncadd.s32 $0xFFFFFF00  }
0x1e3: {  	_ =	swait.ge [sflag:s30], $0x100  }
0x1e4: {  	[sflag:s30] =	ssyncset.done $0x0  }
0x1e5: {  	[sflag:s30] =	ssyncadd.s32 $0xFFFFFF00  }
0x1e6: {  	_ =	swait.ge [sflag:s30], $0x100  }
0x1e7: {  	[sflag:s30] =	ssyncset.done $0x0  }
0x1e8: {  	[sflag:s30] =	ssyncadd.s32 $0xFFFFFF00  }
0x1e9: {  	_ =	swait.ge [sflag:s30], $0x100  }
0x1ea: {  	[sflag:s30] =	ssyncset.done $0x0  }
0x1eb: {  	v13 =	vld [tilespmem:$0x1FF40];
	[sflag:s30] =	ssyncadd.s32 $0xFFFFFF00  }
0x1ec: {  	v15 =	vld [tilespmem:$0x1FF60];
	_ =	swait.ge [sflag:s30], $0x100  }
0x1ed: {  	s1 =	simm.s32 $0x0;
	v32 =	vld [tilespmem:$0x1FF70]  }
0x1ee: {  	v45 =	vor.u32 s1, v22;
	v14 =	vld [tilespmem:$0x1FF50]  }
0x1ef: {  	v1 =	vshll.u32 v45, $0x3  }
0x1f0: {  	v46 =	vor.u32 v13, v1  }
0x1f1: {  	v47 =	vor.u32 v15, v1  }
0x1f2: {  	v48 =	vor.u32 v32, v1  }
0x1f3: {  	[sflag:s30] =	ssyncset.done $0x0;
	v49 =	vor.u32 v14, v1  }
0x1f4: {  	[sflag:s30] =	ssyncadd.s32 $0xFFFFFF00  }
0x1f5: {  	v2 =	vld.idx.msk [tilespmem:v46+s16+$0x0], $0xffff  }
0x1f6: {  	v3 =	vld.idx.msk [tilespmem:v47+s16+$0x0], $0xffff  }
0x1f7: {  	v4 =	vld.idx.msk [tilespmem:v48+s16+$0x0], $0xffff  }
0x1f8: {  	v5 =	vld.idx.msk [tilespmem:v49+s16+$0x0], $0xffff;
	_ =	sdelay $0x1  }
0x1f9: {  	v50 =	vld.idx.msk [tilespmem:v45+s31+$0x0], $0xffff;
	_ =	sdelay $0x2  }
0x1fa: {  	v4 =	vsub.f32 v4, v3;
	v5 =	vsub.f32 v5, v2;
	_ =	sdelay $0x1  }
0x1fb: {  	s21 =	sand.u32 $0x78, s1;
	v4 =	vmul.f32 v4, v50;
	v5 =	vmul.f32 v50, v5  }
0x1fc: {  	s22 =	simm.s32 $0x0;
	v51 =	vmov s21;
	v0 =	vld.idx.msk [tilespmem:v45+s0+$0x0], $0xffff  }
0x1fd: {  	v52 =	vshrl.u32 v51, $0x3;
	s17 =	sand.u32 $0x18, s22;
	v33 =	vld [tilespmem:$0x1FF80];
	v3 =	vadd.f32 v4, v3;
	v2 =	vadd.f32 v5, v2  }
0x1fe: {  	v53 =	vmov s17;
	v34 =	vld [tilespmem:$0x1FF90];
	v4 =	vshll.u32 v52, $0x3  }
0x1ff: {  	v54 =	vld.msk [tilespmem:s12+$0x0], $0xffff;
	v5 =	vshll.u32 v53, $0x7;
	v4 =	vbroadcast v4, $0x0;
	v3 =	vsub.f32 v3, v2  }
0x200: {  	v50 =	vld [tilespmem:$0x1FFA0];
	v5 =	vor.u32 v26, v5  }
0x201: {  	v51 =	vld [tilespmem:$0x1FFB0];
	v55 =	vor.u32 v4, v5;
	v0 =	vmul.f32 v3, v0  }
0x202: {  	v3 =	vor.u32 v22, v55  }
0x203: {  	v56 =	vor.u32 v33, v1;
	v52 =	vld [tilespmem:$0x1FFC0];
	v0 =	vadd.f32 v0, v2  }
0x204: {  	v57 =	vor.u32 v34, v1  }
0x205: {  	v58 =	vor.u32 v50, v1;
	v0 =	vmul.f32 v0, v54  }
0x206: {  	v60 =	vor.u32 v51, v1  }
0x207: {  	[tilespmem:v3+s6+$0x0] =	vst.idx.msk $0xffff, v0  }
0x208: {  	v61 =	vor.u32 s1, v52;
	v2 =	vld.idx.msk [tilespmem:v56+s16+$0x0], $0xffff  }
0x209: {  	v3 =	vld.idx.msk [tilespmem:v57+s16+$0x0], $0xffff  }
0x20a: {  	v42 =	vld.idx.msk [tilespmem:v58+s16+$0x0], $0xffff  }
0x20b: {  	v43 =	vld.idx.msk [tilespmem:v60+s16+$0x0], $0xffff;
	_ =	sdelay $0x1  }
0x20c: {  	v44 =	vld.idx.msk [tilespmem:v61+s31+$0x0], $0xffff;
	_ =	sdelay $0x2  }
0x20d: {  	v3 =	vsub.f32 v3, v2;
	v6 =	vsub.f32 v43, v42;
	_ =	sdelay $0x1  }
0x20e: {  	v10 =	vimm.s32 $0x1;
	v3 =	vmul.f32 v44, v3;
	v6 =	vmul.f32 v6, v44  }
0x20f: {  	v0 =	vld.idx.msk [tilespmem:v61+s0+$0x0], $0xffff  }
0x210: {  	s23 =	sor.u32 $0x2, s17;
	v2 =	vadd.f32 v3, v2;
	v45 =	vadd.f32 v6, v42  }
0x211: {  	v46 =	vmov s23;
	v53 =	vld [tilespmem:$0x1FFD0]  }
0x212: {  	v5 =	vshll.u32 v46, $0x7;
	v55 =	vld [tilespmem:$0x1FFF0];
	v3 =	vsub.f32 v45, v2  }
0x213: {  	v5 =	vor.u32 v26, v5;
	v47 =	vld.idx.msk [tilespmem:v10+s12+$0x0], $0xffff  }
0x214: {  	v5 =	vor.u32 v4, v5;
	v54 =	vld [tilespmem:$0x1FFE0];
	v0 =	vmul.f32 v3, v0  }
0x215: {  	v48 =	vor.u32 v22, v5  }
0x216: {  	v49 =	vor.u32 v53, v1;
	v0 =	vadd.f32 v0, v2  }
0x217: {  	v57 =	vor.u32 v35, v1  }
0x218: {  	v58 =	vor.u32 v55, v1;
	v0 =	vmul.f32 v0, v47  }
0x219: {  	v60 =	vor.u32 v54, v1  }
0x21a: {  	[tilespmem:v48+s6+$0x0] =	vst.idx.msk $0xffff, v0  }
0x21b: {  	v61 =	vor.u32 s1, v36;
	v2 =	vld.idx.msk [tilespmem:v49+s16+$0x0], $0xffff  }
0x21c: {  	v3 =	vld.idx.msk [tilespmem:v57+s16+$0x0], $0xffff  }
0x21d: {  	v42 =	vld.idx.msk [tilespmem:v58+s16+$0x0], $0xffff  }
0x21e: {  	v43 =	vld.idx.msk [tilespmem:v60+s16+$0x0], $0xffff;
	_ =	sdelay $0x1  }
0x21f: {  	v44 =	vld.idx.msk [tilespmem:v61+s31+$0x0], $0xffff;
	_ =	sdelay $0x2  }
0x220: {  	v3 =	vsub.f32 v3, v42;
	v6 =	vsub.f32 v43, v2;
	_ =	sdelay $0x1  }
0x221: {  	v11 =	vimm.s32 $0x2;
	v3 =	vmul.f32 v3, v44;
	v6 =	vmul.f32 v44, v6  }
0x222: {  	v0 =	vld.idx.msk [tilespmem:v61+s0+$0x0], $0xffff  }
0x223: {  	s24 =	sor.u32 $0x4, s17;
	v3 =	vadd.f32 v3, v42;
	v2 =	vadd.f32 v6, v2  }
0x224: {  	v45 =	vmov s24  }
0x225: {  	v5 =	vshll.u32 v45, $0x7;
	v3 =	vsub.f32 v3, v2  }
0x226: {  	v5 =	vor.u32 v26, v5;
	v46 =	vld.idx.msk [tilespmem:v11+s12+$0x0], $0xffff  }
0x227: {  	v5 =	vor.u32 v4, v5;
	v0 =	vmul.f32 v3, v0  }
0x228: {  	v47 =	vor.u32 v22, v5  }
0x229: {  	v48 =	vor.u32 v37, v1;
	v0 =	vadd.f32 v0, v2  }
0x22a: {  	v49 =	vor.u32 v38, v1  }
0x22b: {  	v0 =	vmul.f32 v0, v46  }
0x22c: {  	v6 =	vor.u32 s1, v41  }
0x22d: {  	v56 =	vor.u32 v40, v1;
	[tilespmem:v47+s6+$0x0] =	vst.idx.msk $0xffff, v0  }
0x22e: {  	v1 =	vor.u32 v39, v1;
	v42 =	vld.idx.msk [tilespmem:v48+s16+$0x0], $0xffff  }
0x22f: {  	v57 =	vld.idx.msk [tilespmem:v49+s16+$0x0], $0xffff;
	_ =	sdelay $0x1  }
0x230: {  	v12 =	vimm.s32 $0x3;
	v46 =	vld.idx.msk [tilespmem:v6+s31+$0x0], $0xffff  }
0x231: {  	s17 =	sor.u32 $0x6, s17;
	v48 =	vld.idx.msk [tilespmem:v56+s16+$0x0], $0xffff  }
0x232: {  	v58 =	vmov s17;
	v47 =	vld.idx.msk [tilespmem:v1+s16+$0x0], $0xffff  }
0x233: {  	v60 =	vshll.u32 v58, $0x7;
	v61 =	vsub.f32 v57, v42  }
0x234: {  	v0 =	vor.u32 v26, v60;
	v45 =	vld.idx.msk [tilespmem:v6+s0+$0x0], $0xffff  }
0x235: {  	s17 =	simm.s32 $0x1;
	v43 =	vor.u32 v4, v0;
	v44 =	vld.idx.msk [tilespmem:v12+s12+$0x0], $0xffff;
	v49 =	vmul.f32 v46, v61  }
.LBB2_5:
0x236: {  	p0 =	sne.s32 s17, $0x3F  }
0x237: {  	v0 =	vsub.f32 v48, v47;
	s1 =	sadd.s32 $0x8, s1;
	s18 =	smov.u32 s17;
	s17 =	sadd.s32 $0x1, s17  }
0x238: {  	_ = 	snop  }
0x239: {  	v0 =	vmul.f32 v0, v46  }
0x23a: {  	v1 =	vadd.f32 v49, v42  }
0x23b: {  	v0 =	vadd.f32 v0, v47;
	_ =	sdelay $0x1  }
0x23c: {  	v0 =	vsub.f32 v0, v1;
	_ =	sdelay $0x1  }
0x23d: {  	v3 =	vor.u32 v22, v43;
	v2 =	vor.u32 s1, v22;
	v0 =	vmul.f32 v0, v45  }
0x23e: {  	v42 =	vshll.u32 v2, $0x3  }
0x23f: {  	v4 =	vor.u32 v13, v42;
	v5 =	vor.u32 v14, v42;
	v0 =	vadd.f32 v0, v1  }
0x240: {  	v6 =	vor.u32 v32, v42;
	v1 =	vor.u32 v15, v42  }
0x241: {  	v0 =	vmul.f32 v0, v44;
	_ =	sdelay $0x1  }
0x242: {  	[tilespmem:v3+s6+$0x0] =	vst.idx.msk $0xffff, v0  }
0x243: {  	v0 =	vld.idx.msk [tilespmem:v4+s16+$0x0], $0xffff  }
0x244: {  	v1 =	vld.idx.msk [tilespmem:v1+s16+$0x0], $0xffff  }
0x245: {  	v3 =	vld.idx.msk [tilespmem:v6+s16+$0x0], $0xffff  }
0x246: {  	v4 =	vld.idx.msk [tilespmem:v5+s16+$0x0], $0xffff  }
0x247: {  	v5 =	vld.idx.msk [tilespmem:v2+s31+$0x0], $0xffff;
	_ =	sdelay $0x3  }
0x248: {  	v3 =	vsub.f32 v3, v1  }
0x249: {  	v4 =	vsub.f32 v4, v0  }
0x24a: {  	v3 =	vmul.f32 v3, v5  }
0x24b: {  	s19 =	sand.u32 $0x78, s1;
	v4 =	vmul.f32 v5, v4;
	v2 =	vld.idx.msk [tilespmem:v2+s0+$0x0], $0xffff  }
0x24c: {  	s18 =	sshrl.u32 s18, $0x1;
	v5 =	vmov s19;
	v1 =	vadd.f32 v3, v1  }
0x24d: {  	s18 =	sand.u32 $0x18, s18;
	v3 =	vshrl.u32 v5, $0x3;
	v0 =	vadd.f32 v4, v0  }
0x24e: {  	s20 =	sor.u32 $0x4, s18;
	s19 =	sor.u32 $0x2, s18;
	v4 =	vmov s18;
	v3 =	vshll.u32 v3, $0x3;
	s18 =	sor.u32 $0x6, s18  }
0x24f: {  	v4 =	vshll.u32 v4, $0x7;
	v3 =	vbroadcast v3, $0x0;
	v1 =	vsub.f32 v1, v0  }
0x250: {  	v7 =	vmov s20;
	v6 =	vmov s19;
	v4 =	vor.u32 v26, v4;
	v5 =	vld.msk [tilespmem:s12+$0x0], $0xffff  }
0x251: {  	v1 =	vmul.f32 v1, v2;
	v2 =	vor.u32 v3, v4;
	v4 =	vshll.u32 v7, $0x7  }
0x252: {  	v6 =	vshll.u32 v6, $0x7;
	v2 =	vor.u32 v22, v2;
	v4 =	vor.u32 v26, v4  }
0x253: {  	v0 =	vadd.f32 v1, v0;
	v1 =	vor.u32 s1, v52;
	v4 =	vor.u32 v3, v4  }
0x254: {  	v6 =	vor.u32 v26, v6;
	v8 =	vmov s18;
	v7 =	vor.u32 v33, v42  }
0x255: {  	v6 =	vor.u32 v3, v6;
	v0 =	vmul.f32 v0, v5;
	v5 =	vor.u32 v34, v42  }
0x256: {  	v9 =	vor.u32 v50, v42;
	v8 =	vshll.u32 v8, $0x7  }
0x257: {  	[tilespmem:v2+s6+$0x0] =	vst.idx.msk $0xffff, v0;
	v0 =	vor.u32 v51, v42;
	v2 =	vor.u32 v26, v8  }
0x258: {  	v8 =	vld.idx.msk [tilespmem:v1+s31+$0x0], $0xffff;
	v43 =	vor.u32 v3, v2  }
0x259: {  	v2 =	vld.idx.msk [tilespmem:v7+s16+$0x0], $0xffff  }
0x25a: {  	v3 =	vld.idx.msk [tilespmem:v5+s16+$0x0], $0xffff  }
0x25b: {  	v5 =	vld.idx.msk [tilespmem:v9+s16+$0x0], $0xffff  }
0x25c: {  	v0 =	vld.idx.msk [tilespmem:v0+s16+$0x0], $0xffff;
	_ =	sdelay $0x3  }
0x25d: {  	v3 =	vsub.f32 v3, v2;
	_ =	sdelay $0x1  }
0x25e: {  	v3 =	vmul.f32 v8, v3;
	v0 =	vsub.f32 v0, v5;
	_ =	sdelay $0x1  }
0x25f: {  	v0 =	vmul.f32 v0, v8;
	v1 =	vld.idx.msk [tilespmem:v1+s0+$0x0], $0xffff;
	_ =	sdelay $0x1  }
0x260: {  	v2 =	vadd.f32 v3, v2;
	v0 =	vadd.f32 v0, v5;
	_ =	sdelay $0x1  }
0x261: {  	v0 =	vsub.f32 v0, v2;
	v3 =	vld.idx.msk [tilespmem:v10+s12+$0x0], $0xffff;
	_ =	sdelay $0x1  }
0x262: {  	v0 =	vmul.f32 v0, v1  }
0x263: {  	v1 =	vor.u32 v22, v6  }
0x264: {  	v0 =	vadd.f32 v0, v2;
	v2 =	vor.u32 v53, v42  }
0x265: {  	v5 =	vor.u32 v35, v42  }
0x266: {  	v0 =	vmul.f32 v0, v3;
	v3 =	vor.u32 v55, v42  }
0x267: {  	v6 =	vor.u32 v54, v42  }
0x268: {  	[tilespmem:v1+s6+$0x0] =	vst.idx.msk $0xffff, v0;
	v0 =	vor.u32 s1, v36  }
0x269: {  	v1 =	vld.idx.msk [tilespmem:v2+s16+$0x0], $0xffff  }
0x26a: {  	v2 =	vld.idx.msk [tilespmem:v5+s16+$0x0], $0xffff  }
0x26b: {  	v3 =	vld.idx.msk [tilespmem:v3+s16+$0x0], $0xffff  }
0x26c: {  	v5 =	vld.idx.msk [tilespmem:v6+s16+$0x0], $0xffff  }
0x26d: {  	v6 =	vld.idx.msk [tilespmem:v0+s31+$0x0], $0xffff;
	_ =	sdelay $0x3  }
0x26e: {  	v2 =	vsub.f32 v2, v3  }
0x26f: {  	v5 =	vsub.f32 v5, v1  }
0x270: {  	v2 =	vmul.f32 v2, v6  }
0x271: {  	v5 =	vmul.f32 v6, v5;
	v0 =	vld.idx.msk [tilespmem:v0+s0+$0x0], $0xffff  }
0x272: {  	v2 =	vadd.f32 v2, v3  }
0x273: {  	v1 =	vadd.f32 v5, v1;
	_ =	sdelay $0x1  }
0x274: {  	v2 =	vsub.f32 v2, v1;
	v3 =	vld.idx.msk [tilespmem:v11+s12+$0x0], $0xffff;
	_ =	sdelay $0x1  }
0x275: {  	v0 =	vmul.f32 v2, v0  }
0x276: {  	v2 =	vor.u32 v22, v4  }
0x277: {  	v0 =	vadd.f32 v0, v1;
	v1 =	vor.u32 v37, v42  }
0x278: {  	v4 =	vor.u32 v38, v42  }
0x279: {  	v0 =	vmul.f32 v0, v3;
	v3 =	vor.u32 v40, v42  }
0x27a: {  	v6 =	vor.u32 s1, v41;
	v5 =	vor.u32 v39, v42  }
0x27b: {  	[tilespmem:v2+s6+$0x0] =	vst.idx.msk $0xffff, v0  }
0x27c: {  	v42 =	vld.idx.msk [tilespmem:v1+s16+$0x0], $0xffff  }
0x27d: {  	v0 =	vld.idx.msk [tilespmem:v4+s16+$0x0], $0xffff  }
0x27e: {  	v48 =	vld.idx.msk [tilespmem:v3+s16+$0x0], $0xffff  }
0x27f: {  	v46 =	vld.idx.msk [tilespmem:v6+s31+$0x0], $0xffff  }
0x280: {  	v47 =	vld.idx.msk [tilespmem:v5+s16+$0x0], $0xffff  }
.Ltmp1:
0x281: {  	v45 =	vld.idx.msk [tilespmem:v6+s0+$0x0], $0xffff;
	(pc) =	sbr.rel @p0 .LBB2_5-.Ltmp1, $3  }
0x282: {  	v44 =	vld.idx.msk [tilespmem:v12+s12+$0x0], $0xffff  }
0x283: {  	v0 =	vsub.f32 v0, v42;
	_ =	sdelay $0x1  }
0x284: {  	v49 =	vmul.f32 v46, v0  }
0x285: {  	v0 =	vsub.f32 v48, v47;
	_ =	sdelay $0x1  }
0x286: {  	v0 =	vmul.f32 v0, v46;
	_ =	sdelay $0x1  }
0x287: {  	v1 =	vadd.f32 v49, v42;
	v0 =	vadd.f32 v0, v47;
	_ =	sdelay $0x1  }
0x288: {  	v0 =	vsub.f32 v0, v1;
	_ =	sdelay $0x1  }
0x289: {  	v0 =	vmul.f32 v0, v45  }
0x28a: {  	v2 =	vor.u32 v22, v43  }
0x28b: {  	v0 =	vadd.f32 v0, v1;
	_ =	sdelay $0x1  }
0x28c: {  	s9 =	sadd.s32 $0x1, s9;
	v0 =	vmul.f32 v0, v44  }
0x28d: {  	s1 =	rddreg [dreg:$0x1];
	p0 =	sne.s32 s9, $0x40  }
.Ltmp2:
0x28e: {  	s1 =	sadd.s32 s1, s11;
	[tilespmem:v2+s6+$0x0] =	vst.idx.msk $0xffff, v0;
	(pc) =	sbr.rel @p0 .LBB2_2-.Ltmp2, $4  }
0x28f: {  	[hbm4b:s1+s2] =	stream.linear.scatter [tilespmem:s6], [sflag:$0x2], $0x1000, $0x38;
	[tilespmem:$0x15010] =	vst v63  }
0x290: {  	_ =	swait.ge [sflag:s13], $0x1000  }
0x291: {  	[sflag:s13] =	ssyncset.done $0x0  }
0x292: {  	[sflag:s13] =	ssyncadd.s32 $0xFFFFF000  }
0x293: {  	s9 =	rddreg [dreg:$0x5]  }
0x294: {  	s1 =	rddreg [dreg:$0x4];
	s9 =	sadd.s32 $0x1, s9  }
0x295: {  	p0 =	sne.s32 s9, s1  }
.Ltmp3:
0x296: {  	_ = 	snop;
	(pc) =	sbr.rel @p0 .LBB2_1-.Ltmp3, $1  }
0x297: {  	_ =	sdelay $0x3  }
0x298: {  	_ =	sfence.sel $0x180000  }
0x299: {  	[bflag:$0x0] =	sbarrier.arrive $0xFFFF  }
0x29a: {  	_ =	strace $0x90000047  }
0x29b: {  	s0 =	stileid.u32;
	[bflag:$0x2] =	sbarrier.arrive $0xFFFF  }
0x29c: {  	p0 =	sne.s32 s0, $0x0;
	s0 =	rddreg [dreg:$0x2]  }
0x29d: {  	s0 =	sadd.s32 @!p0 $0x100000, s0  }
0x29e: {  	[sflag:s0] =	ssyncadd.tile.s32 @!p0 $0x1;
	_ =	shalt  }
.Lfunc_end2:
_tile_overlayer_lowered:
.L_overlay_start_2:
0x29f: {  	(tag) =	ssettag $0x2  }
0x2a0: {  	s0 =	rddreg [dreg:$0x0];
	s2 =	stileid.u32  }
0x2a1: {  	s1 =	rddreg [dreg:$0x1];
	p0 =	sne.s32 s2, $0x0  }
0x2a2: {  	s3 =	rddreg [dreg:$0x2];
	[bflag:$0x3] =	sbarrier.arrive $0xFFFF;
	s2 =	simm.s32 @!p0 $0x1C02  }
0x2a3: {  	[timem:s3], [sflag:s2] =	dma.local @!p0 [hbm:s0], s1  }
0x2a4: {  	s0 =	simm.s32 @!p0 $0x2  }
0x2a5: {  	_ =	swait.ge @!p0 [sflag:s0], s1  }
0x2a6: {  	s1 =	ssub.s32 @!p0 $0x0, s1;
	[sflag:s0] =	ssyncset.done @!p0 $0x0  }
0x2a7: {  	[sflag:s0] =	ssyncadd.s32 @!p0 s1  }
0x2a8: {  	[bflag:$0x3] =	sbarrier.arrive $0xFFFF  }
0x2a9: {  	_ =	shalt  }

</sc_bundles>
